<compile_context>
chip_gen: v7x
topology: tpu7x:2x2x1
jax: 0.10.2.dev20260603
libtpu: 0.0.44.dev20260713+nightly
codegen_flags: <defaults>
</compile_context>

<pallas_src>
import functools

import jax
import jax.numpy as jnp
from jax import lax
from jax.experimental import pallas as pl
from jax.experimental.pallas import tpu as pltpu
from jax.experimental.pallas import tpu_sc as plsc

N = 10000
E = 320000
DN = 128
DE = 16
H = 64
OUT = 64
G = 64
EPS = 0.1

NC = 2
NS = 16
NW = NC * NS
ET = E // NW
C = 80
NCH = ET // C
NP = 10240
NROWS = NP // NS
ZR = 128
VL = 16



def _mlp_body(x_ref, w1_ref, b1_ref, w2_ref, b2_ref, o_ref):
    t = jnp.dot(x_ref[...], w1_ref[...], preferred_element_type=jnp.float32)
    t = jnp.maximum(t + b1_ref[...], 0.0)
    o_ref[...] = jnp.dot(t, w2_ref[...], preferred_element_type=jnp.float32) + b2_ref[...]


def _mlp2_tc(x, W1, b1, W2, b2, block_rows):
    R, FI = x.shape
    HH = W1.shape[1]
    FO = W2.shape[1]
    return pl.pallas_call(
        _mlp_body,
        grid=(R // block_rows,),
        in_specs=[
            pl.BlockSpec((block_rows, FI), lambda i: (i, 0)),
            pl.BlockSpec((FI, HH), lambda i: (0, 0)),
            pl.BlockSpec((1, HH), lambda i: (0, 0)),
            pl.BlockSpec((HH, FO), lambda i: (0, 0)),
            pl.BlockSpec((1, FO), lambda i: (0, 0)),
        ],
        out_specs=pl.BlockSpec((block_rows, FO), lambda i: (i, 0)),
        out_shape=jax.ShapeDtypeStruct((R, FO), jnp.float32),
    )(x, W1, b1.reshape(1, -1), W2, b2.reshape(1, -1))


def _combine_body(p_ref, h_ref, wa_ref, ba_ref, wb_ref, bb_ref, o_ref):
    hcur = h_ref[...]
    t = p_ref[0] + p_ref[1] + (1.0 + EPS) * hcur
    u = jnp.dot(t, wa_ref[...], preferred_element_type=jnp.float32)
    u = jnp.maximum(u + ba_ref[...], 0.0)
    u = jnp.dot(u, wb_ref[...], preferred_element_type=jnp.float32) + bb_ref[...]
    o_ref[...] = jnp.maximum(hcur + u, 0.0)


def _combine_tc(part, h, Wa, ba, Wb, bb, block_rows=1000):
    return pl.pallas_call(
        _combine_body,
        grid=(N // block_rows,),
        in_specs=[
            pl.BlockSpec((NC, block_rows, H), lambda i: (0, i, 0)),
            pl.BlockSpec((block_rows, H), lambda i: (i, 0)),
            pl.BlockSpec((H, H), lambda i: (0, 0)),
            pl.BlockSpec((1, H), lambda i: (0, 0)),
            pl.BlockSpec((H, H), lambda i: (0, 0)),
            pl.BlockSpec((1, H), lambda i: (0, 0)),
        ],
        out_specs=pl.BlockSpec((block_rows, H), lambda i: (i, 0)),
        out_shape=jax.ShapeDtypeStruct((N, H), jnp.float32),
    )(part, h, Wa, ba.reshape(1, -1), Wb, bb.reshape(1, -1))


def _pool_body(p_ref, h_ref, b_ref, wa_ref, ba_ref, wb_ref, bb_ref, o_ref):
    i = pl.program_id(0)
    t = p_ref[0] + p_ref[1] + (1.0 + EPS) * h_ref[...]
    u = jnp.dot(t, wa_ref[...], preferred_element_type=jnp.float32)
    u = jnp.maximum(u + ba_ref[...], 0.0)
    h2 = jnp.dot(u, wb_ref[...], preferred_element_type=jnp.float32) + bb_ref[...]
    b = b_ref[0, 0, :]
    oh = (lax.broadcasted_iota(jnp.int32, (G, b.shape[0]), 0) == b[None, :])
    acc = jnp.dot(oh.astype(jnp.float32), h2, preferred_element_type=jnp.float32)

    @pl.when(i == 0)
    def _():
        o_ref[...] = acc

    @pl.when(i != 0)
    def _():
        o_ref[...] += acc


def _pool_tc(part, h, batch3, Wa, ba, Wb, bb, block_rows=1000):
    nb = N // block_rows
    return pl.pallas_call(
        _pool_body,
        grid=(nb,),
        in_specs=[
            pl.BlockSpec((NC, block_rows, H), lambda i: (0, i, 0)),
            pl.BlockSpec((block_rows, H), lambda i: (i, 0)),
            pl.BlockSpec((1, 1, block_rows), lambda i: (i, 0, 0)),
            pl.BlockSpec((H, H), lambda i: (0, 0)),
            pl.BlockSpec((1, H), lambda i: (0, 0)),
            pl.BlockSpec((H, OUT), lambda i: (0, 0)),
            pl.BlockSpec((1, OUT), lambda i: (0, 0)),
        ],
        out_specs=pl.BlockSpec((G, OUT), lambda i: (0, 0)),
        out_shape=jax.ShapeDtypeStruct((G, OUT), jnp.float32),
    )(part, h, batch3, Wa, ba.reshape(1, -1), Wb, bb.reshape(1, -1))



def _sc_body(h_hbm, e_hbm, src_hbm, dst_hbm, out_hbm,
             agg_sh, src_v, dst_v, r0, r1, e0, e1, m0, m1, z_v,
             gsem0, gsem1, esem0, esem1, ssem0, ssem1):
    c = lax.axis_index("c")
    s = lax.axis_index("s")
    wid = c * NS + s

    zero16 = jnp.zeros((VL,), jnp.float32)

    @pl.loop(0, ZR, unroll=4)
    def _(r):
        for kk in range(H // VL):
            z_v[r, pl.ds(kk * VL, VL)] = zero16

    @pl.loop(0, NROWS // ZR)
    def _(t):
        pltpu.sync_copy(z_v, agg_sh.at[pl.ds(s * NROWS + t * ZR, ZR)])

    pltpu.async_copy(src_hbm.at[wid], src_v, gsem0)
    pltpu.async_copy(dst_hbm.at[wid], dst_v, esem0)
    pltpu.make_async_copy(src_hbm.at[wid], src_v, gsem0).wait()
    pltpu.make_async_copy(dst_hbm.at[wid], dst_v, esem0).wait()

    plsc.subcore_barrier()

    ebase = wid * ET

    def issue(j, rv, ev, gsem, esem):
        pltpu.async_copy(h_hbm.at[src_v.at[j]], rv, gsem)
        pltpu.async_copy(e_hbm.at[pl.ds(ebase + j * C, C)], ev, esem)

    issue(0, r0, e0, gsem0, esem0)

    @pl.loop(0, NCH)
    def _(j):
        def step(rv, ev, mv, gsem, esem, ssem, rvn, evn, gsemn, esemn):
            @pl.when(j + 1 < NCH)
            def _():
                issue(j + 1, rvn, evn, gsemn, esemn)

            pltpu.make_async_copy(h_hbm.at[src_v.at[j]], rv, gsem).wait()
            pltpu.make_async_copy(
                e_hbm.at[pl.ds(ebase + j * C, C)], ev, esem).wait()

            @pl.when(j >= 2)
            def _():
                pltpu.make_async_copy(
                    mv, agg_sh.at[dst_v.at[j - 2]], ssem).wait()

            @pl.loop(0, C, unroll=4)
            def _(r):
                for kk in range(H // VL):
                    sl = pl.ds(kk * VL, VL)
                    mv[r, sl] = jnp.maximum(rv[r, sl] + ev[r, sl], 0.0)

            pltpu.async_copy(mv, agg_sh.at[dst_v.at[j]], ssem, add=True)

        @pl.when(j % 2 == 0)
        def _():
            step(r0, e0, m0, gsem0, esem0, ssem0, r1, e1, gsem1, esem1)

        @pl.when(j % 2 == 1)
        def _():
            step(r1, e1, m1, gsem1, esem1, ssem1, r0, e0, gsem0, esem0)

    pltpu.make_async_copy(m1, agg_sh.at[dst_v.at[NCH - 2]], ssem1).wait()
    pltpu.make_async_copy(m0, agg_sh.at[dst_v.at[NCH - 1]], ssem0).wait()

    plsc.subcore_barrier()

    @pl.loop(0, NROWS // ZR)
    def _(t):
        base = s * NROWS + t * ZR
        pltpu.sync_copy(agg_sh.at[pl.ds(base, ZR)], z_v)
        pltpu.sync_copy(z_v, out_hbm.at[c, pl.ds(base, ZR)])


@functools.partial(
    pl.kernel,
    out_type=jax.ShapeDtypeStruct((NC, NP, H), jnp.float32),
    mesh=plsc.VectorSubcoreMesh(core_axis_name="c", subcore_axis_name="s",
                                num_cores=NC, num_subcores=NS),
    scratch_types=[
        pltpu.VMEM_SHARED((NP, H), jnp.float32),
        pltpu.VMEM((NCH, C), jnp.int32),
        pltpu.VMEM((NCH, C), jnp.int32),
        pltpu.VMEM((C, H), jnp.float32),
        pltpu.VMEM((C, H), jnp.float32),
        pltpu.VMEM((C, H), jnp.float32),
        pltpu.VMEM((C, H), jnp.float32),
        pltpu.VMEM((C, H), jnp.float32),
        pltpu.VMEM((C, H), jnp.float32),
        pltpu.VMEM((ZR, H), jnp.float32),
        pltpu.SemaphoreType.DMA,
        pltpu.SemaphoreType.DMA,
        pltpu.SemaphoreType.DMA,
        pltpu.SemaphoreType.DMA,
        pltpu.SemaphoreType.DMA,
        pltpu.SemaphoreType.DMA,
    ],
    compiler_params=pltpu.CompilerParams(use_tc_tiling_on_sc=False),
)
def _sc_layer(h_hbm, e_hbm, src_hbm, dst_hbm, out_hbm,
              agg_sh, src_v, dst_v, r0, r1, e0, e1, m0, m1, z_v,
              gsem0, gsem1, esem0, esem1, ssem0, ssem1):
    _sc_body(h_hbm, e_hbm, src_hbm, dst_hbm, out_hbm,
             agg_sh, src_v, dst_v, r0, r1, e0, e1, m0, m1, z_v,
             gsem0, gsem1, esem0, esem1, ssem0, ssem1)



def kernel(x, edge_index, edge_attr, batch,
           Wn1, bn1, Wn2, bn2, We1, be1, We2, be2,
           W0a, b0a, W0b, b0b, W1a, b1a, W1b, b1b, W2a, b2a, W2b, b2b):
    src2 = edge_index[0].reshape(NW, NCH, C)
    dst2 = edge_index[1].reshape(NW, NCH, C)
    batch3 = batch.reshape(N // 1000, 1, 1000)

    h = _mlp2_tc(x, Wn1, bn1, Wn2, bn2, 1000)
    e = _mlp2_tc(edge_attr, We1, be1, We2, be2, 2000)

    for (Wa, ba, Wb, bb) in ((W0a, b0a, W0b, b0b), (W1a, b1a, W1b, b1b)):
        part = _sc_layer(h, e, src2, dst2)
        h = _combine_tc(part, h, Wa, ba, Wb, bb)

    part = _sc_layer(h, e, src2, dst2)
    return _pool_tc(part, h, batch3, W2a, b2a, W2b, b2b)

# --- scband reference (transcript-rebuilt; emitter-appended) ---
"""Pipeline reference for scband-ginenet-64622077936096 (READ-ONLY COPY).

The authoritative reference and input builder live on the scoring server;
editing this copy changes nothing except your own understanding.
"""

import jax, jax.numpy as jnp
import numpy as np

N = 10000
E = 320000
DN = 128
DE = 16
H = 64
OUT = 64
G = 64
EPS = 0.1

def _lin(k, fi, fo):
    return (jax.random.normal(k, (fi, fo), dtype=jnp.float32) / np.sqrt(fi)).astype(jnp.float32)

def setup_inputs(seed: int = 0):
    key = jax.random.key(seed)
    ks = jax.random.split(key, 32)
    inp = {}
    inp["x"] = jax.random.normal(ks[0], (N, DN), dtype=jnp.float32)
    inp["edge_index"] = jax.random.randint(ks[1], (2, E), 0, N, dtype=jnp.int32)
    inp["edge_attr"] = jax.random.normal(ks[2], (E, DE), dtype=jnp.float32)
    inp["batch"] = jnp.sort(jax.random.randint(ks[3], (N,), 0, G, dtype=jnp.int32))
    inp["Wn1"] = _lin(ks[4], DN, H); inp["bn1"] = jnp.zeros((H,), jnp.float32)
    inp["Wn2"] = _lin(ks[5], H, H); inp["bn2"] = jnp.zeros((H,), jnp.float32)
    inp["We1"] = _lin(ks[6], DE, H); inp["be1"] = jnp.zeros((H,), jnp.float32)
    inp["We2"] = _lin(ks[7], H, H); inp["be2"] = jnp.zeros((H,), jnp.float32)
    for l in range(3):
        fo = OUT if l == 2 else H
        inp["W%da" % l] = _lin(ks[8 + 2 * l], H, H)
        inp["b%da" % l] = jnp.zeros((H,), jnp.float32)
        inp["W%db" % l] = _lin(ks[9 + 2 * l], H, fo)
        inp["b%db" % l] = jnp.zeros((fo,), jnp.float32)
    return inp

def _mlp2(x, W1, b1, W2, b2):
    return jax.nn.relu(x @ W1 + b1) @ W2 + b2

def reference(x, edge_index, edge_attr, batch, Wn1, bn1, Wn2, bn2, We1, be1, We2, be2, W0a, b0a, W0b, b0b, W1a, b1a, W1b, b1b, W2a, b2a, W2b, b2b):
    h = _mlp2(x, Wn1, bn1, Wn2, bn2)
    e = _mlp2(edge_attr, We1, be1, We2, be2)
    src = edge_index[0]
    dst = edge_index[1]
    for (Wa, ba, Wb, bb) in [(W0a, b0a, W0b, b0b), (W1a, b1a, W1b, b1b)]:
        m = jax.nn.relu(h[src] + e)
        agg = jax.ops.segment_sum(m, dst, num_segments=h.shape[0])
        out = agg + (1.0 + EPS) * h
        out = _mlp2(out, Wa, ba, Wb, bb)
        h = jax.nn.relu(h + out)
    m = jax.nn.relu(h[src] + e)
    agg = jax.ops.segment_sum(m, dst, num_segments=h.shape[0])
    out = agg + (1.0 + EPS) * h
    h = _mlp2(out, W2a, b2a, W2b, b2b)
    return jax.ops.segment_sum(h, batch, num_segments=G)

if __name__ == "__main__":
    import jax
    _d = setup_inputs()
    print(jax.jit(kernel)(*tuple(_d.values())))

</pallas_src>

<mosaic_0001>
#map = affine_map<(d0, d1) -> (0, 0)>
#map1 = affine_map<(d0, d1) -> (0, 0, 0)>
module attributes {stable_mosaic.version = 14 : i64} {
  func.func @_sc_layer(%arg0: i32, %arg1: i32, %arg2: memref<10000x64xf32, #tpu.memory_space<hbm>>, %arg3: memref<320000x64xf32, #tpu.memory_space<hbm>>, %arg4: memref<32x125x80xi32, #tpu.memory_space<hbm>>, %arg5: memref<32x125x80xi32, #tpu.memory_space<hbm>>, %arg6: memref<2x10240x64xf32, #tpu.memory_space<hbm>>, %arg7: memref<10240x64xf32, #tpu.memory_space<vmem_shared>>, %arg8: memref<125x80xi32, #tpu.memory_space<vmem>>, %arg9: memref<125x80xi32, #tpu.memory_space<vmem>>, %arg10: memref<80x64xf32, #tpu.memory_space<vmem>>, %arg11: memref<80x64xf32, #tpu.memory_space<vmem>>, %arg12: memref<80x64xf32, #tpu.memory_space<vmem>>, %arg13: memref<80x64xf32, #tpu.memory_space<vmem>>, %arg14: memref<80x64xf32, #tpu.memory_space<vmem>>, %arg15: memref<80x64xf32, #tpu.memory_space<vmem>>, %arg16: memref<128x64xf32, #tpu.memory_space<vmem>>, %arg17: memref<!tpu.dma_semaphore, #tpu.memory_space<semaphore_mem>>, %arg18: memref<!tpu.dma_semaphore, #tpu.memory_space<semaphore_mem>>, %arg19: memref<!tpu.dma_semaphore, #tpu.memory_space<semaphore_mem>>, %arg20: memref<!tpu.dma_semaphore, #tpu.memory_space<semaphore_mem>>, %arg21: memref<!tpu.dma_semaphore, #tpu.memory_space<semaphore_mem>>, %arg22: memref<!tpu.dma_semaphore, #tpu.memory_space<semaphore_mem>>) attributes {dimension_semantics = [#tpu.dimension_semantics<core_parallel>, #tpu.dimension_semantics<subcore_parallel>], iteration_bounds = array<i64: 2, 16>, scalar_prefetch = 0 : i64, scratch_operands = 16 : i64, tpu.core_type = #tpu.core_type<sc_vector_subcore>, window_params = [{transform_indices = #map}, {transform_indices = #map}, {transform_indices = #map1}, {transform_indices = #map1}, {transform_indices = #map1}]} {
    %mul3A = arith.constant 16 : i32
    %mul3A_0 = arith.muli %arg0, %mul3A : i32
    %add3A = arith.addi %mul3A_0, %arg1 : i32
    %broadcast_in_dim3A = arith.constant 0.000000e+00 : f32
    %broadcast_in_dim3A_1 = vector.broadcast %broadcast_in_dim3A : f32 to vector<16xf32>
    %scan3A = arith.constant 0 : i32
    %scan3A_2 = arith.constant 128 : i32
    %scan3A_3 = arith.addi %scan3A, %scan3A_2 : i32
    %scan3A_4 = arith.constant 4 : i32
    scf.for %scan3A_81 = %scan3A to %scan3A_3 step %scan3A_4  : i32 {
      %mul3A_82 = arith.constant 1 : i32
      %mul3A_83 = arith.muli %scan3A_81, %mul3A_82 : i32
      %add3A_84 = arith.constant 0 : i32
      %add3A_85 = arith.addi %add3A_84, %mul3A_83 : i32
      %swap3A = arith.index_cast %add3A_85 : i32 to index
      %swap3A_86 = arith.constant 0 : index
      %swap3A_87 = tpu.vector_load %arg16[%swap3A, %swap3A_86] {strides = array<i32>} : memref<128x64xf32, #tpu.memory_space<vmem>>, vector<1x16xf32>,
      %swap3A_88 = vector.shape_cast %swap3A_87 : vector<1x16xf32> to vector<16xf32>
      %swap3A_89 = vector.shape_cast %broadcast_in_dim3A_1 : vector<16xf32> to vector<1x16xf32>
      tpu.vector_store %arg16[%swap3A, %swap3A_86], %swap3A_89 {strides = array<i32>} : memref<128x64xf32, #tpu.memory_space<vmem>>, vector<1x16xf32>,
      %swap3A_90 = arith.index_cast %add3A_85 : i32 to index
      %swap3A_91 = arith.constant 16 : index
      %swap3A_92 = tpu.vector_load %arg16[%swap3A_90, %swap3A_91] {strides = array<i32>} : memref<128x64xf32, #tpu.memory_space<vmem>>, vector<1x16xf32>,
      %swap3A_93 = vector.shape_cast %swap3A_92 : vector<1x16xf32> to vector<16xf32>
      %swap3A_94 = vector.shape_cast %broadcast_in_dim3A_1 : vector<16xf32> to vector<1x16xf32>
      tpu.vector_store %arg16[%swap3A_90, %swap3A_91], %swap3A_94 {strides = array<i32>} : memref<128x64xf32, #tpu.memory_space<vmem>>, vector<1x16xf32>,
      %swap3A_95 = arith.index_cast %add3A_85 : i32 to index
      %swap3A_96 = arith.constant 32 : index
      %swap3A_97 = tpu.vector_load %arg16[%swap3A_95, %swap3A_96] {strides = array<i32>} : memref<128x64xf32, #tpu.memory_space<vmem>>, vector<1x16xf32>,
      %swap3A_98 = vector.shape_cast %swap3A_97 : vector<1x16xf32> to vector<16xf32>
      %swap3A_99 = vector.shape_cast %broadcast_in_dim3A_1 : vector<16xf32> to vector<1x16xf32>
      tpu.vector_store %arg16[%swap3A_95, %swap3A_96], %swap3A_99 {strides = array<i32>} : memref<128x64xf32, #tpu.memory_space<vmem>>, vector<1x16xf32>,
      %swap3A_100 = arith.index_cast %add3A_85 : i32 to index
      %swap3A_101 = arith.constant 48 : index
      %swap3A_102 = tpu.vector_load %arg16[%swap3A_100, %swap3A_101] {strides = array<i32>} : memref<128x64xf32, #tpu.memory_space<vmem>>, vector<1x16xf32>,
      %swap3A_103 = vector.shape_cast %swap3A_102 : vector<1x16xf32> to vector<16xf32>
      %swap3A_104 = vector.shape_cast %broadcast_in_dim3A_1 : vector<16xf32> to vector<1x16xf32>
      tpu.vector_store %arg16[%swap3A_100, %swap3A_101], %swap3A_104 {strides = array<i32>} : memref<128x64xf32, #tpu.memory_space<vmem>>, vector<1x16xf32>,
      %scan3A_105 = arith.constant 1 : i32
      %scan3A_106 = arith.addi %scan3A_81, %scan3A_105 : i32
      %mul3A_107 = arith.constant 1 : i32
      %mul3A_108 = arith.muli %scan3A_106, %mul3A_107 : i32
      %add3A_109 = arith.constant 0 : i32
      %add3A_110 = arith.addi %add3A_109, %mul3A_108 : i32
      %swap3A_111 = arith.index_cast %add3A_110 : i32 to index
      %swap3A_112 = arith.constant 0 : index
      %swap3A_113 = tpu.vector_load %arg16[%swap3A_111, %swap3A_112] {strides = array<i32>} : memref<128x64xf32, #tpu.memory_space<vmem>>, vector<1x16xf32>,
      %swap3A_114 = vector.shape_cast %swap3A_113 : vector<1x16xf32> to vector<16xf32>
      %swap3A_115 = vector.shape_cast %broadcast_in_dim3A_1 : vector<16xf32> to vector<1x16xf32>
      tpu.vector_store %arg16[%swap3A_111, %swap3A_112], %swap3A_115 {strides = array<i32>} : memref<128x64xf32, #tpu.memory_space<vmem>>, vector<1x16xf32>,
      %swap3A_116 = arith.index_cast %add3A_110 : i32 to index
      %swap3A_117 = arith.constant 16 : index
      %swap3A_118 = tpu.vector_load %arg16[%swap3A_116, %swap3A_117] {strides = array<i32>} : memref<128x64xf32, #tpu.memory_space<vmem>>, vector<1x16xf32>,
      %swap3A_119 = vector.shape_cast %swap3A_118 : vector<1x16xf32> to vector<16xf32>
      %swap3A_120 = vector.shape_cast %broadcast_in_dim3A_1 : vector<16xf32> to vector<1x16xf32>
      tpu.vector_store %arg16[%swap3A_116, %swap3A_117], %swap3A_120 {strides = array<i32>} : memref<128x64xf32, #tpu.memory_space<vmem>>, vector<1x16xf32>,
      %swap3A_121 = arith.index_cast %add3A_110 : i32 to index
      %swap3A_122 = arith.constant 32 : index
      %swap3A_123 = tpu.vector_load %arg16[%swap3A_121, %swap3A_122] {strides = array<i32>} : memref<128x64xf32, #tpu.memory_space<vmem>>, vector<1x16xf32>,
      %swap3A_124 = vector.shape_cast %swap3A_123 : vector<1x16xf32> to vector<16xf32>
      %swap3A_125 = vector.shape_cast %broadcast_in_dim3A_1 : vector<16xf32> to vector<1x16xf32>
      tpu.vector_store %arg16[%swap3A_121, %swap3A_122], %swap3A_125 {strides = array<i32>} : memref<128x64xf32, #tpu.memory_space<vmem>>, vector<1x16xf32>,
      %swap3A_126 = arith.index_cast %add3A_110 : i32 to index
      %swap3A_127 = arith.constant 48 : index
      %swap3A_128 = tpu.vector_load %arg16[%swap3A_126, %swap3A_127] {strides = array<i32>} : memref<128x64xf32, #tpu.memory_space<vmem>>, vector<1x16xf32>,
      %swap3A_129 = vector.shape_cast %swap3A_128 : vector<1x16xf32> to vector<16xf32>
      %swap3A_130 = vector.shape_cast %broadcast_in_dim3A_1 : vector<16xf32> to vector<1x16xf32>
      tpu.vector_store %arg16[%swap3A_126, %swap3A_127], %swap3A_130 {strides = array<i32>} : memref<128x64xf32, #tpu.memory_space<vmem>>, vector<1x16xf32>,
      %scan3A_131 = arith.constant 2 : i32
      %scan3A_132 = arith.addi %scan3A_81, %scan3A_131 : i32
      %mul3A_133 = arith.constant 1 : i32
      %mul3A_134 = arith.muli %scan3A_132, %mul3A_133 : i32
      %add3A_135 = arith.constant 0 : i32
      %add3A_136 = arith.addi %add3A_135, %mul3A_134 : i32
      %swap3A_137 = arith.index_cast %add3A_136 : i32 to index
      %swap3A_138 = arith.constant 0 : index
      %swap3A_139 = tpu.vector_load %arg16[%swap3A_137, %swap3A_138] {strides = array<i32>} : memref<128x64xf32, #tpu.memory_space<vmem>>, vector<1x16xf32>,
      %swap3A_140 = vector.shape_cast %swap3A_139 : vector<1x16xf32> to vector<16xf32>
      %swap3A_141 = vector.shape_cast %broadcast_in_dim3A_1 : vector<16xf32> to vector<1x16xf32>
      tpu.vector_store %arg16[%swap3A_137, %swap3A_138], %swap3A_141 {strides = array<i32>} : memref<128x64xf32, #tpu.memory_space<vmem>>, vector<1x16xf32>,
      %swap3A_142 = arith.index_cast %add3A_136 : i32 to index
      %swap3A_143 = arith.constant 16 : index
      %swap3A_144 = tpu.vector_load %arg16[%swap3A_142, %swap3A_143] {strides = array<i32>} : memref<128x64xf32, #tpu.memory_space<vmem>>, vector<1x16xf32>,
      %swap3A_145 = vector.shape_cast %swap3A_144 : vector<1x16xf32> to vector<16xf32>
      %swap3A_146 = vector.shape_cast %broadcast_in_dim3A_1 : vector<16xf32> to vector<1x16xf32>
      tpu.vector_store %arg16[%swap3A_142, %swap3A_143], %swap3A_146 {strides = array<i32>} : memref<128x64xf32, #tpu.memory_space<vmem>>, vector<1x16xf32>,
      %swap3A_147 = arith.index_cast %add3A_136 : i32 to index
      %swap3A_148 = arith.constant 32 : index
      %swap3A_149 = tpu.vector_load %arg16[%swap3A_147, %swap3A_148] {strides = array<i32>} : memref<128x64xf32, #tpu.memory_space<vmem>>, vector<1x16xf32>,
      %swap3A_150 = vector.shape_cast %swap3A_149 : vector<1x16xf32> to vector<16xf32>
      %swap3A_151 = vector.shape_cast %broadcast_in_dim3A_1 : vector<16xf32> to vector<1x16xf32>
      tpu.vector_store %arg16[%swap3A_147, %swap3A_148], %swap3A_151 {strides = array<i32>} : memref<128x64xf32, #tpu.memory_space<vmem>>, vector<1x16xf32>,
      %swap3A_152 = arith.index_cast %add3A_136 : i32 to index
      %swap3A_153 = arith.constant 48 : index
      %swap3A_154 = tpu.vector_load %arg16[%swap3A_152, %swap3A_153] {strides = array<i32>} : memref<128x64xf32, #tpu.memory_space<vmem>>, vector<1x16xf32>,
      %swap3A_155 = vector.shape_cast %swap3A_154 : vector<1x16xf32> to vector<16xf32>
      %swap3A_156 = vector.shape_cast %broadcast_in_dim3A_1 : vector<16xf32> to vector<1x16xf32>
      tpu.vector_store %arg16[%swap3A_152, %swap3A_153], %swap3A_156 {strides = array<i32>} : memref<128x64xf32, #tpu.memory_space<vmem>>, vector<1x16xf32>,
      %scan3A_157 = arith.constant 3 : i32
      %scan3A_158 = arith.addi %scan3A_81, %scan3A_157 : i32
      %mul3A_159 = arith.constant 1 : i32
      %mul3A_160 = arith.muli %scan3A_158, %mul3A_159 : i32
      %add3A_161 = arith.constant 0 : i32
      %add3A_162 = arith.addi %add3A_161, %mul3A_160 : i32
      %swap3A_163 = arith.index_cast %add3A_162 : i32 to index
      %swap3A_164 = arith.constant 0 : index
      %swap3A_165 = tpu.vector_load %arg16[%swap3A_163, %swap3A_164] {strides = array<i32>} : memref<128x64xf32, #tpu.memory_space<vmem>>, vector<1x16xf32>,
      %swap3A_166 = vector.shape_cast %swap3A_165 : vector<1x16xf32> to vector<16xf32>
      %swap3A_167 = vector.shape_cast %broadcast_in_dim3A_1 : vector<16xf32> to vector<1x16xf32>
      tpu.vector_store %arg16[%swap3A_163, %swap3A_164], %swap3A_167 {strides = array<i32>} : memref<128x64xf32, #tpu.memory_space<vmem>>, vector<1x16xf32>,
      %swap3A_168 = arith.index_cast %add3A_162 : i32 to index
      %swap3A_169 = arith.constant 16 : index
      %swap3A_170 = tpu.vector_load %arg16[%swap3A_168, %swap3A_169] {strides = array<i32>} : memref<128x64xf32, #tpu.memory_space<vmem>>, vector<1x16xf32>,
      %swap3A_171 = vector.shape_cast %swap3A_170 : vector<1x16xf32> to vector<16xf32>
      %swap3A_172 = vector.shape_cast %broadcast_in_dim3A_1 : vector<16xf32> to vector<1x16xf32>
      tpu.vector_store %arg16[%swap3A_168, %swap3A_169], %swap3A_172 {strides = array<i32>} : memref<128x64xf32, #tpu.memory_space<vmem>>, vector<1x16xf32>,
      %swap3A_173 = arith.index_cast %add3A_162 : i32 to index
      %swap3A_174 = arith.constant 32 : index
      %swap3A_175 = tpu.vector_load %arg16[%swap3A_173, %swap3A_174] {strides = array<i32>} : memref<128x64xf32, #tpu.memory_space<vmem>>, vector<1x16xf32>,
      %swap3A_176 = vector.shape_cast %swap3A_175 : vector<1x16xf32> to vector<16xf32>
      %swap3A_177 = vector.shape_cast %broadcast_in_dim3A_1 : vector<16xf32> to vector<1x16xf32>
      tpu.vector_store %arg16[%swap3A_173, %swap3A_174], %swap3A_177 {strides = array<i32>} : memref<128x64xf32, #tpu.memory_space<vmem>>, vector<1x16xf32>,
      %swap3A_178 = arith.index_cast %add3A_162 : i32 to index
      %swap3A_179 = arith.constant 48 : index
      %swap3A_180 = tpu.vector_load %arg16[%swap3A_178, %swap3A_179] {strides = array<i32>} : memref<128x64xf32, #tpu.memory_space<vmem>>, vector<1x16xf32>,
      %swap3A_181 = vector.shape_cast %swap3A_180 : vector<1x16xf32> to vector<16xf32>
      %swap3A_182 = vector.shape_cast %broadcast_in_dim3A_1 : vector<16xf32> to vector<1x16xf32>
      tpu.vector_store %arg16[%swap3A_178, %swap3A_179], %swap3A_182 {strides = array<i32>} : memref<128x64xf32, #tpu.memory_space<vmem>>, vector<1x16xf32>,
    }
    %scan3A_5 = arith.constant 128 : i32
    %scan3A_6 = arith.constant 0 : i32
    %scan3A_7 = arith.constant 5 : i32
    %scan3A_8 = arith.addi %scan3A_6, %scan3A_7 : i32
    %scan3A_9 = arith.constant 1 : i32
    scf.for %scan3A_81 = %scan3A_6 to %scan3A_8 step %scan3A_9  : i32 {
      %mul3A_82 = arith.constant 1 : i32
      %mul3A_83 = arith.muli %scan3A_81, %mul3A_82 : i32
      %add3A_84 = arith.constant 0 : i32
      %add3A_85 = arith.addi %add3A_84, %mul3A_83 : i32
      %mul3A_86 = arith.constant 640 : i32
      %mul3A_87 = arith.muli %arg1, %mul3A_86 : i32
      %mul3A_88 = arith.constant 128 : i32
      %mul3A_89 = arith.muli %add3A_85, %mul3A_88 : i32
      %add3A_90 = arith.addi %mul3A_87, %mul3A_89 : i32
      "tpu.region"() ({
        %run_scoped3A = tpu.sem_alloc : memref<!tpu.dma_semaphore, #tpu.memory_space<semaphore_mem>>
        %dma_start3A_91 = arith.constant 0 : i32
        %dma_start3A_92 = tpu.memref_slice %arg7[%add3A_90, %dma_start3A_91] : memref<10240x64xf32, #tpu.memory_space<vmem_shared>> -> memref<128x64xf32, #tpu.memory_space<vmem_shared>>
        %dma_start3A_93 = arith.constant 0 : i32
        %dma_start3A_94 = tpu.memref_slice %arg7[%add3A_90, %dma_start3A_93] : memref<10240x64xf32, #tpu.memory_space<vmem_shared>> -> memref<128x64xf32, #tpu.memory_space<vmem_shared>>
        tpu.enqueue_dma source(%arg16 : memref<128x64xf32, #tpu.memory_space<vmem>>) target(%dma_start3A_94 : memref<128x64xf32, #tpu.memory_space<vmem_shared>>) target_semaphore(%run_scoped3A : memref<!tpu.dma_semaphore, #tpu.memory_space<semaphore_mem>>)
        %dma_wait3A_95 = arith.constant 0 : i32
        %dma_wait3A_96 = tpu.memref_slice %arg7[%add3A_90, %dma_wait3A_95] : memref<10240x64xf32, #tpu.memory_space<vmem_shared>> -> memref<128x64xf32, #tpu.memory_space<vmem_shared>>
        %dma_wait3A_97 = arith.constant 0 : i32
        %dma_wait3A_98 = tpu.memref_slice %arg7[%add3A_90, %dma_wait3A_97] : memref<10240x64xf32, #tpu.memory_space<vmem_shared>> -> memref<128x64xf32, #tpu.memory_space<vmem_shared>>
        tpu.wait_dma2 semaphore(%run_scoped3A : memref<!tpu.dma_semaphore, #tpu.memory_space<semaphore_mem>>) src(%arg16 : memref<128x64xf32, #tpu.memory_space<vmem>>) dst(%dma_wait3A_98 : memref<128x64xf32, #tpu.memory_space<vmem_shared>>)
        tpu.yield
      }) : () -> ()
    }
    %scan3A_10 = arith.constant 5 : i32
    %dma_start3A = arith.constant 0 : i32
    %dma_start3A_11 = arith.constant 0 : i32
    %dma_start3A_12 = tpu.memref_slice %arg4[%add3A, %dma_start3A, %dma_start3A_11] : memref<32x125x80xi32, #tpu.memory_space<hbm>> -> memref<1x125x80xi32, #tpu.memory_space<hbm>>
    %dma_start3A_13 = tpu.memref_squeeze %dma_start3A_12 : memref<1x125x80xi32, #tpu.memory_space<hbm>> -> memref<125x80xi32, #tpu.memory_space<hbm>>
    %dma_start3A_14 = arith.constant 0 : i32
    %dma_start3A_15 = arith.constant 0 : i32
    %dma_start3A_16 = tpu.memref_slice %arg4[%add3A, %dma_start3A_14, %dma_start3A_15] : memref<32x125x80xi32, #tpu.memory_space<hbm>> -> memref<1x125x80xi32, #tpu.memory_space<hbm>>
    %dma_start3A_17 = tpu.memref_squeeze %dma_start3A_16 : memref<1x125x80xi32, #tpu.memory_space<hbm>> -> memref<125x80xi32, #tpu.memory_space<hbm>>
    tpu.enqueue_dma source(%dma_start3A_17 : memref<125x80xi32, #tpu.memory_space<hbm>>) target(%arg8 : memref<125x80xi32, #tpu.memory_space<vmem>>) target_semaphore(%arg17 : memref<!tpu.dma_semaphore, #tpu.memory_space<semaphore_mem>>)
    %dma_start3A_18 = arith.constant 0 : i32
    %dma_start3A_19 = arith.constant 0 : i32
    %dma_start3A_20 = tpu.memref_slice %arg5[%add3A, %dma_start3A_18, %dma_start3A_19] : memref<32x125x80xi32, #tpu.memory_space<hbm>> -> memref<1x125x80xi32, #tpu.memory_space<hbm>>
    %dma_start3A_21 = tpu.memref_squeeze %dma_start3A_20 : memref<1x125x80xi32, #tpu.memory_space<hbm>> -> memref<125x80xi32, #tpu.memory_space<hbm>>
    %dma_start3A_22 = arith.constant 0 : i32
    %dma_start3A_23 = arith.constant 0 : i32
    %dma_start3A_24 = tpu.memref_slice %arg5[%add3A, %dma_start3A_22, %dma_start3A_23] : memref<32x125x80xi32, #tpu.memory_space<hbm>> -> memref<1x125x80xi32, #tpu.memory_space<hbm>>
    %dma_start3A_25 = tpu.memref_squeeze %dma_start3A_24 : memref<1x125x80xi32, #tpu.memory_space<hbm>> -> memref<125x80xi32, #tpu.memory_space<hbm>>
    tpu.enqueue_dma source(%dma_start3A_25 : memref<125x80xi32, #tpu.memory_space<hbm>>) target(%arg9 : memref<125x80xi32, #tpu.memory_space<vmem>>) target_semaphore(%arg19 : memref<!tpu.dma_semaphore, #tpu.memory_space<semaphore_mem>>)
    %dma_wait3A = arith.constant 0 : i32
    %dma_wait3A_26 = arith.constant 0 : i32
    %dma_wait3A_27 = tpu.memref_slice %arg4[%add3A, %dma_wait3A, %dma_wait3A_26] : memref<32x125x80xi32, #tpu.memory_space<hbm>> -> memref<1x125x80xi32, #tpu.memory_space<hbm>>
    %dma_wait3A_28 = tpu.memref_squeeze %dma_wait3A_27 : memref<1x125x80xi32, #tpu.memory_space<hbm>> -> memref<125x80xi32, #tpu.memory_space<hbm>>
    %dma_wait3A_29 = arith.constant 0 : i32
    %dma_wait3A_30 = arith.constant 0 : i32
    %dma_wait3A_31 = tpu.memref_slice %arg4[%add3A, %dma_wait3A_29, %dma_wait3A_30] : memref<32x125x80xi32, #tpu.memory_space<hbm>> -> memref<1x125x80xi32, #tpu.memory_space<hbm>>
    %dma_wait3A_32 = tpu.memref_squeeze %dma_wait3A_31 : memref<1x125x80xi32, #tpu.memory_space<hbm>> -> memref<125x80xi32, #tpu.memory_space<hbm>>
    tpu.wait_dma2 semaphore(%arg17 : memref<!tpu.dma_semaphore, #tpu.memory_space<semaphore_mem>>) src(%dma_wait3A_32 : memref<125x80xi32, #tpu.memory_space<hbm>>) dst(%arg8 : memref<125x80xi32, #tpu.memory_space<vmem>>)
    %dma_wait3A_33 = arith.constant 0 : i32
    %dma_wait3A_34 = arith.constant 0 : i32
    %dma_wait3A_35 = tpu.memref_slice %arg5[%add3A, %dma_wait3A_33, %dma_wait3A_34] : memref<32x125x80xi32, #tpu.memory_space<hbm>> -> memref<1x125x80xi32, #tpu.memory_space<hbm>>
    %dma_wait3A_36 = tpu.memref_squeeze %dma_wait3A_35 : memref<1x125x80xi32, #tpu.memory_space<hbm>> -> memref<125x80xi32, #tpu.memory_space<hbm>>
    %dma_wait3A_37 = arith.constant 0 : i32
    %dma_wait3A_38 = arith.constant 0 : i32
    %dma_wait3A_39 = tpu.memref_slice %arg5[%add3A, %dma_wait3A_37, %dma_wait3A_38] : memref<32x125x80xi32, #tpu.memory_space<hbm>> -> memref<1x125x80xi32, #tpu.memory_space<hbm>>
    %dma_wait3A_40 = tpu.memref_squeeze %dma_wait3A_39 : memref<1x125x80xi32, #tpu.memory_space<hbm>> -> memref<125x80xi32, #tpu.memory_space<hbm>>
    tpu.wait_dma2 semaphore(%arg19 : memref<!tpu.dma_semaphore, #tpu.memory_space<semaphore_mem>>) src(%dma_wait3A_40 : memref<125x80xi32, #tpu.memory_space<hbm>>) dst(%arg9 : memref<125x80xi32, #tpu.memory_space<vmem>>)
    %barrier3A = arith.constant 0 : index
    tpu.barrier barrier_id(%barrier3A)
    %mul3A_41 = arith.constant 10000 : i32
    %mul3A_42 = arith.muli %add3A, %mul3A_41 : i32
    %dma_start3A_43 = arith.constant 0 : i32
    %dma_start3A_44 = arith.constant 0 : i32
    %dma_start3A_45 = tpu.memref_slice %arg8[%dma_start3A_43, %dma_start3A_44] : memref<125x80xi32, #tpu.memory_space<vmem>> -> memref<1x80xi32, #tpu.memory_space<vmem>>
    %dma_start3A_46 = tpu.memref_squeeze %dma_start3A_45 : memref<1x80xi32, #tpu.memory_space<vmem>> -> memref<80xi32, #tpu.memory_space<vmem>>
    %dma_start3A_47 = arith.constant 0 : i32
    %dma_start3A_48 = arith.constant 0 : i32
    %dma_start3A_49 = tpu.memref_slice %arg2[%dma_start3A_47, %dma_start3A_48] : memref<10000x64xf32, #tpu.memory_space<hbm>> -> memref<10000x64xf32, #tpu.memory_space<hbm>>
    tpu.enqueue_indirect_dma source(%dma_start3A_49 : memref<10000x64xf32, #tpu.memory_space<hbm>>) target(%arg10 : memref<80x64xf32, #tpu.memory_space<vmem>>) offsets(%dma_start3A_46 : memref<80xi32, #tpu.memory_space<vmem>>) semaphore(%arg17 : memref<!tpu.dma_semaphore, #tpu.memory_space<semaphore_mem>>)
    %add3A_50 = arith.constant 0 : i32
    %add3A_51 = arith.addi %mul3A_42, %add3A_50 : i32
    %dma_start3A_52 = arith.constant 0 : i32
    %dma_start3A_53 = tpu.memref_slice %arg3[%add3A_51, %dma_start3A_52] : memref<320000x64xf32, #tpu.memory_space<hbm>> -> memref<80x64xf32, #tpu.memory_space<hbm>>
    %dma_start3A_54 = arith.constant 0 : i32
    %dma_start3A_55 = tpu.memref_slice %arg3[%add3A_51, %dma_start3A_54] : memref<320000x64xf32, #tpu.memory_space<hbm>> -> memref<80x64xf32, #tpu.memory_space<hbm>>
    tpu.enqueue_dma source(%dma_start3A_55 : memref<80x64xf32, #tpu.memory_space<hbm>>) target(%arg12 : memref<80x64xf32, #tpu.memory_space<vmem>>) target_semaphore(%arg19 : memref<!tpu.dma_semaphore, #tpu.memory_space<semaphore_mem>>)
    %scan3A_56 = arith.constant 0 : i32
    %scan3A_57 = arith.constant 125 : i32
    %scan3A_58 = arith.addi %scan3A_56, %scan3A_57 : i32
    %scan3A_59 = arith.constant 1 : i32
    scf.for %scan3A_81 = %scan3A_56 to %scan3A_58 step %scan3A_59  : i32 {
      %mul3A_82 = arith.constant 1 : i32
      %mul3A_83 = arith.muli %scan3A_81, %mul3A_82 : i32
      %add3A_84 = arith.constant 0 : i32
      %add3A_85 = arith.addi %add3A_84, %mul3A_83 : i32
      %jit3A = arith.constant 2 : i32
      %eq3A = arith.constant 0 : i32
      %eq3A_86 = arith.cmpi eq, %jit3A, %eq3A : i32
      %jit3A_87 = arith.constant 1 : i32
      %select_n3A = arith.select %eq3A_86, %jit3A_87, %jit3A : i32
      %rem3A = arith.remsi %add3A_85, %select_n3A : i32
      %ne3A = arith.constant 0 : i32
      %ne3A_88 = arith.cmpi ne, %rem3A, %ne3A : i32
      %lt3A = arith.constant 0 : i32
      %lt3A_89 = arith.cmpi slt, %rem3A, %lt3A : i32
      %lt3A_90 = arith.constant 0 : i32
      %lt3A_91 = arith.cmpi slt, %select_n3A, %lt3A_90 : i32
      %ne3A_92 = arith.xori %lt3A_89, %lt3A_91 : i1
      %and3A = arith.andi %ne3A_92, %ne3A_88 : i1
      %add3A_93 = arith.addi %rem3A, %select_n3A : i32
      %select_n3A_94 = arith.select %and3A, %add3A_93, %rem3A : i32
      %eq3A_95 = arith.constant 0 : i32
      %eq3A_96 = arith.cmpi eq, %select_n3A_94, %eq3A_95 : i32
      %convert_element_type3A = arith.extui %eq3A_96 : i1 to i32
      %cond3A = arith.constant 0 : i32
      %cond3A_97 = arith.cmpi ne, %convert_element_type3A, %cond3A : i32
      scf.if %cond3A_97 {
        %add3A_119 = arith.constant 1 : i32
        %add3A_120 = arith.addi %add3A_85, %add3A_119 : i32
        %lt3A_121 = arith.constant 125 : i32
        %lt3A_122 = arith.cmpi slt, %add3A_120, %lt3A_121 : i32
        %convert_element_type3A_123 = arith.extui %lt3A_122 : i1 to i32
        %cond3A_124 = arith.constant 0 : i32
        %cond3A_125 = arith.cmpi ne, %convert_element_type3A_123, %cond3A_124 : i32
        scf.if %cond3A_125 {
          %add3A_154 = arith.constant 1 : i32
          %add3A_155 = arith.addi %add3A_85, %add3A_154 : i32
          %dma_start3A_156 = arith.constant 0 : i32
          %dma_start3A_157 = tpu.memref_slice %arg8[%add3A_155, %dma_start3A_156] : memref<125x80xi32, #tpu.memory_space<vmem>> -> memref<1x80xi32, #tpu.memory_space<vmem>>
          %dma_start3A_158 = tpu.memref_squeeze %dma_start3A_157 : memref<1x80xi32, #tpu.memory_space<vmem>> -> memref<80xi32, #tpu.memory_space<vmem>>
          %dma_start3A_159 = arith.constant 0 : i32
          %dma_start3A_160 = arith.constant 0 : i32
          %dma_start3A_161 = tpu.memref_slice %arg2[%dma_start3A_159, %dma_start3A_160] : memref<10000x64xf32, #tpu.memory_space<hbm>> -> memref<10000x64xf32, #tpu.memory_space<hbm>>
          tpu.enqueue_indirect_dma source(%dma_start3A_161 : memref<10000x64xf32, #tpu.memory_space<hbm>>) target(%arg11 : memref<80x64xf32, #tpu.memory_space<vmem>>) offsets(%dma_start3A_158 : memref<80xi32, #tpu.memory_space<vmem>>) semaphore(%arg18 : memref<!tpu.dma_semaphore, #tpu.memory_space<semaphore_mem>>)
          %mul3A_162 = arith.constant 80 : i32
          %mul3A_163 = arith.muli %add3A_155, %mul3A_162 : i32
          %add3A_164 = arith.addi %mul3A_42, %mul3A_163 : i32
          %dma_start3A_165 = arith.constant 0 : i32
          %dma_start3A_166 = tpu.memref_slice %arg3[%add3A_164, %dma_start3A_165] : memref<320000x64xf32, #tpu.memory_space<hbm>> -> memref<80x64xf32, #tpu.memory_space<hbm>>
          %dma_start3A_167 = arith.constant 0 : i32
          %dma_start3A_168 = tpu.memref_slice %arg3[%add3A_164, %dma_start3A_167] : memref<320000x64xf32, #tpu.memory_space<hbm>> -> memref<80x64xf32, #tpu.memory_space<hbm>>
          tpu.enqueue_dma source(%dma_start3A_168 : memref<80x64xf32, #tpu.memory_space<hbm>>) target(%arg13 : memref<80x64xf32, #tpu.memory_space<vmem>>) target_semaphore(%arg20 : memref<!tpu.dma_semaphore, #tpu.memory_space<semaphore_mem>>)
        } else {
        }
        %dma_wait3A_126 = arith.constant 0 : i32
        %dma_wait3A_127 = tpu.memref_slice %arg8[%add3A_85, %dma_wait3A_126] : memref<125x80xi32, #tpu.memory_space<vmem>> -> memref<1x80xi32, #tpu.memory_space<vmem>>
        %dma_wait3A_128 = tpu.memref_squeeze %dma_wait3A_127 : memref<1x80xi32, #tpu.memory_space<vmem>> -> memref<80xi32, #tpu.memory_space<vmem>>
        %dma_wait3A_129 = arith.constant 0 : i32
        %dma_wait3A_130 = arith.constant 0 : i32
        %dma_wait3A_131 = tpu.memref_slice %arg2[%dma_wait3A_129, %dma_wait3A_130] : memref<10000x64xf32, #tpu.memory_space<hbm>> -> memref<10000x64xf32, #tpu.memory_space<hbm>>
        tpu.wait_indirect_dma semaphore(%arg17 : memref<!tpu.dma_semaphore, #tpu.memory_space<semaphore_mem>>) src(%dma_wait3A_131 : memref<10000x64xf32, #tpu.memory_space<hbm>>) dst(%arg10 : memref<80x64xf32, #tpu.memory_space<vmem>>)
        %mul3A_132 = arith.constant 80 : i32
        %mul3A_133 = arith.muli %add3A_85, %mul3A_132 : i32
        %add3A_134 = arith.addi %mul3A_42, %mul3A_133 : i32
        %dma_wait3A_135 = arith.constant 0 : i32
        %dma_wait3A_136 = tpu.memref_slice %arg3[%add3A_134, %dma_wait3A_135] : memref<320000x64xf32, #tpu.memory_space<hbm>> -> memref<80x64xf32, #tpu.memory_space<hbm>>
        %dma_wait3A_137 = arith.constant 0 : i32
        %dma_wait3A_138 = tpu.memref_slice %arg3[%add3A_134, %dma_wait3A_137] : memref<320000x64xf32, #tpu.memory_space<hbm>> -> memref<80x64xf32, #tpu.memory_space<hbm>>
        tpu.wait_dma2 semaphore(%arg19 : memref<!tpu.dma_semaphore, #tpu.memory_space<semaphore_mem>>) src(%dma_wait3A_138 : memref<80x64xf32, #tpu.memory_space<hbm>>) dst(%arg12 : memref<80x64xf32, #tpu.memory_space<vmem>>)
        %ge3A = arith.constant 2 : i32
        %ge3A_139 = arith.cmpi sge, %add3A_85, %ge3A : i32
        %convert_element_type3A_140 = arith.extui %ge3A_139 : i1 to i32
        %cond3A_141 = arith.constant 0 : i32
        %cond3A_142 = arith.cmpi ne, %convert_element_type3A_140, %cond3A_141 : i32
        scf.if %cond3A_142 {
          %sub3A = arith.constant 2 : i32
          %sub3A_154 = arith.subi %add3A_85, %sub3A : i32
          %dma_wait3A_155 = arith.constant 0 : i32
          %dma_wait3A_156 = tpu.memref_slice %arg9[%sub3A_154, %dma_wait3A_155] : memref<125x80xi32, #tpu.memory_space<vmem>> -> memref<1x80xi32, #tpu.memory_space<vmem>>
          %dma_wait3A_157 = tpu.memref_squeeze %dma_wait3A_156 : memref<1x80xi32, #tpu.memory_space<vmem>> -> memref<80xi32, #tpu.memory_space<vmem>>
          %dma_wait3A_158 = arith.constant 0 : i32
          %dma_wait3A_159 = arith.constant 0 : i32
          %dma_wait3A_160 = tpu.memref_slice %arg7[%dma_wait3A_158, %dma_wait3A_159] : memref<10240x64xf32, #tpu.memory_space<vmem_shared>> -> memref<10240x64xf32, #tpu.memory_space<vmem_shared>>
          tpu.wait_indirect_dma semaphore(%arg21 : memref<!tpu.dma_semaphore, #tpu.memory_space<semaphore_mem>>) src(%arg14 : memref<80x64xf32, #tpu.memory_space<vmem>>) dst(%dma_wait3A_160 : memref<10240x64xf32, #tpu.memory_space<vmem_shared>>)
        } else {
        }
        %scan3A_143 = arith.constant 0 : i32
        %scan3A_144 = arith.constant 80 : i32
        %scan3A_145 = arith.addi %scan3A_143, %scan3A_144 : i32
        %scan3A_146 = arith.constant 4 : i32
        scf.for %scan3A_154 = %scan3A_143 to %scan3A_145 step %scan3A_146  : i32 {
          %mul3A_155 = arith.constant 1 : i32
          %mul3A_156 = arith.muli %scan3A_154, %mul3A_155 : i32
          %add3A_157 = arith.constant 0 : i32
          %add3A_158 = arith.addi %add3A_157, %mul3A_156 : i32
          %get3A = arith.index_cast %add3A_158 : i32 to index
          %get3A_159 = arith.constant 0 : index
          %get3A_160 = tpu.vector_load %arg10[%get3A, %get3A_159] {strides = array<i32>} : memref<80x64xf32, #tpu.memory_space<vmem>>, vector<1x16xf32>,
          %get3A_161 = vector.shape_cast %get3A_160 : vector<1x16xf32> to vector<16xf32>
          %get3A_162 = arith.index_cast %add3A_158 : i32 to index
          %get3A_163 = arith.constant 0 : index
          %get3A_164 = tpu.vector_load %arg12[%get3A_162, %get3A_163] {strides = array<i32>} : memref<80x64xf32, #tpu.memory_space<vmem>>, vector<1x16xf32>,
          %get3A_165 = vector.shape_cast %get3A_164 : vector<1x16xf32> to vector<16xf32>
          %add3A_166 = arith.addf %get3A_161, %get3A_165 : vector<16xf32>
          %max3A = arith.constant 0.000000e+00 : f32
          %max3A_167 = vector.broadcast %max3A : f32 to vector<16xf32>
          %max3A_168 = arith.maximumf %add3A_166, %max3A_167 : vector<16xf32>
          %swap3A = arith.index_cast %add3A_158 : i32 to index
          %swap3A_169 = arith.constant 0 : index
          %swap3A_170 = tpu.vector_load %arg14[%swap3A, %swap3A_169] {strides = array<i32>} : memref<80x64xf32, #tpu.memory_space<vmem>>, vector<1x16xf32>,
          %swap3A_171 = vector.shape_cast %swap3A_170 : vector<1x16xf32> to vector<16xf32>
          %swap3A_172 = vector.shape_cast %max3A_168 : vector<16xf32> to vector<1x16xf32>
          tpu.vector_store %arg14[%swap3A, %swap3A_169], %swap3A_172 {strides = array<i32>} : memref<80x64xf32, #tpu.memory_space<vmem>>, vector<1x16xf32>,
          %get3A_173 = arith.index_cast %add3A_158 : i32 to index
          %get3A_174 = arith.constant 16 : index
          %get3A_175 = tpu.vector_load %arg10[%get3A_173, %get3A_174] {strides = array<i32>} : memref<80x64xf32, #tpu.memory_space<vmem>>, vector<1x16xf32>,
          %get3A_176 = vector.shape_cast %get3A_175 : vector<1x16xf32> to vector<16xf32>
          %get3A_177 = arith.index_cast %add3A_158 : i32 to index
          %get3A_178 = arith.constant 16 : index
          %get3A_179 = tpu.vector_load %arg12[%get3A_177, %get3A_178] {strides = array<i32>} : memref<80x64xf32, #tpu.memory_space<vmem>>, vector<1x16xf32>,
          %get3A_180 = vector.shape_cast %get3A_179 : vector<1x16xf32> to vector<16xf32>
          %add3A_181 = arith.addf %get3A_176, %get3A_180 : vector<16xf32>
          %max3A_182 = arith.constant 0.000000e+00 : f32
          %max3A_183 = vector.broadcast %max3A_182 : f32 to vector<16xf32>
          %max3A_184 = arith.maximumf %add3A_181, %max3A_183 : vector<16xf32>
          %swap3A_185 = arith.index_cast %add3A_158 : i32 to index
          %swap3A_186 = arith.constant 16 : index
          %swap3A_187 = tpu.vector_load %arg14[%swap3A_185, %swap3A_186] {strides = array<i32>} : memref<80x64xf32, #tpu.memory_space<vmem>>, vector<1x16xf32>,
          %swap3A_188 = vector.shape_cast %swap3A_187 : vector<1x16xf32> to vector<16xf32>
          %swap3A_189 = vector.shape_cast %max3A_184 : vector<16xf32> to vector<1x16xf32>
          tpu.vector_store %arg14[%swap3A_185, %swap3A_186], %swap3A_189 {strides = array<i32>} : memref<80x64xf32, #tpu.memory_space<vmem>>, vector<1x16xf32>,
          %get3A_190 = arith.index_cast %add3A_158 : i32 to index
          %get3A_191 = arith.constant 32 : index
          %get3A_192 = tpu.vector_load %arg10[%get3A_190, %get3A_191] {strides = array<i32>} : memref<80x64xf32, #tpu.memory_space<vmem>>, vector<1x16xf32>,
          %get3A_193 = vector.shape_cast %get3A_192 : vector<1x16xf32> to vector<16xf32>
          %get3A_194 = arith.index_cast %add3A_158 : i32 to index
          %get3A_195 = arith.constant 32 : index
          %get3A_196 = tpu.vector_load %arg12[%get3A_194, %get3A_195] {strides = array<i32>} : memref<80x64xf32, #tpu.memory_space<vmem>>, vector<1x16xf32>,
          %get3A_197 = vector.shape_cast %get3A_196 : vector<1x16xf32> to vector<16xf32>
          %add3A_198 = arith.addf %get3A_193, %get3A_197 : vector<16xf32>
          %max3A_199 = arith.constant 0.000000e+00 : f32
          %max3A_200 = vector.broadcast %max3A_199 : f32 to vector<16xf32>
          %max3A_201 = arith.maximumf %add3A_198, %max3A_200 : vector<16xf32>
          %swap3A_202 = arith.index_cast %add3A_158 : i32 to index
          %swap3A_203 = arith.constant 32 : index
          %swap3A_204 = tpu.vector_load %arg14[%swap3A_202, %swap3A_203] {strides = array<i32>} : memref<80x64xf32, #tpu.memory_space<vmem>>, vector<1x16xf32>,
          %swap3A_205 = vector.shape_cast %swap3A_204 : vector<1x16xf32> to vector<16xf32>
          %swap3A_206 = vector.shape_cast %max3A_201 : vector<16xf32> to vector<1x16xf32>
          tpu.vector_store %arg14[%swap3A_202, %swap3A_203], %swap3A_206 {strides = array<i32>} : memref<80x64xf32, #tpu.memory_space<vmem>>, vector<1x16xf32>,
          %get3A_207 = arith.index_cast %add3A_158 : i32 to index
          %get3A_208 = arith.constant 48 : index
          %get3A_209 = tpu.vector_load %arg10[%get3A_207, %get3A_208] {strides = array<i32>} : memref<80x64xf32, #tpu.memory_space<vmem>>, vector<1x16xf32>,
          %get3A_210 = vector.shape_cast %get3A_209 : vector<1x16xf32> to vector<16xf32>
          %get3A_211 = arith.index_cast %add3A_158 : i32 to index
          %get3A_212 = arith.constant 48 : index
          %get3A_213 = tpu.vector_load %arg12[%get3A_211, %get3A_212] {strides = array<i32>} : memref<80x64xf32, #tpu.memory_space<vmem>>, vector<1x16xf32>,
          %get3A_214 = vector.shape_cast %get3A_213 : vector<1x16xf32> to vector<16xf32>
          %add3A_215 = arith.addf %get3A_210, %get3A_214 : vector<16xf32>
          %max3A_216 = arith.constant 0.000000e+00 : f32
          %max3A_217 = vector.broadcast %max3A_216 : f32 to vector<16xf32>
          %max3A_218 = arith.maximumf %add3A_215, %max3A_217 : vector<16xf32>
          %swap3A_219 = arith.index_cast %add3A_158 : i32 to index
          %swap3A_220 = arith.constant 48 : index
          %swap3A_221 = tpu.vector_load %arg14[%swap3A_219, %swap3A_220] {strides = array<i32>} : memref<80x64xf32, #tpu.memory_space<vmem>>, vector<1x16xf32>,
          %swap3A_222 = vector.shape_cast %swap3A_221 : vector<1x16xf32> to vector<16xf32>
          %swap3A_223 = vector.shape_cast %max3A_218 : vector<16xf32> to vector<1x16xf32>
          tpu.vector_store %arg14[%swap3A_219, %swap3A_220], %swap3A_223 {strides = array<i32>} : memref<80x64xf32, #tpu.memory_space<vmem>>, vector<1x16xf32>,
          %scan3A_224 = arith.constant 1 : i32
          %scan3A_225 = arith.addi %scan3A_154, %scan3A_224 : i32
          %mul3A_226 = arith.constant 1 : i32
          %mul3A_227 = arith.muli %scan3A_225, %mul3A_226 : i32
          %add3A_228 = arith.constant 0 : i32
          %add3A_229 = arith.addi %add3A_228, %mul3A_227 : i32
          %get3A_230 = arith.index_cast %add3A_229 : i32 to index
          %get3A_231 = arith.constant 0 : index
          %get3A_232 = tpu.vector_load %arg10[%get3A_230, %get3A_231] {strides = array<i32>} : memref<80x64xf32, #tpu.memory_space<vmem>>, vector<1x16xf32>,
          %get3A_233 = vector.shape_cast %get3A_232 : vector<1x16xf32> to vector<16xf32>
          %get3A_234 = arith.index_cast %add3A_229 : i32 to index
          %get3A_235 = arith.constant 0 : index
          %get3A_236 = tpu.vector_load %arg12[%get3A_234, %get3A_235] {strides = array<i32>} : memref<80x64xf32, #tpu.memory_space<vmem>>, vector<1x16xf32>,
          %get3A_237 = vector.shape_cast %get3A_236 : vector<1x16xf32> to vector<16xf32>
          %add3A_238 = arith.addf %get3A_233, %get3A_237 : vector<16xf32>
          %max3A_239 = arith.constant 0.000000e+00 : f32
          %max3A_240 = vector.broadcast %max3A_239 : f32 to vector<16xf32>
          %max3A_241 = arith.maximumf %add3A_238, %max3A_240 : vector<16xf32>
          %swap3A_242 = arith.index_cast %add3A_229 : i32 to index
          %swap3A_243 = arith.constant 0 : index
          %swap3A_244 = tpu.vector_load %arg14[%swap3A_242, %swap3A_243] {strides = array<i32>} : memref<80x64xf32, #tpu.memory_space<vmem>>, vector<1x16xf32>,
          %swap3A_245 = vector.shape_cast %swap3A_244 : vector<1x16xf32> to vector<16xf32>
          %swap3A_246 = vector.shape_cast %max3A_241 : vector<16xf32> to vector<1x16xf32>
          tpu.vector_store %arg14[%swap3A_242, %swap3A_243], %swap3A_246 {strides = array<i32>} : memref<80x64xf32, #tpu.memory_space<vmem>>, vector<1x16xf32>,
          %get3A_247 = arith.index_cast %add3A_229 : i32 to index
          %get3A_248 = arith.constant 16 : index
          %get3A_249 = tpu.vector_load %arg10[%get3A_247, %get3A_248] {strides = array<i32>} : memref<80x64xf32, #tpu.memory_space<vmem>>, vector<1x16xf32>,
          %get3A_250 = vector.shape_cast %get3A_249 : vector<1x16xf32> to vector<16xf32>
          %get3A_251 = arith.index_cast %add3A_229 : i32 to index
          %get3A_252 = arith.constant 16 : index
          %get3A_253 = tpu.vector_load %arg12[%get3A_251, %get3A_252] {strides = array<i32>} : memref<80x64xf32, #tpu.memory_space<vmem>>, vector<1x16xf32>,
          %get3A_254 = vector.shape_cast %get3A_253 : vector<1x16xf32> to vector<16xf32>
          %add3A_255 = arith.addf %get3A_250, %get3A_254 : vector<16xf32>
          %max3A_256 = arith.constant 0.000000e+00 : f32
          %max3A_257 = vector.broadcast %max3A_256 : f32 to vector<16xf32>
          %max3A_258 = arith.maximumf %add3A_255, %max3A_257 : vector<16xf32>
          %swap3A_259 = arith.index_cast %add3A_229 : i32 to index
          %swap3A_260 = arith.constant 16 : index
          %swap3A_261 = tpu.vector_load %arg14[%swap3A_259, %swap3A_260] {strides = array<i32>} : memref<80x64xf32, #tpu.memory_space<vmem>>, vector<1x16xf32>,
          %swap3A_262 = vector.shape_cast %swap3A_261 : vector<1x16xf32> to vector<16xf32>
          %swap3A_263 = vector.shape_cast %max3A_258 : vector<16xf32> to vector<1x16xf32>
          tpu.vector_store %arg14[%swap3A_259, %swap3A_260], %swap3A_263 {strides = array<i32>} : memref<80x64xf32, #tpu.memory_space<vmem>>, vector<1x16xf32>,
          %get3A_264 = arith.index_cast %add3A_229 : i32 to index
          %get3A_265 = arith.constant 32 : index
          %get3A_266 = tpu.vector_load %arg10[%get3A_264, %get3A_265] {strides = array<i32>} : memref<80x64xf32, #tpu.memory_space<vmem>>, vector<1x16xf32>,
          %get3A_267 = vector.shape_cast %get3A_266 : vector<1x16xf32> to vector<16xf32>
          %get3A_268 = arith.index_cast %add3A_229 : i32 to index
          %get3A_269 = arith.constant 32 : index
          %get3A_270 = tpu.vector_load %arg12[%get3A_268, %get3A_269] {strides = array<i32>} : memref<80x64xf32, #tpu.memory_space<vmem>>, vector<1x16xf32>,
          %get3A_271 = vector.shape_cast %get3A_270 : vector<1x16xf32> to vector<16xf32>
          %add3A_272 = arith.addf %get3A_267, %get3A_271 : vector<16xf32>
          %max3A_273 = arith.constant 0.000000e+00 : f32
          %max3A_274 = vector.broadcast %max3A_273 : f32 to vector<16xf32>
          %max3A_275 = arith.maximumf %add3A_272, %max3A_274 : vector<16xf32>
          %swap3A_276 = arith.index_cast %add3A_229 : i32 to index
          %swap3A_277 = arith.constant 32 : index
          %swap3A_278 = tpu.vector_load %arg14[%swap3A_276, %swap3A_277] {strides = array<i32>} : memref<80x64xf32, #tpu.memory_space<vmem>>, vector<1x16xf32>,
          %swap3A_279 = vector.shape_cast %swap3A_278 : vector<1x16xf32> to vector<16xf32>
          %swap3A_280 = vector.shape_cast %max3A_275 : vector<16xf32> to vector<1x16xf32>
          tpu.vector_store %arg14[%swap3A_276, %swap3A_277], %swap3A_280 {strides = array<i32>} : memref<80x64xf32, #tpu.memory_space<vmem>>, vector<1x16xf32>,
          %get3A_281 = arith.index_cast %add3A_229 : i32 to index
          %get3A_282 = arith.constant 48 : index
          %get3A_283 = tpu.vector_load %arg10[%get3A_281, %get3A_282] {strides = array<i32>} : memref<80x64xf32, #tpu.memory_space<vmem>>, vector<1x16xf32>,
          %get3A_284 = vector.shape_cast %get3A_283 : vector<1x16xf32> to vector<16xf32>
          %get3A_285 = arith.index_cast %add3A_229 : i32 to index
          %get3A_286 = arith.constant 48 : index
          %get3A_287 = tpu.vector_load %arg12[%get3A_285, %get3A_286] {strides = array<i32>} : memref<80x64xf32, #tpu.memory_space<vmem>>, vector<1x16xf32>,
          %get3A_288 = vector.shape_cast %get3A_287 : vector<1x16xf32> to vector<16xf32>
          %add3A_289 = arith.addf %get3A_284, %get3A_288 : vector<16xf32>
          %max3A_290 = arith.constant 0.000000e+00 : f32
          %max3A_291 = vector.broadcast %max3A_290 : f32 to vector<16xf32>
          %max3A_292 = arith.maximumf %add3A_289, %max3A_291 : vector<16xf32>
          %swap3A_293 = arith.index_cast %add3A_229 : i32 to index
          %swap3A_294 = arith.constant 48 : index
          %swap3A_295 = tpu.vector_load %arg14[%swap3A_293, %swap3A_294] {strides = array<i32>} : memref<80x64xf32, #tpu.memory_space<vmem>>, vector<1x16xf32>,
          %swap3A_296 = vector.shape_cast %swap3A_295 : vector<1x16xf32> to vector<16xf32>
          %swap3A_297 = vector.shape_cast %max3A_292 : vector<16xf32> to vector<1x16xf32>
          tpu.vector_store %arg14[%swap3A_293, %swap3A_294], %swap3A_297 {strides = array<i32>} : memref<80x64xf32, #tpu.memory_space<vmem>>, vector<1x16xf32>,
          %scan3A_298 = arith.constant 2 : i32
          %scan3A_299 = arith.addi %scan3A_154, %scan3A_298 : i32
          %mul3A_300 = arith.constant 1 : i32
          %mul3A_301 = arith.muli %scan3A_299, %mul3A_300 : i32
          %add3A_302 = arith.constant 0 : i32
          %add3A_303 = arith.addi %add3A_302, %mul3A_301 : i32
          %get3A_304 = arith.index_cast %add3A_303 : i32 to index
          %get3A_305 = arith.constant 0 : index
          %get3A_306 = tpu.vector_load %arg10[%get3A_304, %get3A_305] {strides = array<i32>} : memref<80x64xf32, #tpu.memory_space<vmem>>, vector<1x16xf32>,
          %get3A_307 = vector.shape_cast %get3A_306 : vector<1x16xf32> to vector<16xf32>
          %get3A_308 = arith.index_cast %add3A_303 : i32 to index
          %get3A_309 = arith.constant 0 : index
          %get3A_310 = tpu.vector_load %arg12[%get3A_308, %get3A_309] {strides = array<i32>} : memref<80x64xf32, #tpu.memory_space<vmem>>, vector<1x16xf32>,
          %get3A_311 = vector.shape_cast %get3A_310 : vector<1x16xf32> to vector<16xf32>
          %add3A_312 = arith.addf %get3A_307, %get3A_311 : vector<16xf32>
          %max3A_313 = arith.constant 0.000000e+00 : f32
          %max3A_314 = vector.broadcast %max3A_313 : f32 to vector<16xf32>
          %max3A_315 = arith.maximumf %add3A_312, %max3A_314 : vector<16xf32>
          %swap3A_316 = arith.index_cast %add3A_303 : i32 to index
          %swap3A_317 = arith.constant 0 : index
          %swap3A_318 = tpu.vector_load %arg14[%swap3A_316, %swap3A_317] {strides = array<i32>} : memref<80x64xf32, #tpu.memory_space<vmem>>, vector<1x16xf32>,
          %swap3A_319 = vector.shape_cast %swap3A_318 : vector<1x16xf32> to vector<16xf32>
          %swap3A_320 = vector.shape_cast %max3A_315 : vector<16xf32> to vector<1x16xf32>
          tpu.vector_store %arg14[%swap3A_316, %swap3A_317], %swap3A_320 {strides = array<i32>} : memref<80x64xf32, #tpu.memory_space<vmem>>, vector<1x16xf32>,
          %get3A_321 = arith.index_cast %add3A_303 : i32 to index
          %get3A_322 = arith.constant 16 : index
          %get3A_323 = tpu.vector_load %arg10[%get3A_321, %get3A_322] {strides = array<i32>} : memref<80x64xf32, #tpu.memory_space<vmem>>, vector<1x16xf32>,
          %get3A_324 = vector.shape_cast %get3A_323 : vector<1x16xf32> to vector<16xf32>
          %get3A_325 = arith.index_cast %add3A_303 : i32 to index
          %get3A_326 = arith.constant 16 : index
          %get3A_327 = tpu.vector_load %arg12[%get3A_325, %get3A_326] {strides = array<i32>} : memref<80x64xf32, #tpu.memory_space<vmem>>, vector<1x16xf32>,
          %get3A_328 = vector.shape_cast %get3A_327 : vector<1x16xf32> to vector<16xf32>
          %add3A_329 = arith.addf %get3A_324, %get3A_328 : vector<16xf32>
          %max3A_330 = arith.constant 0.000000e+00 : f32
          %max3A_331 = vector.broadcast %max3A_330 : f32 to vector<16xf32>
          %max3A_332 = arith.maximumf %add3A_329, %max3A_331 : vector<16xf32>
          %swap3A_333 = arith.index_cast %add3A_303 : i32 to index
          %swap3A_334 = arith.constant 16 : index
          %swap3A_335 = tpu.vector_load %arg14[%swap3A_333, %swap3A_334] {strides = array<i32>} : memref<80x64xf32, #tpu.memory_space<vmem>>, vector<1x16xf32>,
          %swap3A_336 = vector.shape_cast %swap3A_335 : vector<1x16xf32> to vector<16xf32>
          %swap3A_337 = vector.shape_cast %max3A_332 : vector<16xf32> to vector<1x16xf32>
          tpu.vector_store %arg14[%swap3A_333, %swap3A_334], %swap3A_337 {strides = array<i32>} : memref<80x64xf32, #tpu.memory_space<vmem>>, vector<1x16xf32>,
          %get3A_338 = arith.index_cast %add3A_303 : i32 to index
          %get3A_339 = arith.constant 32 : index
          %get3A_340 = tpu.vector_load %arg10[%get3A_338, %get3A_339] {strides = array<i32>} : memref<80x64xf32, #tpu.memory_space<vmem>>, vector<1x16xf32>,
          %get3A_341 = vector.shape_cast %get3A_340 : vector<1x16xf32> to vector<16xf32>
          %get3A_342 = arith.index_cast %add3A_303 : i32 to index
          %get3A_343 = arith.constant 32 : index
          %get3A_344 = tpu.vector_load %arg12[%get3A_342, %get3A_343] {strides = array<i32>} : memref<80x64xf32, #tpu.memory_space<vmem>>, vector<1x16xf32>,
          %get3A_345 = vector.shape_cast %get3A_344 : vector<1x16xf32> to vector<16xf32>
          %add3A_346 = arith.addf %get3A_341, %get3A_345 : vector<16xf32>
          %max3A_347 = arith.constant 0.000000e+00 : f32
          %max3A_348 = vector.broadcast %max3A_347 : f32 to vector<16xf32>
          %max3A_349 = arith.maximumf %add3A_346, %max3A_348 : vector<16xf32>
          %swap3A_350 = arith.index_cast %add3A_303 : i32 to index
          %swap3A_351 = arith.constant 32 : index
          %swap3A_352 = tpu.vector_load %arg14[%swap3A_350, %swap3A_351] {strides = array<i32>} : memref<80x64xf32, #tpu.memory_space<vmem>>, vector<1x16xf32>,
          %swap3A_353 = vector.shape_cast %swap3A_352 : vector<1x16xf32> to vector<16xf32>
          %swap3A_354 = vector.shape_cast %max3A_349 : vector<16xf32> to vector<1x16xf32>
          tpu.vector_store %arg14[%swap3A_350, %swap3A_351], %swap3A_354 {strides = array<i32>} : memref<80x64xf32, #tpu.memory_space<vmem>>, vector<1x16xf32>,
          %get3A_355 = arith.index_cast %add3A_303 : i32 to index
          %get3A_356 = arith.constant 48 : index
          %get3A_357 = tpu.vector_load %arg10[%get3A_355, %get3A_356] {strides = array<i32>} : memref<80x64xf32, #tpu.memory_space<vmem>>, vector<1x16xf32>,
          %get3A_358 = vector.shape_cast %get3A_357 : vector<1x16xf32> to vector<16xf32>
          %get3A_359 = arith.index_cast %add3A_303 : i32 to index
          %get3A_360 = arith.constant 48 : index
          %get3A_361 = tpu.vector_load %arg12[%get3A_359, %get3A_360] {strides = array<i32>} : memref<80x64xf32, #tpu.memory_space<vmem>>, vector<1x16xf32>,
          %get3A_362 = vector.shape_cast %get3A_361 : vector<1x16xf32> to vector<16xf32>
          %add3A_363 = arith.addf %get3A_358, %get3A_362 : vector<16xf32>
          %max3A_364 = arith.constant 0.000000e+00 : f32
          %max3A_365 = vector.broadcast %max3A_364 : f32 to vector<16xf32>
          %max3A_366 = arith.maximumf %add3A_363, %max3A_365 : vector<16xf32>
          %swap3A_367 = arith.index_cast %add3A_303 : i32 to index
          %swap3A_368 = arith.constant 48 : index
          %swap3A_369 = tpu.vector_load %arg14[%swap3A_367, %swap3A_368] {strides = array<i32>} : memref<80x64xf32, #tpu.memory_space<vmem>>, vector<1x16xf32>,
          %swap3A_370 = vector.shape_cast %swap3A_369 : vector<1x16xf32> to vector<16xf32>
          %swap3A_371 = vector.shape_cast %max3A_366 : vector<16xf32> to vector<1x16xf32>
          tpu.vector_store %arg14[%swap3A_367, %swap3A_368], %swap3A_371 {strides = array<i32>} : memref<80x64xf32, #tpu.memory_space<vmem>>, vector<1x16xf32>,
          %scan3A_372 = arith.constant 3 : i32
          %scan3A_373 = arith.addi %scan3A_154, %scan3A_372 : i32
          %mul3A_374 = arith.constant 1 : i32
          %mul3A_375 = arith.muli %scan3A_373, %mul3A_374 : i32
          %add3A_376 = arith.constant 0 : i32
          %add3A_377 = arith.addi %add3A_376, %mul3A_375 : i32
          %get3A_378 = arith.index_cast %add3A_377 : i32 to index
          %get3A_379 = arith.constant 0 : index
          %get3A_380 = tpu.vector_load %arg10[%get3A_378, %get3A_379] {strides = array<i32>} : memref<80x64xf32, #tpu.memory_space<vmem>>, vector<1x16xf32>,
          %get3A_381 = vector.shape_cast %get3A_380 : vector<1x16xf32> to vector<16xf32>
          %get3A_382 = arith.index_cast %add3A_377 : i32 to index
          %get3A_383 = arith.constant 0 : index
          %get3A_384 = tpu.vector_load %arg12[%get3A_382, %get3A_383] {strides = array<i32>} : memref<80x64xf32, #tpu.memory_space<vmem>>, vector<1x16xf32>,
          %get3A_385 = vector.shape_cast %get3A_384 : vector<1x16xf32> to vector<16xf32>
          %add3A_386 = arith.addf %get3A_381, %get3A_385 : vector<16xf32>
          %max3A_387 = arith.constant 0.000000e+00 : f32
          %max3A_388 = vector.broadcast %max3A_387 : f32 to vector<16xf32>
          %max3A_389 = arith.maximumf %add3A_386, %max3A_388 : vector<16xf32>
          %swap3A_390 = arith.index_cast %add3A_377 : i32 to index
          %swap3A_391 = arith.constant 0 : index
          %swap3A_392 = tpu.vector_load %arg14[%swap3A_390, %swap3A_391] {strides = array<i32>} : memref<80x64xf32, #tpu.memory_space<vmem>>, vector<1x16xf32>,
          %swap3A_393 = vector.shape_cast %swap3A_392 : vector<1x16xf32> to vector<16xf32>
          %swap3A_394 = vector.shape_cast %max3A_389 : vector<16xf32> to vector<1x16xf32>
          tpu.vector_store %arg14[%swap3A_390, %swap3A_391], %swap3A_394 {strides = array<i32>} : memref<80x64xf32, #tpu.memory_space<vmem>>, vector<1x16xf32>,
          %get3A_395 = arith.index_cast %add3A_377 : i32 to index
          %get3A_396 = arith.constant 16 : index
          %get3A_397 = tpu.vector_load %arg10[%get3A_395, %get3A_396] {strides = array<i32>} : memref<80x64xf32, #tpu.memory_space<vmem>>, vector<1x16xf32>,
          %get3A_398 = vector.shape_cast %get3A_397 : vector<1x16xf32> to vector<16xf32>
          %get3A_399 = arith.index_cast %add3A_377 : i32 to index
          %get3A_400 = arith.constant 16 : index
          %get3A_401 = tpu.vector_load %arg12[%get3A_399, %get3A_400] {strides = array<i32>} : memref<80x64xf32, #tpu.memory_space<vmem>>, vector<1x16xf32>,
          %get3A_402 = vector.shape_cast %get3A_401 : vector<1x16xf32> to vector<16xf32>
          %add3A_403 = arith.addf %get3A_398, %get3A_402 : vector<16xf32>
          %max3A_404 = arith.constant 0.000000e+00 : f32
          %max3A_405 = vector.broadcast %max3A_404 : f32 to vector<16xf32>
          %max3A_406 = arith.maximumf %add3A_403, %max3A_405 : vector<16xf32>
          %swap3A_407 = arith.index_cast %add3A_377 : i32 to index
          %swap3A_408 = arith.constant 16 : index
          %swap3A_409 = tpu.vector_load %arg14[%swap3A_407, %swap3A_408] {strides = array<i32>} : memref<80x64xf32, #tpu.memory_space<vmem>>, vector<1x16xf32>,
          %swap3A_410 = vector.shape_cast %swap3A_409 : vector<1x16xf32> to vector<16xf32>
          %swap3A_411 = vector.shape_cast %max3A_406 : vector<16xf32> to vector<1x16xf32>
          tpu.vector_store %arg14[%swap3A_407, %swap3A_408], %swap3A_411 {strides = array<i32>} : memref<80x64xf32, #tpu.memory_space<vmem>>, vector<1x16xf32>,
          %get3A_412 = arith.index_cast %add3A_377 : i32 to index
          %get3A_413 = arith.constant 32 : index
          %get3A_414 = tpu.vector_load %arg10[%get3A_412, %get3A_413] {strides = array<i32>} : memref<80x64xf32, #tpu.memory_space<vmem>>, vector<1x16xf32>,
          %get3A_415 = vector.shape_cast %get3A_414 : vector<1x16xf32> to vector<16xf32>
          %get3A_416 = arith.index_cast %add3A_377 : i32 to index
          %get3A_417 = arith.constant 32 : index
          %get3A_418 = tpu.vector_load %arg12[%get3A_416, %get3A_417] {strides = array<i32>} : memref<80x64xf32, #tpu.memory_space<vmem>>, vector<1x16xf32>,
          %get3A_419 = vector.shape_cast %get3A_418 : vector<1x16xf32> to vector<16xf32>
          %add3A_420 = arith.addf %get3A_415, %get3A_419 : vector<16xf32>
          %max3A_421 = arith.constant 0.000000e+00 : f32
          %max3A_422 = vector.broadcast %max3A_421 : f32 to vector<16xf32>
          %max3A_423 = arith.maximumf %add3A_420, %max3A_422 : vector<16xf32>
          %swap3A_424 = arith.index_cast %add3A_377 : i32 to index
          %swap3A_425 = arith.constant 32 : index
          %swap3A_426 = tpu.vector_load %arg14[%swap3A_424, %swap3A_425] {strides = array<i32>} : memref<80x64xf32, #tpu.memory_space<vmem>>, vector<1x16xf32>,
          %swap3A_427 = vector.shape_cast %swap3A_426 : vector<1x16xf32> to vector<16xf32>
          %swap3A_428 = vector.shape_cast %max3A_423 : vector<16xf32> to vector<1x16xf32>
          tpu.vector_store %arg14[%swap3A_424, %swap3A_425], %swap3A_428 {strides = array<i32>} : memref<80x64xf32, #tpu.memory_space<vmem>>, vector<1x16xf32>,
          %get3A_429 = arith.index_cast %add3A_377 : i32 to index
          %get3A_430 = arith.constant 48 : index
          %get3A_431 = tpu.vector_load %arg10[%get3A_429, %get3A_430] {strides = array<i32>} : memref<80x64xf32, #tpu.memory_space<vmem>>, vector<1x16xf32>,
          %get3A_432 = vector.shape_cast %get3A_431 : vector<1x16xf32> to vector<16xf32>
          %get3A_433 = arith.index_cast %add3A_377 : i32 to index
          %get3A_434 = arith.constant 48 : index
          %get3A_435 = tpu.vector_load %arg12[%get3A_433, %get3A_434] {strides = array<i32>} : memref<80x64xf32, #tpu.memory_space<vmem>>, vector<1x16xf32>,
          %get3A_436 = vector.shape_cast %get3A_435 : vector<1x16xf32> to vector<16xf32>
          %add3A_437 = arith.addf %get3A_432, %get3A_436 : vector<16xf32>
          %max3A_438 = arith.constant 0.000000e+00 : f32
          %max3A_439 = vector.broadcast %max3A_438 : f32 to vector<16xf32>
          %max3A_440 = arith.maximumf %add3A_437, %max3A_439 : vector<16xf32>
          %swap3A_441 = arith.index_cast %add3A_377 : i32 to index
          %swap3A_442 = arith.constant 48 : index
          %swap3A_443 = tpu.vector_load %arg14[%swap3A_441, %swap3A_442] {strides = array<i32>} : memref<80x64xf32, #tpu.memory_space<vmem>>, vector<1x16xf32>,
          %swap3A_444 = vector.shape_cast %swap3A_443 : vector<1x16xf32> to vector<16xf32>
          %swap3A_445 = vector.shape_cast %max3A_440 : vector<16xf32> to vector<1x16xf32>
          tpu.vector_store %arg14[%swap3A_441, %swap3A_442], %swap3A_445 {strides = array<i32>} : memref<80x64xf32, #tpu.memory_space<vmem>>, vector<1x16xf32>,
        }
        %scan3A_147 = arith.constant 80 : i32
        %dma_start3A_148 = arith.constant 0 : i32
        %dma_start3A_149 = tpu.memref_slice %arg9[%add3A_85, %dma_start3A_148] : memref<125x80xi32, #tpu.memory_space<vmem>> -> memref<1x80xi32, #tpu.memory_space<vmem>>
        %dma_start3A_150 = tpu.memref_squeeze %dma_start3A_149 : memref<1x80xi32, #tpu.memory_space<vmem>> -> memref<80xi32, #tpu.memory_space<vmem>>
        %dma_start3A_151 = arith.constant 0 : i32
        %dma_start3A_152 = arith.constant 0 : i32
        %dma_start3A_153 = tpu.memref_slice %arg7[%dma_start3A_151, %dma_start3A_152] : memref<10240x64xf32, #tpu.memory_space<vmem_shared>> -> memref<10240x64xf32, #tpu.memory_space<vmem_shared>>
        tpu.enqueue_indirect_dma source(%arg14 : memref<80x64xf32, #tpu.memory_space<vmem>>) target(%dma_start3A_153 : memref<10240x64xf32, #tpu.memory_space<vmem_shared>>) offsets(%dma_start3A_150 : memref<80xi32, #tpu.memory_space<vmem>>) semaphore(%arg21 : memref<!tpu.dma_semaphore, #tpu.memory_space<semaphore_mem>>) {add = true}
      } else {
      }
      %jit3A_98 = arith.constant 2 : i32
      %eq3A_99 = arith.constant 0 : i32
      %eq3A_100 = arith.cmpi eq, %jit3A_98, %eq3A_99 : i32
      %jit3A_101 = arith.constant 1 : i32
      %select_n3A_102 = arith.select %eq3A_100, %jit3A_101, %jit3A_98 : i32
      %rem3A_103 = arith.remsi %add3A_85, %select_n3A_102 : i32
      %ne3A_104 = arith.constant 0 : i32
      %ne3A_105 = arith.cmpi ne, %rem3A_103, %ne3A_104 : i32
      %lt3A_106 = arith.constant 0 : i32
      %lt3A_107 = arith.cmpi slt, %rem3A_103, %lt3A_106 : i32
      %lt3A_108 = arith.constant 0 : i32
      %lt3A_109 = arith.cmpi slt, %select_n3A_102, %lt3A_108 : i32
      %ne3A_110 = arith.xori %lt3A_107, %lt3A_109 : i1
      %and3A_111 = arith.andi %ne3A_110, %ne3A_105 : i1
      %add3A_112 = arith.addi %rem3A_103, %select_n3A_102 : i32
      %select_n3A_113 = arith.select %and3A_111, %add3A_112, %rem3A_103 : i32
      %eq3A_114 = arith.constant 1 : i32
      %eq3A_115 = arith.cmpi eq, %select_n3A_113, %eq3A_114 : i32
      %convert_element_type3A_116 = arith.extui %eq3A_115 : i1 to i32
      %cond3A_117 = arith.constant 0 : i32
      %cond3A_118 = arith.cmpi ne, %convert_element_type3A_116, %cond3A_117 : i32
      scf.if %cond3A_118 {
        %add3A_119 = arith.constant 1 : i32
        %add3A_120 = arith.addi %add3A_85, %add3A_119 : i32
        %lt3A_121 = arith.constant 125 : i32
        %lt3A_122 = arith.cmpi slt, %add3A_120, %lt3A_121 : i32
        %convert_element_type3A_123 = arith.extui %lt3A_122 : i1 to i32
        %cond3A_124 = arith.constant 0 : i32
        %cond3A_125 = arith.cmpi ne, %convert_element_type3A_123, %cond3A_124 : i32
        scf.if %cond3A_125 {
          %add3A_154 = arith.constant 1 : i32
          %add3A_155 = arith.addi %add3A_85, %add3A_154 : i32
          %dma_start3A_156 = arith.constant 0 : i32
          %dma_start3A_157 = tpu.memref_slice %arg8[%add3A_155, %dma_start3A_156] : memref<125x80xi32, #tpu.memory_space<vmem>> -> memref<1x80xi32, #tpu.memory_space<vmem>>
          %dma_start3A_158 = tpu.memref_squeeze %dma_start3A_157 : memref<1x80xi32, #tpu.memory_space<vmem>> -> memref<80xi32, #tpu.memory_space<vmem>>
          %dma_start3A_159 = arith.constant 0 : i32
          %dma_start3A_160 = arith.constant 0 : i32
          %dma_start3A_161 = tpu.memref_slice %arg2[%dma_start3A_159, %dma_start3A_160] : memref<10000x64xf32, #tpu.memory_space<hbm>> -> memref<10000x64xf32, #tpu.memory_space<hbm>>
          tpu.enqueue_indirect_dma source(%dma_start3A_161 : memref<10000x64xf32, #tpu.memory_space<hbm>>) target(%arg10 : memref<80x64xf32, #tpu.memory_space<vmem>>) offsets(%dma_start3A_158 : memref<80xi32, #tpu.memory_space<vmem>>) semaphore(%arg17 : memref<!tpu.dma_semaphore, #tpu.memory_space<semaphore_mem>>)
          %mul3A_162 = arith.constant 80 : i32
          %mul3A_163 = arith.muli %add3A_155, %mul3A_162 : i32
          %add3A_164 = arith.addi %mul3A_42, %mul3A_163 : i32
          %dma_start3A_165 = arith.constant 0 : i32
          %dma_start3A_166 = tpu.memref_slice %arg3[%add3A_164, %dma_start3A_165] : memref<320000x64xf32, #tpu.memory_space<hbm>> -> memref<80x64xf32, #tpu.memory_space<hbm>>
          %dma_start3A_167 = arith.constant 0 : i32
          %dma_start3A_168 = tpu.memref_slice %arg3[%add3A_164, %dma_start3A_167] : memref<320000x64xf32, #tpu.memory_space<hbm>> -> memref<80x64xf32, #tpu.memory_space<hbm>>
          tpu.enqueue_dma source(%dma_start3A_168 : memref<80x64xf32, #tpu.memory_space<hbm>>) target(%arg12 : memref<80x64xf32, #tpu.memory_space<vmem>>) target_semaphore(%arg19 : memref<!tpu.dma_semaphore, #tpu.memory_space<semaphore_mem>>)
        } else {
        }
        %dma_wait3A_126 = arith.constant 0 : i32
        %dma_wait3A_127 = tpu.memref_slice %arg8[%add3A_85, %dma_wait3A_126] : memref<125x80xi32, #tpu.memory_space<vmem>> -> memref<1x80xi32, #tpu.memory_space<vmem>>
        %dma_wait3A_128 = tpu.memref_squeeze %dma_wait3A_127 : memref<1x80xi32, #tpu.memory_space<vmem>> -> memref<80xi32, #tpu.memory_space<vmem>>
        %dma_wait3A_129 = arith.constant 0 : i32
        %dma_wait3A_130 = arith.constant 0 : i32
        %dma_wait3A_131 = tpu.memref_slice %arg2[%dma_wait3A_129, %dma_wait3A_130] : memref<10000x64xf32, #tpu.memory_space<hbm>> -> memref<10000x64xf32, #tpu.memory_space<hbm>>
        tpu.wait_indirect_dma semaphore(%arg18 : memref<!tpu.dma_semaphore, #tpu.memory_space<semaphore_mem>>) src(%dma_wait3A_131 : memref<10000x64xf32, #tpu.memory_space<hbm>>) dst(%arg11 : memref<80x64xf32, #tpu.memory_space<vmem>>)
        %mul3A_132 = arith.constant 80 : i32
        %mul3A_133 = arith.muli %add3A_85, %mul3A_132 : i32
        %add3A_134 = arith.addi %mul3A_42, %mul3A_133 : i32
        %dma_wait3A_135 = arith.constant 0 : i32
        %dma_wait3A_136 = tpu.memref_slice %arg3[%add3A_134, %dma_wait3A_135] : memref<320000x64xf32, #tpu.memory_space<hbm>> -> memref<80x64xf32, #tpu.memory_space<hbm>>
        %dma_wait3A_137 = arith.constant 0 : i32
        %dma_wait3A_138 = tpu.memref_slice %arg3[%add3A_134, %dma_wait3A_137] : memref<320000x64xf32, #tpu.memory_space<hbm>> -> memref<80x64xf32, #tpu.memory_space<hbm>>
        tpu.wait_dma2 semaphore(%arg20 : memref<!tpu.dma_semaphore, #tpu.memory_space<semaphore_mem>>) src(%dma_wait3A_138 : memref<80x64xf32, #tpu.memory_space<hbm>>) dst(%arg13 : memref<80x64xf32, #tpu.memory_space<vmem>>)
        %ge3A = arith.constant 2 : i32
        %ge3A_139 = arith.cmpi sge, %add3A_85, %ge3A : i32
        %convert_element_type3A_140 = arith.extui %ge3A_139 : i1 to i32
        %cond3A_141 = arith.constant 0 : i32
        %cond3A_142 = arith.cmpi ne, %convert_element_type3A_140, %cond3A_141 : i32
        scf.if %cond3A_142 {
          %sub3A = arith.constant 2 : i32
          %sub3A_154 = arith.subi %add3A_85, %sub3A : i32
          %dma_wait3A_155 = arith.constant 0 : i32
          %dma_wait3A_156 = tpu.memref_slice %arg9[%sub3A_154, %dma_wait3A_155] : memref<125x80xi32, #tpu.memory_space<vmem>> -> memref<1x80xi32, #tpu.memory_space<vmem>>
          %dma_wait3A_157 = tpu.memref_squeeze %dma_wait3A_156 : memref<1x80xi32, #tpu.memory_space<vmem>> -> memref<80xi32, #tpu.memory_space<vmem>>
          %dma_wait3A_158 = arith.constant 0 : i32
          %dma_wait3A_159 = arith.constant 0 : i32
          %dma_wait3A_160 = tpu.memref_slice %arg7[%dma_wait3A_158, %dma_wait3A_159] : memref<10240x64xf32, #tpu.memory_space<vmem_shared>> -> memref<10240x64xf32, #tpu.memory_space<vmem_shared>>
          tpu.wait_indirect_dma semaphore(%arg22 : memref<!tpu.dma_semaphore, #tpu.memory_space<semaphore_mem>>) src(%arg15 : memref<80x64xf32, #tpu.memory_space<vmem>>) dst(%dma_wait3A_160 : memref<10240x64xf32, #tpu.memory_space<vmem_shared>>)
        } else {
        }
        %scan3A_143 = arith.constant 0 : i32
        %scan3A_144 = arith.constant 80 : i32
        %scan3A_145 = arith.addi %scan3A_143, %scan3A_144 : i32
        %scan3A_146 = arith.constant 4 : i32
        scf.for %scan3A_154 = %scan3A_143 to %scan3A_145 step %scan3A_146  : i32 {
          %mul3A_155 = arith.constant 1 : i32
          %mul3A_156 = arith.muli %scan3A_154, %mul3A_155 : i32
          %add3A_157 = arith.constant 0 : i32
          %add3A_158 = arith.addi %add3A_157, %mul3A_156 : i32
          %get3A = arith.index_cast %add3A_158 : i32 to index
          %get3A_159 = arith.constant 0 : index
          %get3A_160 = tpu.vector_load %arg11[%get3A, %get3A_159] {strides = array<i32>} : memref<80x64xf32, #tpu.memory_space<vmem>>, vector<1x16xf32>,
          %get3A_161 = vector.shape_cast %get3A_160 : vector<1x16xf32> to vector<16xf32>
          %get3A_162 = arith.index_cast %add3A_158 : i32 to index
          %get3A_163 = arith.constant 0 : index
          %get3A_164 = tpu.vector_load %arg13[%get3A_162, %get3A_163] {strides = array<i32>} : memref<80x64xf32, #tpu.memory_space<vmem>>, vector<1x16xf32>,
          %get3A_165 = vector.shape_cast %get3A_164 : vector<1x16xf32> to vector<16xf32>
          %add3A_166 = arith.addf %get3A_161, %get3A_165 : vector<16xf32>
          %max3A = arith.constant 0.000000e+00 : f32
          %max3A_167 = vector.broadcast %max3A : f32 to vector<16xf32>
          %max3A_168 = arith.maximumf %add3A_166, %max3A_167 : vector<16xf32>
          %swap3A = arith.index_cast %add3A_158 : i32 to index
          %swap3A_169 = arith.constant 0 : index
          %swap3A_170 = tpu.vector_load %arg15[%swap3A, %swap3A_169] {strides = array<i32>} : memref<80x64xf32, #tpu.memory_space<vmem>>, vector<1x16xf32>,
          %swap3A_171 = vector.shape_cast %swap3A_170 : vector<1x16xf32> to vector<16xf32>
          %swap3A_172 = vector.shape_cast %max3A_168 : vector<16xf32> to vector<1x16xf32>
          tpu.vector_store %arg15[%swap3A, %swap3A_169], %swap3A_172 {strides = array<i32>} : memref<80x64xf32, #tpu.memory_space<vmem>>, vector<1x16xf32>,
          %get3A_173 = arith.index_cast %add3A_158 : i32 to index
          %get3A_174 = arith.constant 16 : index
          %get3A_175 = tpu.vector_load %arg11[%get3A_173, %get3A_174] {strides = array<i32>} : memref<80x64xf32, #tpu.memory_space<vmem>>, vector<1x16xf32>,
          %get3A_176 = vector.shape_cast %get3A_175 : vector<1x16xf32> to vector<16xf32>
          %get3A_177 = arith.index_cast %add3A_158 : i32 to index
          %get3A_178 = arith.constant 16 : index
          %get3A_179 = tpu.vector_load %arg13[%get3A_177, %get3A_178] {strides = array<i32>} : memref<80x64xf32, #tpu.memory_space<vmem>>, vector<1x16xf32>,
          %get3A_180 = vector.shape_cast %get3A_179 : vector<1x16xf32> to vector<16xf32>
          %add3A_181 = arith.addf %get3A_176, %get3A_180 : vector<16xf32>
          %max3A_182 = arith.constant 0.000000e+00 : f32
          %max3A_183 = vector.broadcast %max3A_182 : f32 to vector<16xf32>
          %max3A_184 = arith.maximumf %add3A_181, %max3A_183 : vector<16xf32>
          %swap3A_185 = arith.index_cast %add3A_158 : i32 to index
          %swap3A_186 = arith.constant 16 : index
          %swap3A_187 = tpu.vector_load %arg15[%swap3A_185, %swap3A_186] {strides = array<i32>} : memref<80x64xf32, #tpu.memory_space<vmem>>, vector<1x16xf32>,
          %swap3A_188 = vector.shape_cast %swap3A_187 : vector<1x16xf32> to vector<16xf32>
          %swap3A_189 = vector.shape_cast %max3A_184 : vector<16xf32> to vector<1x16xf32>
          tpu.vector_store %arg15[%swap3A_185, %swap3A_186], %swap3A_189 {strides = array<i32>} : memref<80x64xf32, #tpu.memory_space<vmem>>, vector<1x16xf32>,
          %get3A_190 = arith.index_cast %add3A_158 : i32 to index
          %get3A_191 = arith.constant 32 : index
          %get3A_192 = tpu.vector_load %arg11[%get3A_190, %get3A_191] {strides = array<i32>} : memref<80x64xf32, #tpu.memory_space<vmem>>, vector<1x16xf32>,
          %get3A_193 = vector.shape_cast %get3A_192 : vector<1x16xf32> to vector<16xf32>
          %get3A_194 = arith.index_cast %add3A_158 : i32 to index
          %get3A_195 = arith.constant 32 : index
          %get3A_196 = tpu.vector_load %arg13[%get3A_194, %get3A_195] {strides = array<i32>} : memref<80x64xf32, #tpu.memory_space<vmem>>, vector<1x16xf32>,
          %get3A_197 = vector.shape_cast %get3A_196 : vector<1x16xf32> to vector<16xf32>
          %add3A_198 = arith.addf %get3A_193, %get3A_197 : vector<16xf32>
          %max3A_199 = arith.constant 0.000000e+00 : f32
          %max3A_200 = vector.broadcast %max3A_199 : f32 to vector<16xf32>
          %max3A_201 = arith.maximumf %add3A_198, %max3A_200 : vector<16xf32>
          %swap3A_202 = arith.index_cast %add3A_158 : i32 to index
          %swap3A_203 = arith.constant 32 : index
          %swap3A_204 = tpu.vector_load %arg15[%swap3A_202, %swap3A_203] {strides = array<i32>} : memref<80x64xf32, #tpu.memory_space<vmem>>, vector<1x16xf32>,
          %swap3A_205 = vector.shape_cast %swap3A_204 : vector<1x16xf32> to vector<16xf32>
          %swap3A_206 = vector.shape_cast %max3A_201 : vector<16xf32> to vector<1x16xf32>
          tpu.vector_store %arg15[%swap3A_202, %swap3A_203], %swap3A_206 {strides = array<i32>} : memref<80x64xf32, #tpu.memory_space<vmem>>, vector<1x16xf32>,
          %get3A_207 = arith.index_cast %add3A_158 : i32 to index
          %get3A_208 = arith.constant 48 : index
          %get3A_209 = tpu.vector_load %arg11[%get3A_207, %get3A_208] {strides = array<i32>} : memref<80x64xf32, #tpu.memory_space<vmem>>, vector<1x16xf32>,
          %get3A_210 = vector.shape_cast %get3A_209 : vector<1x16xf32> to vector<16xf32>
          %get3A_211 = arith.index_cast %add3A_158 : i32 to index
          %get3A_212 = arith.constant 48 : index
          %get3A_213 = tpu.vector_load %arg13[%get3A_211, %get3A_212] {strides = array<i32>} : memref<80x64xf32, #tpu.memory_space<vmem>>, vector<1x16xf32>,
          %get3A_214 = vector.shape_cast %get3A_213 : vector<1x16xf32> to vector<16xf32>
          %add3A_215 = arith.addf %get3A_210, %get3A_214 : vector<16xf32>
          %max3A_216 = arith.constant 0.000000e+00 : f32
          %max3A_217 = vector.broadcast %max3A_216 : f32 to vector<16xf32>
          %max3A_218 = arith.maximumf %add3A_215, %max3A_217 : vector<16xf32>
          %swap3A_219 = arith.index_cast %add3A_158 : i32 to index
          %swap3A_220 = arith.constant 48 : index
          %swap3A_221 = tpu.vector_load %arg15[%swap3A_219, %swap3A_220] {strides = array<i32>} : memref<80x64xf32, #tpu.memory_space<vmem>>, vector<1x16xf32>,
          %swap3A_222 = vector.shape_cast %swap3A_221 : vector<1x16xf32> to vector<16xf32>
          %swap3A_223 = vector.shape_cast %max3A_218 : vector<16xf32> to vector<1x16xf32>
          tpu.vector_store %arg15[%swap3A_219, %swap3A_220], %swap3A_223 {strides = array<i32>} : memref<80x64xf32, #tpu.memory_space<vmem>>, vector<1x16xf32>,
          %scan3A_224 = arith.constant 1 : i32
          %scan3A_225 = arith.addi %scan3A_154, %scan3A_224 : i32
          %mul3A_226 = arith.constant 1 : i32
          %mul3A_227 = arith.muli %scan3A_225, %mul3A_226 : i32
          %add3A_228 = arith.constant 0 : i32
          %add3A_229 = arith.addi %add3A_228, %mul3A_227 : i32
          %get3A_230 = arith.index_cast %add3A_229 : i32 to index
          %get3A_231 = arith.constant 0 : index
          %get3A_232 = tpu.vector_load %arg11[%get3A_230, %get3A_231] {strides = array<i32>} : memref<80x64xf32, #tpu.memory_space<vmem>>, vector<1x16xf32>,
          %get3A_233 = vector.shape_cast %get3A_232 : vector<1x16xf32> to vector<16xf32>
          %get3A_234 = arith.index_cast %add3A_229 : i32 to index
          %get3A_235 = arith.constant 0 : index
          %get3A_236 = tpu.vector_load %arg13[%get3A_234, %get3A_235] {strides = array<i32>} : memref<80x64xf32, #tpu.memory_space<vmem>>, vector<1x16xf32>,
          %get3A_237 = vector.shape_cast %get3A_236 : vector<1x16xf32> to vector<16xf32>
          %add3A_238 = arith.addf %get3A_233, %get3A_237 : vector<16xf32>
          %max3A_239 = arith.constant 0.000000e+00 : f32
          %max3A_240 = vector.broadcast %max3A_239 : f32 to vector<16xf32>
          %max3A_241 = arith.maximumf %add3A_238, %max3A_240 : vector<16xf32>
          %swap3A_242 = arith.index_cast %add3A_229 : i32 to index
          %swap3A_243 = arith.constant 0 : index
          %swap3A_244 = tpu.vector_load %arg15[%swap3A_242, %swap3A_243] {strides = array<i32>} : memref<80x64xf32, #tpu.memory_space<vmem>>, vector<1x16xf32>,
          %swap3A_245 = vector.shape_cast %swap3A_244 : vector<1x16xf32> to vector<16xf32>
          %swap3A_246 = vector.shape_cast %max3A_241 : vector<16xf32> to vector<1x16xf32>
          tpu.vector_store %arg15[%swap3A_242, %swap3A_243], %swap3A_246 {strides = array<i32>} : memref<80x64xf32, #tpu.memory_space<vmem>>, vector<1x16xf32>,
          %get3A_247 = arith.index_cast %add3A_229 : i32 to index
          %get3A_248 = arith.constant 16 : index
          %get3A_249 = tpu.vector_load %arg11[%get3A_247, %get3A_248] {strides = array<i32>} : memref<80x64xf32, #tpu.memory_space<vmem>>, vector<1x16xf32>,
          %get3A_250 = vector.shape_cast %get3A_249 : vector<1x16xf32> to vector<16xf32>
          %get3A_251 = arith.index_cast %add3A_229 : i32 to index
          %get3A_252 = arith.constant 16 : index
          %get3A_253 = tpu.vector_load %arg13[%get3A_251, %get3A_252] {strides = array<i32>} : memref<80x64xf32, #tpu.memory_space<vmem>>, vector<1x16xf32>,
          %get3A_254 = vector.shape_cast %get3A_253 : vector<1x16xf32> to vector<16xf32>
          %add3A_255 = arith.addf %get3A_250, %get3A_254 : vector<16xf32>
          %max3A_256 = arith.constant 0.000000e+00 : f32
          %max3A_257 = vector.broadcast %max3A_256 : f32 to vector<16xf32>
          %max3A_258 = arith.maximumf %add3A_255, %max3A_257 : vector<16xf32>
          %swap3A_259 = arith.index_cast %add3A_229 : i32 to index
          %swap3A_260 = arith.constant 16 : index
          %swap3A_261 = tpu.vector_load %arg15[%swap3A_259, %swap3A_260] {strides = array<i32>} : memref<80x64xf32, #tpu.memory_space<vmem>>, vector<1x16xf32>,
          %swap3A_262 = vector.shape_cast %swap3A_261 : vector<1x16xf32> to vector<16xf32>
          %swap3A_263 = vector.shape_cast %max3A_258 : vector<16xf32> to vector<1x16xf32>
          tpu.vector_store %arg15[%swap3A_259, %swap3A_260], %swap3A_263 {strides = array<i32>} : memref<80x64xf32, #tpu.memory_space<vmem>>, vector<1x16xf32>,
          %get3A_264 = arith.index_cast %add3A_229 : i32 to index
          %get3A_265 = arith.constant 32 : index
          %get3A_266 = tpu.vector_load %arg11[%get3A_264, %get3A_265] {strides = array<i32>} : memref<80x64xf32, #tpu.memory_space<vmem>>, vector<1x16xf32>,
          %get3A_267 = vector.shape_cast %get3A_266 : vector<1x16xf32> to vector<16xf32>
          %get3A_268 = arith.index_cast %add3A_229 : i32 to index
          %get3A_269 = arith.constant 32 : index
          %get3A_270 = tpu.vector_load %arg13[%get3A_268, %get3A_269] {strides = array<i32>} : memref<80x64xf32, #tpu.memory_space<vmem>>, vector<1x16xf32>,
          %get3A_271 = vector.shape_cast %get3A_270 : vector<1x16xf32> to vector<16xf32>
          %add3A_272 = arith.addf %get3A_267, %get3A_271 : vector<16xf32>
          %max3A_273 = arith.constant 0.000000e+00 : f32
          %max3A_274 = vector.broadcast %max3A_273 : f32 to vector<16xf32>
          %max3A_275 = arith.maximumf %add3A_272, %max3A_274 : vector<16xf32>
          %swap3A_276 = arith.index_cast %add3A_229 : i32 to index
          %swap3A_277 = arith.constant 32 : index
          %swap3A_278 = tpu.vector_load %arg15[%swap3A_276, %swap3A_277] {strides = array<i32>} : memref<80x64xf32, #tpu.memory_space<vmem>>, vector<1x16xf32>,
          %swap3A_279 = vector.shape_cast %swap3A_278 : vector<1x16xf32> to vector<16xf32>
          %swap3A_280 = vector.shape_cast %max3A_275 : vector<16xf32> to vector<1x16xf32>
          tpu.vector_store %arg15[%swap3A_276, %swap3A_277], %swap3A_280 {strides = array<i32>} : memref<80x64xf32, #tpu.memory_space<vmem>>, vector<1x16xf32>,
          %get3A_281 = arith.index_cast %add3A_229 : i32 to index
          %get3A_282 = arith.constant 48 : index
          %get3A_283 = tpu.vector_load %arg11[%get3A_281, %get3A_282] {strides = array<i32>} : memref<80x64xf32, #tpu.memory_space<vmem>>, vector<1x16xf32>,
          %get3A_284 = vector.shape_cast %get3A_283 : vector<1x16xf32> to vector<16xf32>
          %get3A_285 = arith.index_cast %add3A_229 : i32 to index
          %get3A_286 = arith.constant 48 : index
          %get3A_287 = tpu.vector_load %arg13[%get3A_285, %get3A_286] {strides = array<i32>} : memref<80x64xf32, #tpu.memory_space<vmem>>, vector<1x16xf32>,
          %get3A_288 = vector.shape_cast %get3A_287 : vector<1x16xf32> to vector<16xf32>
          %add3A_289 = arith.addf %get3A_284, %get3A_288 : vector<16xf32>
          %max3A_290 = arith.constant 0.000000e+00 : f32
          %max3A_291 = vector.broadcast %max3A_290 : f32 to vector<16xf32>
          %max3A_292 = arith.maximumf %add3A_289, %max3A_291 : vector<16xf32>
          %swap3A_293 = arith.index_cast %add3A_229 : i32 to index
          %swap3A_294 = arith.constant 48 : index
          %swap3A_295 = tpu.vector_load %arg15[%swap3A_293, %swap3A_294] {strides = array<i32>} : memref<80x64xf32, #tpu.memory_space<vmem>>, vector<1x16xf32>,
          %swap3A_296 = vector.shape_cast %swap3A_295 : vector<1x16xf32> to vector<16xf32>
          %swap3A_297 = vector.shape_cast %max3A_292 : vector<16xf32> to vector<1x16xf32>
          tpu.vector_store %arg15[%swap3A_293, %swap3A_294], %swap3A_297 {strides = array<i32>} : memref<80x64xf32, #tpu.memory_space<vmem>>, vector<1x16xf32>,
          %scan3A_298 = arith.constant 2 : i32
          %scan3A_299 = arith.addi %scan3A_154, %scan3A_298 : i32
          %mul3A_300 = arith.constant 1 : i32
          %mul3A_301 = arith.muli %scan3A_299, %mul3A_300 : i32
          %add3A_302 = arith.constant 0 : i32
          %add3A_303 = arith.addi %add3A_302, %mul3A_301 : i32
          %get3A_304 = arith.index_cast %add3A_303 : i32 to index
          %get3A_305 = arith.constant 0 : index
          %get3A_306 = tpu.vector_load %arg11[%get3A_304, %get3A_305] {strides = array<i32>} : memref<80x64xf32, #tpu.memory_space<vmem>>, vector<1x16xf32>,
          %get3A_307 = vector.shape_cast %get3A_306 : vector<1x16xf32> to vector<16xf32>
          %get3A_308 = arith.index_cast %add3A_303 : i32 to index
          %get3A_309 = arith.constant 0 : index
          %get3A_310 = tpu.vector_load %arg13[%get3A_308, %get3A_309] {strides = array<i32>} : memref<80x64xf32, #tpu.memory_space<vmem>>, vector<1x16xf32>,
          %get3A_311 = vector.shape_cast %get3A_310 : vector<1x16xf32> to vector<16xf32>
          %add3A_312 = arith.addf %get3A_307, %get3A_311 : vector<16xf32>
          %max3A_313 = arith.constant 0.000000e+00 : f32
          %max3A_314 = vector.broadcast %max3A_313 : f32 to vector<16xf32>
          %max3A_315 = arith.maximumf %add3A_312, %max3A_314 : vector<16xf32>
          %swap3A_316 = arith.index_cast %add3A_303 : i32 to index
          %swap3A_317 = arith.constant 0 : index
          %swap3A_318 = tpu.vector_load %arg15[%swap3A_316, %swap3A_317] {strides = array<i32>} : memref<80x64xf32, #tpu.memory_space<vmem>>, vector<1x16xf32>,
          %swap3A_319 = vector.shape_cast %swap3A_318 : vector<1x16xf32> to vector<16xf32>
          %swap3A_320 = vector.shape_cast %max3A_315 : vector<16xf32> to vector<1x16xf32>
          tpu.vector_store %arg15[%swap3A_316, %swap3A_317], %swap3A_320 {strides = array<i32>} : memref<80x64xf32, #tpu.memory_space<vmem>>, vector<1x16xf32>,
          %get3A_321 = arith.index_cast %add3A_303 : i32 to index
          %get3A_322 = arith.constant 16 : index
          %get3A_323 = tpu.vector_load %arg11[%get3A_321, %get3A_322] {strides = array<i32>} : memref<80x64xf32, #tpu.memory_space<vmem>>, vector<1x16xf32>,
          %get3A_324 = vector.shape_cast %get3A_323 : vector<1x16xf32> to vector<16xf32>
          %get3A_325 = arith.index_cast %add3A_303 : i32 to index
          %get3A_326 = arith.constant 16 : index
          %get3A_327 = tpu.vector_load %arg13[%get3A_325, %get3A_326] {strides = array<i32>} : memref<80x64xf32, #tpu.memory_space<vmem>>, vector<1x16xf32>,
          %get3A_328 = vector.shape_cast %get3A_327 : vector<1x16xf32> to vector<16xf32>
          %add3A_329 = arith.addf %get3A_324, %get3A_328 : vector<16xf32>
          %max3A_330 = arith.constant 0.000000e+00 : f32
          %max3A_331 = vector.broadcast %max3A_330 : f32 to vector<16xf32>
          %max3A_332 = arith.maximumf %add3A_329, %max3A_331 : vector<16xf32>
          %swap3A_333 = arith.index_cast %add3A_303 : i32 to index
          %swap3A_334 = arith.constant 16 : index
          %swap3A_335 = tpu.vector_load %arg15[%swap3A_333, %swap3A_334] {strides = array<i32>} : memref<80x64xf32, #tpu.memory_space<vmem>>, vector<1x16xf32>,
          %swap3A_336 = vector.shape_cast %swap3A_335 : vector<1x16xf32> to vector<16xf32>
          %swap3A_337 = vector.shape_cast %max3A_332 : vector<16xf32> to vector<1x16xf32>
          tpu.vector_store %arg15[%swap3A_333, %swap3A_334], %swap3A_337 {strides = array<i32>} : memref<80x64xf32, #tpu.memory_space<vmem>>, vector<1x16xf32>,
          %get3A_338 = arith.index_cast %add3A_303 : i32 to index
          %get3A_339 = arith.constant 32 : index
          %get3A_340 = tpu.vector_load %arg11[%get3A_338, %get3A_339] {strides = array<i32>} : memref<80x64xf32, #tpu.memory_space<vmem>>, vector<1x16xf32>,
          %get3A_341 = vector.shape_cast %get3A_340 : vector<1x16xf32> to vector<16xf32>
          %get3A_342 = arith.index_cast %add3A_303 : i32 to index
          %get3A_343 = arith.constant 32 : index
          %get3A_344 = tpu.vector_load %arg13[%get3A_342, %get3A_343] {strides = array<i32>} : memref<80x64xf32, #tpu.memory_space<vmem>>, vector<1x16xf32>,
          %get3A_345 = vector.shape_cast %get3A_344 : vector<1x16xf32> to vector<16xf32>
          %add3A_346 = arith.addf %get3A_341, %get3A_345 : vector<16xf32>
          %max3A_347 = arith.constant 0.000000e+00 : f32
          %max3A_348 = vector.broadcast %max3A_347 : f32 to vector<16xf32>
          %max3A_349 = arith.maximumf %add3A_346, %max3A_348 : vector<16xf32>
          %swap3A_350 = arith.index_cast %add3A_303 : i32 to index
          %swap3A_351 = arith.constant 32 : index
          %swap3A_352 = tpu.vector_load %arg15[%swap3A_350, %swap3A_351] {strides = array<i32>} : memref<80x64xf32, #tpu.memory_space<vmem>>, vector<1x16xf32>,
          %swap3A_353 = vector.shape_cast %swap3A_352 : vector<1x16xf32> to vector<16xf32>
          %swap3A_354 = vector.shape_cast %max3A_349 : vector<16xf32> to vector<1x16xf32>
          tpu.vector_store %arg15[%swap3A_350, %swap3A_351], %swap3A_354 {strides = array<i32>} : memref<80x64xf32, #tpu.memory_space<vmem>>, vector<1x16xf32>,
          %get3A_355 = arith.index_cast %add3A_303 : i32 to index
          %get3A_356 = arith.constant 48 : index
          %get3A_357 = tpu.vector_load %arg11[%get3A_355, %get3A_356] {strides = array<i32>} : memref<80x64xf32, #tpu.memory_space<vmem>>, vector<1x16xf32>,
          %get3A_358 = vector.shape_cast %get3A_357 : vector<1x16xf32> to vector<16xf32>
          %get3A_359 = arith.index_cast %add3A_303 : i32 to index
          %get3A_360 = arith.constant 48 : index
          %get3A_361 = tpu.vector_load %arg13[%get3A_359, %get3A_360] {strides = array<i32>} : memref<80x64xf32, #tpu.memory_space<vmem>>, vector<1x16xf32>,
          %get3A_362 = vector.shape_cast %get3A_361 : vector<1x16xf32> to vector<16xf32>
          %add3A_363 = arith.addf %get3A_358, %get3A_362 : vector<16xf32>
          %max3A_364 = arith.constant 0.000000e+00 : f32
          %max3A_365 = vector.broadcast %max3A_364 : f32 to vector<16xf32>
          %max3A_366 = arith.maximumf %add3A_363, %max3A_365 : vector<16xf32>
          %swap3A_367 = arith.index_cast %add3A_303 : i32 to index
          %swap3A_368 = arith.constant 48 : index
          %swap3A_369 = tpu.vector_load %arg15[%swap3A_367, %swap3A_368] {strides = array<i32>} : memref<80x64xf32, #tpu.memory_space<vmem>>, vector<1x16xf32>,
          %swap3A_370 = vector.shape_cast %swap3A_369 : vector<1x16xf32> to vector<16xf32>
          %swap3A_371 = vector.shape_cast %max3A_366 : vector<16xf32> to vector<1x16xf32>
          tpu.vector_store %arg15[%swap3A_367, %swap3A_368], %swap3A_371 {strides = array<i32>} : memref<80x64xf32, #tpu.memory_space<vmem>>, vector<1x16xf32>,
          %scan3A_372 = arith.constant 3 : i32
          %scan3A_373 = arith.addi %scan3A_154, %scan3A_372 : i32
          %mul3A_374 = arith.constant 1 : i32
          %mul3A_375 = arith.muli %scan3A_373, %mul3A_374 : i32
          %add3A_376 = arith.constant 0 : i32
          %add3A_377 = arith.addi %add3A_376, %mul3A_375 : i32
          %get3A_378 = arith.index_cast %add3A_377 : i32 to index
          %get3A_379 = arith.constant 0 : index
          %get3A_380 = tpu.vector_load %arg11[%get3A_378, %get3A_379] {strides = array<i32>} : memref<80x64xf32, #tpu.memory_space<vmem>>, vector<1x16xf32>,
          %get3A_381 = vector.shape_cast %get3A_380 : vector<1x16xf32> to vector<16xf32>
          %get3A_382 = arith.index_cast %add3A_377 : i32 to index
          %get3A_383 = arith.constant 0 : index
          %get3A_384 = tpu.vector_load %arg13[%get3A_382, %get3A_383] {strides = array<i32>} : memref<80x64xf32, #tpu.memory_space<vmem>>, vector<1x16xf32>,
          %get3A_385 = vector.shape_cast %get3A_384 : vector<1x16xf32> to vector<16xf32>
          %add3A_386 = arith.addf %get3A_381, %get3A_385 : vector<16xf32>
          %max3A_387 = arith.constant 0.000000e+00 : f32
          %max3A_388 = vector.broadcast %max3A_387 : f32 to vector<16xf32>
          %max3A_389 = arith.maximumf %add3A_386, %max3A_388 : vector<16xf32>
          %swap3A_390 = arith.index_cast %add3A_377 : i32 to index
          %swap3A_391 = arith.constant 0 : index
          %swap3A_392 = tpu.vector_load %arg15[%swap3A_390, %swap3A_391] {strides = array<i32>} : memref<80x64xf32, #tpu.memory_space<vmem>>, vector<1x16xf32>,
          %swap3A_393 = vector.shape_cast %swap3A_392 : vector<1x16xf32> to vector<16xf32>
          %swap3A_394 = vector.shape_cast %max3A_389 : vector<16xf32> to vector<1x16xf32>
          tpu.vector_store %arg15[%swap3A_390, %swap3A_391], %swap3A_394 {strides = array<i32>} : memref<80x64xf32, #tpu.memory_space<vmem>>, vector<1x16xf32>,
          %get3A_395 = arith.index_cast %add3A_377 : i32 to index
          %get3A_396 = arith.constant 16 : index
          %get3A_397 = tpu.vector_load %arg11[%get3A_395, %get3A_396] {strides = array<i32>} : memref<80x64xf32, #tpu.memory_space<vmem>>, vector<1x16xf32>,
          %get3A_398 = vector.shape_cast %get3A_397 : vector<1x16xf32> to vector<16xf32>
          %get3A_399 = arith.index_cast %add3A_377 : i32 to index
          %get3A_400 = arith.constant 16 : index
          %get3A_401 = tpu.vector_load %arg13[%get3A_399, %get3A_400] {strides = array<i32>} : memref<80x64xf32, #tpu.memory_space<vmem>>, vector<1x16xf32>,
          %get3A_402 = vector.shape_cast %get3A_401 : vector<1x16xf32> to vector<16xf32>
          %add3A_403 = arith.addf %get3A_398, %get3A_402 : vector<16xf32>
          %max3A_404 = arith.constant 0.000000e+00 : f32
          %max3A_405 = vector.broadcast %max3A_404 : f32 to vector<16xf32>
          %max3A_406 = arith.maximumf %add3A_403, %max3A_405 : vector<16xf32>
          %swap3A_407 = arith.index_cast %add3A_377 : i32 to index
          %swap3A_408 = arith.constant 16 : index
          %swap3A_409 = tpu.vector_load %arg15[%swap3A_407, %swap3A_408] {strides = array<i32>} : memref<80x64xf32, #tpu.memory_space<vmem>>, vector<1x16xf32>,
          %swap3A_410 = vector.shape_cast %swap3A_409 : vector<1x16xf32> to vector<16xf32>
          %swap3A_411 = vector.shape_cast %max3A_406 : vector<16xf32> to vector<1x16xf32>
          tpu.vector_store %arg15[%swap3A_407, %swap3A_408], %swap3A_411 {strides = array<i32>} : memref<80x64xf32, #tpu.memory_space<vmem>>, vector<1x16xf32>,
          %get3A_412 = arith.index_cast %add3A_377 : i32 to index
          %get3A_413 = arith.constant 32 : index
          %get3A_414 = tpu.vector_load %arg11[%get3A_412, %get3A_413] {strides = array<i32>} : memref<80x64xf32, #tpu.memory_space<vmem>>, vector<1x16xf32>,
          %get3A_415 = vector.shape_cast %get3A_414 : vector<1x16xf32> to vector<16xf32>
          %get3A_416 = arith.index_cast %add3A_377 : i32 to index
          %get3A_417 = arith.constant 32 : index
          %get3A_418 = tpu.vector_load %arg13[%get3A_416, %get3A_417] {strides = array<i32>} : memref<80x64xf32, #tpu.memory_space<vmem>>, vector<1x16xf32>,
          %get3A_419 = vector.shape_cast %get3A_418 : vector<1x16xf32> to vector<16xf32>
          %add3A_420 = arith.addf %get3A_415, %get3A_419 : vector<16xf32>
          %max3A_421 = arith.constant 0.000000e+00 : f32
          %max3A_422 = vector.broadcast %max3A_421 : f32 to vector<16xf32>
          %max3A_423 = arith.maximumf %add3A_420, %max3A_422 : vector<16xf32>
          %swap3A_424 = arith.index_cast %add3A_377 : i32 to index
          %swap3A_425 = arith.constant 32 : index
          %swap3A_426 = tpu.vector_load %arg15[%swap3A_424, %swap3A_425] {strides = array<i32>} : memref<80x64xf32, #tpu.memory_space<vmem>>, vector<1x16xf32>,
          %swap3A_427 = vector.shape_cast %swap3A_426 : vector<1x16xf32> to vector<16xf32>
          %swap3A_428 = vector.shape_cast %max3A_423 : vector<16xf32> to vector<1x16xf32>
          tpu.vector_store %arg15[%swap3A_424, %swap3A_425], %swap3A_428 {strides = array<i32>} : memref<80x64xf32, #tpu.memory_space<vmem>>, vector<1x16xf32>,
          %get3A_429 = arith.index_cast %add3A_377 : i32 to index
          %get3A_430 = arith.constant 48 : index
          %get3A_431 = tpu.vector_load %arg11[%get3A_429, %get3A_430] {strides = array<i32>} : memref<80x64xf32, #tpu.memory_space<vmem>>, vector<1x16xf32>,
          %get3A_432 = vector.shape_cast %get3A_431 : vector<1x16xf32> to vector<16xf32>
          %get3A_433 = arith.index_cast %add3A_377 : i32 to index
          %get3A_434 = arith.constant 48 : index
          %get3A_435 = tpu.vector_load %arg13[%get3A_433, %get3A_434] {strides = array<i32>} : memref<80x64xf32, #tpu.memory_space<vmem>>, vector<1x16xf32>,
          %get3A_436 = vector.shape_cast %get3A_435 : vector<1x16xf32> to vector<16xf32>
          %add3A_437 = arith.addf %get3A_432, %get3A_436 : vector<16xf32>
          %max3A_438 = arith.constant 0.000000e+00 : f32
          %max3A_439 = vector.broadcast %max3A_438 : f32 to vector<16xf32>
          %max3A_440 = arith.maximumf %add3A_437, %max3A_439 : vector<16xf32>
          %swap3A_441 = arith.index_cast %add3A_377 : i32 to index
          %swap3A_442 = arith.constant 48 : index
          %swap3A_443 = tpu.vector_load %arg15[%swap3A_441, %swap3A_442] {strides = array<i32>} : memref<80x64xf32, #tpu.memory_space<vmem>>, vector<1x16xf32>,
          %swap3A_444 = vector.shape_cast %swap3A_443 : vector<1x16xf32> to vector<16xf32>
          %swap3A_445 = vector.shape_cast %max3A_440 : vector<16xf32> to vector<1x16xf32>
          tpu.vector_store %arg15[%swap3A_441, %swap3A_442], %swap3A_445 {strides = array<i32>} : memref<80x64xf32, #tpu.memory_space<vmem>>, vector<1x16xf32>,
        }
        %scan3A_147 = arith.constant 80 : i32
        %dma_start3A_148 = arith.constant 0 : i32
        %dma_start3A_149 = tpu.memref_slice %arg9[%add3A_85, %dma_start3A_148] : memref<125x80xi32, #tpu.memory_space<vmem>> -> memref<1x80xi32, #tpu.memory_space<vmem>>
        %dma_start3A_150 = tpu.memref_squeeze %dma_start3A_149 : memref<1x80xi32, #tpu.memory_space<vmem>> -> memref<80xi32, #tpu.memory_space<vmem>>
        %dma_start3A_151 = arith.constant 0 : i32
        %dma_start3A_152 = arith.constant 0 : i32
        %dma_start3A_153 = tpu.memref_slice %arg7[%dma_start3A_151, %dma_start3A_152] : memref<10240x64xf32, #tpu.memory_space<vmem_shared>> -> memref<10240x64xf32, #tpu.memory_space<vmem_shared>>
        tpu.enqueue_indirect_dma source(%arg15 : memref<80x64xf32, #tpu.memory_space<vmem>>) target(%dma_start3A_153 : memref<10240x64xf32, #tpu.memory_space<vmem_shared>>) offsets(%dma_start3A_150 : memref<80xi32, #tpu.memory_space<vmem>>) semaphore(%arg22 : memref<!tpu.dma_semaphore, #tpu.memory_space<semaphore_mem>>) {add = true}
      } else {
      }
    }
    %scan3A_60 = arith.constant 125 : i32
    %dma_wait3A_61 = arith.constant 123 : i32
    %dma_wait3A_62 = arith.constant 0 : i32
    %dma_wait3A_63 = tpu.memref_slice %arg9[%dma_wait3A_61, %dma_wait3A_62] : memref<125x80xi32, #tpu.memory_space<vmem>> -> memref<1x80xi32, #tpu.memory_space<vmem>>
    %dma_wait3A_64 = tpu.memref_squeeze %dma_wait3A_63 : memref<1x80xi32, #tpu.memory_space<vmem>> -> memref<80xi32, #tpu.memory_space<vmem>>
    %dma_wait3A_65 = arith.constant 0 : i32
    %dma_wait3A_66 = arith.constant 0 : i32
    %dma_wait3A_67 = tpu.memref_slice %arg7[%dma_wait3A_65, %dma_wait3A_66] : memref<10240x64xf32, #tpu.memory_space<vmem_shared>> -> memref<10240x64xf32, #tpu.memory_space<vmem_shared>>
    tpu.wait_indirect_dma semaphore(%arg22 : memref<!tpu.dma_semaphore, #tpu.memory_space<semaphore_mem>>) src(%arg15 : memref<80x64xf32, #tpu.memory_space<vmem>>) dst(%dma_wait3A_67 : memref<10240x64xf32, #tpu.memory_space<vmem_shared>>)
    %dma_wait3A_68 = arith.constant 124 : i32
    %dma_wait3A_69 = arith.constant 0 : i32
    %dma_wait3A_70 = tpu.memref_slice %arg9[%dma_wait3A_68, %dma_wait3A_69] : memref<125x80xi32, #tpu.memory_space<vmem>> -> memref<1x80xi32, #tpu.memory_space<vmem>>
    %dma_wait3A_71 = tpu.memref_squeeze %dma_wait3A_70 : memref<1x80xi32, #tpu.memory_space<vmem>> -> memref<80xi32, #tpu.memory_space<vmem>>
    %dma_wait3A_72 = arith.constant 0 : i32
    %dma_wait3A_73 = arith.constant 0 : i32
    %dma_wait3A_74 = tpu.memref_slice %arg7[%dma_wait3A_72, %dma_wait3A_73] : memref<10240x64xf32, #tpu.memory_space<vmem_shared>> -> memref<10240x64xf32, #tpu.memory_space<vmem_shared>>
    tpu.wait_indirect_dma semaphore(%arg21 : memref<!tpu.dma_semaphore, #tpu.memory_space<semaphore_mem>>) src(%arg14 : memref<80x64xf32, #tpu.memory_space<vmem>>) dst(%dma_wait3A_74 : memref<10240x64xf32, #tpu.memory_space<vmem_shared>>)
    %barrier3A_75 = arith.constant 0 : index
    tpu.barrier barrier_id(%barrier3A_75)
    %scan3A_76 = arith.constant 0 : i32
    %scan3A_77 = arith.constant 5 : i32
    %scan3A_78 = arith.addi %scan3A_76, %scan3A_77 : i32
    %scan3A_79 = arith.constant 1 : i32
    scf.for %scan3A_81 = %scan3A_76 to %scan3A_78 step %scan3A_79  : i32 {
      %mul3A_82 = arith.constant 1 : i32
      %mul3A_83 = arith.muli %scan3A_81, %mul3A_82 : i32
      %add3A_84 = arith.constant 0 : i32
      %add3A_85 = arith.addi %add3A_84, %mul3A_83 : i32
      %mul3A_86 = arith.constant 640 : i32
      %mul3A_87 = arith.muli %arg1, %mul3A_86 : i32
      %mul3A_88 = arith.constant 128 : i32
      %mul3A_89 = arith.muli %add3A_85, %mul3A_88 : i32
      %add3A_90 = arith.addi %mul3A_87, %mul3A_89 : i32
      "tpu.region"() ({
        %run_scoped3A = tpu.sem_alloc : memref<!tpu.dma_semaphore, #tpu.memory_space<semaphore_mem>>
        %dma_start3A_91 = arith.constant 0 : i32
        %dma_start3A_92 = tpu.memref_slice %arg7[%add3A_90, %dma_start3A_91] : memref<10240x64xf32, #tpu.memory_space<vmem_shared>> -> memref<128x64xf32, #tpu.memory_space<vmem_shared>>
        %dma_start3A_93 = arith.constant 0 : i32
        %dma_start3A_94 = tpu.memref_slice %arg7[%add3A_90, %dma_start3A_93] : memref<10240x64xf32, #tpu.memory_space<vmem_shared>> -> memref<128x64xf32, #tpu.memory_space<vmem_shared>>
        tpu.enqueue_dma source(%dma_start3A_94 : memref<128x64xf32, #tpu.memory_space<vmem_shared>>) target(%arg16 : memref<128x64xf32, #tpu.memory_space<vmem>>) target_semaphore(%run_scoped3A : memref<!tpu.dma_semaphore, #tpu.memory_space<semaphore_mem>>)
        %dma_wait3A_95 = arith.constant 0 : i32
        %dma_wait3A_96 = tpu.memref_slice %arg7[%add3A_90, %dma_wait3A_95] : memref<10240x64xf32, #tpu.memory_space<vmem_shared>> -> memref<128x64xf32, #tpu.memory_space<vmem_shared>>
        %dma_wait3A_97 = arith.constant 0 : i32
        %dma_wait3A_98 = tpu.memref_slice %arg7[%add3A_90, %dma_wait3A_97] : memref<10240x64xf32, #tpu.memory_space<vmem_shared>> -> memref<128x64xf32, #tpu.memory_space<vmem_shared>>
        tpu.wait_dma2 semaphore(%run_scoped3A : memref<!tpu.dma_semaphore, #tpu.memory_space<semaphore_mem>>) src(%dma_wait3A_98 : memref<128x64xf32, #tpu.memory_space<vmem_shared>>) dst(%arg16 : memref<128x64xf32, #tpu.memory_space<vmem>>)
        tpu.yield
      }) : () -> ()
      "tpu.region"() ({
        %run_scoped3A = tpu.sem_alloc : memref<!tpu.dma_semaphore, #tpu.memory_space<semaphore_mem>>
        %dma_start3A_91 = arith.constant 0 : i32
        %dma_start3A_92 = tpu.memref_slice %arg6[%arg0, %add3A_90, %dma_start3A_91] : memref<2x10240x64xf32, #tpu.memory_space<hbm>> -> memref<1x128x64xf32, #tpu.memory_space<hbm>>
        %dma_start3A_93 = tpu.memref_squeeze %dma_start3A_92 : memref<1x128x64xf32, #tpu.memory_space<hbm>> -> memref<128x64xf32, #tpu.memory_space<hbm>>
        %dma_start3A_94 = arith.constant 0 : i32
        %dma_start3A_95 = tpu.memref_slice %arg6[%arg0, %add3A_90, %dma_start3A_94] : memref<2x10240x64xf32, #tpu.memory_space<hbm>> -> memref<1x128x64xf32, #tpu.memory_space<hbm>>
        %dma_start3A_96 = tpu.memref_squeeze %dma_start3A_95 : memref<1x128x64xf32, #tpu.memory_space<hbm>> -> memref<128x64xf32, #tpu.memory_space<hbm>>
        tpu.enqueue_dma source(%arg16 : memref<128x64xf32, #tpu.memory_space<vmem>>) target(%dma_start3A_96 : memref<128x64xf32, #tpu.memory_space<hbm>>) target_semaphore(%run_scoped3A : memref<!tpu.dma_semaphore, #tpu.memory_space<semaphore_mem>>)
        %dma_wait3A_97 = arith.constant 0 : i32
        %dma_wait3A_98 = tpu.memref_slice %arg6[%arg0, %add3A_90, %dma_wait3A_97] : memref<2x10240x64xf32, #tpu.memory_space<hbm>> -> memref<1x128x64xf32, #tpu.memory_space<hbm>>
        %dma_wait3A_99 = tpu.memref_squeeze %dma_wait3A_98 : memref<1x128x64xf32, #tpu.memory_space<hbm>> -> memref<128x64xf32, #tpu.memory_space<hbm>>
        %dma_wait3A_100 = arith.constant 0 : i32
        %dma_wait3A_101 = tpu.memref_slice %arg6[%arg0, %add3A_90, %dma_wait3A_100] : memref<2x10240x64xf32, #tpu.memory_space<hbm>> -> memref<1x128x64xf32, #tpu.memory_space<hbm>>
        %dma_wait3A_102 = tpu.memref_squeeze %dma_wait3A_101 : memref<1x128x64xf32, #tpu.memory_space<hbm>> -> memref<128x64xf32, #tpu.memory_space<hbm>>
        tpu.wait_dma2 semaphore(%run_scoped3A : memref<!tpu.dma_semaphore, #tpu.memory_space<semaphore_mem>>) src(%arg16 : memref<128x64xf32, #tpu.memory_space<vmem>>) dst(%dma_wait3A_102 : memref<128x64xf32, #tpu.memory_space<hbm>>)
        tpu.yield
      }) : () -> ()
    }
    %scan3A_80 = arith.constant 5 : i32
    return
  }
}

#map = affine_map<(d0, d1) -> (0, 0)>
#map1 = affine_map<(d0, d1) -> (0, 0, 0)>
module attributes {stable_mosaic.version = 14 : i64} {
  func.func @_sc_layer(%arg0: i32, %arg1: i32, %arg2: memref<10000x64xf32, #tpu.memory_space<hbm>>, %arg3: memref<320000x64xf32, #tpu.memory_space<hbm>>, %arg4: memref<32x125x80xi32, #tpu.memory_space<hbm>>, %arg5: memref<32x125x80xi32, #tpu.memory_space<hbm>>, %arg6: memref<2x10240x64xf32, #tpu.memory_space<hbm>>, %arg7: memref<10240x64xf32, #tpu.memory_space<vmem_shared>>, %arg8: memref<125x80xi32, #tpu.memory_space<vmem>>, %arg9: memref<125x80xi32, #tpu.memory_space<vmem>>, %arg10: memref<80x64xf32, #tpu.memory_space<vmem>>, %arg11: memref<80x64xf32, #tpu.memory_space<vmem>>, %arg12: memref<80x64xf32, #tpu.memory_space<vmem>>, %arg13: memref<80x64xf32, #tpu.memory_space<vmem>>, %arg14: memref<80x64xf32, #tpu.memory_space<vmem>>, %arg15: memref<80x64xf32, #tpu.memory_space<vmem>>, %arg16: memref<128x64xf32, #tpu.memory_space<vmem>>, %arg17: memref<!tpu.dma_semaphore, #tpu.memory_space<semaphore_mem>>, %arg18: memref<!tpu.dma_semaphore, #tpu.memory_space<semaphore_mem>>, %arg19: memref<!tpu.dma_semaphore, #tpu.memory_space<semaphore_mem>>, %arg20: memref<!tpu.dma_semaphore, #tpu.memory_space<semaphore_mem>>, %arg21: memref<!tpu.dma_semaphore, #tpu.memory_space<semaphore_mem>>, %arg22: memref<!tpu.dma_semaphore, #tpu.memory_space<semaphore_mem>>) attributes {dimension_semantics = [#tpu.dimension_semantics<core_parallel>, #tpu.dimension_semantics<subcore_parallel>], iteration_bounds = array<i64: 2, 16>, scalar_prefetch = 0 : i64, scratch_operands = 16 : i64, tpu.core_type = #tpu.core_type<sc_vector_subcore>, window_params = [{transform_indices = #map}, {transform_indices = #map}, {transform_indices = #map1}, {transform_indices = #map1}, {transform_indices = #map1}]} {
    %mul3A = arith.constant 16 : i32
    %mul3A_0 = arith.muli %arg0, %mul3A : i32
    %add3A = arith.addi %mul3A_0, %arg1 : i32
    %broadcast_in_dim3A = arith.constant 0.000000e+00 : f32
    %broadcast_in_dim3A_1 = vector.broadcast %broadcast_in_dim3A : f32 to vector<16xf32>
    %scan3A = arith.constant 0 : i32
    %scan3A_2 = arith.constant 128 : i32
    %scan3A_3 = arith.addi %scan3A, %scan3A_2 : i32
    %scan3A_4 = arith.constant 4 : i32
    scf.for %scan3A_81 = %scan3A to %scan3A_3 step %scan3A_4  : i32 {
      %mul3A_82 = arith.constant 1 : i32
      %mul3A_83 = arith.muli %scan3A_81, %mul3A_82 : i32
      %add3A_84 = arith.constant 0 : i32
      %add3A_85 = arith.addi %add3A_84, %mul3A_83 : i32
      %swap3A = arith.index_cast %add3A_85 : i32 to index
      %swap3A_86 = arith.constant 0 : index
      %swap3A_87 = tpu.vector_load %arg16[%swap3A, %swap3A_86] {strides = array<i32>} : memref<128x64xf32, #tpu.memory_space<vmem>>, vector<1x16xf32>,
      %swap3A_88 = vector.shape_cast %swap3A_87 : vector<1x16xf32> to vector<16xf32>
      %swap3A_89 = vector.shape_cast %broadcast_in_dim3A_1 : vector<16xf32> to vector<1x16xf32>
      tpu.vector_store %arg16[%swap3A, %swap3A_86], %swap3A_89 {strides = array<i32>} : memref<128x64xf32, #tpu.memory_space<vmem>>, vector<1x16xf32>,
      %swap3A_90 = arith.index_cast %add3A_85 : i32 to index
      %swap3A_91 = arith.constant 16 : index
      %swap3A_92 = tpu.vector_load %arg16[%swap3A_90, %swap3A_91] {strides = array<i32>} : memref<128x64xf32, #tpu.memory_space<vmem>>, vector<1x16xf32>,
      %swap3A_93 = vector.shape_cast %swap3A_92 : vector<1x16xf32> to vector<16xf32>
      %swap3A_94 = vector.shape_cast %broadcast_in_dim3A_1 : vector<16xf32> to vector<1x16xf32>
      tpu.vector_store %arg16[%swap3A_90, %swap3A_91], %swap3A_94 {strides = array<i32>} : memref<128x64xf32, #tpu.memory_space<vmem>>, vector<1x16xf32>,
      %swap3A_95 = arith.index_cast %add3A_85 : i32 to index
      %swap3A_96 = arith.constant 32 : index
      %swap3A_97 = tpu.vector_load %arg16[%swap3A_95, %swap3A_96] {strides = array<i32>} : memref<128x64xf32, #tpu.memory_space<vmem>>, vector<1x16xf32>,
      %swap3A_98 = vector.shape_cast %swap3A_97 : vector<1x16xf32> to vector<16xf32>
      %swap3A_99 = vector.shape_cast %broadcast_in_dim3A_1 : vector<16xf32> to vector<1x16xf32>
      tpu.vector_store %arg16[%swap3A_95, %swap3A_96], %swap3A_99 {strides = array<i32>} : memref<128x64xf32, #tpu.memory_space<vmem>>, vector<1x16xf32>,
      %swap3A_100 = arith.index_cast %add3A_85 : i32 to index
      %swap3A_101 = arith.constant 48 : index
      %swap3A_102 = tpu.vector_load %arg16[%swap3A_100, %swap3A_101] {strides = array<i32>} : memref<128x64xf32, #tpu.memory_space<vmem>>, vector<1x16xf32>,
      %swap3A_103 = vector.shape_cast %swap3A_102 : vector<1x16xf32> to vector<16xf32>
      %swap3A_104 = vector.shape_cast %broadcast_in_dim3A_1 : vector<16xf32> to vector<1x16xf32>
      tpu.vector_store %arg16[%swap3A_100, %swap3A_101], %swap3A_104 {strides = array<i32>} : memref<128x64xf32, #tpu.memory_space<vmem>>, vector<1x16xf32>,
      %scan3A_105 = arith.constant 1 : i32
      %scan3A_106 = arith.addi %scan3A_81, %scan3A_105 : i32
      %mul3A_107 = arith.constant 1 : i32
      %mul3A_108 = arith.muli %scan3A_106, %mul3A_107 : i32
      %add3A_109 = arith.constant 0 : i32
      %add3A_110 = arith.addi %add3A_109, %mul3A_108 : i32
      %swap3A_111 = arith.index_cast %add3A_110 : i32 to index
      %swap3A_112 = arith.constant 0 : index
      %swap3A_113 = tpu.vector_load %arg16[%swap3A_111, %swap3A_112] {strides = array<i32>} : memref<128x64xf32, #tpu.memory_space<vmem>>, vector<1x16xf32>,
      %swap3A_114 = vector.shape_cast %swap3A_113 : vector<1x16xf32> to vector<16xf32>
      %swap3A_115 = vector.shape_cast %broadcast_in_dim3A_1 : vector<16xf32> to vector<1x16xf32>
      tpu.vector_store %arg16[%swap3A_111, %swap3A_112], %swap3A_115 {strides = array<i32>} : memref<128x64xf32, #tpu.memory_space<vmem>>, vector<1x16xf32>,
      %swap3A_116 = arith.index_cast %add3A_110 : i32 to index
      %swap3A_117 = arith.constant 16 : index
      %swap3A_118 = tpu.vector_load %arg16[%swap3A_116, %swap3A_117] {strides = array<i32>} : memref<128x64xf32, #tpu.memory_space<vmem>>, vector<1x16xf32>,
      %swap3A_119 = vector.shape_cast %swap3A_118 : vector<1x16xf32> to vector<16xf32>
      %swap3A_120 = vector.shape_cast %broadcast_in_dim3A_1 : vector<16xf32> to vector<1x16xf32>
      tpu.vector_store %arg16[%swap3A_116, %swap3A_117], %swap3A_120 {strides = array<i32>} : memref<128x64xf32, #tpu.memory_space<vmem>>, vector<1x16xf32>,
      %swap3A_121 = arith.index_cast %add3A_110 : i32 to index
      %swap3A_122 = arith.constant 32 : index
      %swap3A_123 = tpu.vector_load %arg16[%swap3A_121, %swap3A_122] {strides = array<i32>} : memref<128x64xf32, #tpu.memory_space<vmem>>, vector<1x16xf32>,
      %swap3A_124 = vector.shape_cast %swap3A_123 : vector<1x16xf32> to vector<16xf32>
      %swap3A_125 = vector.shape_cast %broadcast_in_dim3A_1 : vector<16xf32> to vector<1x16xf32>
      tpu.vector_store %arg16[%swap3A_121, %swap3A_122], %swap3A_125 {strides = array<i32>} : memref<128x64xf32, #tpu.memory_space<vmem>>, vector<1x16xf32>,
      %swap3A_126 = arith.index_cast %add3A_110 : i32 to index
      %swap3A_127 = arith.constant 48 : index
      %swap3A_128 = tpu.vector_load %arg16[%swap3A_126, %swap3A_127] {strides = array<i32>} : memref<128x64xf32, #tpu.memory_space<vmem>>, vector<1x16xf32>,
      %swap3A_129 = vector.shape_cast %swap3A_128 : vector<1x16xf32> to vector<16xf32>
      %swap3A_130 = vector.shape_cast %broadcast_in_dim3A_1 : vector<16xf32> to vector<1x16xf32>
      tpu.vector_store %arg16[%swap3A_126, %swap3A_127], %swap3A_130 {strides = array<i32>} : memref<128x64xf32, #tpu.memory_space<vmem>>, vector<1x16xf32>,
      %scan3A_131 = arith.constant 2 : i32
      %scan3A_132 = arith.addi %scan3A_81, %scan3A_131 : i32
      %mul3A_133 = arith.constant 1 : i32
      %mul3A_134 = arith.muli %scan3A_132, %mul3A_133 : i32
      %add3A_135 = arith.constant 0 : i32
      %add3A_136 = arith.addi %add3A_135, %mul3A_134 : i32
      %swap3A_137 = arith.index_cast %add3A_136 : i32 to index
      %swap3A_138 = arith.constant 0 : index
      %swap3A_139 = tpu.vector_load %arg16[%swap3A_137, %swap3A_138] {strides = array<i32>} : memref<128x64xf32, #tpu.memory_space<vmem>>, vector<1x16xf32>,
      %swap3A_140 = vector.shape_cast %swap3A_139 : vector<1x16xf32> to vector<16xf32>
      %swap3A_141 = vector.shape_cast %broadcast_in_dim3A_1 : vector<16xf32> to vector<1x16xf32>
      tpu.vector_store %arg16[%swap3A_137, %swap3A_138], %swap3A_141 {strides = array<i32>} : memref<128x64xf32, #tpu.memory_space<vmem>>, vector<1x16xf32>,
      %swap3A_142 = arith.index_cast %add3A_136 : i32 to index
      %swap3A_143 = arith.constant 16 : index
      %swap3A_144 = tpu.vector_load %arg16[%swap3A_142, %swap3A_143] {strides = array<i32>} : memref<128x64xf32, #tpu.memory_space<vmem>>, vector<1x16xf32>,
      %swap3A_145 = vector.shape_cast %swap3A_144 : vector<1x16xf32> to vector<16xf32>
      %swap3A_146 = vector.shape_cast %broadcast_in_dim3A_1 : vector<16xf32> to vector<1x16xf32>
      tpu.vector_store %arg16[%swap3A_142, %swap3A_143], %swap3A_146 {strides = array<i32>} : memref<128x64xf32, #tpu.memory_space<vmem>>, vector<1x16xf32>,
      %swap3A_147 = arith.index_cast %add3A_136 : i32 to index
      %swap3A_148 = arith.constant 32 : index
      %swap3A_149 = tpu.vector_load %arg16[%swap3A_147, %swap3A_148] {strides = array<i32>} : memref<128x64xf32, #tpu.memory_space<vmem>>, vector<1x16xf32>,
      %swap3A_150 = vector.shape_cast %swap3A_149 : vector<1x16xf32> to vector<16xf32>
      %swap3A_151 = vector.shape_cast %broadcast_in_dim3A_1 : vector<16xf32> to vector<1x16xf32>
      tpu.vector_store %arg16[%swap3A_147, %swap3A_148], %swap3A_151 {strides = array<i32>} : memref<128x64xf32, #tpu.memory_space<vmem>>, vector<1x16xf32>,
      %swap3A_152 = arith.index_cast %add3A_136 : i32 to index
      %swap3A_153 = arith.constant 48 : index
      %swap3A_154 = tpu.vector_load %arg16[%swap3A_152, %swap3A_153] {strides = array<i32>} : memref<128x64xf32, #tpu.memory_space<vmem>>, vector<1x16xf32>,
      %swap3A_155 = vector.shape_cast %swap3A_154 : vector<1x16xf32> to vector<16xf32>
      %swap3A_156 = vector.shape_cast %broadcast_in_dim3A_1 : vector<16xf32> to vector<1x16xf32>
      tpu.vector_store %arg16[%swap3A_152, %swap3A_153], %swap3A_156 {strides = array<i32>} : memref<128x64xf32, #tpu.memory_space<vmem>>, vector<1x16xf32>,
      %scan3A_157 = arith.constant 3 : i32
      %scan3A_158 = arith.addi %scan3A_81, %scan3A_157 : i32
      %mul3A_159 = arith.constant 1 : i32
      %mul3A_160 = arith.muli %scan3A_158, %mul3A_159 : i32
      %add3A_161 = arith.constant 0 : i32
      %add3A_162 = arith.addi %add3A_161, %mul3A_160 : i32
      %swap3A_163 = arith.index_cast %add3A_162 : i32 to index
      %swap3A_164 = arith.constant 0 : index
      %swap3A_165 = tpu.vector_load %arg16[%swap3A_163, %swap3A_164] {strides = array<i32>} : memref<128x64xf32, #tpu.memory_space<vmem>>, vector<1x16xf32>,
      %swap3A_166 = vector.shape_cast %swap3A_165 : vector<1x16xf32> to vector<16xf32>
      %swap3A_167 = vector.shape_cast %broadcast_in_dim3A_1 : vector<16xf32> to vector<1x16xf32>
      tpu.vector_store %arg16[%swap3A_163, %swap3A_164], %swap3A_167 {strides = array<i32>} : memref<128x64xf32, #tpu.memory_space<vmem>>, vector<1x16xf32>,
      %swap3A_168 = arith.index_cast %add3A_162 : i32 to index
      %swap3A_169 = arith.constant 16 : index
      %swap3A_170 = tpu.vector_load %arg16[%swap3A_168, %swap3A_169] {strides = array<i32>} : memref<128x64xf32, #tpu.memory_space<vmem>>, vector<1x16xf32>,
      %swap3A_171 = vector.shape_cast %swap3A_170 : vector<1x16xf32> to vector<16xf32>
      %swap3A_172 = vector.shape_cast %broadcast_in_dim3A_1 : vector<16xf32> to vector<1x16xf32>
      tpu.vector_store %arg16[%swap3A_168, %swap3A_169], %swap3A_172 {strides = array<i32>} : memref<128x64xf32, #tpu.memory_space<vmem>>, vector<1x16xf32>,
      %swap3A_173 = arith.index_cast %add3A_162 : i32 to index
      %swap3A_174 = arith.constant 32 : index
      %swap3A_175 = tpu.vector_load %arg16[%swap3A_173, %swap3A_174] {strides = array<i32>} : memref<128x64xf32, #tpu.memory_space<vmem>>, vector<1x16xf32>,
      %swap3A_176 = vector.shape_cast %swap3A_175 : vector<1x16xf32> to vector<16xf32>
      %swap3A_177 = vector.shape_cast %broadcast_in_dim3A_1 : vector<16xf32> to vector<1x16xf32>
      tpu.vector_store %arg16[%swap3A_173, %swap3A_174], %swap3A_177 {strides = array<i32>} : memref<128x64xf32, #tpu.memory_space<vmem>>, vector<1x16xf32>,
      %swap3A_178 = arith.index_cast %add3A_162 : i32 to index
      %swap3A_179 = arith.constant 48 : index
      %swap3A_180 = tpu.vector_load %arg16[%swap3A_178, %swap3A_179] {strides = array<i32>} : memref<128x64xf32, #tpu.memory_space<vmem>>, vector<1x16xf32>,
      %swap3A_181 = vector.shape_cast %swap3A_180 : vector<1x16xf32> to vector<16xf32>
      %swap3A_182 = vector.shape_cast %broadcast_in_dim3A_1 : vector<16xf32> to vector<1x16xf32>
      tpu.vector_store %arg16[%swap3A_178, %swap3A_179], %swap3A_182 {strides = array<i32>} : memref<128x64xf32, #tpu.memory_space<vmem>>, vector<1x16xf32>,
    }
    %scan3A_5 = arith.constant 128 : i32
    %scan3A_6 = arith.constant 0 : i32
    %scan3A_7 = arith.constant 5 : i32
    %scan3A_8 = arith.addi %scan3A_6, %scan3A_7 : i32
    %scan3A_9 = arith.constant 1 : i32
    scf.for %scan3A_81 = %scan3A_6 to %scan3A_8 step %scan3A_9  : i32 {
      %mul3A_82 = arith.constant 1 : i32
      %mul3A_83 = arith.muli %scan3A_81, %mul3A_82 : i32
      %add3A_84 = arith.constant 0 : i32
      %add3A_85 = arith.addi %add3A_84, %mul3A_83 : i32
      %mul3A_86 = arith.constant 640 : i32
      %mul3A_87 = arith.muli %arg1, %mul3A_86 : i32
      %mul3A_88 = arith.constant 128 : i32
      %mul3A_89 = arith.muli %add3A_85, %mul3A_88 : i32
      %add3A_90 = arith.addi %mul3A_87, %mul3A_89 : i32
      "tpu.region"() ({
        %run_scoped3A = tpu.sem_alloc : memref<!tpu.dma_semaphore, #tpu.memory_space<semaphore_mem>>
        %dma_start3A_91 = arith.constant 0 : i32
        %dma_start3A_92 = tpu.memref_slice %arg7[%add3A_90, %dma_start3A_91] : memref<10240x64xf32, #tpu.memory_space<vmem_shared>> -> memref<128x64xf32, #tpu.memory_space<vmem_shared>>
        %dma_start3A_93 = arith.constant 0 : i32
        %dma_start3A_94 = tpu.memref_slice %arg7[%add3A_90, %dma_start3A_93] : memref<10240x64xf32, #tpu.memory_space<vmem_shared>> -> memref<128x64xf32, #tpu.memory_space<vmem_shared>>
        tpu.enqueue_dma source(%arg16 : memref<128x64xf32, #tpu.memory_space<vmem>>) target(%dma_start3A_94 : memref<128x64xf32, #tpu.memory_space<vmem_shared>>) target_semaphore(%run_scoped3A : memref<!tpu.dma_semaphore, #tpu.memory_space<semaphore_mem>>)
        %dma_wait3A_95 = arith.constant 0 : i32
        %dma_wait3A_96 = tpu.memref_slice %arg7[%add3A_90, %dma_wait3A_95] : memref<10240x64xf32, #tpu.memory_space<vmem_shared>> -> memref<128x64xf32, #tpu.memory_space<vmem_shared>>
        %dma_wait3A_97 = arith.constant 0 : i32
        %dma_wait3A_98 = tpu.memref_slice %arg7[%add3A_90, %dma_wait3A_97] : memref<10240x64xf32, #tpu.memory_space<vmem_shared>> -> memref<128x64xf32, #tpu.memory_space<vmem_shared>>
        tpu.wait_dma2 semaphore(%run_scoped3A : memref<!tpu.dma_semaphore, #tpu.memory_space<semaphore_mem>>) src(%arg16 : memref<128x64xf32, #tpu.memory_space<vmem>>) dst(%dma_wait3A_98 : memref<128x64xf32, #tpu.memory_space<vmem_shared>>)
        tpu.yield
      }) : () -> ()
    }
    %scan3A_10 = arith.constant 5 : i32
    %dma_start3A = arith.constant 0 : i32
    %dma_start3A_11 = arith.constant 0 : i32
    %dma_start3A_12 = tpu.memref_slice %arg4[%add3A, %dma_start3A, %dma_start3A_11] : memref<32x125x80xi32, #tpu.memory_space<hbm>> -> memref<1x125x80xi32, #tpu.memory_space<hbm>>
    %dma_start3A_13 = tpu.memref_squeeze %dma_start3A_12 : memref<1x125x80xi32, #tpu.memory_space<hbm>> -> memref<125x80xi32, #tpu.memory_space<hbm>>
    %dma_start3A_14 = arith.constant 0 : i32
    %dma_start3A_15 = arith.constant 0 : i32
    %dma_start3A_16 = tpu.memref_slice %arg4[%add3A, %dma_start3A_14, %dma_start3A_15] : memref<32x125x80xi32, #tpu.memory_space<hbm>> -> memref<1x125x80xi32, #tpu.memory_space<hbm>>
    %dma_start3A_17 = tpu.memref_squeeze %dma_start3A_16 : memref<1x125x80xi32, #tpu.memory_space<hbm>> -> memref<125x80xi32, #tpu.memory_space<hbm>>
    tpu.enqueue_dma source(%dma_start3A_17 : memref<125x80xi32, #tpu.memory_space<hbm>>) target(%arg8 : memref<125x80xi32, #tpu.memory_space<vmem>>) target_semaphore(%arg17 : memref<!tpu.dma_semaphore, #tpu.memory_space<semaphore_mem>>)
    %dma_start3A_18 = arith.constant 0 : i32
    %dma_start3A_19 = arith.constant 0 : i32
    %dma_start3A_20 = tpu.memref_slice %arg5[%add3A, %dma_start3A_18, %dma_start3A_19] : memref<32x125x80xi32, #tpu.memory_space<hbm>> -> memref<1x125x80xi32, #tpu.memory_space<hbm>>
    %dma_start3A_21 = tpu.memref_squeeze %dma_start3A_20 : memref<1x125x80xi32, #tpu.memory_space<hbm>> -> memref<125x80xi32, #tpu.memory_space<hbm>>
    %dma_start3A_22 = arith.constant 0 : i32
    %dma_start3A_23 = arith.constant 0 : i32
    %dma_start3A_24 = tpu.memref_slice %arg5[%add3A, %dma_start3A_22, %dma_start3A_23] : memref<32x125x80xi32, #tpu.memory_space<hbm>> -> memref<1x125x80xi32, #tpu.memory_space<hbm>>
    %dma_start3A_25 = tpu.memref_squeeze %dma_start3A_24 : memref<1x125x80xi32, #tpu.memory_space<hbm>> -> memref<125x80xi32, #tpu.memory_space<hbm>>
    tpu.enqueue_dma source(%dma_start3A_25 : memref<125x80xi32, #tpu.memory_space<hbm>>) target(%arg9 : memref<125x80xi32, #tpu.memory_space<vmem>>) target_semaphore(%arg19 : memref<!tpu.dma_semaphore, #tpu.memory_space<semaphore_mem>>)
    %dma_wait3A = arith.constant 0 : i32
    %dma_wait3A_26 = arith.constant 0 : i32
    %dma_wait3A_27 = tpu.memref_slice %arg4[%add3A, %dma_wait3A, %dma_wait3A_26] : memref<32x125x80xi32, #tpu.memory_space<hbm>> -> memref<1x125x80xi32, #tpu.memory_space<hbm>>
    %dma_wait3A_28 = tpu.memref_squeeze %dma_wait3A_27 : memref<1x125x80xi32, #tpu.memory_space<hbm>> -> memref<125x80xi32, #tpu.memory_space<hbm>>
    %dma_wait3A_29 = arith.constant 0 : i32
    %dma_wait3A_30 = arith.constant 0 : i32
    %dma_wait3A_31 = tpu.memref_slice %arg4[%add3A, %dma_wait3A_29, %dma_wait3A_30] : memref<32x125x80xi32, #tpu.memory_space<hbm>> -> memref<1x125x80xi32, #tpu.memory_space<hbm>>
    %dma_wait3A_32 = tpu.memref_squeeze %dma_wait3A_31 : memref<1x125x80xi32, #tpu.memory_space<hbm>> -> memref<125x80xi32, #tpu.memory_space<hbm>>
    tpu.wait_dma2 semaphore(%arg17 : memref<!tpu.dma_semaphore, #tpu.memory_space<semaphore_mem>>) src(%dma_wait3A_32 : memref<125x80xi32, #tpu.memory_space<hbm>>) dst(%arg8 : memref<125x80xi32, #tpu.memory_space<vmem>>)
    %dma_wait3A_33 = arith.constant 0 : i32
    %dma_wait3A_34 = arith.constant 0 : i32
    %dma_wait3A_35 = tpu.memref_slice %arg5[%add3A, %dma_wait3A_33, %dma_wait3A_34] : memref<32x125x80xi32, #tpu.memory_space<hbm>> -> memref<1x125x80xi32, #tpu.memory_space<hbm>>
    %dma_wait3A_36 = tpu.memref_squeeze %dma_wait3A_35 : memref<1x125x80xi32, #tpu.memory_space<hbm>> -> memref<125x80xi32, #tpu.memory_space<hbm>>
    %dma_wait3A_37 = arith.constant 0 : i32
    %dma_wait3A_38 = arith.constant 0 : i32
    %dma_wait3A_39 = tpu.memref_slice %arg5[%add3A, %dma_wait3A_37, %dma_wait3A_38] : memref<32x125x80xi32, #tpu.memory_space<hbm>> -> memref<1x125x80xi32, #tpu.memory_space<hbm>>
    %dma_wait3A_40 = tpu.memref_squeeze %dma_wait3A_39 : memref<1x125x80xi32, #tpu.memory_space<hbm>> -> memref<125x80xi32, #tpu.memory_space<hbm>>
    tpu.wait_dma2 semaphore(%arg19 : memref<!tpu.dma_semaphore, #tpu.memory_space<semaphore_mem>>) src(%dma_wait3A_40 : memref<125x80xi32, #tpu.memory_space<hbm>>) dst(%arg9 : memref<125x80xi32, #tpu.memory_space<vmem>>)
    %barrier3A = arith.constant 0 : index
    tpu.barrier barrier_id(%barrier3A)
    %mul3A_41 = arith.constant 10000 : i32
    %mul3A_42 = arith.muli %add3A, %mul3A_41 : i32
    %dma_start3A_43 = arith.constant 0 : i32
    %dma_start3A_44 = arith.constant 0 : i32
    %dma_start3A_45 = tpu.memref_slice %arg8[%dma_start3A_43, %dma_start3A_44] : memref<125x80xi32, #tpu.memory_space<vmem>> -> memref<1x80xi32, #tpu.memory_space<vmem>>
    %dma_start3A_46 = tpu.memref_squeeze %dma_start3A_45 : memref<1x80xi32, #tpu.memory_space<vmem>> -> memref<80xi32, #tpu.memory_space<vmem>>
    %dma_start3A_47 = arith.constant 0 : i32
    %dma_start3A_48 = arith.constant 0 : i32
    %dma_start3A_49 = tpu.memref_slice %arg2[%dma_start3A_47, %dma_start3A_48] : memref<10000x64xf32, #tpu.memory_space<hbm>> -> memref<10000x64xf32, #tpu.memory_space<hbm>>
    tpu.enqueue_indirect_dma source(%dma_start3A_49 : memref<10000x64xf32, #tpu.memory_space<hbm>>) target(%arg10 : memref<80x64xf32, #tpu.memory_space<vmem>>) offsets(%dma_start3A_46 : memref<80xi32, #tpu.memory_space<vmem>>) semaphore(%arg17 : memref<!tpu.dma_semaphore, #tpu.memory_space<semaphore_mem>>)
    %add3A_50 = arith.constant 0 : i32
    %add3A_51 = arith.addi %mul3A_42, %add3A_50 : i32
    %dma_start3A_52 = arith.constant 0 : i32
    %dma_start3A_53 = tpu.memref_slice %arg3[%add3A_51, %dma_start3A_52] : memref<320000x64xf32, #tpu.memory_space<hbm>> -> memref<80x64xf32, #tpu.memory_space<hbm>>
    %dma_start3A_54 = arith.constant 0 : i32
    %dma_start3A_55 = tpu.memref_slice %arg3[%add3A_51, %dma_start3A_54] : memref<320000x64xf32, #tpu.memory_space<hbm>> -> memref<80x64xf32, #tpu.memory_space<hbm>>
    tpu.enqueue_dma source(%dma_start3A_55 : memref<80x64xf32, #tpu.memory_space<hbm>>) target(%arg12 : memref<80x64xf32, #tpu.memory_space<vmem>>) target_semaphore(%arg19 : memref<!tpu.dma_semaphore, #tpu.memory_space<semaphore_mem>>)
    %scan3A_56 = arith.constant 0 : i32
    %scan3A_57 = arith.constant 125 : i32
    %scan3A_58 = arith.addi %scan3A_56, %scan3A_57 : i32
    %scan3A_59 = arith.constant 1 : i32
    scf.for %scan3A_81 = %scan3A_56 to %scan3A_58 step %scan3A_59  : i32 {
      %mul3A_82 = arith.constant 1 : i32
      %mul3A_83 = arith.muli %scan3A_81, %mul3A_82 : i32
      %add3A_84 = arith.constant 0 : i32
      %add3A_85 = arith.addi %add3A_84, %mul3A_83 : i32
      %jit3A = arith.constant 2 : i32
      %eq3A = arith.constant 0 : i32
      %eq3A_86 = arith.cmpi eq, %jit3A, %eq3A : i32
      %jit3A_87 = arith.constant 1 : i32
      %select_n3A = arith.select %eq3A_86, %jit3A_87, %jit3A : i32
      %rem3A = arith.remsi %add3A_85, %select_n3A : i32
      %ne3A = arith.constant 0 : i32
      %ne3A_88 = arith.cmpi ne, %rem3A, %ne3A : i32
      %lt3A = arith.constant 0 : i32
      %lt3A_89 = arith.cmpi slt, %rem3A, %lt3A : i32
      %lt3A_90 = arith.constant 0 : i32
      %lt3A_91 = arith.cmpi slt, %select_n3A, %lt3A_90 : i32
      %ne3A_92 = arith.xori %lt3A_89, %lt3A_91 : i1
      %and3A = arith.andi %ne3A_92, %ne3A_88 : i1
      %add3A_93 = arith.addi %rem3A, %select_n3A : i32
      %select_n3A_94 = arith.select %and3A, %add3A_93, %rem3A : i32
      %eq3A_95 = arith.constant 0 : i32
      %eq3A_96 = arith.cmpi eq, %select_n3A_94, %eq3A_95 : i32
      %convert_element_type3A = arith.extui %eq3A_96 : i1 to i32
      %cond3A = arith.constant 0 : i32
      %cond3A_97 = arith.cmpi ne, %convert_element_type3A, %cond3A : i32
      scf.if %cond3A_97 {
        %add3A_119 = arith.constant 1 : i32
        %add3A_120 = arith.addi %add3A_85, %add3A_119 : i32
        %lt3A_121 = arith.constant 125 : i32
        %lt3A_122 = arith.cmpi slt, %add3A_120, %lt3A_121 : i32
        %convert_element_type3A_123 = arith.extui %lt3A_122 : i1 to i32
        %cond3A_124 = arith.constant 0 : i32
        %cond3A_125 = arith.cmpi ne, %convert_element_type3A_123, %cond3A_124 : i32
        scf.if %cond3A_125 {
          %add3A_154 = arith.constant 1 : i32
          %add3A_155 = arith.addi %add3A_85, %add3A_154 : i32
          %dma_start3A_156 = arith.constant 0 : i32
          %dma_start3A_157 = tpu.memref_slice %arg8[%add3A_155, %dma_start3A_156] : memref<125x80xi32, #tpu.memory_space<vmem>> -> memref<1x80xi32, #tpu.memory_space<vmem>>
          %dma_start3A_158 = tpu.memref_squeeze %dma_start3A_157 : memref<1x80xi32, #tpu.memory_space<vmem>> -> memref<80xi32, #tpu.memory_space<vmem>>
          %dma_start3A_159 = arith.constant 0 : i32
          %dma_start3A_160 = arith.constant 0 : i32
          %dma_start3A_161 = tpu.memref_slice %arg2[%dma_start3A_159, %dma_start3A_160] : memref<10000x64xf32, #tpu.memory_space<hbm>> -> memref<10000x64xf32, #tpu.memory_space<hbm>>
          tpu.enqueue_indirect_dma source(%dma_start3A_161 : memref<10000x64xf32, #tpu.memory_space<hbm>>) target(%arg11 : memref<80x64xf32, #tpu.memory_space<vmem>>) offsets(%dma_start3A_158 : memref<80xi32, #tpu.memory_space<vmem>>) semaphore(%arg18 : memref<!tpu.dma_semaphore, #tpu.memory_space<semaphore_mem>>)
          %mul3A_162 = arith.constant 80 : i32
          %mul3A_163 = arith.muli %add3A_155, %mul3A_162 : i32
          %add3A_164 = arith.addi %mul3A_42, %mul3A_163 : i32
          %dma_start3A_165 = arith.constant 0 : i32
          %dma_start3A_166 = tpu.memref_slice %arg3[%add3A_164, %dma_start3A_165] : memref<320000x64xf32, #tpu.memory_space<hbm>> -> memref<80x64xf32, #tpu.memory_space<hbm>>
          %dma_start3A_167 = arith.constant 0 : i32
          %dma_start3A_168 = tpu.memref_slice %arg3[%add3A_164, %dma_start3A_167] : memref<320000x64xf32, #tpu.memory_space<hbm>> -> memref<80x64xf32, #tpu.memory_space<hbm>>
          tpu.enqueue_dma source(%dma_start3A_168 : memref<80x64xf32, #tpu.memory_space<hbm>>) target(%arg13 : memref<80x64xf32, #tpu.memory_space<vmem>>) target_semaphore(%arg20 : memref<!tpu.dma_semaphore, #tpu.memory_space<semaphore_mem>>)
        } else {
        }
        %dma_wait3A_126 = arith.constant 0 : i32
        %dma_wait3A_127 = tpu.memref_slice %arg8[%add3A_85, %dma_wait3A_126] : memref<125x80xi32, #tpu.memory_space<vmem>> -> memref<1x80xi32, #tpu.memory_space<vmem>>
        %dma_wait3A_128 = tpu.memref_squeeze %dma_wait3A_127 : memref<1x80xi32, #tpu.memory_space<vmem>> -> memref<80xi32, #tpu.memory_space<vmem>>
        %dma_wait3A_129 = arith.constant 0 : i32
        %dma_wait3A_130 = arith.constant 0 : i32
        %dma_wait3A_131 = tpu.memref_slice %arg2[%dma_wait3A_129, %dma_wait3A_130] : memref<10000x64xf32, #tpu.memory_space<hbm>> -> memref<10000x64xf32, #tpu.memory_space<hbm>>
        tpu.wait_indirect_dma semaphore(%arg17 : memref<!tpu.dma_semaphore, #tpu.memory_space<semaphore_mem>>) src(%dma_wait3A_131 : memref<10000x64xf32, #tpu.memory_space<hbm>>) dst(%arg10 : memref<80x64xf32, #tpu.memory_space<vmem>>)
        %mul3A_132 = arith.constant 80 : i32
        %mul3A_133 = arith.muli %add3A_85, %mul3A_132 : i32
        %add3A_134 = arith.addi %mul3A_42, %mul3A_133 : i32
        %dma_wait3A_135 = arith.constant 0 : i32
        %dma_wait3A_136 = tpu.memref_slice %arg3[%add3A_134, %dma_wait3A_135] : memref<320000x64xf32, #tpu.memory_space<hbm>> -> memref<80x64xf32, #tpu.memory_space<hbm>>
        %dma_wait3A_137 = arith.constant 0 : i32
        %dma_wait3A_138 = tpu.memref_slice %arg3[%add3A_134, %dma_wait3A_137] : memref<320000x64xf32, #tpu.memory_space<hbm>> -> memref<80x64xf32, #tpu.memory_space<hbm>>
        tpu.wait_dma2 semaphore(%arg19 : memref<!tpu.dma_semaphore, #tpu.memory_space<semaphore_mem>>) src(%dma_wait3A_138 : memref<80x64xf32, #tpu.memory_space<hbm>>) dst(%arg12 : memref<80x64xf32, #tpu.memory_space<vmem>>)
        %ge3A = arith.constant 2 : i32
        %ge3A_139 = arith.cmpi sge, %add3A_85, %ge3A : i32
        %convert_element_type3A_140 = arith.extui %ge3A_139 : i1 to i32
        %cond3A_141 = arith.constant 0 : i32
        %cond3A_142 = arith.cmpi ne, %convert_element_type3A_140, %cond3A_141 : i32
        scf.if %cond3A_142 {
          %sub3A = arith.constant 2 : i32
          %sub3A_154 = arith.subi %add3A_85, %sub3A : i32
          %dma_wait3A_155 = arith.constant 0 : i32
          %dma_wait3A_156 = tpu.memref_slice %arg9[%sub3A_154, %dma_wait3A_155] : memref<125x80xi32, #tpu.memory_space<vmem>> -> memref<1x80xi32, #tpu.memory_space<vmem>>
          %dma_wait3A_157 = tpu.memref_squeeze %dma_wait3A_156 : memref<1x80xi32, #tpu.memory_space<vmem>> -> memref<80xi32, #tpu.memory_space<vmem>>
          %dma_wait3A_158 = arith.constant 0 : i32
          %dma_wait3A_159 = arith.constant 0 : i32
          %dma_wait3A_160 = tpu.memref_slice %arg7[%dma_wait3A_158, %dma_wait3A_159] : memref<10240x64xf32, #tpu.memory_space<vmem_shared>> -> memref<10240x64xf32, #tpu.memory_space<vmem_shared>>
          tpu.wait_indirect_dma semaphore(%arg21 : memref<!tpu.dma_semaphore, #tpu.memory_space<semaphore_mem>>) src(%arg14 : memref<80x64xf32, #tpu.memory_space<vmem>>) dst(%dma_wait3A_160 : memref<10240x64xf32, #tpu.memory_space<vmem_shared>>)
        } else {
        }
        %scan3A_143 = arith.constant 0 : i32
        %scan3A_144 = arith.constant 80 : i32
        %scan3A_145 = arith.addi %scan3A_143, %scan3A_144 : i32
        %scan3A_146 = arith.constant 4 : i32
        scf.for %scan3A_154 = %scan3A_143 to %scan3A_145 step %scan3A_146  : i32 {
          %mul3A_155 = arith.constant 1 : i32
          %mul3A_156 = arith.muli %scan3A_154, %mul3A_155 : i32
          %add3A_157 = arith.constant 0 : i32
          %add3A_158 = arith.addi %add3A_157, %mul3A_156 : i32
          %get3A = arith.index_cast %add3A_158 : i32 to index
          %get3A_159 = arith.constant 0 : index
          %get3A_160 = tpu.vector_load %arg10[%get3A, %get3A_159] {strides = array<i32>} : memref<80x64xf32, #tpu.memory_space<vmem>>, vector<1x16xf32>,
          %get3A_161 = vector.shape_cast %get3A_160 : vector<1x16xf32> to vector<16xf32>
          %get3A_162 = arith.index_cast %add3A_158 : i32 to index
          %get3A_163 = arith.constant 0 : index
          %get3A_164 = tpu.vector_load %arg12[%get3A_162, %get3A_163] {strides = array<i32>} : memref<80x64xf32, #tpu.memory_space<vmem>>, vector<1x16xf32>,
          %get3A_165 = vector.shape_cast %get3A_164 : vector<1x16xf32> to vector<16xf32>
          %add3A_166 = arith.addf %get3A_161, %get3A_165 : vector<16xf32>
          %max3A = arith.constant 0.000000e+00 : f32
          %max3A_167 = vector.broadcast %max3A : f32 to vector<16xf32>
          %max3A_168 = arith.maximumf %add3A_166, %max3A_167 : vector<16xf32>
          %swap3A = arith.index_cast %add3A_158 : i32 to index
          %swap3A_169 = arith.constant 0 : index
          %swap3A_170 = tpu.vector_load %arg14[%swap3A, %swap3A_169] {strides = array<i32>} : memref<80x64xf32, #tpu.memory_space<vmem>>, vector<1x16xf32>,
          %swap3A_171 = vector.shape_cast %swap3A_170 : vector<1x16xf32> to vector<16xf32>
          %swap3A_172 = vector.shape_cast %max3A_168 : vector<16xf32> to vector<1x16xf32>
          tpu.vector_store %arg14[%swap3A, %swap3A_169], %swap3A_172 {strides = array<i32>} : memref<80x64xf32, #tpu.memory_space<vmem>>, vector<1x16xf32>,
          %get3A_173 = arith.index_cast %add3A_158 : i32 to index
          %get3A_174 = arith.constant 16 : index
          %get3A_175 = tpu.vector_load %arg10[%get3A_173, %get3A_174] {strides = array<i32>} : memref<80x64xf32, #tpu.memory_space<vmem>>, vector<1x16xf32>,
          %get3A_176 = vector.shape_cast %get3A_175 : vector<1x16xf32> to vector<16xf32>
          %get3A_177 = arith.index_cast %add3A_158 : i32 to index
          %get3A_178 = arith.constant 16 : index
          %get3A_179 = tpu.vector_load %arg12[%get3A_177, %get3A_178] {strides = array<i32>} : memref<80x64xf32, #tpu.memory_space<vmem>>, vector<1x16xf32>,
          %get3A_180 = vector.shape_cast %get3A_179 : vector<1x16xf32> to vector<16xf32>
          %add3A_181 = arith.addf %get3A_176, %get3A_180 : vector<16xf32>
          %max3A_182 = arith.constant 0.000000e+00 : f32
          %max3A_183 = vector.broadcast %max3A_182 : f32 to vector<16xf32>
          %max3A_184 = arith.maximumf %add3A_181, %max3A_183 : vector<16xf32>
          %swap3A_185 = arith.index_cast %add3A_158 : i32 to index
          %swap3A_186 = arith.constant 16 : index
          %swap3A_187 = tpu.vector_load %arg14[%swap3A_185, %swap3A_186] {strides = array<i32>} : memref<80x64xf32, #tpu.memory_space<vmem>>, vector<1x16xf32>,
          %swap3A_188 = vector.shape_cast %swap3A_187 : vector<1x16xf32> to vector<16xf32>
          %swap3A_189 = vector.shape_cast %max3A_184 : vector<16xf32> to vector<1x16xf32>
          tpu.vector_store %arg14[%swap3A_185, %swap3A_186], %swap3A_189 {strides = array<i32>} : memref<80x64xf32, #tpu.memory_space<vmem>>, vector<1x16xf32>,
          %get3A_190 = arith.index_cast %add3A_158 : i32 to index
          %get3A_191 = arith.constant 32 : index
          %get3A_192 = tpu.vector_load %arg10[%get3A_190, %get3A_191] {strides = array<i32>} : memref<80x64xf32, #tpu.memory_space<vmem>>, vector<1x16xf32>,
          %get3A_193 = vector.shape_cast %get3A_192 : vector<1x16xf32> to vector<16xf32>
          %get3A_194 = arith.index_cast %add3A_158 : i32 to index
          %get3A_195 = arith.constant 32 : index
          %get3A_196 = tpu.vector_load %arg12[%get3A_194, %get3A_195] {strides = array<i32>} : memref<80x64xf32, #tpu.memory_space<vmem>>, vector<1x16xf32>,
          %get3A_197 = vector.shape_cast %get3A_196 : vector<1x16xf32> to vector<16xf32>
          %add3A_198 = arith.addf %get3A_193, %get3A_197 : vector<16xf32>
          %max3A_199 = arith.constant 0.000000e+00 : f32
          %max3A_200 = vector.broadcast %max3A_199 : f32 to vector<16xf32>
          %max3A_201 = arith.maximumf %add3A_198, %max3A_200 : vector<16xf32>
          %swap3A_202 = arith.index_cast %add3A_158 : i32 to index
          %swap3A_203 = arith.constant 32 : index
          %swap3A_204 = tpu.vector_load %arg14[%swap3A_202, %swap3A_203] {strides = array<i32>} : memref<80x64xf32, #tpu.memory_space<vmem>>, vector<1x16xf32>,
          %swap3A_205 = vector.shape_cast %swap3A_204 : vector<1x16xf32> to vector<16xf32>
          %swap3A_206 = vector.shape_cast %max3A_201 : vector<16xf32> to vector<1x16xf32>
          tpu.vector_store %arg14[%swap3A_202, %swap3A_203], %swap3A_206 {strides = array<i32>} : memref<80x64xf32, #tpu.memory_space<vmem>>, vector<1x16xf32>,
          %get3A_207 = arith.index_cast %add3A_158 : i32 to index
          %get3A_208 = arith.constant 48 : index
          %get3A_209 = tpu.vector_load %arg10[%get3A_207, %get3A_208] {strides = array<i32>} : memref<80x64xf32, #tpu.memory_space<vmem>>, vector<1x16xf32>,
          %get3A_210 = vector.shape_cast %get3A_209 : vector<1x16xf32> to vector<16xf32>
          %get3A_211 = arith.index_cast %add3A_158 : i32 to index
          %get3A_212 = arith.constant 48 : index
          %get3A_213 = tpu.vector_load %arg12[%get3A_211, %get3A_212] {strides = array<i32>} : memref<80x64xf32, #tpu.memory_space<vmem>>, vector<1x16xf32>,
          %get3A_214 = vector.shape_cast %get3A_213 : vector<1x16xf32> to vector<16xf32>
          %add3A_215 = arith.addf %get3A_210, %get3A_214 : vector<16xf32>
          %max3A_216 = arith.constant 0.000000e+00 : f32
          %max3A_217 = vector.broadcast %max3A_216 : f32 to vector<16xf32>
          %max3A_218 = arith.maximumf %add3A_215, %max3A_217 : vector<16xf32>
          %swap3A_219 = arith.index_cast %add3A_158 : i32 to index
          %swap3A_220 = arith.constant 48 : index
          %swap3A_221 = tpu.vector_load %arg14[%swap3A_219, %swap3A_220] {strides = array<i32>} : memref<80x64xf32, #tpu.memory_space<vmem>>, vector<1x16xf32>,
          %swap3A_222 = vector.shape_cast %swap3A_221 : vector<1x16xf32> to vector<16xf32>
          %swap3A_223 = vector.shape_cast %max3A_218 : vector<16xf32> to vector<1x16xf32>
          tpu.vector_store %arg14[%swap3A_219, %swap3A_220], %swap3A_223 {strides = array<i32>} : memref<80x64xf32, #tpu.memory_space<vmem>>, vector<1x16xf32>,
          %scan3A_224 = arith.constant 1 : i32
          %scan3A_225 = arith.addi %scan3A_154, %scan3A_224 : i32
          %mul3A_226 = arith.constant 1 : i32
          %mul3A_227 = arith.muli %scan3A_225, %mul3A_226 : i32
          %add3A_228 = arith.constant 0 : i32
          %add3A_229 = arith.addi %add3A_228, %mul3A_227 : i32
          %get3A_230 = arith.index_cast %add3A_229 : i32 to index
          %get3A_231 = arith.constant 0 : index
          %get3A_232 = tpu.vector_load %arg10[%get3A_230, %get3A_231] {strides = array<i32>} : memref<80x64xf32, #tpu.memory_space<vmem>>, vector<1x16xf32>,
          %get3A_233 = vector.shape_cast %get3A_232 : vector<1x16xf32> to vector<16xf32>
          %get3A_234 = arith.index_cast %add3A_229 : i32 to index
          %get3A_235 = arith.constant 0 : index
          %get3A_236 = tpu.vector_load %arg12[%get3A_234, %get3A_235] {strides = array<i32>} : memref<80x64xf32, #tpu.memory_space<vmem>>, vector<1x16xf32>,
          %get3A_237 = vector.shape_cast %get3A_236 : vector<1x16xf32> to vector<16xf32>
          %add3A_238 = arith.addf %get3A_233, %get3A_237 : vector<16xf32>
          %max3A_239 = arith.constant 0.000000e+00 : f32
          %max3A_240 = vector.broadcast %max3A_239 : f32 to vector<16xf32>
          %max3A_241 = arith.maximumf %add3A_238, %max3A_240 : vector<16xf32>
          %swap3A_242 = arith.index_cast %add3A_229 : i32 to index
          %swap3A_243 = arith.constant 0 : index
          %swap3A_244 = tpu.vector_load %arg14[%swap3A_242, %swap3A_243] {strides = array<i32>} : memref<80x64xf32, #tpu.memory_space<vmem>>, vector<1x16xf32>,
          %swap3A_245 = vector.shape_cast %swap3A_244 : vector<1x16xf32> to vector<16xf32>
          %swap3A_246 = vector.shape_cast %max3A_241 : vector<16xf32> to vector<1x16xf32>
          tpu.vector_store %arg14[%swap3A_242, %swap3A_243], %swap3A_246 {strides = array<i32>} : memref<80x64xf32, #tpu.memory_space<vmem>>, vector<1x16xf32>,
          %get3A_247 = arith.index_cast %add3A_229 : i32 to index
          %get3A_248 = arith.constant 16 : index
          %get3A_249 = tpu.vector_load %arg10[%get3A_247, %get3A_248] {strides = array<i32>} : memref<80x64xf32, #tpu.memory_space<vmem>>, vector<1x16xf32>,
          %get3A_250 = vector.shape_cast %get3A_249 : vector<1x16xf32> to vector<16xf32>
          %get3A_251 = arith.index_cast %add3A_229 : i32 to index
          %get3A_252 = arith.constant 16 : index
          %get3A_253 = tpu.vector_load %arg12[%get3A_251, %get3A_252] {strides = array<i32>} : memref<80x64xf32, #tpu.memory_space<vmem>>, vector<1x16xf32>,
          %get3A_254 = vector.shape_cast %get3A_253 : vector<1x16xf32> to vector<16xf32>
          %add3A_255 = arith.addf %get3A_250, %get3A_254 : vector<16xf32>
          %max3A_256 = arith.constant 0.000000e+00 : f32
          %max3A_257 = vector.broadcast %max3A_256 : f32 to vector<16xf32>
          %max3A_258 = arith.maximumf %add3A_255, %max3A_257 : vector<16xf32>
          %swap3A_259 = arith.index_cast %add3A_229 : i32 to index
          %swap3A_260 = arith.constant 16 : index
          %swap3A_261 = tpu.vector_load %arg14[%swap3A_259, %swap3A_260] {strides = array<i32>} : memref<80x64xf32, #tpu.memory_space<vmem>>, vector<1x16xf32>,
          %swap3A_262 = vector.shape_cast %swap3A_261 : vector<1x16xf32> to vector<16xf32>
          %swap3A_263 = vector.shape_cast %max3A_258 : vector<16xf32> to vector<1x16xf32>
          tpu.vector_store %arg14[%swap3A_259, %swap3A_260], %swap3A_263 {strides = array<i32>} : memref<80x64xf32, #tpu.memory_space<vmem>>, vector<1x16xf32>,
          %get3A_264 = arith.index_cast %add3A_229 : i32 to index
          %get3A_265 = arith.constant 32 : index
          %get3A_266 = tpu.vector_load %arg10[%get3A_264, %get3A_265] {strides = array<i32>} : memref<80x64xf32, #tpu.memory_space<vmem>>, vector<1x16xf32>,
          %get3A_267 = vector.shape_cast %get3A_266 : vector<1x16xf32> to vector<16xf32>
          %get3A_268 = arith.index_cast %add3A_229 : i32 to index
          %get3A_269 = arith.constant 32 : index
          %get3A_270 = tpu.vector_load %arg12[%get3A_268, %get3A_269] {strides = array<i32>} : memref<80x64xf32, #tpu.memory_space<vmem>>, vector<1x16xf32>,
          %get3A_271 = vector.shape_cast %get3A_270 : vector<1x16xf32> to vector<16xf32>
          %add3A_272 = arith.addf %get3A_267, %get3A_271 : vector<16xf32>
          %max3A_273 = arith.constant 0.000000e+00 : f32
          %max3A_274 = vector.broadcast %max3A_273 : f32 to vector<16xf32>
          %max3A_275 = arith.maximumf %add3A_272, %max3A_274 : vector<16xf32>
          %swap3A_276 = arith.index_cast %add3A_229 : i32 to index
          %swap3A_277 = arith.constant 32 : index
          %swap3A_278 = tpu.vector_load %arg14[%swap3A_276, %swap3A_277] {strides = array<i32>} : memref<80x64xf32, #tpu.memory_space<vmem>>, vector<1x16xf32>,
          %swap3A_279 = vector.shape_cast %swap3A_278 : vector<1x16xf32> to vector<16xf32>
          %swap3A_280 = vector.shape_cast %max3A_275 : vector<16xf32> to vector<1x16xf32>
          tpu.vector_store %arg14[%swap3A_276, %swap3A_277], %swap3A_280 {strides = array<i32>} : memref<80x64xf32, #tpu.memory_space<vmem>>, vector<1x16xf32>,
          %get3A_281 = arith.index_cast %add3A_229 : i32 to index
          %get3A_282 = arith.constant 48 : index
          %get3A_283 = tpu.vector_load %arg10[%get3A_281, %get3A_282] {strides = array<i32>} : memref<80x64xf32, #tpu.memory_space<vmem>>, vector<1x16xf32>,
          %get3A_284 = vector.shape_cast %get3A_283 : vector<1x16xf32> to vector<16xf32>
          %get3A_285 = arith.index_cast %add3A_229 : i32 to index
          %get3A_286 = arith.constant 48 : index
          %get3A_287 = tpu.vector_load %arg12[%get3A_285, %get3A_286] {strides = array<i32>} : memref<80x64xf32, #tpu.memory_space<vmem>>, vector<1x16xf32>,
          %get3A_288 = vector.shape_cast %get3A_287 : vector<1x16xf32> to vector<16xf32>
          %add3A_289 = arith.addf %get3A_284, %get3A_288 : vector<16xf32>
          %max3A_290 = arith.constant 0.000000e+00 : f32
          %max3A_291 = vector.broadcast %max3A_290 : f32 to vector<16xf32>
          %max3A_292 = arith.maximumf %add3A_289, %max3A_291 : vector<16xf32>
          %swap3A_293 = arith.index_cast %add3A_229 : i32 to index
          %swap3A_294 = arith.constant 48 : index
          %swap3A_295 = tpu.vector_load %arg14[%swap3A_293, %swap3A_294] {strides = array<i32>} : memref<80x64xf32, #tpu.memory_space<vmem>>, vector<1x16xf32>,
          %swap3A_296 = vector.shape_cast %swap3A_295 : vector<1x16xf32> to vector<16xf32>
          %swap3A_297 = vector.shape_cast %max3A_292 : vector<16xf32> to vector<1x16xf32>
          tpu.vector_store %arg14[%swap3A_293, %swap3A_294], %swap3A_297 {strides = array<i32>} : memref<80x64xf32, #tpu.memory_space<vmem>>, vector<1x16xf32>,
          %scan3A_298 = arith.constant 2 : i32
          %scan3A_299 = arith.addi %scan3A_154, %scan3A_298 : i32
          %mul3A_300 = arith.constant 1 : i32
          %mul3A_301 = arith.muli %scan3A_299, %mul3A_300 : i32
          %add3A_302 = arith.constant 0 : i32
          %add3A_303 = arith.addi %add3A_302, %mul3A_301 : i32
          %get3A_304 = arith.index_cast %add3A_303 : i32 to index
          %get3A_305 = arith.constant 0 : index
          %get3A_306 = tpu.vector_load %arg10[%get3A_304, %get3A_305] {strides = array<i32>} : memref<80x64xf32, #tpu.memory_space<vmem>>, vector<1x16xf32>,
          %get3A_307 = vector.shape_cast %get3A_306 : vector<1x16xf32> to vector<16xf32>
          %get3A_308 = arith.index_cast %add3A_303 : i32 to index
          %get3A_309 = arith.constant 0 : index
          %get3A_310 = tpu.vector_load %arg12[%get3A_308, %get3A_309] {strides = array<i32>} : memref<80x64xf32, #tpu.memory_space<vmem>>, vector<1x16xf32>,
          %get3A_311 = vector.shape_cast %get3A_310 : vector<1x16xf32> to vector<16xf32>
          %add3A_312 = arith.addf %get3A_307, %get3A_311 : vector<16xf32>
          %max3A_313 = arith.constant 0.000000e+00 : f32
          %max3A_314 = vector.broadcast %max3A_313 : f32 to vector<16xf32>
          %max3A_315 = arith.maximumf %add3A_312, %max3A_314 : vector<16xf32>
          %swap3A_316 = arith.index_cast %add3A_303 : i32 to index
          %swap3A_317 = arith.constant 0 : index
          %swap3A_318 = tpu.vector_load %arg14[%swap3A_316, %swap3A_317] {strides = array<i32>} : memref<80x64xf32, #tpu.memory_space<vmem>>, vector<1x16xf32>,
          %swap3A_319 = vector.shape_cast %swap3A_318 : vector<1x16xf32> to vector<16xf32>
          %swap3A_320 = vector.shape_cast %max3A_315 : vector<16xf32> to vector<1x16xf32>
          tpu.vector_store %arg14[%swap3A_316, %swap3A_317], %swap3A_320 {strides = array<i32>} : memref<80x64xf32, #tpu.memory_space<vmem>>, vector<1x16xf32>,
          %get3A_321 = arith.index_cast %add3A_303 : i32 to index
          %get3A_322 = arith.constant 16 : index
          %get3A_323 = tpu.vector_load %arg10[%get3A_321, %get3A_322] {strides = array<i32>} : memref<80x64xf32, #tpu.memory_space<vmem>>, vector<1x16xf32>,
          %get3A_324 = vector.shape_cast %get3A_323 : vector<1x16xf32> to vector<16xf32>
          %get3A_325 = arith.index_cast %add3A_303 : i32 to index
          %get3A_326 = arith.constant 16 : index
          %get3A_327 = tpu.vector_load %arg12[%get3A_325, %get3A_326] {strides = array<i32>} : memref<80x64xf32, #tpu.memory_space<vmem>>, vector<1x16xf32>,
          %get3A_328 = vector.shape_cast %get3A_327 : vector<1x16xf32> to vector<16xf32>
          %add3A_329 = arith.addf %get3A_324, %get3A_328 : vector<16xf32>
          %max3A_330 = arith.constant 0.000000e+00 : f32
          %max3A_331 = vector.broadcast %max3A_330 : f32 to vector<16xf32>
          %max3A_332 = arith.maximumf %add3A_329, %max3A_331 : vector<16xf32>
          %swap3A_333 = arith.index_cast %add3A_303 : i32 to index
          %swap3A_334 = arith.constant 16 : index
          %swap3A_335 = tpu.vector_load %arg14[%swap3A_333, %swap3A_334] {strides = array<i32>} : memref<80x64xf32, #tpu.memory_space<vmem>>, vector<1x16xf32>,
          %swap3A_336 = vector.shape_cast %swap3A_335 : vector<1x16xf32> to vector<16xf32>
          %swap3A_337 = vector.shape_cast %max3A_332 : vector<16xf32> to vector<1x16xf32>
          tpu.vector_store %arg14[%swap3A_333, %swap3A_334], %swap3A_337 {strides = array<i32>} : memref<80x64xf32, #tpu.memory_space<vmem>>, vector<1x16xf32>,
          %get3A_338 = arith.index_cast %add3A_303 : i32 to index
          %get3A_339 = arith.constant 32 : index
          %get3A_340 = tpu.vector_load %arg10[%get3A_338, %get3A_339] {strides = array<i32>} : memref<80x64xf32, #tpu.memory_space<vmem>>, vector<1x16xf32>,
          %get3A_341 = vector.shape_cast %get3A_340 : vector<1x16xf32> to vector<16xf32>
          %get3A_342 = arith.index_cast %add3A_303 : i32 to index
          %get3A_343 = arith.constant 32 : index
          %get3A_344 = tpu.vector_load %arg12[%get3A_342, %get3A_343] {strides = array<i32>} : memref<80x64xf32, #tpu.memory_space<vmem>>, vector<1x16xf32>,
          %get3A_345 = vector.shape_cast %get3A_344 : vector<1x16xf32> to vector<16xf32>
          %add3A_346 = arith.addf %get3A_341, %get3A_345 : vector<16xf32>
          %max3A_347 = arith.constant 0.000000e+00 : f32
          %max3A_348 = vector.broadcast %max3A_347 : f32 to vector<16xf32>
          %max3A_349 = arith.maximumf %add3A_346, %max3A_348 : vector<16xf32>
          %swap3A_350 = arith.index_cast %add3A_303 : i32 to index
          %swap3A_351 = arith.constant 32 : index
          %swap3A_352 = tpu.vector_load %arg14[%swap3A_350, %swap3A_351] {strides = array<i32>} : memref<80x64xf32, #tpu.memory_space<vmem>>, vector<1x16xf32>,
          %swap3A_353 = vector.shape_cast %swap3A_352 : vector<1x16xf32> to vector<16xf32>
          %swap3A_354 = vector.shape_cast %max3A_349 : vector<16xf32> to vector<1x16xf32>
          tpu.vector_store %arg14[%swap3A_350, %swap3A_351], %swap3A_354 {strides = array<i32>} : memref<80x64xf32, #tpu.memory_space<vmem>>, vector<1x16xf32>,
          %get3A_355 = arith.index_cast %add3A_303 : i32 to index
          %get3A_356 = arith.constant 48 : index
          %get3A_357 = tpu.vector_load %arg10[%get3A_355, %get3A_356] {strides = array<i32>} : memref<80x64xf32, #tpu.memory_space<vmem>>, vector<1x16xf32>,
          %get3A_358 = vector.shape_cast %get3A_357 : vector<1x16xf32> to vector<16xf32>
          %get3A_359 = arith.index_cast %add3A_303 : i32 to index
          %get3A_360 = arith.constant 48 : index
          %get3A_361 = tpu.vector_load %arg12[%get3A_359, %get3A_360] {strides = array<i32>} : memref<80x64xf32, #tpu.memory_space<vmem>>, vector<1x16xf32>,
          %get3A_362 = vector.shape_cast %get3A_361 : vector<1x16xf32> to vector<16xf32>
          %add3A_363 = arith.addf %get3A_358, %get3A_362 : vector<16xf32>
          %max3A_364 = arith.constant 0.000000e+00 : f32
          %max3A_365 = vector.broadcast %max3A_364 : f32 to vector<16xf32>
          %max3A_366 = arith.maximumf %add3A_363, %max3A_365 : vector<16xf32>
          %swap3A_367 = arith.index_cast %add3A_303 : i32 to index
          %swap3A_368 = arith.constant 48 : index
          %swap3A_369 = tpu.vector_load %arg14[%swap3A_367, %swap3A_368] {strides = array<i32>} : memref<80x64xf32, #tpu.memory_space<vmem>>, vector<1x16xf32>,
          %swap3A_370 = vector.shape_cast %swap3A_369 : vector<1x16xf32> to vector<16xf32>
          %swap3A_371 = vector.shape_cast %max3A_366 : vector<16xf32> to vector<1x16xf32>
          tpu.vector_store %arg14[%swap3A_367, %swap3A_368], %swap3A_371 {strides = array<i32>} : memref<80x64xf32, #tpu.memory_space<vmem>>, vector<1x16xf32>,
          %scan3A_372 = arith.constant 3 : i32
          %scan3A_373 = arith.addi %scan3A_154, %scan3A_372 : i32
          %mul3A_374 = arith.constant 1 : i32
          %mul3A_375 = arith.muli %scan3A_373, %mul3A_374 : i32
          %add3A_376 = arith.constant 0 : i32
          %add3A_377 = arith.addi %add3A_376, %mul3A_375 : i32
          %get3A_378 = arith.index_cast %add3A_377 : i32 to index
          %get3A_379 = arith.constant 0 : index
          %get3A_380 = tpu.vector_load %arg10[%get3A_378, %get3A_379] {strides = array<i32>} : memref<80x64xf32, #tpu.memory_space<vmem>>, vector<1x16xf32>,
          %get3A_381 = vector.shape_cast %get3A_380 : vector<1x16xf32> to vector<16xf32>
          %get3A_382 = arith.index_cast %add3A_377 : i32 to index
          %get3A_383 = arith.constant 0 : index
          %get3A_384 = tpu.vector_load %arg12[%get3A_382, %get3A_383] {strides = array<i32>} : memref<80x64xf32, #tpu.memory_space<vmem>>, vector<1x16xf32>,
          %get3A_385 = vector.shape_cast %get3A_384 : vector<1x16xf32> to vector<16xf32>
          %add3A_386 = arith.addf %get3A_381, %get3A_385 : vector<16xf32>
          %max3A_387 = arith.constant 0.000000e+00 : f32
          %max3A_388 = vector.broadcast %max3A_387 : f32 to vector<16xf32>
          %max3A_389 = arith.maximumf %add3A_386, %max3A_388 : vector<16xf32>
          %swap3A_390 = arith.index_cast %add3A_377 : i32 to index
          %swap3A_391 = arith.constant 0 : index
          %swap3A_392 = tpu.vector_load %arg14[%swap3A_390, %swap3A_391] {strides = array<i32>} : memref<80x64xf32, #tpu.memory_space<vmem>>, vector<1x16xf32>,
          %swap3A_393 = vector.shape_cast %swap3A_392 : vector<1x16xf32> to vector<16xf32>
          %swap3A_394 = vector.shape_cast %max3A_389 : vector<16xf32> to vector<1x16xf32>
          tpu.vector_store %arg14[%swap3A_390, %swap3A_391], %swap3A_394 {strides = array<i32>} : memref<80x64xf32, #tpu.memory_space<vmem>>, vector<1x16xf32>,
          %get3A_395 = arith.index_cast %add3A_377 : i32 to index
          %get3A_396 = arith.constant 16 : index
          %get3A_397 = tpu.vector_load %arg10[%get3A_395, %get3A_396] {strides = array<i32>} : memref<80x64xf32, #tpu.memory_space<vmem>>, vector<1x16xf32>,
          %get3A_398 = vector.shape_cast %get3A_397 : vector<1x16xf32> to vector<16xf32>
          %get3A_399 = arith.index_cast %add3A_377 : i32 to index
          %get3A_400 = arith.constant 16 : index
          %get3A_401 = tpu.vector_load %arg12[%get3A_399, %get3A_400] {strides = array<i32>} : memref<80x64xf32, #tpu.memory_space<vmem>>, vector<1x16xf32>,
          %get3A_402 = vector.shape_cast %get3A_401 : vector<1x16xf32> to vector<16xf32>
          %add3A_403 = arith.addf %get3A_398, %get3A_402 : vector<16xf32>
          %max3A_404 = arith.constant 0.000000e+00 : f32
          %max3A_405 = vector.broadcast %max3A_404 : f32 to vector<16xf32>
          %max3A_406 = arith.maximumf %add3A_403, %max3A_405 : vector<16xf32>
          %swap3A_407 = arith.index_cast %add3A_377 : i32 to index
          %swap3A_408 = arith.constant 16 : index
          %swap3A_409 = tpu.vector_load %arg14[%swap3A_407, %swap3A_408] {strides = array<i32>} : memref<80x64xf32, #tpu.memory_space<vmem>>, vector<1x16xf32>,
          %swap3A_410 = vector.shape_cast %swap3A_409 : vector<1x16xf32> to vector<16xf32>
          %swap3A_411 = vector.shape_cast %max3A_406 : vector<16xf32> to vector<1x16xf32>
          tpu.vector_store %arg14[%swap3A_407, %swap3A_408], %swap3A_411 {strides = array<i32>} : memref<80x64xf32, #tpu.memory_space<vmem>>, vector<1x16xf32>,
          %get3A_412 = arith.index_cast %add3A_377 : i32 to index
          %get3A_413 = arith.constant 32 : index
          %get3A_414 = tpu.vector_load %arg10[%get3A_412, %get3A_413] {strides = array<i32>} : memref<80x64xf32, #tpu.memory_space<vmem>>, vector<1x16xf32>,
          %get3A_415 = vector.shape_cast %get3A_414 : vector<1x16xf32> to vector<16xf32>
          %get3A_416 = arith.index_cast %add3A_377 : i32 to index
          %get3A_417 = arith.constant 32 : index
          %get3A_418 = tpu.vector_load %arg12[%get3A_416, %get3A_417] {strides = array<i32>} : memref<80x64xf32, #tpu.memory_space<vmem>>, vector<1x16xf32>,
          %get3A_419 = vector.shape_cast %get3A_418 : vector<1x16xf32> to vector<16xf32>
          %add3A_420 = arith.addf %get3A_415, %get3A_419 : vector<16xf32>
          %max3A_421 = arith.constant 0.000000e+00 : f32
          %max3A_422 = vector.broadcast %max3A_421 : f32 to vector<16xf32>
          %max3A_423 = arith.maximumf %add3A_420, %max3A_422 : vector<16xf32>
          %swap3A_424 = arith.index_cast %add3A_377 : i32 to index
          %swap3A_425 = arith.constant 32 : index
          %swap3A_426 = tpu.vector_load %arg14[%swap3A_424, %swap3A_425] {strides = array<i32>} : memref<80x64xf32, #tpu.memory_space<vmem>>, vector<1x16xf32>,
          %swap3A_427 = vector.shape_cast %swap3A_426 : vector<1x16xf32> to vector<16xf32>
          %swap3A_428 = vector.shape_cast %max3A_423 : vector<16xf32> to vector<1x16xf32>
          tpu.vector_store %arg14[%swap3A_424, %swap3A_425], %swap3A_428 {strides = array<i32>} : memref<80x64xf32, #tpu.memory_space<vmem>>, vector<1x16xf32>,
          %get3A_429 = arith.index_cast %add3A_377 : i32 to index
          %get3A_430 = arith.constant 48 : index
          %get3A_431 = tpu.vector_load %arg10[%get3A_429, %get3A_430] {strides = array<i32>} : memref<80x64xf32, #tpu.memory_space<vmem>>, vector<1x16xf32>,
          %get3A_432 = vector.shape_cast %get3A_431 : vector<1x16xf32> to vector<16xf32>
          %get3A_433 = arith.index_cast %add3A_377 : i32 to index
          %get3A_434 = arith.constant 48 : index
          %get3A_435 = tpu.vector_load %arg12[%get3A_433, %get3A_434] {strides = array<i32>} : memref<80x64xf32, #tpu.memory_space<vmem>>, vector<1x16xf32>,
          %get3A_436 = vector.shape_cast %get3A_435 : vector<1x16xf32> to vector<16xf32>
          %add3A_437 = arith.addf %get3A_432, %get3A_436 : vector<16xf32>
          %max3A_438 = arith.constant 0.000000e+00 : f32
          %max3A_439 = vector.broadcast %max3A_438 : f32 to vector<16xf32>
          %max3A_440 = arith.maximumf %add3A_437, %max3A_439 : vector<16xf32>
          %swap3A_441 = arith.index_cast %add3A_377 : i32 to index
          %swap3A_442 = arith.constant 48 : index
          %swap3A_443 = tpu.vector_load %arg14[%swap3A_441, %swap3A_442] {strides = array<i32>} : memref<80x64xf32, #tpu.memory_space<vmem>>, vector<1x16xf32>,
          %swap3A_444 = vector.shape_cast %swap3A_443 : vector<1x16xf32> to vector<16xf32>
          %swap3A_445 = vector.shape_cast %max3A_440 : vector<16xf32> to vector<1x16xf32>
          tpu.vector_store %arg14[%swap3A_441, %swap3A_442], %swap3A_445 {strides = array<i32>} : memref<80x64xf32, #tpu.memory_space<vmem>>, vector<1x16xf32>,
        }
        %scan3A_147 = arith.constant 80 : i32
        %dma_start3A_148 = arith.constant 0 : i32
        %dma_start3A_149 = tpu.memref_slice %arg9[%add3A_85, %dma_start3A_148] : memref<125x80xi32, #tpu.memory_space<vmem>> -> memref<1x80xi32, #tpu.memory_space<vmem>>
        %dma_start3A_150 = tpu.memref_squeeze %dma_start3A_149 : memref<1x80xi32, #tpu.memory_space<vmem>> -> memref<80xi32, #tpu.memory_space<vmem>>
        %dma_start3A_151 = arith.constant 0 : i32
        %dma_start3A_152 = arith.constant 0 : i32
        %dma_start3A_153 = tpu.memref_slice %arg7[%dma_start3A_151, %dma_start3A_152] : memref<10240x64xf32, #tpu.memory_space<vmem_shared>> -> memref<10240x64xf32, #tpu.memory_space<vmem_shared>>
        tpu.enqueue_indirect_dma source(%arg14 : memref<80x64xf32, #tpu.memory_space<vmem>>) target(%dma_start3A_153 : memref<10240x64xf32, #tpu.memory_space<vmem_shared>>) offsets(%dma_start3A_150 : memref<80xi32, #tpu.memory_space<vmem>>) semaphore(%arg21 : memref<!tpu.dma_semaphore, #tpu.memory_space<semaphore_mem>>) {add = true}
      } else {
      }
      %jit3A_98 = arith.constant 2 : i32
      %eq3A_99 = arith.constant 0 : i32
      %eq3A_100 = arith.cmpi eq, %jit3A_98, %eq3A_99 : i32
      %jit3A_101 = arith.constant 1 : i32
      %select_n3A_102 = arith.select %eq3A_100, %jit3A_101, %jit3A_98 : i32
      %rem3A_103 = arith.remsi %add3A_85, %select_n3A_102 : i32
      %ne3A_104 = arith.constant 0 : i32
      %ne3A_105 = arith.cmpi ne, %rem3A_103, %ne3A_104 : i32
      %lt3A_106 = arith.constant 0 : i32
      %lt3A_107 = arith.cmpi slt, %rem3A_103, %lt3A_106 : i32
      %lt3A_108 = arith.constant 0 : i32
      %lt3A_109 = arith.cmpi slt, %select_n3A_102, %lt3A_108 : i32
      %ne3A_110 = arith.xori %lt3A_107, %lt3A_109 : i1
      %and3A_111 = arith.andi %ne3A_110, %ne3A_105 : i1
      %add3A_112 = arith.addi %rem3A_103, %select_n3A_102 : i32
      %select_n3A_113 = arith.select %and3A_111, %add3A_112, %rem3A_103 : i32
      %eq3A_114 = arith.constant 1 : i32
      %eq3A_115 = arith.cmpi eq, %select_n3A_113, %eq3A_114 : i32
      %convert_element_type3A_116 = arith.extui %eq3A_115 : i1 to i32
      %cond3A_117 = arith.constant 0 : i32
      %cond3A_118 = arith.cmpi ne, %convert_element_type3A_116, %cond3A_117 : i32
      scf.if %cond3A_118 {
        %add3A_119 = arith.constant 1 : i32
        %add3A_120 = arith.addi %add3A_85, %add3A_119 : i32
        %lt3A_121 = arith.constant 125 : i32
        %lt3A_122 = arith.cmpi slt, %add3A_120, %lt3A_121 : i32
        %convert_element_type3A_123 = arith.extui %lt3A_122 : i1 to i32
        %cond3A_124 = arith.constant 0 : i32
        %cond3A_125 = arith.cmpi ne, %convert_element_type3A_123, %cond3A_124 : i32
        scf.if %cond3A_125 {
          %add3A_154 = arith.constant 1 : i32
          %add3A_155 = arith.addi %add3A_85, %add3A_154 : i32
          %dma_start3A_156 = arith.constant 0 : i32
          %dma_start3A_157 = tpu.memref_slice %arg8[%add3A_155, %dma_start3A_156] : memref<125x80xi32, #tpu.memory_space<vmem>> -> memref<1x80xi32, #tpu.memory_space<vmem>>
          %dma_start3A_158 = tpu.memref_squeeze %dma_start3A_157 : memref<1x80xi32, #tpu.memory_space<vmem>> -> memref<80xi32, #tpu.memory_space<vmem>>
          %dma_start3A_159 = arith.constant 0 : i32
          %dma_start3A_160 = arith.constant 0 : i32
          %dma_start3A_161 = tpu.memref_slice %arg2[%dma_start3A_159, %dma_start3A_160] : memref<10000x64xf32, #tpu.memory_space<hbm>> -> memref<10000x64xf32, #tpu.memory_space<hbm>>
          tpu.enqueue_indirect_dma source(%dma_start3A_161 : memref<10000x64xf32, #tpu.memory_space<hbm>>) target(%arg10 : memref<80x64xf32, #tpu.memory_space<vmem>>) offsets(%dma_start3A_158 : memref<80xi32, #tpu.memory_space<vmem>>) semaphore(%arg17 : memref<!tpu.dma_semaphore, #tpu.memory_space<semaphore_mem>>)
          %mul3A_162 = arith.constant 80 : i32
          %mul3A_163 = arith.muli %add3A_155, %mul3A_162 : i32
          %add3A_164 = arith.addi %mul3A_42, %mul3A_163 : i32
          %dma_start3A_165 = arith.constant 0 : i32
          %dma_start3A_166 = tpu.memref_slice %arg3[%add3A_164, %dma_start3A_165] : memref<320000x64xf32, #tpu.memory_space<hbm>> -> memref<80x64xf32, #tpu.memory_space<hbm>>
          %dma_start3A_167 = arith.constant 0 : i32
          %dma_start3A_168 = tpu.memref_slice %arg3[%add3A_164, %dma_start3A_167] : memref<320000x64xf32, #tpu.memory_space<hbm>> -> memref<80x64xf32, #tpu.memory_space<hbm>>
          tpu.enqueue_dma source(%dma_start3A_168 : memref<80x64xf32, #tpu.memory_space<hbm>>) target(%arg12 : memref<80x64xf32, #tpu.memory_space<vmem>>) target_semaphore(%arg19 : memref<!tpu.dma_semaphore, #tpu.memory_space<semaphore_mem>>)
        } else {
        }
        %dma_wait3A_126 = arith.constant 0 : i32
        %dma_wait3A_127 = tpu.memref_slice %arg8[%add3A_85, %dma_wait3A_126] : memref<125x80xi32, #tpu.memory_space<vmem>> -> memref<1x80xi32, #tpu.memory_space<vmem>>
        %dma_wait3A_128 = tpu.memref_squeeze %dma_wait3A_127 : memref<1x80xi32, #tpu.memory_space<vmem>> -> memref<80xi32, #tpu.memory_space<vmem>>
        %dma_wait3A_129 = arith.constant 0 : i32
        %dma_wait3A_130 = arith.constant 0 : i32
        %dma_wait3A_131 = tpu.memref_slice %arg2[%dma_wait3A_129, %dma_wait3A_130] : memref<10000x64xf32, #tpu.memory_space<hbm>> -> memref<10000x64xf32, #tpu.memory_space<hbm>>
        tpu.wait_indirect_dma semaphore(%arg18 : memref<!tpu.dma_semaphore, #tpu.memory_space<semaphore_mem>>) src(%dma_wait3A_131 : memref<10000x64xf32, #tpu.memory_space<hbm>>) dst(%arg11 : memref<80x64xf32, #tpu.memory_space<vmem>>)
        %mul3A_132 = arith.constant 80 : i32
        %mul3A_133 = arith.muli %add3A_85, %mul3A_132 : i32
        %add3A_134 = arith.addi %mul3A_42, %mul3A_133 : i32
        %dma_wait3A_135 = arith.constant 0 : i32
        %dma_wait3A_136 = tpu.memref_slice %arg3[%add3A_134, %dma_wait3A_135] : memref<320000x64xf32, #tpu.memory_space<hbm>> -> memref<80x64xf32, #tpu.memory_space<hbm>>
        %dma_wait3A_137 = arith.constant 0 : i32
        %dma_wait3A_138 = tpu.memref_slice %arg3[%add3A_134, %dma_wait3A_137] : memref<320000x64xf32, #tpu.memory_space<hbm>> -> memref<80x64xf32, #tpu.memory_space<hbm>>
        tpu.wait_dma2 semaphore(%arg20 : memref<!tpu.dma_semaphore, #tpu.memory_space<semaphore_mem>>) src(%dma_wait3A_138 : memref<80x64xf32, #tpu.memory_space<hbm>>) dst(%arg13 : memref<80x64xf32, #tpu.memory_space<vmem>>)
        %ge3A = arith.constant 2 : i32
        %ge3A_139 = arith.cmpi sge, %add3A_85, %ge3A : i32
        %convert_element_type3A_140 = arith.extui %ge3A_139 : i1 to i32
        %cond3A_141 = arith.constant 0 : i32
        %cond3A_142 = arith.cmpi ne, %convert_element_type3A_140, %cond3A_141 : i32
        scf.if %cond3A_142 {
          %sub3A = arith.constant 2 : i32
          %sub3A_154 = arith.subi %add3A_85, %sub3A : i32
          %dma_wait3A_155 = arith.constant 0 : i32
          %dma_wait3A_156 = tpu.memref_slice %arg9[%sub3A_154, %dma_wait3A_155] : memref<125x80xi32, #tpu.memory_space<vmem>> -> memref<1x80xi32, #tpu.memory_space<vmem>>
          %dma_wait3A_157 = tpu.memref_squeeze %dma_wait3A_156 : memref<1x80xi32, #tpu.memory_space<vmem>> -> memref<80xi32, #tpu.memory_space<vmem>>
          %dma_wait3A_158 = arith.constant 0 : i32
          %dma_wait3A_159 = arith.constant 0 : i32
          %dma_wait3A_160 = tpu.memref_slice %arg7[%dma_wait3A_158, %dma_wait3A_159] : memref<10240x64xf32, #tpu.memory_space<vmem_shared>> -> memref<10240x64xf32, #tpu.memory_space<vmem_shared>>
          tpu.wait_indirect_dma semaphore(%arg22 : memref<!tpu.dma_semaphore, #tpu.memory_space<semaphore_mem>>) src(%arg15 : memref<80x64xf32, #tpu.memory_space<vmem>>) dst(%dma_wait3A_160 : memref<10240x64xf32, #tpu.memory_space<vmem_shared>>)
        } else {
        }
        %scan3A_143 = arith.constant 0 : i32
        %scan3A_144 = arith.constant 80 : i32
        %scan3A_145 = arith.addi %scan3A_143, %scan3A_144 : i32
        %scan3A_146 = arith.constant 4 : i32
        scf.for %scan3A_154 = %scan3A_143 to %scan3A_145 step %scan3A_146  : i32 {
          %mul3A_155 = arith.constant 1 : i32
          %mul3A_156 = arith.muli %scan3A_154, %mul3A_155 : i32
          %add3A_157 = arith.constant 0 : i32
          %add3A_158 = arith.addi %add3A_157, %mul3A_156 : i32
          %get3A = arith.index_cast %add3A_158 : i32 to index
          %get3A_159 = arith.constant 0 : index
          %get3A_160 = tpu.vector_load %arg11[%get3A, %get3A_159] {strides = array<i32>} : memref<80x64xf32, #tpu.memory_space<vmem>>, vector<1x16xf32>,
          %get3A_161 = vector.shape_cast %get3A_160 : vector<1x16xf32> to vector<16xf32>
          %get3A_162 = arith.index_cast %add3A_158 : i32 to index
          %get3A_163 = arith.constant 0 : index
          %get3A_164 = tpu.vector_load %arg13[%get3A_162, %get3A_163] {strides = array<i32>} : memref<80x64xf32, #tpu.memory_space<vmem>>, vector<1x16xf32>,
          %get3A_165 = vector.shape_cast %get3A_164 : vector<1x16xf32> to vector<16xf32>
          %add3A_166 = arith.addf %get3A_161, %get3A_165 : vector<16xf32>
          %max3A = arith.constant 0.000000e+00 : f32
          %max3A_167 = vector.broadcast %max3A : f32 to vector<16xf32>
          %max3A_168 = arith.maximumf %add3A_166, %max3A_167 : vector<16xf32>
          %swap3A = arith.index_cast %add3A_158 : i32 to index
          %swap3A_169 = arith.constant 0 : index
          %swap3A_170 = tpu.vector_load %arg15[%swap3A, %swap3A_169] {strides = array<i32>} : memref<80x64xf32, #tpu.memory_space<vmem>>, vector<1x16xf32>,
          %swap3A_171 = vector.shape_cast %swap3A_170 : vector<1x16xf32> to vector<16xf32>
          %swap3A_172 = vector.shape_cast %max3A_168 : vector<16xf32> to vector<1x16xf32>
          tpu.vector_store %arg15[%swap3A, %swap3A_169], %swap3A_172 {strides = array<i32>} : memref<80x64xf32, #tpu.memory_space<vmem>>, vector<1x16xf32>,
          %get3A_173 = arith.index_cast %add3A_158 : i32 to index
          %get3A_174 = arith.constant 16 : index
          %get3A_175 = tpu.vector_load %arg11[%get3A_173, %get3A_174] {strides = array<i32>} : memref<80x64xf32, #tpu.memory_space<vmem>>, vector<1x16xf32>,
          %get3A_176 = vector.shape_cast %get3A_175 : vector<1x16xf32> to vector<16xf32>
          %get3A_177 = arith.index_cast %add3A_158 : i32 to index
          %get3A_178 = arith.constant 16 : index
          %get3A_179 = tpu.vector_load %arg13[%get3A_177, %get3A_178] {strides = array<i32>} : memref<80x64xf32, #tpu.memory_space<vmem>>, vector<1x16xf32>,
          %get3A_180 = vector.shape_cast %get3A_179 : vector<1x16xf32> to vector<16xf32>
          %add3A_181 = arith.addf %get3A_176, %get3A_180 : vector<16xf32>
          %max3A_182 = arith.constant 0.000000e+00 : f32
          %max3A_183 = vector.broadcast %max3A_182 : f32 to vector<16xf32>
          %max3A_184 = arith.maximumf %add3A_181, %max3A_183 : vector<16xf32>
          %swap3A_185 = arith.index_cast %add3A_158 : i32 to index
          %swap3A_186 = arith.constant 16 : index
          %swap3A_187 = tpu.vector_load %arg15[%swap3A_185, %swap3A_186] {strides = array<i32>} : memref<80x64xf32, #tpu.memory_space<vmem>>, vector<1x16xf32>,
          %swap3A_188 = vector.shape_cast %swap3A_187 : vector<1x16xf32> to vector<16xf32>
          %swap3A_189 = vector.shape_cast %max3A_184 : vector<16xf32> to vector<1x16xf32>
          tpu.vector_store %arg15[%swap3A_185, %swap3A_186], %swap3A_189 {strides = array<i32>} : memref<80x64xf32, #tpu.memory_space<vmem>>, vector<1x16xf32>,
          %get3A_190 = arith.index_cast %add3A_158 : i32 to index
          %get3A_191 = arith.constant 32 : index
          %get3A_192 = tpu.vector_load %arg11[%get3A_190, %get3A_191] {strides = array<i32>} : memref<80x64xf32, #tpu.memory_space<vmem>>, vector<1x16xf32>,
          %get3A_193 = vector.shape_cast %get3A_192 : vector<1x16xf32> to vector<16xf32>
          %get3A_194 = arith.index_cast %add3A_158 : i32 to index
          %get3A_195 = arith.constant 32 : index
          %get3A_196 = tpu.vector_load %arg13[%get3A_194, %get3A_195] {strides = array<i32>} : memref<80x64xf32, #tpu.memory_space<vmem>>, vector<1x16xf32>,
          %get3A_197 = vector.shape_cast %get3A_196 : vector<1x16xf32> to vector<16xf32>
          %add3A_198 = arith.addf %get3A_193, %get3A_197 : vector<16xf32>
          %max3A_199 = arith.constant 0.000000e+00 : f32
          %max3A_200 = vector.broadcast %max3A_199 : f32 to vector<16xf32>
          %max3A_201 = arith.maximumf %add3A_198, %max3A_200 : vector<16xf32>
          %swap3A_202 = arith.index_cast %add3A_158 : i32 to index
          %swap3A_203 = arith.constant 32 : index
          %swap3A_204 = tpu.vector_load %arg15[%swap3A_202, %swap3A_203] {strides = array<i32>} : memref<80x64xf32, #tpu.memory_space<vmem>>, vector<1x16xf32>,
          %swap3A_205 = vector.shape_cast %swap3A_204 : vector<1x16xf32> to vector<16xf32>
          %swap3A_206 = vector.shape_cast %max3A_201 : vector<16xf32> to vector<1x16xf32>
          tpu.vector_store %arg15[%swap3A_202, %swap3A_203], %swap3A_206 {strides = array<i32>} : memref<80x64xf32, #tpu.memory_space<vmem>>, vector<1x16xf32>,
          %get3A_207 = arith.index_cast %add3A_158 : i32 to index
          %get3A_208 = arith.constant 48 : index
          %get3A_209 = tpu.vector_load %arg11[%get3A_207, %get3A_208] {strides = array<i32>} : memref<80x64xf32, #tpu.memory_space<vmem>>, vector<1x16xf32>,
          %get3A_210 = vector.shape_cast %get3A_209 : vector<1x16xf32> to vector<16xf32>
          %get3A_211 = arith.index_cast %add3A_158 : i32 to index
          %get3A_212 = arith.constant 48 : index
          %get3A_213 = tpu.vector_load %arg13[%get3A_211, %get3A_212] {strides = array<i32>} : memref<80x64xf32, #tpu.memory_space<vmem>>, vector<1x16xf32>,
          %get3A_214 = vector.shape_cast %get3A_213 : vector<1x16xf32> to vector<16xf32>
          %add3A_215 = arith.addf %get3A_210, %get3A_214 : vector<16xf32>
          %max3A_216 = arith.constant 0.000000e+00 : f32
          %max3A_217 = vector.broadcast %max3A_216 : f32 to vector<16xf32>
          %max3A_218 = arith.maximumf %add3A_215, %max3A_217 : vector<16xf32>
          %swap3A_219 = arith.index_cast %add3A_158 : i32 to index
          %swap3A_220 = arith.constant 48 : index
          %swap3A_221 = tpu.vector_load %arg15[%swap3A_219, %swap3A_220] {strides = array<i32>} : memref<80x64xf32, #tpu.memory_space<vmem>>, vector<1x16xf32>,
          %swap3A_222 = vector.shape_cast %swap3A_221 : vector<1x16xf32> to vector<16xf32>
          %swap3A_223 = vector.shape_cast %max3A_218 : vector<16xf32> to vector<1x16xf32>
          tpu.vector_store %arg15[%swap3A_219, %swap3A_220], %swap3A_223 {strides = array<i32>} : memref<80x64xf32, #tpu.memory_space<vmem>>, vector<1x16xf32>,
          %scan3A_224 = arith.constant 1 : i32
          %scan3A_225 = arith.addi %scan3A_154, %scan3A_224 : i32
          %mul3A_226 = arith.constant 1 : i32
          %mul3A_227 = arith.muli %scan3A_225, %mul3A_226 : i32
          %add3A_228 = arith.constant 0 : i32
          %add3A_229 = arith.addi %add3A_228, %mul3A_227 : i32
          %get3A_230 = arith.index_cast %add3A_229 : i32 to index
          %get3A_231 = arith.constant 0 : index
          %get3A_232 = tpu.vector_load %arg11[%get3A_230, %get3A_231] {strides = array<i32>} : memref<80x64xf32, #tpu.memory_space<vmem>>, vector<1x16xf32>,
          %get3A_233 = vector.shape_cast %get3A_232 : vector<1x16xf32> to vector<16xf32>
          %get3A_234 = arith.index_cast %add3A_229 : i32 to index
          %get3A_235 = arith.constant 0 : index
          %get3A_236 = tpu.vector_load %arg13[%get3A_234, %get3A_235] {strides = array<i32>} : memref<80x64xf32, #tpu.memory_space<vmem>>, vector<1x16xf32>,
          %get3A_237 = vector.shape_cast %get3A_236 : vector<1x16xf32> to vector<16xf32>
          %add3A_238 = arith.addf %get3A_233, %get3A_237 : vector<16xf32>
          %max3A_239 = arith.constant 0.000000e+00 : f32
          %max3A_240 = vector.broadcast %max3A_239 : f32 to vector<16xf32>
          %max3A_241 = arith.maximumf %add3A_238, %max3A_240 : vector<16xf32>
          %swap3A_242 = arith.index_cast %add3A_229 : i32 to index
          %swap3A_243 = arith.constant 0 : index
          %swap3A_244 = tpu.vector_load %arg15[%swap3A_242, %swap3A_243] {strides = array<i32>} : memref<80x64xf32, #tpu.memory_space<vmem>>, vector<1x16xf32>,
          %swap3A_245 = vector.shape_cast %swap3A_244 : vector<1x16xf32> to vector<16xf32>
          %swap3A_246 = vector.shape_cast %max3A_241 : vector<16xf32> to vector<1x16xf32>
          tpu.vector_store %arg15[%swap3A_242, %swap3A_243], %swap3A_246 {strides = array<i32>} : memref<80x64xf32, #tpu.memory_space<vmem>>, vector<1x16xf32>,
          %get3A_247 = arith.index_cast %add3A_229 : i32 to index
          %get3A_248 = arith.constant 16 : index
          %get3A_249 = tpu.vector_load %arg11[%get3A_247, %get3A_248] {strides = array<i32>} : memref<80x64xf32, #tpu.memory_space<vmem>>, vector<1x16xf32>,
          %get3A_250 = vector.shape_cast %get3A_249 : vector<1x16xf32> to vector<16xf32>
          %get3A_251 = arith.index_cast %add3A_229 : i32 to index
          %get3A_252 = arith.constant 16 : index
          %get3A_253 = tpu.vector_load %arg13[%get3A_251, %get3A_252] {strides = array<i32>} : memref<80x64xf32, #tpu.memory_space<vmem>>, vector<1x16xf32>,
          %get3A_254 = vector.shape_cast %get3A_253 : vector<1x16xf32> to vector<16xf32>
          %add3A_255 = arith.addf %get3A_250, %get3A_254 : vector<16xf32>
          %max3A_256 = arith.constant 0.000000e+00 : f32
          %max3A_257 = vector.broadcast %max3A_256 : f32 to vector<16xf32>
          %max3A_258 = arith.maximumf %add3A_255, %max3A_257 : vector<16xf32>
          %swap3A_259 = arith.index_cast %add3A_229 : i32 to index
          %swap3A_260 = arith.constant 16 : index
          %swap3A_261 = tpu.vector_load %arg15[%swap3A_259, %swap3A_260] {strides = array<i32>} : memref<80x64xf32, #tpu.memory_space<vmem>>, vector<1x16xf32>,
          %swap3A_262 = vector.shape_cast %swap3A_261 : vector<1x16xf32> to vector<16xf32>
          %swap3A_263 = vector.shape_cast %max3A_258 : vector<16xf32> to vector<1x16xf32>
          tpu.vector_store %arg15[%swap3A_259, %swap3A_260], %swap3A_263 {strides = array<i32>} : memref<80x64xf32, #tpu.memory_space<vmem>>, vector<1x16xf32>,
          %get3A_264 = arith.index_cast %add3A_229 : i32 to index
          %get3A_265 = arith.constant 32 : index
          %get3A_266 = tpu.vector_load %arg11[%get3A_264, %get3A_265] {strides = array<i32>} : memref<80x64xf32, #tpu.memory_space<vmem>>, vector<1x16xf32>,
          %get3A_267 = vector.shape_cast %get3A_266 : vector<1x16xf32> to vector<16xf32>
          %get3A_268 = arith.index_cast %add3A_229 : i32 to index
          %get3A_269 = arith.constant 32 : index
          %get3A_270 = tpu.vector_load %arg13[%get3A_268, %get3A_269] {strides = array<i32>} : memref<80x64xf32, #tpu.memory_space<vmem>>, vector<1x16xf32>,
          %get3A_271 = vector.shape_cast %get3A_270 : vector<1x16xf32> to vector<16xf32>
          %add3A_272 = arith.addf %get3A_267, %get3A_271 : vector<16xf32>
          %max3A_273 = arith.constant 0.000000e+00 : f32
          %max3A_274 = vector.broadcast %max3A_273 : f32 to vector<16xf32>
          %max3A_275 = arith.maximumf %add3A_272, %max3A_274 : vector<16xf32>
          %swap3A_276 = arith.index_cast %add3A_229 : i32 to index
          %swap3A_277 = arith.constant 32 : index
          %swap3A_278 = tpu.vector_load %arg15[%swap3A_276, %swap3A_277] {strides = array<i32>} : memref<80x64xf32, #tpu.memory_space<vmem>>, vector<1x16xf32>,
          %swap3A_279 = vector.shape_cast %swap3A_278 : vector<1x16xf32> to vector<16xf32>
          %swap3A_280 = vector.shape_cast %max3A_275 : vector<16xf32> to vector<1x16xf32>
          tpu.vector_store %arg15[%swap3A_276, %swap3A_277], %swap3A_280 {strides = array<i32>} : memref<80x64xf32, #tpu.memory_space<vmem>>, vector<1x16xf32>,
          %get3A_281 = arith.index_cast %add3A_229 : i32 to index
          %get3A_282 = arith.constant 48 : index
          %get3A_283 = tpu.vector_load %arg11[%get3A_281, %get3A_282] {strides = array<i32>} : memref<80x64xf32, #tpu.memory_space<vmem>>, vector<1x16xf32>,
          %get3A_284 = vector.shape_cast %get3A_283 : vector<1x16xf32> to vector<16xf32>
          %get3A_285 = arith.index_cast %add3A_229 : i32 to index
          %get3A_286 = arith.constant 48 : index
          %get3A_287 = tpu.vector_load %arg13[%get3A_285, %get3A_286] {strides = array<i32>} : memref<80x64xf32, #tpu.memory_space<vmem>>, vector<1x16xf32>,
          %get3A_288 = vector.shape_cast %get3A_287 : vector<1x16xf32> to vector<16xf32>
          %add3A_289 = arith.addf %get3A_284, %get3A_288 : vector<16xf32>
          %max3A_290 = arith.constant 0.000000e+00 : f32
          %max3A_291 = vector.broadcast %max3A_290 : f32 to vector<16xf32>
          %max3A_292 = arith.maximumf %add3A_289, %max3A_291 : vector<16xf32>
          %swap3A_293 = arith.index_cast %add3A_229 : i32 to index
          %swap3A_294 = arith.constant 48 : index
          %swap3A_295 = tpu.vector_load %arg15[%swap3A_293, %swap3A_294] {strides = array<i32>} : memref<80x64xf32, #tpu.memory_space<vmem>>, vector<1x16xf32>,
          %swap3A_296 = vector.shape_cast %swap3A_295 : vector<1x16xf32> to vector<16xf32>
          %swap3A_297 = vector.shape_cast %max3A_292 : vector<16xf32> to vector<1x16xf32>
          tpu.vector_store %arg15[%swap3A_293, %swap3A_294], %swap3A_297 {strides = array<i32>} : memref<80x64xf32, #tpu.memory_space<vmem>>, vector<1x16xf32>,
          %scan3A_298 = arith.constant 2 : i32
          %scan3A_299 = arith.addi %scan3A_154, %scan3A_298 : i32
          %mul3A_300 = arith.constant 1 : i32
          %mul3A_301 = arith.muli %scan3A_299, %mul3A_300 : i32
          %add3A_302 = arith.constant 0 : i32
          %add3A_303 = arith.addi %add3A_302, %mul3A_301 : i32
          %get3A_304 = arith.index_cast %add3A_303 : i32 to index
          %get3A_305 = arith.constant 0 : index
          %get3A_306 = tpu.vector_load %arg11[%get3A_304, %get3A_305] {strides = array<i32>} : memref<80x64xf32, #tpu.memory_space<vmem>>, vector<1x16xf32>,
          %get3A_307 = vector.shape_cast %get3A_306 : vector<1x16xf32> to vector<16xf32>
          %get3A_308 = arith.index_cast %add3A_303 : i32 to index
          %get3A_309 = arith.constant 0 : index
          %get3A_310 = tpu.vector_load %arg13[%get3A_308, %get3A_309] {strides = array<i32>} : memref<80x64xf32, #tpu.memory_space<vmem>>, vector<1x16xf32>,
          %get3A_311 = vector.shape_cast %get3A_310 : vector<1x16xf32> to vector<16xf32>
          %add3A_312 = arith.addf %get3A_307, %get3A_311 : vector<16xf32>
          %max3A_313 = arith.constant 0.000000e+00 : f32
          %max3A_314 = vector.broadcast %max3A_313 : f32 to vector<16xf32>
          %max3A_315 = arith.maximumf %add3A_312, %max3A_314 : vector<16xf32>
          %swap3A_316 = arith.index_cast %add3A_303 : i32 to index
          %swap3A_317 = arith.constant 0 : index
          %swap3A_318 = tpu.vector_load %arg15[%swap3A_316, %swap3A_317] {strides = array<i32>} : memref<80x64xf32, #tpu.memory_space<vmem>>, vector<1x16xf32>,
          %swap3A_319 = vector.shape_cast %swap3A_318 : vector<1x16xf32> to vector<16xf32>
          %swap3A_320 = vector.shape_cast %max3A_315 : vector<16xf32> to vector<1x16xf32>
          tpu.vector_store %arg15[%swap3A_316, %swap3A_317], %swap3A_320 {strides = array<i32>} : memref<80x64xf32, #tpu.memory_space<vmem>>, vector<1x16xf32>,
          %get3A_321 = arith.index_cast %add3A_303 : i32 to index
          %get3A_322 = arith.constant 16 : index
          %get3A_323 = tpu.vector_load %arg11[%get3A_321, %get3A_322] {strides = array<i32>} : memref<80x64xf32, #tpu.memory_space<vmem>>, vector<1x16xf32>,
          %get3A_324 = vector.shape_cast %get3A_323 : vector<1x16xf32> to vector<16xf32>
          %get3A_325 = arith.index_cast %add3A_303 : i32 to index
          %get3A_326 = arith.constant 16 : index
          %get3A_327 = tpu.vector_load %arg13[%get3A_325, %get3A_326] {strides = array<i32>} : memref<80x64xf32, #tpu.memory_space<vmem>>, vector<1x16xf32>,
          %get3A_328 = vector.shape_cast %get3A_327 : vector<1x16xf32> to vector<16xf32>
          %add3A_329 = arith.addf %get3A_324, %get3A_328 : vector<16xf32>
          %max3A_330 = arith.constant 0.000000e+00 : f32
          %max3A_331 = vector.broadcast %max3A_330 : f32 to vector<16xf32>
          %max3A_332 = arith.maximumf %add3A_329, %max3A_331 : vector<16xf32>
          %swap3A_333 = arith.index_cast %add3A_303 : i32 to index
          %swap3A_334 = arith.constant 16 : index
          %swap3A_335 = tpu.vector_load %arg15[%swap3A_333, %swap3A_334] {strides = array<i32>} : memref<80x64xf32, #tpu.memory_space<vmem>>, vector<1x16xf32>,
          %swap3A_336 = vector.shape_cast %swap3A_335 : vector<1x16xf32> to vector<16xf32>
          %swap3A_337 = vector.shape_cast %max3A_332 : vector<16xf32> to vector<1x16xf32>
          tpu.vector_store %arg15[%swap3A_333, %swap3A_334], %swap3A_337 {strides = array<i32>} : memref<80x64xf32, #tpu.memory_space<vmem>>, vector<1x16xf32>,
          %get3A_338 = arith.index_cast %add3A_303 : i32 to index
          %get3A_339 = arith.constant 32 : index
          %get3A_340 = tpu.vector_load %arg11[%get3A_338, %get3A_339] {strides = array<i32>} : memref<80x64xf32, #tpu.memory_space<vmem>>, vector<1x16xf32>,
          %get3A_341 = vector.shape_cast %get3A_340 : vector<1x16xf32> to vector<16xf32>
          %get3A_342 = arith.index_cast %add3A_303 : i32 to index
          %get3A_343 = arith.constant 32 : index
          %get3A_344 = tpu.vector_load %arg13[%get3A_342, %get3A_343] {strides = array<i32>} : memref<80x64xf32, #tpu.memory_space<vmem>>, vector<1x16xf32>,
          %get3A_345 = vector.shape_cast %get3A_344 : vector<1x16xf32> to vector<16xf32>
          %add3A_346 = arith.addf %get3A_341, %get3A_345 : vector<16xf32>
          %max3A_347 = arith.constant 0.000000e+00 : f32
          %max3A_348 = vector.broadcast %max3A_347 : f32 to vector<16xf32>
          %max3A_349 = arith.maximumf %add3A_346, %max3A_348 : vector<16xf32>
          %swap3A_350 = arith.index_cast %add3A_303 : i32 to index
          %swap3A_351 = arith.constant 32 : index
          %swap3A_352 = tpu.vector_load %arg15[%swap3A_350, %swap3A_351] {strides = array<i32>} : memref<80x64xf32, #tpu.memory_space<vmem>>, vector<1x16xf32>,
          %swap3A_353 = vector.shape_cast %swap3A_352 : vector<1x16xf32> to vector<16xf32>
          %swap3A_354 = vector.shape_cast %max3A_349 : vector<16xf32> to vector<1x16xf32>
          tpu.vector_store %arg15[%swap3A_350, %swap3A_351], %swap3A_354 {strides = array<i32>} : memref<80x64xf32, #tpu.memory_space<vmem>>, vector<1x16xf32>,
          %get3A_355 = arith.index_cast %add3A_303 : i32 to index
          %get3A_356 = arith.constant 48 : index
          %get3A_357 = tpu.vector_load %arg11[%get3A_355, %get3A_356] {strides = array<i32>} : memref<80x64xf32, #tpu.memory_space<vmem>>, vector<1x16xf32>,
          %get3A_358 = vector.shape_cast %get3A_357 : vector<1x16xf32> to vector<16xf32>
          %get3A_359 = arith.index_cast %add3A_303 : i32 to index
          %get3A_360 = arith.constant 48 : index
          %get3A_361 = tpu.vector_load %arg13[%get3A_359, %get3A_360] {strides = array<i32>} : memref<80x64xf32, #tpu.memory_space<vmem>>, vector<1x16xf32>,
          %get3A_362 = vector.shape_cast %get3A_361 : vector<1x16xf32> to vector<16xf32>
          %add3A_363 = arith.addf %get3A_358, %get3A_362 : vector<16xf32>
          %max3A_364 = arith.constant 0.000000e+00 : f32
          %max3A_365 = vector.broadcast %max3A_364 : f32 to vector<16xf32>
          %max3A_366 = arith.maximumf %add3A_363, %max3A_365 : vector<16xf32>
          %swap3A_367 = arith.index_cast %add3A_303 : i32 to index
          %swap3A_368 = arith.constant 48 : index
          %swap3A_369 = tpu.vector_load %arg15[%swap3A_367, %swap3A_368] {strides = array<i32>} : memref<80x64xf32, #tpu.memory_space<vmem>>, vector<1x16xf32>,
          %swap3A_370 = vector.shape_cast %swap3A_369 : vector<1x16xf32> to vector<16xf32>
          %swap3A_371 = vector.shape_cast %max3A_366 : vector<16xf32> to vector<1x16xf32>
          tpu.vector_store %arg15[%swap3A_367, %swap3A_368], %swap3A_371 {strides = array<i32>} : memref<80x64xf32, #tpu.memory_space<vmem>>, vector<1x16xf32>,
          %scan3A_372 = arith.constant 3 : i32
          %scan3A_373 = arith.addi %scan3A_154, %scan3A_372 : i32
          %mul3A_374 = arith.constant 1 : i32
          %mul3A_375 = arith.muli %scan3A_373, %mul3A_374 : i32
          %add3A_376 = arith.constant 0 : i32
          %add3A_377 = arith.addi %add3A_376, %mul3A_375 : i32
          %get3A_378 = arith.index_cast %add3A_377 : i32 to index
          %get3A_379 = arith.constant 0 : index
          %get3A_380 = tpu.vector_load %arg11[%get3A_378, %get3A_379] {strides = array<i32>} : memref<80x64xf32, #tpu.memory_space<vmem>>, vector<1x16xf32>,
          %get3A_381 = vector.shape_cast %get3A_380 : vector<1x16xf32> to vector<16xf32>
          %get3A_382 = arith.index_cast %add3A_377 : i32 to index
          %get3A_383 = arith.constant 0 : index
          %get3A_384 = tpu.vector_load %arg13[%get3A_382, %get3A_383] {strides = array<i32>} : memref<80x64xf32, #tpu.memory_space<vmem>>, vector<1x16xf32>,
          %get3A_385 = vector.shape_cast %get3A_384 : vector<1x16xf32> to vector<16xf32>
          %add3A_386 = arith.addf %get3A_381, %get3A_385 : vector<16xf32>
          %max3A_387 = arith.constant 0.000000e+00 : f32
          %max3A_388 = vector.broadcast %max3A_387 : f32 to vector<16xf32>
          %max3A_389 = arith.maximumf %add3A_386, %max3A_388 : vector<16xf32>
          %swap3A_390 = arith.index_cast %add3A_377 : i32 to index
          %swap3A_391 = arith.constant 0 : index
          %swap3A_392 = tpu.vector_load %arg15[%swap3A_390, %swap3A_391] {strides = array<i32>} : memref<80x64xf32, #tpu.memory_space<vmem>>, vector<1x16xf32>,
          %swap3A_393 = vector.shape_cast %swap3A_392 : vector<1x16xf32> to vector<16xf32>
          %swap3A_394 = vector.shape_cast %max3A_389 : vector<16xf32> to vector<1x16xf32>
          tpu.vector_store %arg15[%swap3A_390, %swap3A_391], %swap3A_394 {strides = array<i32>} : memref<80x64xf32, #tpu.memory_space<vmem>>, vector<1x16xf32>,
          %get3A_395 = arith.index_cast %add3A_377 : i32 to index
          %get3A_396 = arith.constant 16 : index
          %get3A_397 = tpu.vector_load %arg11[%get3A_395, %get3A_396] {strides = array<i32>} : memref<80x64xf32, #tpu.memory_space<vmem>>, vector<1x16xf32>,
          %get3A_398 = vector.shape_cast %get3A_397 : vector<1x16xf32> to vector<16xf32>
          %get3A_399 = arith.index_cast %add3A_377 : i32 to index
          %get3A_400 = arith.constant 16 : index
          %get3A_401 = tpu.vector_load %arg13[%get3A_399, %get3A_400] {strides = array<i32>} : memref<80x64xf32, #tpu.memory_space<vmem>>, vector<1x16xf32>,
          %get3A_402 = vector.shape_cast %get3A_401 : vector<1x16xf32> to vector<16xf32>
          %add3A_403 = arith.addf %get3A_398, %get3A_402 : vector<16xf32>
          %max3A_404 = arith.constant 0.000000e+00 : f32
          %max3A_405 = vector.broadcast %max3A_404 : f32 to vector<16xf32>
          %max3A_406 = arith.maximumf %add3A_403, %max3A_405 : vector<16xf32>
          %swap3A_407 = arith.index_cast %add3A_377 : i32 to index
          %swap3A_408 = arith.constant 16 : index
          %swap3A_409 = tpu.vector_load %arg15[%swap3A_407, %swap3A_408] {strides = array<i32>} : memref<80x64xf32, #tpu.memory_space<vmem>>, vector<1x16xf32>,
          %swap3A_410 = vector.shape_cast %swap3A_409 : vector<1x16xf32> to vector<16xf32>
          %swap3A_411 = vector.shape_cast %max3A_406 : vector<16xf32> to vector<1x16xf32>
          tpu.vector_store %arg15[%swap3A_407, %swap3A_408], %swap3A_411 {strides = array<i32>} : memref<80x64xf32, #tpu.memory_space<vmem>>, vector<1x16xf32>,
          %get3A_412 = arith.index_cast %add3A_377 : i32 to index
          %get3A_413 = arith.constant 32 : index
          %get3A_414 = tpu.vector_load %arg11[%get3A_412, %get3A_413] {strides = array<i32>} : memref<80x64xf32, #tpu.memory_space<vmem>>, vector<1x16xf32>,
          %get3A_415 = vector.shape_cast %get3A_414 : vector<1x16xf32> to vector<16xf32>
          %get3A_416 = arith.index_cast %add3A_377 : i32 to index
          %get3A_417 = arith.constant 32 : index
          %get3A_418 = tpu.vector_load %arg13[%get3A_416, %get3A_417] {strides = array<i32>} : memref<80x64xf32, #tpu.memory_space<vmem>>, vector<1x16xf32>,
          %get3A_419 = vector.shape_cast %get3A_418 : vector<1x16xf32> to vector<16xf32>
          %add3A_420 = arith.addf %get3A_415, %get3A_419 : vector<16xf32>
          %max3A_421 = arith.constant 0.000000e+00 : f32
          %max3A_422 = vector.broadcast %max3A_421 : f32 to vector<16xf32>
          %max3A_423 = arith.maximumf %add3A_420, %max3A_422 : vector<16xf32>
          %swap3A_424 = arith.index_cast %add3A_377 : i32 to index
          %swap3A_425 = arith.constant 32 : index
          %swap3A_426 = tpu.vector_load %arg15[%swap3A_424, %swap3A_425] {strides = array<i32>} : memref<80x64xf32, #tpu.memory_space<vmem>>, vector<1x16xf32>,
          %swap3A_427 = vector.shape_cast %swap3A_426 : vector<1x16xf32> to vector<16xf32>
          %swap3A_428 = vector.shape_cast %max3A_423 : vector<16xf32> to vector<1x16xf32>
          tpu.vector_store %arg15[%swap3A_424, %swap3A_425], %swap3A_428 {strides = array<i32>} : memref<80x64xf32, #tpu.memory_space<vmem>>, vector<1x16xf32>,
          %get3A_429 = arith.index_cast %add3A_377 : i32 to index
          %get3A_430 = arith.constant 48 : index
          %get3A_431 = tpu.vector_load %arg11[%get3A_429, %get3A_430] {strides = array<i32>} : memref<80x64xf32, #tpu.memory_space<vmem>>, vector<1x16xf32>,
          %get3A_432 = vector.shape_cast %get3A_431 : vector<1x16xf32> to vector<16xf32>
          %get3A_433 = arith.index_cast %add3A_377 : i32 to index
          %get3A_434 = arith.constant 48 : index
          %get3A_435 = tpu.vector_load %arg13[%get3A_433, %get3A_434] {strides = array<i32>} : memref<80x64xf32, #tpu.memory_space<vmem>>, vector<1x16xf32>,
          %get3A_436 = vector.shape_cast %get3A_435 : vector<1x16xf32> to vector<16xf32>
          %add3A_437 = arith.addf %get3A_432, %get3A_436 : vector<16xf32>
          %max3A_438 = arith.constant 0.000000e+00 : f32
          %max3A_439 = vector.broadcast %max3A_438 : f32 to vector<16xf32>
          %max3A_440 = arith.maximumf %add3A_437, %max3A_439 : vector<16xf32>
          %swap3A_441 = arith.index_cast %add3A_377 : i32 to index
          %swap3A_442 = arith.constant 48 : index
          %swap3A_443 = tpu.vector_load %arg15[%swap3A_441, %swap3A_442] {strides = array<i32>} : memref<80x64xf32, #tpu.memory_space<vmem>>, vector<1x16xf32>,
          %swap3A_444 = vector.shape_cast %swap3A_443 : vector<1x16xf32> to vector<16xf32>
          %swap3A_445 = vector.shape_cast %max3A_440 : vector<16xf32> to vector<1x16xf32>
          tpu.vector_store %arg15[%swap3A_441, %swap3A_442], %swap3A_445 {strides = array<i32>} : memref<80x64xf32, #tpu.memory_space<vmem>>, vector<1x16xf32>,
        }
        %scan3A_147 = arith.constant 80 : i32
        %dma_start3A_148 = arith.constant 0 : i32
        %dma_start3A_149 = tpu.memref_slice %arg9[%add3A_85, %dma_start3A_148] : memref<125x80xi32, #tpu.memory_space<vmem>> -> memref<1x80xi32, #tpu.memory_space<vmem>>
        %dma_start3A_150 = tpu.memref_squeeze %dma_start3A_149 : memref<1x80xi32, #tpu.memory_space<vmem>> -> memref<80xi32, #tpu.memory_space<vmem>>
        %dma_start3A_151 = arith.constant 0 : i32
        %dma_start3A_152 = arith.constant 0 : i32
        %dma_start3A_153 = tpu.memref_slice %arg7[%dma_start3A_151, %dma_start3A_152] : memref<10240x64xf32, #tpu.memory_space<vmem_shared>> -> memref<10240x64xf32, #tpu.memory_space<vmem_shared>>
        tpu.enqueue_indirect_dma source(%arg15 : memref<80x64xf32, #tpu.memory_space<vmem>>) target(%dma_start3A_153 : memref<10240x64xf32, #tpu.memory_space<vmem_shared>>) offsets(%dma_start3A_150 : memref<80xi32, #tpu.memory_space<vmem>>) semaphore(%arg22 : memref<!tpu.dma_semaphore, #tpu.memory_space<semaphore_mem>>) {add = true}
      } else {
      }
    }
    %scan3A_60 = arith.constant 125 : i32
    %dma_wait3A_61 = arith.constant 123 : i32
    %dma_wait3A_62 = arith.constant 0 : i32
    %dma_wait3A_63 = tpu.memref_slice %arg9[%dma_wait3A_61, %dma_wait3A_62] : memref<125x80xi32, #tpu.memory_space<vmem>> -> memref<1x80xi32, #tpu.memory_space<vmem>>
    %dma_wait3A_64 = tpu.memref_squeeze %dma_wait3A_63 : memref<1x80xi32, #tpu.memory_space<vmem>> -> memref<80xi32, #tpu.memory_space<vmem>>
    %dma_wait3A_65 = arith.constant 0 : i32
    %dma_wait3A_66 = arith.constant 0 : i32
    %dma_wait3A_67 = tpu.memref_slice %arg7[%dma_wait3A_65, %dma_wait3A_66] : memref<10240x64xf32, #tpu.memory_space<vmem_shared>> -> memref<10240x64xf32, #tpu.memory_space<vmem_shared>>
    tpu.wait_indirect_dma semaphore(%arg22 : memref<!tpu.dma_semaphore, #tpu.memory_space<semaphore_mem>>) src(%arg15 : memref<80x64xf32, #tpu.memory_space<vmem>>) dst(%dma_wait3A_67 : memref<10240x64xf32, #tpu.memory_space<vmem_shared>>)
    %dma_wait3A_68 = arith.constant 124 : i32
    %dma_wait3A_69 = arith.constant 0 : i32
    %dma_wait3A_70 = tpu.memref_slice %arg9[%dma_wait3A_68, %dma_wait3A_69] : memref<125x80xi32, #tpu.memory_space<vmem>> -> memref<1x80xi32, #tpu.memory_space<vmem>>
    %dma_wait3A_71 = tpu.memref_squeeze %dma_wait3A_70 : memref<1x80xi32, #tpu.memory_space<vmem>> -> memref<80xi32, #tpu.memory_space<vmem>>
    %dma_wait3A_72 = arith.constant 0 : i32
    %dma_wait3A_73 = arith.constant 0 : i32
    %dma_wait3A_74 = tpu.memref_slice %arg7[%dma_wait3A_72, %dma_wait3A_73] : memref<10240x64xf32, #tpu.memory_space<vmem_shared>> -> memref<10240x64xf32, #tpu.memory_space<vmem_shared>>
    tpu.wait_indirect_dma semaphore(%arg21 : memref<!tpu.dma_semaphore, #tpu.memory_space<semaphore_mem>>) src(%arg14 : memref<80x64xf32, #tpu.memory_space<vmem>>) dst(%dma_wait3A_74 : memref<10240x64xf32, #tpu.memory_space<vmem_shared>>)
    %barrier3A_75 = arith.constant 0 : index
    tpu.barrier barrier_id(%barrier3A_75)
    %scan3A_76 = arith.constant 0 : i32
    %scan3A_77 = arith.constant 5 : i32
    %scan3A_78 = arith.addi %scan3A_76, %scan3A_77 : i32
    %scan3A_79 = arith.constant 1 : i32
    scf.for %scan3A_81 = %scan3A_76 to %scan3A_78 step %scan3A_79  : i32 {
      %mul3A_82 = arith.constant 1 : i32
      %mul3A_83 = arith.muli %scan3A_81, %mul3A_82 : i32
      %add3A_84 = arith.constant 0 : i32
      %add3A_85 = arith.addi %add3A_84, %mul3A_83 : i32
      %mul3A_86 = arith.constant 640 : i32
      %mul3A_87 = arith.muli %arg1, %mul3A_86 : i32
      %mul3A_88 = arith.constant 128 : i32
      %mul3A_89 = arith.muli %add3A_85, %mul3A_88 : i32
      %add3A_90 = arith.addi %mul3A_87, %mul3A_89 : i32
      "tpu.region"() ({
        %run_scoped3A = tpu.sem_alloc : memref<!tpu.dma_semaphore, #tpu.memory_space<semaphore_mem>>
        %dma_start3A_91 = arith.constant 0 : i32
        %dma_start3A_92 = tpu.memref_slice %arg7[%add3A_90, %dma_start3A_91] : memref<10240x64xf32, #tpu.memory_space<vmem_shared>> -> memref<128x64xf32, #tpu.memory_space<vmem_shared>>
        %dma_start3A_93 = arith.constant 0 : i32
        %dma_start3A_94 = tpu.memref_slice %arg7[%add3A_90, %dma_start3A_93] : memref<10240x64xf32, #tpu.memory_space<vmem_shared>> -> memref<128x64xf32, #tpu.memory_space<vmem_shared>>
        tpu.enqueue_dma source(%dma_start3A_94 : memref<128x64xf32, #tpu.memory_space<vmem_shared>>) target(%arg16 : memref<128x64xf32, #tpu.memory_space<vmem>>) target_semaphore(%run_scoped3A : memref<!tpu.dma_semaphore, #tpu.memory_space<semaphore_mem>>)
        %dma_wait3A_95 = arith.constant 0 : i32
        %dma_wait3A_96 = tpu.memref_slice %arg7[%add3A_90, %dma_wait3A_95] : memref<10240x64xf32, #tpu.memory_space<vmem_shared>> -> memref<128x64xf32, #tpu.memory_space<vmem_shared>>
        %dma_wait3A_97 = arith.constant 0 : i32
        %dma_wait3A_98 = tpu.memref_slice %arg7[%add3A_90, %dma_wait3A_97] : memref<10240x64xf32, #tpu.memory_space<vmem_shared>> -> memref<128x64xf32, #tpu.memory_space<vmem_shared>>
        tpu.wait_dma2 semaphore(%run_scoped3A : memref<!tpu.dma_semaphore, #tpu.memory_space<semaphore_mem>>) src(%dma_wait3A_98 : memref<128x64xf32, #tpu.memory_space<vmem_shared>>) dst(%arg16 : memref<128x64xf32, #tpu.memory_space<vmem>>)
        tpu.yield
      }) : () -> ()
      "tpu.region"() ({
        %run_scoped3A = tpu.sem_alloc : memref<!tpu.dma_semaphore, #tpu.memory_space<semaphore_mem>>
        %dma_start3A_91 = arith.constant 0 : i32
        %dma_start3A_92 = tpu.memref_slice %arg6[%arg0, %add3A_90, %dma_start3A_91] : memref<2x10240x64xf32, #tpu.memory_space<hbm>> -> memref<1x128x64xf32, #tpu.memory_space<hbm>>
        %dma_start3A_93 = tpu.memref_squeeze %dma_start3A_92 : memref<1x128x64xf32, #tpu.memory_space<hbm>> -> memref<128x64xf32, #tpu.memory_space<hbm>>
        %dma_start3A_94 = arith.constant 0 : i32
        %dma_start3A_95 = tpu.memref_slice %arg6[%arg0, %add3A_90, %dma_start3A_94] : memref<2x10240x64xf32, #tpu.memory_space<hbm>> -> memref<1x128x64xf32, #tpu.memory_space<hbm>>
        %dma_start3A_96 = tpu.memref_squeeze %dma_start3A_95 : memref<1x128x64xf32, #tpu.memory_space<hbm>> -> memref<128x64xf32, #tpu.memory_space<hbm>>
        tpu.enqueue_dma source(%arg16 : memref<128x64xf32, #tpu.memory_space<vmem>>) target(%dma_start3A_96 : memref<128x64xf32, #tpu.memory_space<hbm>>) target_semaphore(%run_scoped3A : memref<!tpu.dma_semaphore, #tpu.memory_space<semaphore_mem>>)
        %dma_wait3A_97 = arith.constant 0 : i32
        %dma_wait3A_98 = tpu.memref_slice %arg6[%arg0, %add3A_90, %dma_wait3A_97] : memref<2x10240x64xf32, #tpu.memory_space<hbm>> -> memref<1x128x64xf32, #tpu.memory_space<hbm>>
        %dma_wait3A_99 = tpu.memref_squeeze %dma_wait3A_98 : memref<1x128x64xf32, #tpu.memory_space<hbm>> -> memref<128x64xf32, #tpu.memory_space<hbm>>
        %dma_wait3A_100 = arith.constant 0 : i32
        %dma_wait3A_101 = tpu.memref_slice %arg6[%arg0, %add3A_90, %dma_wait3A_100] : memref<2x10240x64xf32, #tpu.memory_space<hbm>> -> memref<1x128x64xf32, #tpu.memory_space<hbm>>
        %dma_wait3A_102 = tpu.memref_squeeze %dma_wait3A_101 : memref<1x128x64xf32, #tpu.memory_space<hbm>> -> memref<128x64xf32, #tpu.memory_space<hbm>>
        tpu.wait_dma2 semaphore(%run_scoped3A : memref<!tpu.dma_semaphore, #tpu.memory_space<semaphore_mem>>) src(%arg16 : memref<128x64xf32, #tpu.memory_space<vmem>>) dst(%dma_wait3A_102 : memref<128x64xf32, #tpu.memory_space<hbm>>)
        tpu.yield
      }) : () -> ()
    }
    %scan3A_80 = arith.constant 5 : i32
    return
  }
}

#map = affine_map<(d0, d1) -> (0, 0)>
#map1 = affine_map<(d0, d1) -> (0, 0, 0)>
module attributes {stable_mosaic.version = 14 : i64} {
  func.func @_sc_layer(%arg0: i32, %arg1: i32, %arg2: memref<10000x64xf32, #tpu.memory_space<hbm>>, %arg3: memref<320000x64xf32, #tpu.memory_space<hbm>>, %arg4: memref<32x125x80xi32, #tpu.memory_space<hbm>>, %arg5: memref<32x125x80xi32, #tpu.memory_space<hbm>>, %arg6: memref<2x10240x64xf32, #tpu.memory_space<hbm>>, %arg7: memref<10240x64xf32, #tpu.memory_space<vmem_shared>>, %arg8: memref<125x80xi32, #tpu.memory_space<vmem>>, %arg9: memref<125x80xi32, #tpu.memory_space<vmem>>, %arg10: memref<80x64xf32, #tpu.memory_space<vmem>>, %arg11: memref<80x64xf32, #tpu.memory_space<vmem>>, %arg12: memref<80x64xf32, #tpu.memory_space<vmem>>, %arg13: memref<80x64xf32, #tpu.memory_space<vmem>>, %arg14: memref<80x64xf32, #tpu.memory_space<vmem>>, %arg15: memref<80x64xf32, #tpu.memory_space<vmem>>, %arg16: memref<128x64xf32, #tpu.memory_space<vmem>>, %arg17: memref<!tpu.dma_semaphore, #tpu.memory_space<semaphore_mem>>, %arg18: memref<!tpu.dma_semaphore, #tpu.memory_space<semaphore_mem>>, %arg19: memref<!tpu.dma_semaphore, #tpu.memory_space<semaphore_mem>>, %arg20: memref<!tpu.dma_semaphore, #tpu.memory_space<semaphore_mem>>, %arg21: memref<!tpu.dma_semaphore, #tpu.memory_space<semaphore_mem>>, %arg22: memref<!tpu.dma_semaphore, #tpu.memory_space<semaphore_mem>>) attributes {dimension_semantics = [#tpu.dimension_semantics<core_parallel>, #tpu.dimension_semantics<subcore_parallel>], iteration_bounds = array<i64: 2, 16>, scalar_prefetch = 0 : i64, scratch_operands = 16 : i64, tpu.core_type = #tpu.core_type<sc_vector_subcore>, window_params = [{transform_indices = #map}, {transform_indices = #map}, {transform_indices = #map1}, {transform_indices = #map1}, {transform_indices = #map1}]} {
    %mul3A = arith.constant 16 : i32
    %mul3A_0 = arith.muli %arg0, %mul3A : i32
    %add3A = arith.addi %mul3A_0, %arg1 : i32
    %broadcast_in_dim3A = arith.constant 0.000000e+00 : f32
    %broadcast_in_dim3A_1 = vector.broadcast %broadcast_in_dim3A : f32 to vector<16xf32>
    %scan3A = arith.constant 0 : i32
    %scan3A_2 = arith.constant 128 : i32
    %scan3A_3 = arith.addi %scan3A, %scan3A_2 : i32
    %scan3A_4 = arith.constant 4 : i32
    scf.for %scan3A_81 = %scan3A to %scan3A_3 step %scan3A_4  : i32 {
      %mul3A_82 = arith.constant 1 : i32
      %mul3A_83 = arith.muli %scan3A_81, %mul3A_82 : i32
      %add3A_84 = arith.constant 0 : i32
      %add3A_85 = arith.addi %add3A_84, %mul3A_83 : i32
      %swap3A = arith.index_cast %add3A_85 : i32 to index
      %swap3A_86 = arith.constant 0 : index
      %swap3A_87 = tpu.vector_load %arg16[%swap3A, %swap3A_86] {strides = array<i32>} : memref<128x64xf32, #tpu.memory_space<vmem>>, vector<1x16xf32>,
      %swap3A_88 = vector.shape_cast %swap3A_87 : vector<1x16xf32> to vector<16xf32>
      %swap3A_89 = vector.shape_cast %broadcast_in_dim3A_1 : vector<16xf32> to vector<1x16xf32>
      tpu.vector_store %arg16[%swap3A, %swap3A_86], %swap3A_89 {strides = array<i32>} : memref<128x64xf32, #tpu.memory_space<vmem>>, vector<1x16xf32>,
      %swap3A_90 = arith.index_cast %add3A_85 : i32 to index
      %swap3A_91 = arith.constant 16 : index
      %swap3A_92 = tpu.vector_load %arg16[%swap3A_90, %swap3A_91] {strides = array<i32>} : memref<128x64xf32, #tpu.memory_space<vmem>>, vector<1x16xf32>,
      %swap3A_93 = vector.shape_cast %swap3A_92 : vector<1x16xf32> to vector<16xf32>
      %swap3A_94 = vector.shape_cast %broadcast_in_dim3A_1 : vector<16xf32> to vector<1x16xf32>
      tpu.vector_store %arg16[%swap3A_90, %swap3A_91], %swap3A_94 {strides = array<i32>} : memref<128x64xf32, #tpu.memory_space<vmem>>, vector<1x16xf32>,
      %swap3A_95 = arith.index_cast %add3A_85 : i32 to index
      %swap3A_96 = arith.constant 32 : index
      %swap3A_97 = tpu.vector_load %arg16[%swap3A_95, %swap3A_96] {strides = array<i32>} : memref<128x64xf32, #tpu.memory_space<vmem>>, vector<1x16xf32>,
      %swap3A_98 = vector.shape_cast %swap3A_97 : vector<1x16xf32> to vector<16xf32>
      %swap3A_99 = vector.shape_cast %broadcast_in_dim3A_1 : vector<16xf32> to vector<1x16xf32>
      tpu.vector_store %arg16[%swap3A_95, %swap3A_96], %swap3A_99 {strides = array<i32>} : memref<128x64xf32, #tpu.memory_space<vmem>>, vector<1x16xf32>,
      %swap3A_100 = arith.index_cast %add3A_85 : i32 to index
      %swap3A_101 = arith.constant 48 : index
      %swap3A_102 = tpu.vector_load %arg16[%swap3A_100, %swap3A_101] {strides = array<i32>} : memref<128x64xf32, #tpu.memory_space<vmem>>, vector<1x16xf32>,
      %swap3A_103 = vector.shape_cast %swap3A_102 : vector<1x16xf32> to vector<16xf32>
      %swap3A_104 = vector.shape_cast %broadcast_in_dim3A_1 : vector<16xf32> to vector<1x16xf32>
      tpu.vector_store %arg16[%swap3A_100, %swap3A_101], %swap3A_104 {strides = array<i32>} : memref<128x64xf32, #tpu.memory_space<vmem>>, vector<1x16xf32>,
      %scan3A_105 = arith.constant 1 : i32
      %scan3A_106 = arith.addi %scan3A_81, %scan3A_105 : i32
      %mul3A_107 = arith.constant 1 : i32
      %mul3A_108 = arith.muli %scan3A_106, %mul3A_107 : i32
      %add3A_109 = arith.constant 0 : i32
      %add3A_110 = arith.addi %add3A_109, %mul3A_108 : i32
      %swap3A_111 = arith.index_cast %add3A_110 : i32 to index
      %swap3A_112 = arith.constant 0 : index
      %swap3A_113 = tpu.vector_load %arg16[%swap3A_111, %swap3A_112] {strides = array<i32>} : memref<128x64xf32, #tpu.memory_space<vmem>>, vector<1x16xf32>,
      %swap3A_114 = vector.shape_cast %swap3A_113 : vector<1x16xf32> to vector<16xf32>
      %swap3A_115 = vector.shape_cast %broadcast_in_dim3A_1 : vector<16xf32> to vector<1x16xf32>
      tpu.vector_store %arg16[%swap3A_111, %swap3A_112], %swap3A_115 {strides = array<i32>} : memref<128x64xf32, #tpu.memory_space<vmem>>, vector<1x16xf32>,
      %swap3A_116 = arith.index_cast %add3A_110 : i32 to index
      %swap3A_117 = arith.constant 16 : index
      %swap3A_118 = tpu.vector_load %arg16[%swap3A_116, %swap3A_117] {strides = array<i32>} : memref<128x64xf32, #tpu.memory_space<vmem>>, vector<1x16xf32>,
      %swap3A_119 = vector.shape_cast %swap3A_118 : vector<1x16xf32> to vector<16xf32>
      %swap3A_120 = vector.shape_cast %broadcast_in_dim3A_1 : vector<16xf32> to vector<1x16xf32>
      tpu.vector_store %arg16[%swap3A_116, %swap3A_117], %swap3A_120 {strides = array<i32>} : memref<128x64xf32, #tpu.memory_space<vmem>>, vector<1x16xf32>,
      %swap3A_121 = arith.index_cast %add3A_110 : i32 to index
      %swap3A_122 = arith.constant 32 : index
      %swap3A_123 = tpu.vector_load %arg16[%swap3A_121, %swap3A_122] {strides = array<i32>} : memref<128x64xf32, #tpu.memory_space<vmem>>, vector<1x16xf32>,
      %swap3A_124 = vector.shape_cast %swap3A_123 : vector<1x16xf32> to vector<16xf32>
      %swap3A_125 = vector.shape_cast %broadcast_in_dim3A_1 : vector<16xf32> to vector<1x16xf32>
      tpu.vector_store %arg16[%swap3A_121, %swap3A_122], %swap3A_125 {strides = array<i32>} : memref<128x64xf32, #tpu.memory_space<vmem>>, vector<1x16xf32>,
      %swap3A_126 = arith.index_cast %add3A_110 : i32 to index
      %swap3A_127 = arith.constant 48 : index
      %swap3A_128 = tpu.vector_load %arg16[%swap3A_126, %swap3A_127] {strides = array<i32>} : memref<128x64xf32, #tpu.memory_space<vmem>>, vector<1x16xf32>,
      %swap3A_129 = vector.shape_cast %swap3A_128 : vector<1x16xf32> to vector<16xf32>
      %swap3A_130 = vector.shape_cast %broadcast_in_dim3A_1 : vector<16xf32> to vector<1x16xf32>
      tpu.vector_store %arg16[%swap3A_126, %swap3A_127], %swap3A_130 {strides = array<i32>} : memref<128x64xf32, #tpu.memory_space<vmem>>, vector<1x16xf32>,
      %scan3A_131 = arith.constant 2 : i32
      %scan3A_132 = arith.addi %scan3A_81, %scan3A_131 : i32
      %mul3A_133 = arith.constant 1 : i32
      %mul3A_134 = arith.muli %scan3A_132, %mul3A_133 : i32
      %add3A_135 = arith.constant 0 : i32
      %add3A_136 = arith.addi %add3A_135, %mul3A_134 : i32
      %swap3A_137 = arith.index_cast %add3A_136 : i32 to index
      %swap3A_138 = arith.constant 0 : index
      %swap3A_139 = tpu.vector_load %arg16[%swap3A_137, %swap3A_138] {strides = array<i32>} : memref<128x64xf32, #tpu.memory_space<vmem>>, vector<1x16xf32>,
      %swap3A_140 = vector.shape_cast %swap3A_139 : vector<1x16xf32> to vector<16xf32>
      %swap3A_141 = vector.shape_cast %broadcast_in_dim3A_1 : vector<16xf32> to vector<1x16xf32>
      tpu.vector_store %arg16[%swap3A_137, %swap3A_138], %swap3A_141 {strides = array<i32>} : memref<128x64xf32, #tpu.memory_space<vmem>>, vector<1x16xf32>,
      %swap3A_142 = arith.index_cast %add3A_136 : i32 to index
      %swap3A_143 = arith.constant 16 : index
      %swap3A_144 = tpu.vector_load %arg16[%swap3A_142, %swap3A_143] {strides = array<i32>} : memref<128x64xf32, #tpu.memory_space<vmem>>, vector<1x16xf32>,
      %swap3A_145 = vector.shape_cast %swap3A_144 : vector<1x16xf32> to vector<16xf32>
      %swap3A_146 = vector.shape_cast %broadcast_in_dim3A_1 : vector<16xf32> to vector<1x16xf32>
      tpu.vector_store %arg16[%swap3A_142, %swap3A_143], %swap3A_146 {strides = array<i32>} : memref<128x64xf32, #tpu.memory_space<vmem>>, vector<1x16xf32>,
      %swap3A_147 = arith.index_cast %add3A_136 : i32 to index
      %swap3A_148 = arith.constant 32 : index
      %swap3A_149 = tpu.vector_load %arg16[%swap3A_147, %swap3A_148] {strides = array<i32>} : memref<128x64xf32, #tpu.memory_space<vmem>>, vector<1x16xf32>,
      %swap3A_150 = vector.shape_cast %swap3A_149 : vector<1x16xf32> to vector<16xf32>
      %swap3A_151 = vector.shape_cast %broadcast_in_dim3A_1 : vector<16xf32> to vector<1x16xf32>
      tpu.vector_store %arg16[%swap3A_147, %swap3A_148], %swap3A_151 {strides = array<i32>} : memref<128x64xf32, #tpu.memory_space<vmem>>, vector<1x16xf32>,
      %swap3A_152 = arith.index_cast %add3A_136 : i32 to index
      %swap3A_153 = arith.constant 48 : index
      %swap3A_154 = tpu.vector_load %arg16[%swap3A_152, %swap3A_153] {strides = array<i32>} : memref<128x64xf32, #tpu.memory_space<vmem>>, vector<1x16xf32>,
      %swap3A_155 = vector.shape_cast %swap3A_154 : vector<1x16xf32> to vector<16xf32>
      %swap3A_156 = vector.shape_cast %broadcast_in_dim3A_1 : vector<16xf32> to vector<1x16xf32>
      tpu.vector_store %arg16[%swap3A_152, %swap3A_153], %swap3A_156 {strides = array<i32>} : memref<128x64xf32, #tpu.memory_space<vmem>>, vector<1x16xf32>,
      %scan3A_157 = arith.constant 3 : i32
      %scan3A_158 = arith.addi %scan3A_81, %scan3A_157 : i32
      %mul3A_159 = arith.constant 1 : i32
      %mul3A_160 = arith.muli %scan3A_158, %mul3A_159 : i32
      %add3A_161 = arith.constant 0 : i32
      %add3A_162 = arith.addi %add3A_161, %mul3A_160 : i32
      %swap3A_163 = arith.index_cast %add3A_162 : i32 to index
      %swap3A_164 = arith.constant 0 : index
      %swap3A_165 = tpu.vector_load %arg16[%swap3A_163, %swap3A_164] {strides = array<i32>} : memref<128x64xf32, #tpu.memory_space<vmem>>, vector<1x16xf32>,
      %swap3A_166 = vector.shape_cast %swap3A_165 : vector<1x16xf32> to vector<16xf32>
      %swap3A_167 = vector.shape_cast %broadcast_in_dim3A_1 : vector<16xf32> to vector<1x16xf32>
      tpu.vector_store %arg16[%swap3A_163, %swap3A_164], %swap3A_167 {strides = array<i32>} : memref<128x64xf32, #tpu.memory_space<vmem>>, vector<1x16xf32>,
      %swap3A_168 = arith.index_cast %add3A_162 : i32 to index
      %swap3A_169 = arith.constant 16 : index
      %swap3A_170 = tpu.vector_load %arg16[%swap3A_168, %swap3A_169] {strides = array<i32>} : memref<128x64xf32, #tpu.memory_space<vmem>>, vector<1x16xf32>,
      %swap3A_171 = vector.shape_cast %swap3A_170 : vector<1x16xf32> to vector<16xf32>
      %swap3A_172 = vector.shape_cast %broadcast_in_dim3A_1 : vector<16xf32> to vector<1x16xf32>
      tpu.vector_store %arg16[%swap3A_168, %swap3A_169], %swap3A_172 {strides = array<i32>} : memref<128x64xf32, #tpu.memory_space<vmem>>, vector<1x16xf32>,
      %swap3A_173 = arith.index_cast %add3A_162 : i32 to index
      %swap3A_174 = arith.constant 32 : index
      %swap3A_175 = tpu.vector_load %arg16[%swap3A_173, %swap3A_174] {strides = array<i32>} : memref<128x64xf32, #tpu.memory_space<vmem>>, vector<1x16xf32>,
      %swap3A_176 = vector.shape_cast %swap3A_175 : vector<1x16xf32> to vector<16xf32>
      %swap3A_177 = vector.shape_cast %broadcast_in_dim3A_1 : vector<16xf32> to vector<1x16xf32>
      tpu.vector_store %arg16[%swap3A_173, %swap3A_174], %swap3A_177 {strides = array<i32>} : memref<128x64xf32, #tpu.memory_space<vmem>>, vector<1x16xf32>,
      %swap3A_178 = arith.index_cast %add3A_162 : i32 to index
      %swap3A_179 = arith.constant 48 : index
      %swap3A_180 = tpu.vector_load %arg16[%swap3A_178, %swap3A_179] {strides = array<i32>} : memref<128x64xf32, #tpu.memory_space<vmem>>, vector<1x16xf32>,
      %swap3A_181 = vector.shape_cast %swap3A_180 : vector<1x16xf32> to vector<16xf32>
      %swap3A_182 = vector.shape_cast %broadcast_in_dim3A_1 : vector<16xf32> to vector<1x16xf32>
      tpu.vector_store %arg16[%swap3A_178, %swap3A_179], %swap3A_182 {strides = array<i32>} : memref<128x64xf32, #tpu.memory_space<vmem>>, vector<1x16xf32>,
    }
    %scan3A_5 = arith.constant 128 : i32
    %scan3A_6 = arith.constant 0 : i32
    %scan3A_7 = arith.constant 5 : i32
    %scan3A_8 = arith.addi %scan3A_6, %scan3A_7 : i32
    %scan3A_9 = arith.constant 1 : i32
    scf.for %scan3A_81 = %scan3A_6 to %scan3A_8 step %scan3A_9  : i32 {
      %mul3A_82 = arith.constant 1 : i32
      %mul3A_83 = arith.muli %scan3A_81, %mul3A_82 : i32
      %add3A_84 = arith.constant 0 : i32
      %add3A_85 = arith.addi %add3A_84, %mul3A_83 : i32
      %mul3A_86 = arith.constant 640 : i32
      %mul3A_87 = arith.muli %arg1, %mul3A_86 : i32
      %mul3A_88 = arith.constant 128 : i32
      %mul3A_89 = arith.muli %add3A_85, %mul3A_88 : i32
      %add3A_90 = arith.addi %mul3A_87, %mul3A_89 : i32
      "tpu.region"() ({
        %run_scoped3A = tpu.sem_alloc : memref<!tpu.dma_semaphore, #tpu.memory_space<semaphore_mem>>
        %dma_start3A_91 = arith.constant 0 : i32
        %dma_start3A_92 = tpu.memref_slice %arg7[%add3A_90, %dma_start3A_91] : memref<10240x64xf32, #tpu.memory_space<vmem_shared>> -> memref<128x64xf32, #tpu.memory_space<vmem_shared>>
        %dma_start3A_93 = arith.constant 0 : i32
        %dma_start3A_94 = tpu.memref_slice %arg7[%add3A_90, %dma_start3A_93] : memref<10240x64xf32, #tpu.memory_space<vmem_shared>> -> memref<128x64xf32, #tpu.memory_space<vmem_shared>>
        tpu.enqueue_dma source(%arg16 : memref<128x64xf32, #tpu.memory_space<vmem>>) target(%dma_start3A_94 : memref<128x64xf32, #tpu.memory_space<vmem_shared>>) target_semaphore(%run_scoped3A : memref<!tpu.dma_semaphore, #tpu.memory_space<semaphore_mem>>)
        %dma_wait3A_95 = arith.constant 0 : i32
        %dma_wait3A_96 = tpu.memref_slice %arg7[%add3A_90, %dma_wait3A_95] : memref<10240x64xf32, #tpu.memory_space<vmem_shared>> -> memref<128x64xf32, #tpu.memory_space<vmem_shared>>
        %dma_wait3A_97 = arith.constant 0 : i32
        %dma_wait3A_98 = tpu.memref_slice %arg7[%add3A_90, %dma_wait3A_97] : memref<10240x64xf32, #tpu.memory_space<vmem_shared>> -> memref<128x64xf32, #tpu.memory_space<vmem_shared>>
        tpu.wait_dma2 semaphore(%run_scoped3A : memref<!tpu.dma_semaphore, #tpu.memory_space<semaphore_mem>>) src(%arg16 : memref<128x64xf32, #tpu.memory_space<vmem>>) dst(%dma_wait3A_98 : memref<128x64xf32, #tpu.memory_space<vmem_shared>>)
        tpu.yield
      }) : () -> ()
    }
    %scan3A_10 = arith.constant 5 : i32
    %dma_start3A = arith.constant 0 : i32
    %dma_start3A_11 = arith.constant 0 : i32
    %dma_start3A_12 = tpu.memref_slice %arg4[%add3A, %dma_start3A, %dma_start3A_11] : memref<32x125x80xi32, #tpu.memory_space<hbm>> -> memref<1x125x80xi32, #tpu.memory_space<hbm>>
    %dma_start3A_13 = tpu.memref_squeeze %dma_start3A_12 : memref<1x125x80xi32, #tpu.memory_space<hbm>> -> memref<125x80xi32, #tpu.memory_space<hbm>>
    %dma_start3A_14 = arith.constant 0 : i32
    %dma_start3A_15 = arith.constant 0 : i32
    %dma_start3A_16 = tpu.memref_slice %arg4[%add3A, %dma_start3A_14, %dma_start3A_15] : memref<32x125x80xi32, #tpu.memory_space<hbm>> -> memref<1x125x80xi32, #tpu.memory_space<hbm>>
    %dma_start3A_17 = tpu.memref_squeeze %dma_start3A_16 : memref<1x125x80xi32, #tpu.memory_space<hbm>> -> memref<125x80xi32, #tpu.memory_space<hbm>>
    tpu.enqueue_dma source(%dma_start3A_17 : memref<125x80xi32, #tpu.memory_space<hbm>>) target(%arg8 : memref<125x80xi32, #tpu.memory_space<vmem>>) target_semaphore(%arg17 : memref<!tpu.dma_semaphore, #tpu.memory_space<semaphore_mem>>)
    %dma_start3A_18 = arith.constant 0 : i32
    %dma_start3A_19 = arith.constant 0 : i32
    %dma_start3A_20 = tpu.memref_slice %arg5[%add3A, %dma_start3A_18, %dma_start3A_19] : memref<32x125x80xi32, #tpu.memory_space<hbm>> -> memref<1x125x80xi32, #tpu.memory_space<hbm>>
    %dma_start3A_21 = tpu.memref_squeeze %dma_start3A_20 : memref<1x125x80xi32, #tpu.memory_space<hbm>> -> memref<125x80xi32, #tpu.memory_space<hbm>>
    %dma_start3A_22 = arith.constant 0 : i32
    %dma_start3A_23 = arith.constant 0 : i32
    %dma_start3A_24 = tpu.memref_slice %arg5[%add3A, %dma_start3A_22, %dma_start3A_23] : memref<32x125x80xi32, #tpu.memory_space<hbm>> -> memref<1x125x80xi32, #tpu.memory_space<hbm>>
    %dma_start3A_25 = tpu.memref_squeeze %dma_start3A_24 : memref<1x125x80xi32, #tpu.memory_space<hbm>> -> memref<125x80xi32, #tpu.memory_space<hbm>>
    tpu.enqueue_dma source(%dma_start3A_25 : memref<125x80xi32, #tpu.memory_space<hbm>>) target(%arg9 : memref<125x80xi32, #tpu.memory_space<vmem>>) target_semaphore(%arg19 : memref<!tpu.dma_semaphore, #tpu.memory_space<semaphore_mem>>)
    %dma_wait3A = arith.constant 0 : i32
    %dma_wait3A_26 = arith.constant 0 : i32
    %dma_wait3A_27 = tpu.memref_slice %arg4[%add3A, %dma_wait3A, %dma_wait3A_26] : memref<32x125x80xi32, #tpu.memory_space<hbm>> -> memref<1x125x80xi32, #tpu.memory_space<hbm>>
    %dma_wait3A_28 = tpu.memref_squeeze %dma_wait3A_27 : memref<1x125x80xi32, #tpu.memory_space<hbm>> -> memref<125x80xi32, #tpu.memory_space<hbm>>
    %dma_wait3A_29 = arith.constant 0 : i32
    %dma_wait3A_30 = arith.constant 0 : i32
    %dma_wait3A_31 = tpu.memref_slice %arg4[%add3A, %dma_wait3A_29, %dma_wait3A_30] : memref<32x125x80xi32, #tpu.memory_space<hbm>> -> memref<1x125x80xi32, #tpu.memory_space<hbm>>
    %dma_wait3A_32 = tpu.memref_squeeze %dma_wait3A_31 : memref<1x125x80xi32, #tpu.memory_space<hbm>> -> memref<125x80xi32, #tpu.memory_space<hbm>>
    tpu.wait_dma2 semaphore(%arg17 : memref<!tpu.dma_semaphore, #tpu.memory_space<semaphore_mem>>) src(%dma_wait3A_32 : memref<125x80xi32, #tpu.memory_space<hbm>>) dst(%arg8 : memref<125x80xi32, #tpu.memory_space<vmem>>)
    %dma_wait3A_33 = arith.constant 0 : i32
    %dma_wait3A_34 = arith.constant 0 : i32
    %dma_wait3A_35 = tpu.memref_slice %arg5[%add3A, %dma_wait3A_33, %dma_wait3A_34] : memref<32x125x80xi32, #tpu.memory_space<hbm>> -> memref<1x125x80xi32, #tpu.memory_space<hbm>>
    %dma_wait3A_36 = tpu.memref_squeeze %dma_wait3A_35 : memref<1x125x80xi32, #tpu.memory_space<hbm>> -> memref<125x80xi32, #tpu.memory_space<hbm>>
    %dma_wait3A_37 = arith.constant 0 : i32
    %dma_wait3A_38 = arith.constant 0 : i32
    %dma_wait3A_39 = tpu.memref_slice %arg5[%add3A, %dma_wait3A_37, %dma_wait3A_38] : memref<32x125x80xi32, #tpu.memory_space<hbm>> -> memref<1x125x80xi32, #tpu.memory_space<hbm>>
    %dma_wait3A_40 = tpu.memref_squeeze %dma_wait3A_39 : memref<1x125x80xi32, #tpu.memory_space<hbm>> -> memref<125x80xi32, #tpu.memory_space<hbm>>
    tpu.wait_dma2 semaphore(%arg19 : memref<!tpu.dma_semaphore, #tpu.memory_space<semaphore_mem>>) src(%dma_wait3A_40 : memref<125x80xi32, #tpu.memory_space<hbm>>) dst(%arg9 : memref<125x80xi32, #tpu.memory_space<vmem>>)
    %barrier3A = arith.constant 0 : index
    tpu.barrier barrier_id(%barrier3A)
    %mul3A_41 = arith.constant 10000 : i32
    %mul3A_42 = arith.muli %add3A, %mul3A_41 : i32
    %dma_start3A_43 = arith.constant 0 : i32
    %dma_start3A_44 = arith.constant 0 : i32
    %dma_start3A_45 = tpu.memref_slice %arg8[%dma_start3A_43, %dma_start3A_44] : memref<125x80xi32, #tpu.memory_space<vmem>> -> memref<1x80xi32, #tpu.memory_space<vmem>>
    %dma_start3A_46 = tpu.memref_squeeze %dma_start3A_45 : memref<1x80xi32, #tpu.memory_space<vmem>> -> memref<80xi32, #tpu.memory_space<vmem>>
    %dma_start3A_47 = arith.constant 0 : i32
    %dma_start3A_48 = arith.constant 0 : i32
    %dma_start3A_49 = tpu.memref_slice %arg2[%dma_start3A_47, %dma_start3A_48] : memref<10000x64xf32, #tpu.memory_space<hbm>> -> memref<10000x64xf32, #tpu.memory_space<hbm>>
    tpu.enqueue_indirect_dma source(%dma_start3A_49 : memref<10000x64xf32, #tpu.memory_space<hbm>>) target(%arg10 : memref<80x64xf32, #tpu.memory_space<vmem>>) offsets(%dma_start3A_46 : memref<80xi32, #tpu.memory_space<vmem>>) semaphore(%arg17 : memref<!tpu.dma_semaphore, #tpu.memory_space<semaphore_mem>>)
    %add3A_50 = arith.constant 0 : i32
    %add3A_51 = arith.addi %mul3A_42, %add3A_50 : i32
    %dma_start3A_52 = arith.constant 0 : i32
    %dma_start3A_53 = tpu.memref_slice %arg3[%add3A_51, %dma_start3A_52] : memref<320000x64xf32, #tpu.memory_space<hbm>> -> memref<80x64xf32, #tpu.memory_space<hbm>>
    %dma_start3A_54 = arith.constant 0 : i32
    %dma_start3A_55 = tpu.memref_slice %arg3[%add3A_51, %dma_start3A_54] : memref<320000x64xf32, #tpu.memory_space<hbm>> -> memref<80x64xf32, #tpu.memory_space<hbm>>
    tpu.enqueue_dma source(%dma_start3A_55 : memref<80x64xf32, #tpu.memory_space<hbm>>) target(%arg12 : memref<80x64xf32, #tpu.memory_space<vmem>>) target_semaphore(%arg19 : memref<!tpu.dma_semaphore, #tpu.memory_space<semaphore_mem>>)
    %scan3A_56 = arith.constant 0 : i32
    %scan3A_57 = arith.constant 125 : i32
    %scan3A_58 = arith.addi %scan3A_56, %scan3A_57 : i32
    %scan3A_59 = arith.constant 1 : i32
    scf.for %scan3A_81 = %scan3A_56 to %scan3A_58 step %scan3A_59  : i32 {
      %mul3A_82 = arith.constant 1 : i32
      %mul3A_83 = arith.muli %scan3A_81, %mul3A_82 : i32
      %add3A_84 = arith.constant 0 : i32
      %add3A_85 = arith.addi %add3A_84, %mul3A_83 : i32
      %jit3A = arith.constant 2 : i32
      %eq3A = arith.constant 0 : i32
      %eq3A_86 = arith.cmpi eq, %jit3A, %eq3A : i32
      %jit3A_87 = arith.constant 1 : i32
      %select_n3A = arith.select %eq3A_86, %jit3A_87, %jit3A : i32
      %rem3A = arith.remsi %add3A_85, %select_n3A : i32
      %ne3A = arith.constant 0 : i32
      %ne3A_88 = arith.cmpi ne, %rem3A, %ne3A : i32
      %lt3A = arith.constant 0 : i32
      %lt3A_89 = arith.cmpi slt, %rem3A, %lt3A : i32
      %lt3A_90 = arith.constant 0 : i32
      %lt3A_91 = arith.cmpi slt, %select_n3A, %lt3A_90 : i32
      %ne3A_92 = arith.xori %lt3A_89, %lt3A_91 : i1
      %and3A = arith.andi %ne3A_92, %ne3A_88 : i1
      %add3A_93 = arith.addi %rem3A, %select_n3A : i32
      %select_n3A_94 = arith.select %and3A, %add3A_93, %rem3A : i32
      %eq3A_95 = arith.constant 0 : i32
      %eq3A_96 = arith.cmpi eq, %select_n3A_94, %eq3A_95 : i32
      %convert_element_type3A = arith.extui %eq3A_96 : i1 to i32
      %cond3A = arith.constant 0 : i32
      %cond3A_97 = arith.cmpi ne, %convert_element_type3A, %cond3A : i32
      scf.if %cond3A_97 {
        %add3A_119 = arith.constant 1 : i32
        %add3A_120 = arith.addi %add3A_85, %add3A_119 : i32
        %lt3A_121 = arith.constant 125 : i32
        %lt3A_122 = arith.cmpi slt, %add3A_120, %lt3A_121 : i32
        %convert_element_type3A_123 = arith.extui %lt3A_122 : i1 to i32
        %cond3A_124 = arith.constant 0 : i32
        %cond3A_125 = arith.cmpi ne, %convert_element_type3A_123, %cond3A_124 : i32
        scf.if %cond3A_125 {
          %add3A_154 = arith.constant 1 : i32
          %add3A_155 = arith.addi %add3A_85, %add3A_154 : i32
          %dma_start3A_156 = arith.constant 0 : i32
          %dma_start3A_157 = tpu.memref_slice %arg8[%add3A_155, %dma_start3A_156] : memref<125x80xi32, #tpu.memory_space<vmem>> -> memref<1x80xi32, #tpu.memory_space<vmem>>
          %dma_start3A_158 = tpu.memref_squeeze %dma_start3A_157 : memref<1x80xi32, #tpu.memory_space<vmem>> -> memref<80xi32, #tpu.memory_space<vmem>>
          %dma_start3A_159 = arith.constant 0 : i32
          %dma_start3A_160 = arith.constant 0 : i32
          %dma_start3A_161 = tpu.memref_slice %arg2[%dma_start3A_159, %dma_start3A_160] : memref<10000x64xf32, #tpu.memory_space<hbm>> -> memref<10000x64xf32, #tpu.memory_space<hbm>>
          tpu.enqueue_indirect_dma source(%dma_start3A_161 : memref<10000x64xf32, #tpu.memory_space<hbm>>) target(%arg11 : memref<80x64xf32, #tpu.memory_space<vmem>>) offsets(%dma_start3A_158 : memref<80xi32, #tpu.memory_space<vmem>>) semaphore(%arg18 : memref<!tpu.dma_semaphore, #tpu.memory_space<semaphore_mem>>)
          %mul3A_162 = arith.constant 80 : i32
          %mul3A_163 = arith.muli %add3A_155, %mul3A_162 : i32
          %add3A_164 = arith.addi %mul3A_42, %mul3A_163 : i32
          %dma_start3A_165 = arith.constant 0 : i32
          %dma_start3A_166 = tpu.memref_slice %arg3[%add3A_164, %dma_start3A_165] : memref<320000x64xf32, #tpu.memory_space<hbm>> -> memref<80x64xf32, #tpu.memory_space<hbm>>
          %dma_start3A_167 = arith.constant 0 : i32
          %dma_start3A_168 = tpu.memref_slice %arg3[%add3A_164, %dma_start3A_167] : memref<320000x64xf32, #tpu.memory_space<hbm>> -> memref<80x64xf32, #tpu.memory_space<hbm>>
          tpu.enqueue_dma source(%dma_start3A_168 : memref<80x64xf32, #tpu.memory_space<hbm>>) target(%arg13 : memref<80x64xf32, #tpu.memory_space<vmem>>) target_semaphore(%arg20 : memref<!tpu.dma_semaphore, #tpu.memory_space<semaphore_mem>>)
        } else {
        }
        %dma_wait3A_126 = arith.constant 0 : i32
        %dma_wait3A_127 = tpu.memref_slice %arg8[%add3A_85, %dma_wait3A_126] : memref<125x80xi32, #tpu.memory_space<vmem>> -> memref<1x80xi32, #tpu.memory_space<vmem>>
        %dma_wait3A_128 = tpu.memref_squeeze %dma_wait3A_127 : memref<1x80xi32, #tpu.memory_space<vmem>> -> memref<80xi32, #tpu.memory_space<vmem>>
        %dma_wait3A_129 = arith.constant 0 : i32
        %dma_wait3A_130 = arith.constant 0 : i32
        %dma_wait3A_131 = tpu.memref_slice %arg2[%dma_wait3A_129, %dma_wait3A_130] : memref<10000x64xf32, #tpu.memory_space<hbm>> -> memref<10000x64xf32, #tpu.memory_space<hbm>>
        tpu.wait_indirect_dma semaphore(%arg17 : memref<!tpu.dma_semaphore, #tpu.memory_space<semaphore_mem>>) src(%dma_wait3A_131 : memref<10000x64xf32, #tpu.memory_space<hbm>>) dst(%arg10 : memref<80x64xf32, #tpu.memory_space<vmem>>)
        %mul3A_132 = arith.constant 80 : i32
        %mul3A_133 = arith.muli %add3A_85, %mul3A_132 : i32
        %add3A_134 = arith.addi %mul3A_42, %mul3A_133 : i32
        %dma_wait3A_135 = arith.constant 0 : i32
        %dma_wait3A_136 = tpu.memref_slice %arg3[%add3A_134, %dma_wait3A_135] : memref<320000x64xf32, #tpu.memory_space<hbm>> -> memref<80x64xf32, #tpu.memory_space<hbm>>
        %dma_wait3A_137 = arith.constant 0 : i32
        %dma_wait3A_138 = tpu.memref_slice %arg3[%add3A_134, %dma_wait3A_137] : memref<320000x64xf32, #tpu.memory_space<hbm>> -> memref<80x64xf32, #tpu.memory_space<hbm>>
        tpu.wait_dma2 semaphore(%arg19 : memref<!tpu.dma_semaphore, #tpu.memory_space<semaphore_mem>>) src(%dma_wait3A_138 : memref<80x64xf32, #tpu.memory_space<hbm>>) dst(%arg12 : memref<80x64xf32, #tpu.memory_space<vmem>>)
        %ge3A = arith.constant 2 : i32
        %ge3A_139 = arith.cmpi sge, %add3A_85, %ge3A : i32
        %convert_element_type3A_140 = arith.extui %ge3A_139 : i1 to i32
        %cond3A_141 = arith.constant 0 : i32
        %cond3A_142 = arith.cmpi ne, %convert_element_type3A_140, %cond3A_141 : i32
        scf.if %cond3A_142 {
          %sub3A = arith.constant 2 : i32
          %sub3A_154 = arith.subi %add3A_85, %sub3A : i32
          %dma_wait3A_155 = arith.constant 0 : i32
          %dma_wait3A_156 = tpu.memref_slice %arg9[%sub3A_154, %dma_wait3A_155] : memref<125x80xi32, #tpu.memory_space<vmem>> -> memref<1x80xi32, #tpu.memory_space<vmem>>
          %dma_wait3A_157 = tpu.memref_squeeze %dma_wait3A_156 : memref<1x80xi32, #tpu.memory_space<vmem>> -> memref<80xi32, #tpu.memory_space<vmem>>
          %dma_wait3A_158 = arith.constant 0 : i32
          %dma_wait3A_159 = arith.constant 0 : i32
          %dma_wait3A_160 = tpu.memref_slice %arg7[%dma_wait3A_158, %dma_wait3A_159] : memref<10240x64xf32, #tpu.memory_space<vmem_shared>> -> memref<10240x64xf32, #tpu.memory_space<vmem_shared>>
          tpu.wait_indirect_dma semaphore(%arg21 : memref<!tpu.dma_semaphore, #tpu.memory_space<semaphore_mem>>) src(%arg14 : memref<80x64xf32, #tpu.memory_space<vmem>>) dst(%dma_wait3A_160 : memref<10240x64xf32, #tpu.memory_space<vmem_shared>>)
        } else {
        }
        %scan3A_143 = arith.constant 0 : i32
        %scan3A_144 = arith.constant 80 : i32
        %scan3A_145 = arith.addi %scan3A_143, %scan3A_144 : i32
        %scan3A_146 = arith.constant 4 : i32
        scf.for %scan3A_154 = %scan3A_143 to %scan3A_145 step %scan3A_146  : i32 {
          %mul3A_155 = arith.constant 1 : i32
          %mul3A_156 = arith.muli %scan3A_154, %mul3A_155 : i32
          %add3A_157 = arith.constant 0 : i32
          %add3A_158 = arith.addi %add3A_157, %mul3A_156 : i32
          %get3A = arith.index_cast %add3A_158 : i32 to index
          %get3A_159 = arith.constant 0 : index
          %get3A_160 = tpu.vector_load %arg10[%get3A, %get3A_159] {strides = array<i32>} : memref<80x64xf32, #tpu.memory_space<vmem>>, vector<1x16xf32>,
          %get3A_161 = vector.shape_cast %get3A_160 : vector<1x16xf32> to vector<16xf32>
          %get3A_162 = arith.index_cast %add3A_158 : i32 to index
          %get3A_163 = arith.constant 0 : index
          %get3A_164 = tpu.vector_load %arg12[%get3A_162, %get3A_163] {strides = array<i32>} : memref<80x64xf32, #tpu.memory_space<vmem>>, vector<1x16xf32>,
          %get3A_165 = vector.shape_cast %get3A_164 : vector<1x16xf32> to vector<16xf32>
          %add3A_166 = arith.addf %get3A_161, %get3A_165 : vector<16xf32>
          %max3A = arith.constant 0.000000e+00 : f32
          %max3A_167 = vector.broadcast %max3A : f32 to vector<16xf32>
          %max3A_168 = arith.maximumf %add3A_166, %max3A_167 : vector<16xf32>
          %swap3A = arith.index_cast %add3A_158 : i32 to index
          %swap3A_169 = arith.constant 0 : index
          %swap3A_170 = tpu.vector_load %arg14[%swap3A, %swap3A_169] {strides = array<i32>} : memref<80x64xf32, #tpu.memory_space<vmem>>, vector<1x16xf32>,
          %swap3A_171 = vector.shape_cast %swap3A_170 : vector<1x16xf32> to vector<16xf32>
          %swap3A_172 = vector.shape_cast %max3A_168 : vector<16xf32> to vector<1x16xf32>
          tpu.vector_store %arg14[%swap3A, %swap3A_169], %swap3A_172 {strides = array<i32>} : memref<80x64xf32, #tpu.memory_space<vmem>>, vector<1x16xf32>,
          %get3A_173 = arith.index_cast %add3A_158 : i32 to index
          %get3A_174 = arith.constant 16 : index
          %get3A_175 = tpu.vector_load %arg10[%get3A_173, %get3A_174] {strides = array<i32>} : memref<80x64xf32, #tpu.memory_space<vmem>>, vector<1x16xf32>,
          %get3A_176 = vector.shape_cast %get3A_175 : vector<1x16xf32> to vector<16xf32>
          %get3A_177 = arith.index_cast %add3A_158 : i32 to index
          %get3A_178 = arith.constant 16 : index
          %get3A_179 = tpu.vector_load %arg12[%get3A_177, %get3A_178] {strides = array<i32>} : memref<80x64xf32, #tpu.memory_space<vmem>>, vector<1x16xf32>,
          %get3A_180 = vector.shape_cast %get3A_179 : vector<1x16xf32> to vector<16xf32>
          %add3A_181 = arith.addf %get3A_176, %get3A_180 : vector<16xf32>
          %max3A_182 = arith.constant 0.000000e+00 : f32
          %max3A_183 = vector.broadcast %max3A_182 : f32 to vector<16xf32>
          %max3A_184 = arith.maximumf %add3A_181, %max3A_183 : vector<16xf32>
          %swap3A_185 = arith.index_cast %add3A_158 : i32 to index
          %swap3A_186 = arith.constant 16 : index
          %swap3A_187 = tpu.vector_load %arg14[%swap3A_185, %swap3A_186] {strides = array<i32>} : memref<80x64xf32, #tpu.memory_space<vmem>>, vector<1x16xf32>,
          %swap3A_188 = vector.shape_cast %swap3A_187 : vector<1x16xf32> to vector<16xf32>
          %swap3A_189 = vector.shape_cast %max3A_184 : vector<16xf32> to vector<1x16xf32>
          tpu.vector_store %arg14[%swap3A_185, %swap3A_186], %swap3A_189 {strides = array<i32>} : memref<80x64xf32, #tpu.memory_space<vmem>>, vector<1x16xf32>,
          %get3A_190 = arith.index_cast %add3A_158 : i32 to index
          %get3A_191 = arith.constant 32 : index
          %get3A_192 = tpu.vector_load %arg10[%get3A_190, %get3A_191] {strides = array<i32>} : memref<80x64xf32, #tpu.memory_space<vmem>>, vector<1x16xf32>,
          %get3A_193 = vector.shape_cast %get3A_192 : vector<1x16xf32> to vector<16xf32>
          %get3A_194 = arith.index_cast %add3A_158 : i32 to index
          %get3A_195 = arith.constant 32 : index
          %get3A_196 = tpu.vector_load %arg12[%get3A_194, %get3A_195] {strides = array<i32>} : memref<80x64xf32, #tpu.memory_space<vmem>>, vector<1x16xf32>,
          %get3A_197 = vector.shape_cast %get3A_196 : vector<1x16xf32> to vector<16xf32>
          %add3A_198 = arith.addf %get3A_193, %get3A_197 : vector<16xf32>
          %max3A_199 = arith.constant 0.000000e+00 : f32
          %max3A_200 = vector.broadcast %max3A_199 : f32 to vector<16xf32>
          %max3A_201 = arith.maximumf %add3A_198, %max3A_200 : vector<16xf32>
          %swap3A_202 = arith.index_cast %add3A_158 : i32 to index
          %swap3A_203 = arith.constant 32 : index
          %swap3A_204 = tpu.vector_load %arg14[%swap3A_202, %swap3A_203] {strides = array<i32>} : memref<80x64xf32, #tpu.memory_space<vmem>>, vector<1x16xf32>,
          %swap3A_205 = vector.shape_cast %swap3A_204 : vector<1x16xf32> to vector<16xf32>
          %swap3A_206 = vector.shape_cast %max3A_201 : vector<16xf32> to vector<1x16xf32>
          tpu.vector_store %arg14[%swap3A_202, %swap3A_203], %swap3A_206 {strides = array<i32>} : memref<80x64xf32, #tpu.memory_space<vmem>>, vector<1x16xf32>,
          %get3A_207 = arith.index_cast %add3A_158 : i32 to index
          %get3A_208 = arith.constant 48 : index
          %get3A_209 = tpu.vector_load %arg10[%get3A_207, %get3A_208] {strides = array<i32>} : memref<80x64xf32, #tpu.memory_space<vmem>>, vector<1x16xf32>,
          %get3A_210 = vector.shape_cast %get3A_209 : vector<1x16xf32> to vector<16xf32>
          %get3A_211 = arith.index_cast %add3A_158 : i32 to index
          %get3A_212 = arith.constant 48 : index
          %get3A_213 = tpu.vector_load %arg12[%get3A_211, %get3A_212] {strides = array<i32>} : memref<80x64xf32, #tpu.memory_space<vmem>>, vector<1x16xf32>,
          %get3A_214 = vector.shape_cast %get3A_213 : vector<1x16xf32> to vector<16xf32>
          %add3A_215 = arith.addf %get3A_210, %get3A_214 : vector<16xf32>
          %max3A_216 = arith.constant 0.000000e+00 : f32
          %max3A_217 = vector.broadcast %max3A_216 : f32 to vector<16xf32>
          %max3A_218 = arith.maximumf %add3A_215, %max3A_217 : vector<16xf32>
          %swap3A_219 = arith.index_cast %add3A_158 : i32 to index
          %swap3A_220 = arith.constant 48 : index
          %swap3A_221 = tpu.vector_load %arg14[%swap3A_219, %swap3A_220] {strides = array<i32>} : memref<80x64xf32, #tpu.memory_space<vmem>>, vector<1x16xf32>,
          %swap3A_222 = vector.shape_cast %swap3A_221 : vector<1x16xf32> to vector<16xf32>
          %swap3A_223 = vector.shape_cast %max3A_218 : vector<16xf32> to vector<1x16xf32>
          tpu.vector_store %arg14[%swap3A_219, %swap3A_220], %swap3A_223 {strides = array<i32>} : memref<80x64xf32, #tpu.memory_space<vmem>>, vector<1x16xf32>,
          %scan3A_224 = arith.constant 1 : i32
          %scan3A_225 = arith.addi %scan3A_154, %scan3A_224 : i32
          %mul3A_226 = arith.constant 1 : i32
          %mul3A_227 = arith.muli %scan3A_225, %mul3A_226 : i32
          %add3A_228 = arith.constant 0 : i32
          %add3A_229 = arith.addi %add3A_228, %mul3A_227 : i32
          %get3A_230 = arith.index_cast %add3A_229 : i32 to index
          %get3A_231 = arith.constant 0 : index
          %get3A_232 = tpu.vector_load %arg10[%get3A_230, %get3A_231] {strides = array<i32>} : memref<80x64xf32, #tpu.memory_space<vmem>>, vector<1x16xf32>,
          %get3A_233 = vector.shape_cast %get3A_232 : vector<1x16xf32> to vector<16xf32>
          %get3A_234 = arith.index_cast %add3A_229 : i32 to index
          %get3A_235 = arith.constant 0 : index
          %get3A_236 = tpu.vector_load %arg12[%get3A_234, %get3A_235] {strides = array<i32>} : memref<80x64xf32, #tpu.memory_space<vmem>>, vector<1x16xf32>,
          %get3A_237 = vector.shape_cast %get3A_236 : vector<1x16xf32> to vector<16xf32>
          %add3A_238 = arith.addf %get3A_233, %get3A_237 : vector<16xf32>
          %max3A_239 = arith.constant 0.000000e+00 : f32
          %max3A_240 = vector.broadcast %max3A_239 : f32 to vector<16xf32>
          %max3A_241 = arith.maximumf %add3A_238, %max3A_240 : vector<16xf32>
          %swap3A_242 = arith.index_cast %add3A_229 : i32 to index
          %swap3A_243 = arith.constant 0 : index
          %swap3A_244 = tpu.vector_load %arg14[%swap3A_242, %swap3A_243] {strides = array<i32>} : memref<80x64xf32, #tpu.memory_space<vmem>>, vector<1x16xf32>,
          %swap3A_245 = vector.shape_cast %swap3A_244 : vector<1x16xf32> to vector<16xf32>
          %swap3A_246 = vector.shape_cast %max3A_241 : vector<16xf32> to vector<1x16xf32>
          tpu.vector_store %arg14[%swap3A_242, %swap3A_243], %swap3A_246 {strides = array<i32>} : memref<80x64xf32, #tpu.memory_space<vmem>>, vector<1x16xf32>,
          %get3A_247 = arith.index_cast %add3A_229 : i32 to index
          %get3A_248 = arith.constant 16 : index
          %get3A_249 = tpu.vector_load %arg10[%get3A_247, %get3A_248] {strides = array<i32>} : memref<80x64xf32, #tpu.memory_space<vmem>>, vector<1x16xf32>,
          %get3A_250 = vector.shape_cast %get3A_249 : vector<1x16xf32> to vector<16xf32>
          %get3A_251 = arith.index_cast %add3A_229 : i32 to index
          %get3A_252 = arith.constant 16 : index
          %get3A_253 = tpu.vector_load %arg12[%get3A_251, %get3A_252] {strides = array<i32>} : memref<80x64xf32, #tpu.memory_space<vmem>>, vector<1x16xf32>,
          %get3A_254 = vector.shape_cast %get3A_253 : vector<1x16xf32> to vector<16xf32>
          %add3A_255 = arith.addf %get3A_250, %get3A_254 : vector<16xf32>
          %max3A_256 = arith.constant 0.000000e+00 : f32
          %max3A_257 = vector.broadcast %max3A_256 : f32 to vector<16xf32>
          %max3A_258 = arith.maximumf %add3A_255, %max3A_257 : vector<16xf32>
          %swap3A_259 = arith.index_cast %add3A_229 : i32 to index
          %swap3A_260 = arith.constant 16 : index
          %swap3A_261 = tpu.vector_load %arg14[%swap3A_259, %swap3A_260] {strides = array<i32>} : memref<80x64xf32, #tpu.memory_space<vmem>>, vector<1x16xf32>,
          %swap3A_262 = vector.shape_cast %swap3A_261 : vector<1x16xf32> to vector<16xf32>
          %swap3A_263 = vector.shape_cast %max3A_258 : vector<16xf32> to vector<1x16xf32>
          tpu.vector_store %arg14[%swap3A_259, %swap3A_260], %swap3A_263 {strides = array<i32>} : memref<80x64xf32, #tpu.memory_space<vmem>>, vector<1x16xf32>,
          %get3A_264 = arith.index_cast %add3A_229 : i32 to index
          %get3A_265 = arith.constant 32 : index
          %get3A_266 = tpu.vector_load %arg10[%get3A_264, %get3A_265] {strides = array<i32>} : memref<80x64xf32, #tpu.memory_space<vmem>>, vector<1x16xf32>,
          %get3A_267 = vector.shape_cast %get3A_266 : vector<1x16xf32> to vector<16xf32>
          %get3A_268 = arith.index_cast %add3A_229 : i32 to index
          %get3A_269 = arith.constant 32 : index
          %get3A_270 = tpu.vector_load %arg12[%get3A_268, %get3A_269] {strides = array<i32>} : memref<80x64xf32, #tpu.memory_space<vmem>>, vector<1x16xf32>,
          %get3A_271 = vector.shape_cast %get3A_270 : vector<1x16xf32> to vector<16xf32>
          %add3A_272 = arith.addf %get3A_267, %get3A_271 : vector<16xf32>
          %max3A_273 = arith.constant 0.000000e+00 : f32
          %max3A_274 = vector.broadcast %max3A_273 : f32 to vector<16xf32>
          %max3A_275 = arith.maximumf %add3A_272, %max3A_274 : vector<16xf32>
          %swap3A_276 = arith.index_cast %add3A_229 : i32 to index
          %swap3A_277 = arith.constant 32 : index
          %swap3A_278 = tpu.vector_load %arg14[%swap3A_276, %swap3A_277] {strides = array<i32>} : memref<80x64xf32, #tpu.memory_space<vmem>>, vector<1x16xf32>,
          %swap3A_279 = vector.shape_cast %swap3A_278 : vector<1x16xf32> to vector<16xf32>
          %swap3A_280 = vector.shape_cast %max3A_275 : vector<16xf32> to vector<1x16xf32>
          tpu.vector_store %arg14[%swap3A_276, %swap3A_277], %swap3A_280 {strides = array<i32>} : memref<80x64xf32, #tpu.memory_space<vmem>>, vector<1x16xf32>,
          %get3A_281 = arith.index_cast %add3A_229 : i32 to index
          %get3A_282 = arith.constant 48 : index
          %get3A_283 = tpu.vector_load %arg10[%get3A_281, %get3A_282] {strides = array<i32>} : memref<80x64xf32, #tpu.memory_space<vmem>>, vector<1x16xf32>,
          %get3A_284 = vector.shape_cast %get3A_283 : vector<1x16xf32> to vector<16xf32>
          %get3A_285 = arith.index_cast %add3A_229 : i32 to index
          %get3A_286 = arith.constant 48 : index
          %get3A_287 = tpu.vector_load %arg12[%get3A_285, %get3A_286] {strides = array<i32>} : memref<80x64xf32, #tpu.memory_space<vmem>>, vector<1x16xf32>,
          %get3A_288 = vector.shape_cast %get3A_287 : vector<1x16xf32> to vector<16xf32>
          %add3A_289 = arith.addf %get3A_284, %get3A_288 : vector<16xf32>
          %max3A_290 = arith.constant 0.000000e+00 : f32
          %max3A_291 = vector.broadcast %max3A_290 : f32 to vector<16xf32>
          %max3A_292 = arith.maximumf %add3A_289, %max3A_291 : vector<16xf32>
          %swap3A_293 = arith.index_cast %add3A_229 : i32 to index
          %swap3A_294 = arith.constant 48 : index
          %swap3A_295 = tpu.vector_load %arg14[%swap3A_293, %swap3A_294] {strides = array<i32>} : memref<80x64xf32, #tpu.memory_space<vmem>>, vector<1x16xf32>,
          %swap3A_296 = vector.shape_cast %swap3A_295 : vector<1x16xf32> to vector<16xf32>
          %swap3A_297 = vector.shape_cast %max3A_292 : vector<16xf32> to vector<1x16xf32>
          tpu.vector_store %arg14[%swap3A_293, %swap3A_294], %swap3A_297 {strides = array<i32>} : memref<80x64xf32, #tpu.memory_space<vmem>>, vector<1x16xf32>,
          %scan3A_298 = arith.constant 2 : i32
          %scan3A_299 = arith.addi %scan3A_154, %scan3A_298 : i32
          %mul3A_300 = arith.constant 1 : i32
          %mul3A_301 = arith.muli %scan3A_299, %mul3A_300 : i32
          %add3A_302 = arith.constant 0 : i32
          %add3A_303 = arith.addi %add3A_302, %mul3A_301 : i32
          %get3A_304 = arith.index_cast %add3A_303 : i32 to index
          %get3A_305 = arith.constant 0 : index
          %get3A_306 = tpu.vector_load %arg10[%get3A_304, %get3A_305] {strides = array<i32>} : memref<80x64xf32, #tpu.memory_space<vmem>>, vector<1x16xf32>,
          %get3A_307 = vector.shape_cast %get3A_306 : vector<1x16xf32> to vector<16xf32>
          %get3A_308 = arith.index_cast %add3A_303 : i32 to index
          %get3A_309 = arith.constant 0 : index
          %get3A_310 = tpu.vector_load %arg12[%get3A_308, %get3A_309] {strides = array<i32>} : memref<80x64xf32, #tpu.memory_space<vmem>>, vector<1x16xf32>,
          %get3A_311 = vector.shape_cast %get3A_310 : vector<1x16xf32> to vector<16xf32>
          %add3A_312 = arith.addf %get3A_307, %get3A_311 : vector<16xf32>
          %max3A_313 = arith.constant 0.000000e+00 : f32
          %max3A_314 = vector.broadcast %max3A_313 : f32 to vector<16xf32>
          %max3A_315 = arith.maximumf %add3A_312, %max3A_314 : vector<16xf32>
          %swap3A_316 = arith.index_cast %add3A_303 : i32 to index
          %swap3A_317 = arith.constant 0 : index
          %swap3A_318 = tpu.vector_load %arg14[%swap3A_316, %swap3A_317] {strides = array<i32>} : memref<80x64xf32, #tpu.memory_space<vmem>>, vector<1x16xf32>,
          %swap3A_319 = vector.shape_cast %swap3A_318 : vector<1x16xf32> to vector<16xf32>
          %swap3A_320 = vector.shape_cast %max3A_315 : vector<16xf32> to vector<1x16xf32>
          tpu.vector_store %arg14[%swap3A_316, %swap3A_317], %swap3A_320 {strides = array<i32>} : memref<80x64xf32, #tpu.memory_space<vmem>>, vector<1x16xf32>,
          %get3A_321 = arith.index_cast %add3A_303 : i32 to index
          %get3A_322 = arith.constant 16 : index
          %get3A_323 = tpu.vector_load %arg10[%get3A_321, %get3A_322] {strides = array<i32>} : memref<80x64xf32, #tpu.memory_space<vmem>>, vector<1x16xf32>,
          %get3A_324 = vector.shape_cast %get3A_323 : vector<1x16xf32> to vector<16xf32>
          %get3A_325 = arith.index_cast %add3A_303 : i32 to index
          %get3A_326 = arith.constant 16 : index
          %get3A_327 = tpu.vector_load %arg12[%get3A_325, %get3A_326] {strides = array<i32>} : memref<80x64xf32, #tpu.memory_space<vmem>>, vector<1x16xf32>,
          %get3A_328 = vector.shape_cast %get3A_327 : vector<1x16xf32> to vector<16xf32>
          %add3A_329 = arith.addf %get3A_324, %get3A_328 : vector<16xf32>
          %max3A_330 = arith.constant 0.000000e+00 : f32
          %max3A_331 = vector.broadcast %max3A_330 : f32 to vector<16xf32>
          %max3A_332 = arith.maximumf %add3A_329, %max3A_331 : vector<16xf32>
          %swap3A_333 = arith.index_cast %add3A_303 : i32 to index
          %swap3A_334 = arith.constant 16 : index
          %swap3A_335 = tpu.vector_load %arg14[%swap3A_333, %swap3A_334] {strides = array<i32>} : memref<80x64xf32, #tpu.memory_space<vmem>>, vector<1x16xf32>,
          %swap3A_336 = vector.shape_cast %swap3A_335 : vector<1x16xf32> to vector<16xf32>
          %swap3A_337 = vector.shape_cast %max3A_332 : vector<16xf32> to vector<1x16xf32>
          tpu.vector_store %arg14[%swap3A_333, %swap3A_334], %swap3A_337 {strides = array<i32>} : memref<80x64xf32, #tpu.memory_space<vmem>>, vector<1x16xf32>,
          %get3A_338 = arith.index_cast %add3A_303 : i32 to index
          %get3A_339 = arith.constant 32 : index
          %get3A_340 = tpu.vector_load %arg10[%get3A_338, %get3A_339] {strides = array<i32>} : memref<80x64xf32, #tpu.memory_space<vmem>>, vector<1x16xf32>,
          %get3A_341 = vector.shape_cast %get3A_340 : vector<1x16xf32> to vector<16xf32>
          %get3A_342 = arith.index_cast %add3A_303 : i32 to index
          %get3A_343 = arith.constant 32 : index
          %get3A_344 = tpu.vector_load %arg12[%get3A_342, %get3A_343] {strides = array<i32>} : memref<80x64xf32, #tpu.memory_space<vmem>>, vector<1x16xf32>,
          %get3A_345 = vector.shape_cast %get3A_344 : vector<1x16xf32> to vector<16xf32>
          %add3A_346 = arith.addf %get3A_341, %get3A_345 : vector<16xf32>
          %max3A_347 = arith.constant 0.000000e+00 : f32
          %max3A_348 = vector.broadcast %max3A_347 : f32 to vector<16xf32>
          %max3A_349 = arith.maximumf %add3A_346, %max3A_348 : vector<16xf32>
          %swap3A_350 = arith.index_cast %add3A_303 : i32 to index
          %swap3A_351 = arith.constant 32 : index
          %swap3A_352 = tpu.vector_load %arg14[%swap3A_350, %swap3A_351] {strides = array<i32>} : memref<80x64xf32, #tpu.memory_space<vmem>>, vector<1x16xf32>,
          %swap3A_353 = vector.shape_cast %swap3A_352 : vector<1x16xf32> to vector<16xf32>
          %swap3A_354 = vector.shape_cast %max3A_349 : vector<16xf32> to vector<1x16xf32>
          tpu.vector_store %arg14[%swap3A_350, %swap3A_351], %swap3A_354 {strides = array<i32>} : memref<80x64xf32, #tpu.memory_space<vmem>>, vector<1x16xf32>,
          %get3A_355 = arith.index_cast %add3A_303 : i32 to index
          %get3A_356 = arith.constant 48 : index
          %get3A_357 = tpu.vector_load %arg10[%get3A_355, %get3A_356] {strides = array<i32>} : memref<80x64xf32, #tpu.memory_space<vmem>>, vector<1x16xf32>,
          %get3A_358 = vector.shape_cast %get3A_357 : vector<1x16xf32> to vector<16xf32>
          %get3A_359 = arith.index_cast %add3A_303 : i32 to index
          %get3A_360 = arith.constant 48 : index
          %get3A_361 = tpu.vector_load %arg12[%get3A_359, %get3A_360] {strides = array<i32>} : memref<80x64xf32, #tpu.memory_space<vmem>>, vector<1x16xf32>,
          %get3A_362 = vector.shape_cast %get3A_361 : vector<1x16xf32> to vector<16xf32>
          %add3A_363 = arith.addf %get3A_358, %get3A_362 : vector<16xf32>
          %max3A_364 = arith.constant 0.000000e+00 : f32
          %max3A_365 = vector.broadcast %max3A_364 : f32 to vector<16xf32>
          %max3A_366 = arith.maximumf %add3A_363, %max3A_365 : vector<16xf32>
          %swap3A_367 = arith.index_cast %add3A_303 : i32 to index
          %swap3A_368 = arith.constant 48 : index
          %swap3A_369 = tpu.vector_load %arg14[%swap3A_367, %swap3A_368] {strides = array<i32>} : memref<80x64xf32, #tpu.memory_space<vmem>>, vector<1x16xf32>,
          %swap3A_370 = vector.shape_cast %swap3A_369 : vector<1x16xf32> to vector<16xf32>
          %swap3A_371 = vector.shape_cast %max3A_366 : vector<16xf32> to vector<1x16xf32>
          tpu.vector_store %arg14[%swap3A_367, %swap3A_368], %swap3A_371 {strides = array<i32>} : memref<80x64xf32, #tpu.memory_space<vmem>>, vector<1x16xf32>,
          %scan3A_372 = arith.constant 3 : i32
          %scan3A_373 = arith.addi %scan3A_154, %scan3A_372 : i32
          %mul3A_374 = arith.constant 1 : i32
          %mul3A_375 = arith.muli %scan3A_373, %mul3A_374 : i32
          %add3A_376 = arith.constant 0 : i32
          %add3A_377 = arith.addi %add3A_376, %mul3A_375 : i32
          %get3A_378 = arith.index_cast %add3A_377 : i32 to index
          %get3A_379 = arith.constant 0 : index
          %get3A_380 = tpu.vector_load %arg10[%get3A_378, %get3A_379] {strides = array<i32>} : memref<80x64xf32, #tpu.memory_space<vmem>>, vector<1x16xf32>,
          %get3A_381 = vector.shape_cast %get3A_380 : vector<1x16xf32> to vector<16xf32>
          %get3A_382 = arith.index_cast %add3A_377 : i32 to index
          %get3A_383 = arith.constant 0 : index
          %get3A_384 = tpu.vector_load %arg12[%get3A_382, %get3A_383] {strides = array<i32>} : memref<80x64xf32, #tpu.memory_space<vmem>>, vector<1x16xf32>,
          %get3A_385 = vector.shape_cast %get3A_384 : vector<1x16xf32> to vector<16xf32>
          %add3A_386 = arith.addf %get3A_381, %get3A_385 : vector<16xf32>
          %max3A_387 = arith.constant 0.000000e+00 : f32
          %max3A_388 = vector.broadcast %max3A_387 : f32 to vector<16xf32>
          %max3A_389 = arith.maximumf %add3A_386, %max3A_388 : vector<16xf32>
          %swap3A_390 = arith.index_cast %add3A_377 : i32 to index
          %swap3A_391 = arith.constant 0 : index
          %swap3A_392 = tpu.vector_load %arg14[%swap3A_390, %swap3A_391] {strides = array<i32>} : memref<80x64xf32, #tpu.memory_space<vmem>>, vector<1x16xf32>,
          %swap3A_393 = vector.shape_cast %swap3A_392 : vector<1x16xf32> to vector<16xf32>
          %swap3A_394 = vector.shape_cast %max3A_389 : vector<16xf32> to vector<1x16xf32>
          tpu.vector_store %arg14[%swap3A_390, %swap3A_391], %swap3A_394 {strides = array<i32>} : memref<80x64xf32, #tpu.memory_space<vmem>>, vector<1x16xf32>,
          %get3A_395 = arith.index_cast %add3A_377 : i32 to index
          %get3A_396 = arith.constant 16 : index
          %get3A_397 = tpu.vector_load %arg10[%get3A_395, %get3A_396] {strides = array<i32>} : memref<80x64xf32, #tpu.memory_space<vmem>>, vector<1x16xf32>,
          %get3A_398 = vector.shape_cast %get3A_397 : vector<1x16xf32> to vector<16xf32>
          %get3A_399 = arith.index_cast %add3A_377 : i32 to index
          %get3A_400 = arith.constant 16 : index
          %get3A_401 = tpu.vector_load %arg12[%get3A_399, %get3A_400] {strides = array<i32>} : memref<80x64xf32, #tpu.memory_space<vmem>>, vector<1x16xf32>,
          %get3A_402 = vector.shape_cast %get3A_401 : vector<1x16xf32> to vector<16xf32>
          %add3A_403 = arith.addf %get3A_398, %get3A_402 : vector<16xf32>
          %max3A_404 = arith.constant 0.000000e+00 : f32
          %max3A_405 = vector.broadcast %max3A_404 : f32 to vector<16xf32>
          %max3A_406 = arith.maximumf %add3A_403, %max3A_405 : vector<16xf32>
          %swap3A_407 = arith.index_cast %add3A_377 : i32 to index
          %swap3A_408 = arith.constant 16 : index
          %swap3A_409 = tpu.vector_load %arg14[%swap3A_407, %swap3A_408] {strides = array<i32>} : memref<80x64xf32, #tpu.memory_space<vmem>>, vector<1x16xf32>,
          %swap3A_410 = vector.shape_cast %swap3A_409 : vector<1x16xf32> to vector<16xf32>
          %swap3A_411 = vector.shape_cast %max3A_406 : vector<16xf32> to vector<1x16xf32>
          tpu.vector_store %arg14[%swap3A_407, %swap3A_408], %swap3A_411 {strides = array<i32>} : memref<80x64xf32, #tpu.memory_space<vmem>>, vector<1x16xf32>,
          %get3A_412 = arith.index_cast %add3A_377 : i32 to index
          %get3A_413 = arith.constant 32 : index
          %get3A_414 = tpu.vector_load %arg10[%get3A_412, %get3A_413] {strides = array<i32>} : memref<80x64xf32, #tpu.memory_space<vmem>>, vector<1x16xf32>,
          %get3A_415 = vector.shape_cast %get3A_414 : vector<1x16xf32> to vector<16xf32>
          %get3A_416 = arith.index_cast %add3A_377 : i32 to index
          %get3A_417 = arith.constant 32 : index
          %get3A_418 = tpu.vector_load %arg12[%get3A_416, %get3A_417] {strides = array<i32>} : memref<80x64xf32, #tpu.memory_space<vmem>>, vector<1x16xf32>,
          %get3A_419 = vector.shape_cast %get3A_418 : vector<1x16xf32> to vector<16xf32>
          %add3A_420 = arith.addf %get3A_415, %get3A_419 : vector<16xf32>
          %max3A_421 = arith.constant 0.000000e+00 : f32
          %max3A_422 = vector.broadcast %max3A_421 : f32 to vector<16xf32>
          %max3A_423 = arith.maximumf %add3A_420, %max3A_422 : vector<16xf32>
          %swap3A_424 = arith.index_cast %add3A_377 : i32 to index
          %swap3A_425 = arith.constant 32 : index
          %swap3A_426 = tpu.vector_load %arg14[%swap3A_424, %swap3A_425] {strides = array<i32>} : memref<80x64xf32, #tpu.memory_space<vmem>>, vector<1x16xf32>,
          %swap3A_427 = vector.shape_cast %swap3A_426 : vector<1x16xf32> to vector<16xf32>
          %swap3A_428 = vector.shape_cast %max3A_423 : vector<16xf32> to vector<1x16xf32>
          tpu.vector_store %arg14[%swap3A_424, %swap3A_425], %swap3A_428 {strides = array<i32>} : memref<80x64xf32, #tpu.memory_space<vmem>>, vector<1x16xf32>,
          %get3A_429 = arith.index_cast %add3A_377 : i32 to index
          %get3A_430 = arith.constant 48 : index
          %get3A_431 = tpu.vector_load %arg10[%get3A_429, %get3A_430] {strides = array<i32>} : memref<80x64xf32, #tpu.memory_space<vmem>>, vector<1x16xf32>,
          %get3A_432 = vector.shape_cast %get3A_431 : vector<1x16xf32> to vector<16xf32>
          %get3A_433 = arith.index_cast %add3A_377 : i32 to index
          %get3A_434 = arith.constant 48 : index
          %get3A_435 = tpu.vector_load %arg12[%get3A_433, %get3A_434] {strides = array<i32>} : memref<80x64xf32, #tpu.memory_space<vmem>>, vector<1x16xf32>,
          %get3A_436 = vector.shape_cast %get3A_435 : vector<1x16xf32> to vector<16xf32>
          %add3A_437 = arith.addf %get3A_432, %get3A_436 : vector<16xf32>
          %max3A_438 = arith.constant 0.000000e+00 : f32
          %max3A_439 = vector.broadcast %max3A_438 : f32 to vector<16xf32>
          %max3A_440 = arith.maximumf %add3A_437, %max3A_439 : vector<16xf32>
          %swap3A_441 = arith.index_cast %add3A_377 : i32 to index
          %swap3A_442 = arith.constant 48 : index
          %swap3A_443 = tpu.vector_load %arg14[%swap3A_441, %swap3A_442] {strides = array<i32>} : memref<80x64xf32, #tpu.memory_space<vmem>>, vector<1x16xf32>,
          %swap3A_444 = vector.shape_cast %swap3A_443 : vector<1x16xf32> to vector<16xf32>
          %swap3A_445 = vector.shape_cast %max3A_440 : vector<16xf32> to vector<1x16xf32>
          tpu.vector_store %arg14[%swap3A_441, %swap3A_442], %swap3A_445 {strides = array<i32>} : memref<80x64xf32, #tpu.memory_space<vmem>>, vector<1x16xf32>,
        }
        %scan3A_147 = arith.constant 80 : i32
        %dma_start3A_148 = arith.constant 0 : i32
        %dma_start3A_149 = tpu.memref_slice %arg9[%add3A_85, %dma_start3A_148] : memref<125x80xi32, #tpu.memory_space<vmem>> -> memref<1x80xi32, #tpu.memory_space<vmem>>
        %dma_start3A_150 = tpu.memref_squeeze %dma_start3A_149 : memref<1x80xi32, #tpu.memory_space<vmem>> -> memref<80xi32, #tpu.memory_space<vmem>>
        %dma_start3A_151 = arith.constant 0 : i32
        %dma_start3A_152 = arith.constant 0 : i32
        %dma_start3A_153 = tpu.memref_slice %arg7[%dma_start3A_151, %dma_start3A_152] : memref<10240x64xf32, #tpu.memory_space<vmem_shared>> -> memref<10240x64xf32, #tpu.memory_space<vmem_shared>>
        tpu.enqueue_indirect_dma source(%arg14 : memref<80x64xf32, #tpu.memory_space<vmem>>) target(%dma_start3A_153 : memref<10240x64xf32, #tpu.memory_space<vmem_shared>>) offsets(%dma_start3A_150 : memref<80xi32, #tpu.memory_space<vmem>>) semaphore(%arg21 : memref<!tpu.dma_semaphore, #tpu.memory_space<semaphore_mem>>) {add = true}
      } else {
      }
      %jit3A_98 = arith.constant 2 : i32
      %eq3A_99 = arith.constant 0 : i32
      %eq3A_100 = arith.cmpi eq, %jit3A_98, %eq3A_99 : i32
      %jit3A_101 = arith.constant 1 : i32
      %select_n3A_102 = arith.select %eq3A_100, %jit3A_101, %jit3A_98 : i32
      %rem3A_103 = arith.remsi %add3A_85, %select_n3A_102 : i32
      %ne3A_104 = arith.constant 0 : i32
      %ne3A_105 = arith.cmpi ne, %rem3A_103, %ne3A_104 : i32
      %lt3A_106 = arith.constant 0 : i32
      %lt3A_107 = arith.cmpi slt, %rem3A_103, %lt3A_106 : i32
      %lt3A_108 = arith.constant 0 : i32
      %lt3A_109 = arith.cmpi slt, %select_n3A_102, %lt3A_108 : i32
      %ne3A_110 = arith.xori %lt3A_107, %lt3A_109 : i1
      %and3A_111 = arith.andi %ne3A_110, %ne3A_105 : i1
      %add3A_112 = arith.addi %rem3A_103, %select_n3A_102 : i32
      %select_n3A_113 = arith.select %and3A_111, %add3A_112, %rem3A_103 : i32
      %eq3A_114 = arith.constant 1 : i32
      %eq3A_115 = arith.cmpi eq, %select_n3A_113, %eq3A_114 : i32
      %convert_element_type3A_116 = arith.extui %eq3A_115 : i1 to i32
      %cond3A_117 = arith.constant 0 : i32
      %cond3A_118 = arith.cmpi ne, %convert_element_type3A_116, %cond3A_117 : i32
      scf.if %cond3A_118 {
        %add3A_119 = arith.constant 1 : i32
        %add3A_120 = arith.addi %add3A_85, %add3A_119 : i32
        %lt3A_121 = arith.constant 125 : i32
        %lt3A_122 = arith.cmpi slt, %add3A_120, %lt3A_121 : i32
        %convert_element_type3A_123 = arith.extui %lt3A_122 : i1 to i32
        %cond3A_124 = arith.constant 0 : i32
        %cond3A_125 = arith.cmpi ne, %convert_element_type3A_123, %cond3A_124 : i32
        scf.if %cond3A_125 {
          %add3A_154 = arith.constant 1 : i32
          %add3A_155 = arith.addi %add3A_85, %add3A_154 : i32
          %dma_start3A_156 = arith.constant 0 : i32
          %dma_start3A_157 = tpu.memref_slice %arg8[%add3A_155, %dma_start3A_156] : memref<125x80xi32, #tpu.memory_space<vmem>> -> memref<1x80xi32, #tpu.memory_space<vmem>>
          %dma_start3A_158 = tpu.memref_squeeze %dma_start3A_157 : memref<1x80xi32, #tpu.memory_space<vmem>> -> memref<80xi32, #tpu.memory_space<vmem>>
          %dma_start3A_159 = arith.constant 0 : i32
          %dma_start3A_160 = arith.constant 0 : i32
          %dma_start3A_161 = tpu.memref_slice %arg2[%dma_start3A_159, %dma_start3A_160] : memref<10000x64xf32, #tpu.memory_space<hbm>> -> memref<10000x64xf32, #tpu.memory_space<hbm>>
          tpu.enqueue_indirect_dma source(%dma_start3A_161 : memref<10000x64xf32, #tpu.memory_space<hbm>>) target(%arg10 : memref<80x64xf32, #tpu.memory_space<vmem>>) offsets(%dma_start3A_158 : memref<80xi32, #tpu.memory_space<vmem>>) semaphore(%arg17 : memref<!tpu.dma_semaphore, #tpu.memory_space<semaphore_mem>>)
          %mul3A_162 = arith.constant 80 : i32
          %mul3A_163 = arith.muli %add3A_155, %mul3A_162 : i32
          %add3A_164 = arith.addi %mul3A_42, %mul3A_163 : i32
          %dma_start3A_165 = arith.constant 0 : i32
          %dma_start3A_166 = tpu.memref_slice %arg3[%add3A_164, %dma_start3A_165] : memref<320000x64xf32, #tpu.memory_space<hbm>> -> memref<80x64xf32, #tpu.memory_space<hbm>>
          %dma_start3A_167 = arith.constant 0 : i32
          %dma_start3A_168 = tpu.memref_slice %arg3[%add3A_164, %dma_start3A_167] : memref<320000x64xf32, #tpu.memory_space<hbm>> -> memref<80x64xf32, #tpu.memory_space<hbm>>
          tpu.enqueue_dma source(%dma_start3A_168 : memref<80x64xf32, #tpu.memory_space<hbm>>) target(%arg12 : memref<80x64xf32, #tpu.memory_space<vmem>>) target_semaphore(%arg19 : memref<!tpu.dma_semaphore, #tpu.memory_space<semaphore_mem>>)
        } else {
        }
        %dma_wait3A_126 = arith.constant 0 : i32
        %dma_wait3A_127 = tpu.memref_slice %arg8[%add3A_85, %dma_wait3A_126] : memref<125x80xi32, #tpu.memory_space<vmem>> -> memref<1x80xi32, #tpu.memory_space<vmem>>
        %dma_wait3A_128 = tpu.memref_squeeze %dma_wait3A_127 : memref<1x80xi32, #tpu.memory_space<vmem>> -> memref<80xi32, #tpu.memory_space<vmem>>
        %dma_wait3A_129 = arith.constant 0 : i32
        %dma_wait3A_130 = arith.constant 0 : i32
        %dma_wait3A_131 = tpu.memref_slice %arg2[%dma_wait3A_129, %dma_wait3A_130] : memref<10000x64xf32, #tpu.memory_space<hbm>> -> memref<10000x64xf32, #tpu.memory_space<hbm>>
        tpu.wait_indirect_dma semaphore(%arg18 : memref<!tpu.dma_semaphore, #tpu.memory_space<semaphore_mem>>) src(%dma_wait3A_131 : memref<10000x64xf32, #tpu.memory_space<hbm>>) dst(%arg11 : memref<80x64xf32, #tpu.memory_space<vmem>>)
        %mul3A_132 = arith.constant 80 : i32
        %mul3A_133 = arith.muli %add3A_85, %mul3A_132 : i32
        %add3A_134 = arith.addi %mul3A_42, %mul3A_133 : i32
        %dma_wait3A_135 = arith.constant 0 : i32
        %dma_wait3A_136 = tpu.memref_slice %arg3[%add3A_134, %dma_wait3A_135] : memref<320000x64xf32, #tpu.memory_space<hbm>> -> memref<80x64xf32, #tpu.memory_space<hbm>>
        %dma_wait3A_137 = arith.constant 0 : i32
        %dma_wait3A_138 = tpu.memref_slice %arg3[%add3A_134, %dma_wait3A_137] : memref<320000x64xf32, #tpu.memory_space<hbm>> -> memref<80x64xf32, #tpu.memory_space<hbm>>
        tpu.wait_dma2 semaphore(%arg20 : memref<!tpu.dma_semaphore, #tpu.memory_space<semaphore_mem>>) src(%dma_wait3A_138 : memref<80x64xf32, #tpu.memory_space<hbm>>) dst(%arg13 : memref<80x64xf32, #tpu.memory_space<vmem>>)
        %ge3A = arith.constant 2 : i32
        %ge3A_139 = arith.cmpi sge, %add3A_85, %ge3A : i32
        %convert_element_type3A_140 = arith.extui %ge3A_139 : i1 to i32
        %cond3A_141 = arith.constant 0 : i32
        %cond3A_142 = arith.cmpi ne, %convert_element_type3A_140, %cond3A_141 : i32
        scf.if %cond3A_142 {
          %sub3A = arith.constant 2 : i32
          %sub3A_154 = arith.subi %add3A_85, %sub3A : i32
          %dma_wait3A_155 = arith.constant 0 : i32
          %dma_wait3A_156 = tpu.memref_slice %arg9[%sub3A_154, %dma_wait3A_155] : memref<125x80xi32, #tpu.memory_space<vmem>> -> memref<1x80xi32, #tpu.memory_space<vmem>>
          %dma_wait3A_157 = tpu.memref_squeeze %dma_wait3A_156 : memref<1x80xi32, #tpu.memory_space<vmem>> -> memref<80xi32, #tpu.memory_space<vmem>>
          %dma_wait3A_158 = arith.constant 0 : i32
          %dma_wait3A_159 = arith.constant 0 : i32
          %dma_wait3A_160 = tpu.memref_slice %arg7[%dma_wait3A_158, %dma_wait3A_159] : memref<10240x64xf32, #tpu.memory_space<vmem_shared>> -> memref<10240x64xf32, #tpu.memory_space<vmem_shared>>
          tpu.wait_indirect_dma semaphore(%arg22 : memref<!tpu.dma_semaphore, #tpu.memory_space<semaphore_mem>>) src(%arg15 : memref<80x64xf32, #tpu.memory_space<vmem>>) dst(%dma_wait3A_160 : memref<10240x64xf32, #tpu.memory_space<vmem_shared>>)
        } else {
        }
        %scan3A_143 = arith.constant 0 : i32
        %scan3A_144 = arith.constant 80 : i32
        %scan3A_145 = arith.addi %scan3A_143, %scan3A_144 : i32
        %scan3A_146 = arith.constant 4 : i32
        scf.for %scan3A_154 = %scan3A_143 to %scan3A_145 step %scan3A_146  : i32 {
          %mul3A_155 = arith.constant 1 : i32
          %mul3A_156 = arith.muli %scan3A_154, %mul3A_155 : i32
          %add3A_157 = arith.constant 0 : i32
          %add3A_158 = arith.addi %add3A_157, %mul3A_156 : i32
          %get3A = arith.index_cast %add3A_158 : i32 to index
          %get3A_159 = arith.constant 0 : index
          %get3A_160 = tpu.vector_load %arg11[%get3A, %get3A_159] {strides = array<i32>} : memref<80x64xf32, #tpu.memory_space<vmem>>, vector<1x16xf32>,
          %get3A_161 = vector.shape_cast %get3A_160 : vector<1x16xf32> to vector<16xf32>
          %get3A_162 = arith.index_cast %add3A_158 : i32 to index
          %get3A_163 = arith.constant 0 : index
          %get3A_164 = tpu.vector_load %arg13[%get3A_162, %get3A_163] {strides = array<i32>} : memref<80x64xf32, #tpu.memory_space<vmem>>, vector<1x16xf32>,
          %get3A_165 = vector.shape_cast %get3A_164 : vector<1x16xf32> to vector<16xf32>
          %add3A_166 = arith.addf %get3A_161, %get3A_165 : vector<16xf32>
          %max3A = arith.constant 0.000000e+00 : f32
          %max3A_167 = vector.broadcast %max3A : f32 to vector<16xf32>
          %max3A_168 = arith.maximumf %add3A_166, %max3A_167 : vector<16xf32>
          %swap3A = arith.index_cast %add3A_158 : i32 to index
          %swap3A_169 = arith.constant 0 : index
          %swap3A_170 = tpu.vector_load %arg15[%swap3A, %swap3A_169] {strides = array<i32>} : memref<80x64xf32, #tpu.memory_space<vmem>>, vector<1x16xf32>,
          %swap3A_171 = vector.shape_cast %swap3A_170 : vector<1x16xf32> to vector<16xf32>
          %swap3A_172 = vector.shape_cast %max3A_168 : vector<16xf32> to vector<1x16xf32>
          tpu.vector_store %arg15[%swap3A, %swap3A_169], %swap3A_172 {strides = array<i32>} : memref<80x64xf32, #tpu.memory_space<vmem>>, vector<1x16xf32>,
          %get3A_173 = arith.index_cast %add3A_158 : i32 to index
          %get3A_174 = arith.constant 16 : index
          %get3A_175 = tpu.vector_load %arg11[%get3A_173, %get3A_174] {strides = array<i32>} : memref<80x64xf32, #tpu.memory_space<vmem>>, vector<1x16xf32>,
          %get3A_176 = vector.shape_cast %get3A_175 : vector<1x16xf32> to vector<16xf32>
          %get3A_177 = arith.index_cast %add3A_158 : i32 to index
          %get3A_178 = arith.constant 16 : index
          %get3A_179 = tpu.vector_load %arg13[%get3A_177, %get3A_178] {strides = array<i32>} : memref<80x64xf32, #tpu.memory_space<vmem>>, vector<1x16xf32>,
          %get3A_180 = vector.shape_cast %get3A_179 : vector<1x16xf32> to vector<16xf32>
          %add3A_181 = arith.addf %get3A_176, %get3A_180 : vector<16xf32>
          %max3A_182 = arith.constant 0.000000e+00 : f32
          %max3A_183 = vector.broadcast %max3A_182 : f32 to vector<16xf32>
          %max3A_184 = arith.maximumf %add3A_181, %max3A_183 : vector<16xf32>
          %swap3A_185 = arith.index_cast %add3A_158 : i32 to index
          %swap3A_186 = arith.constant 16 : index
          %swap3A_187 = tpu.vector_load %arg15[%swap3A_185, %swap3A_186] {strides = array<i32>} : memref<80x64xf32, #tpu.memory_space<vmem>>, vector<1x16xf32>,
          %swap3A_188 = vector.shape_cast %swap3A_187 : vector<1x16xf32> to vector<16xf32>
          %swap3A_189 = vector.shape_cast %max3A_184 : vector<16xf32> to vector<1x16xf32>
          tpu.vector_store %arg15[%swap3A_185, %swap3A_186], %swap3A_189 {strides = array<i32>} : memref<80x64xf32, #tpu.memory_space<vmem>>, vector<1x16xf32>,
          %get3A_190 = arith.index_cast %add3A_158 : i32 to index
          %get3A_191 = arith.constant 32 : index
          %get3A_192 = tpu.vector_load %arg11[%get3A_190, %get3A_191] {strides = array<i32>} : memref<80x64xf32, #tpu.memory_space<vmem>>, vector<1x16xf32>,
          %get3A_193 = vector.shape_cast %get3A_192 : vector<1x16xf32> to vector<16xf32>
          %get3A_194 = arith.index_cast %add3A_158 : i32 to index
          %get3A_195 = arith.constant 32 : index
          %get3A_196 = tpu.vector_load %arg13[%get3A_194, %get3A_195] {strides = array<i32>} : memref<80x64xf32, #tpu.memory_space<vmem>>, vector<1x16xf32>,
          %get3A_197 = vector.shape_cast %get3A_196 : vector<1x16xf32> to vector<16xf32>
          %add3A_198 = arith.addf %get3A_193, %get3A_197 : vector<16xf32>
          %max3A_199 = arith.constant 0.000000e+00 : f32
          %max3A_200 = vector.broadcast %max3A_199 : f32 to vector<16xf32>
          %max3A_201 = arith.maximumf %add3A_198, %max3A_200 : vector<16xf32>
          %swap3A_202 = arith.index_cast %add3A_158 : i32 to index
          %swap3A_203 = arith.constant 32 : index
          %swap3A_204 = tpu.vector_load %arg15[%swap3A_202, %swap3A_203] {strides = array<i32>} : memref<80x64xf32, #tpu.memory_space<vmem>>, vector<1x16xf32>,
          %swap3A_205 = vector.shape_cast %swap3A_204 : vector<1x16xf32> to vector<16xf32>
          %swap3A_206 = vector.shape_cast %max3A_201 : vector<16xf32> to vector<1x16xf32>
          tpu.vector_store %arg15[%swap3A_202, %swap3A_203], %swap3A_206 {strides = array<i32>} : memref<80x64xf32, #tpu.memory_space<vmem>>, vector<1x16xf32>,
          %get3A_207 = arith.index_cast %add3A_158 : i32 to index
          %get3A_208 = arith.constant 48 : index
          %get3A_209 = tpu.vector_load %arg11[%get3A_207, %get3A_208] {strides = array<i32>} : memref<80x64xf32, #tpu.memory_space<vmem>>, vector<1x16xf32>,
          %get3A_210 = vector.shape_cast %get3A_209 : vector<1x16xf32> to vector<16xf32>
          %get3A_211 = arith.index_cast %add3A_158 : i32 to index
          %get3A_212 = arith.constant 48 : index
          %get3A_213 = tpu.vector_load %arg13[%get3A_211, %get3A_212] {strides = array<i32>} : memref<80x64xf32, #tpu.memory_space<vmem>>, vector<1x16xf32>,
          %get3A_214 = vector.shape_cast %get3A_213 : vector<1x16xf32> to vector<16xf32>
          %add3A_215 = arith.addf %get3A_210, %get3A_214 : vector<16xf32>
          %max3A_216 = arith.constant 0.000000e+00 : f32
          %max3A_217 = vector.broadcast %max3A_216 : f32 to vector<16xf32>
          %max3A_218 = arith.maximumf %add3A_215, %max3A_217 : vector<16xf32>
          %swap3A_219 = arith.index_cast %add3A_158 : i32 to index
          %swap3A_220 = arith.constant 48 : index
          %swap3A_221 = tpu.vector_load %arg15[%swap3A_219, %swap3A_220] {strides = array<i32>} : memref<80x64xf32, #tpu.memory_space<vmem>>, vector<1x16xf32>,
          %swap3A_222 = vector.shape_cast %swap3A_221 : vector<1x16xf32> to vector<16xf32>
          %swap3A_223 = vector.shape_cast %max3A_218 : vector<16xf32> to vector<1x16xf32>
          tpu.vector_store %arg15[%swap3A_219, %swap3A_220], %swap3A_223 {strides = array<i32>} : memref<80x64xf32, #tpu.memory_space<vmem>>, vector<1x16xf32>,
          %scan3A_224 = arith.constant 1 : i32
          %scan3A_225 = arith.addi %scan3A_154, %scan3A_224 : i32
          %mul3A_226 = arith.constant 1 : i32
          %mul3A_227 = arith.muli %scan3A_225, %mul3A_226 : i32
          %add3A_228 = arith.constant 0 : i32
          %add3A_229 = arith.addi %add3A_228, %mul3A_227 : i32
          %get3A_230 = arith.index_cast %add3A_229 : i32 to index
          %get3A_231 = arith.constant 0 : index
          %get3A_232 = tpu.vector_load %arg11[%get3A_230, %get3A_231] {strides = array<i32>} : memref<80x64xf32, #tpu.memory_space<vmem>>, vector<1x16xf32>,
          %get3A_233 = vector.shape_cast %get3A_232 : vector<1x16xf32> to vector<16xf32>
          %get3A_234 = arith.index_cast %add3A_229 : i32 to index
          %get3A_235 = arith.constant 0 : index
          %get3A_236 = tpu.vector_load %arg13[%get3A_234, %get3A_235] {strides = array<i32>} : memref<80x64xf32, #tpu.memory_space<vmem>>, vector<1x16xf32>,
          %get3A_237 = vector.shape_cast %get3A_236 : vector<1x16xf32> to vector<16xf32>
          %add3A_238 = arith.addf %get3A_233, %get3A_237 : vector<16xf32>
          %max3A_239 = arith.constant 0.000000e+00 : f32
          %max3A_240 = vector.broadcast %max3A_239 : f32 to vector<16xf32>
          %max3A_241 = arith.maximumf %add3A_238, %max3A_240 : vector<16xf32>
          %swap3A_242 = arith.index_cast %add3A_229 : i32 to index
          %swap3A_243 = arith.constant 0 : index
          %swap3A_244 = tpu.vector_load %arg15[%swap3A_242, %swap3A_243] {strides = array<i32>} : memref<80x64xf32, #tpu.memory_space<vmem>>, vector<1x16xf32>,
          %swap3A_245 = vector.shape_cast %swap3A_244 : vector<1x16xf32> to vector<16xf32>
          %swap3A_246 = vector.shape_cast %max3A_241 : vector<16xf32> to vector<1x16xf32>
          tpu.vector_store %arg15[%swap3A_242, %swap3A_243], %swap3A_246 {strides = array<i32>} : memref<80x64xf32, #tpu.memory_space<vmem>>, vector<1x16xf32>,
          %get3A_247 = arith.index_cast %add3A_229 : i32 to index
          %get3A_248 = arith.constant 16 : index
          %get3A_249 = tpu.vector_load %arg11[%get3A_247, %get3A_248] {strides = array<i32>} : memref<80x64xf32, #tpu.memory_space<vmem>>, vector<1x16xf32>,
          %get3A_250 = vector.shape_cast %get3A_249 : vector<1x16xf32> to vector<16xf32>
          %get3A_251 = arith.index_cast %add3A_229 : i32 to index
          %get3A_252 = arith.constant 16 : index
          %get3A_253 = tpu.vector_load %arg13[%get3A_251, %get3A_252] {strides = array<i32>} : memref<80x64xf32, #tpu.memory_space<vmem>>, vector<1x16xf32>,
          %get3A_254 = vector.shape_cast %get3A_253 : vector<1x16xf32> to vector<16xf32>
          %add3A_255 = arith.addf %get3A_250, %get3A_254 : vector<16xf32>
          %max3A_256 = arith.constant 0.000000e+00 : f32
          %max3A_257 = vector.broadcast %max3A_256 : f32 to vector<16xf32>
          %max3A_258 = arith.maximumf %add3A_255, %max3A_257 : vector<16xf32>
          %swap3A_259 = arith.index_cast %add3A_229 : i32 to index
          %swap3A_260 = arith.constant 16 : index
          %swap3A_261 = tpu.vector_load %arg15[%swap3A_259, %swap3A_260] {strides = array<i32>} : memref<80x64xf32, #tpu.memory_space<vmem>>, vector<1x16xf32>,
          %swap3A_262 = vector.shape_cast %swap3A_261 : vector<1x16xf32> to vector<16xf32>
          %swap3A_263 = vector.shape_cast %max3A_258 : vector<16xf32> to vector<1x16xf32>
          tpu.vector_store %arg15[%swap3A_259, %swap3A_260], %swap3A_263 {strides = array<i32>} : memref<80x64xf32, #tpu.memory_space<vmem>>, vector<1x16xf32>,
          %get3A_264 = arith.index_cast %add3A_229 : i32 to index
          %get3A_265 = arith.constant 32 : index
          %get3A_266 = tpu.vector_load %arg11[%get3A_264, %get3A_265] {strides = array<i32>} : memref<80x64xf32, #tpu.memory_space<vmem>>, vector<1x16xf32>,
          %get3A_267 = vector.shape_cast %get3A_266 : vector<1x16xf32> to vector<16xf32>
          %get3A_268 = arith.index_cast %add3A_229 : i32 to index
          %get3A_269 = arith.constant 32 : index
          %get3A_270 = tpu.vector_load %arg13[%get3A_268, %get3A_269] {strides = array<i32>} : memref<80x64xf32, #tpu.memory_space<vmem>>, vector<1x16xf32>,
          %get3A_271 = vector.shape_cast %get3A_270 : vector<1x16xf32> to vector<16xf32>
          %add3A_272 = arith.addf %get3A_267, %get3A_271 : vector<16xf32>
          %max3A_273 = arith.constant 0.000000e+00 : f32
          %max3A_274 = vector.broadcast %max3A_273 : f32 to vector<16xf32>
          %max3A_275 = arith.maximumf %add3A_272, %max3A_274 : vector<16xf32>
          %swap3A_276 = arith.index_cast %add3A_229 : i32 to index
          %swap3A_277 = arith.constant 32 : index
          %swap3A_278 = tpu.vector_load %arg15[%swap3A_276, %swap3A_277] {strides = array<i32>} : memref<80x64xf32, #tpu.memory_space<vmem>>, vector<1x16xf32>,
          %swap3A_279 = vector.shape_cast %swap3A_278 : vector<1x16xf32> to vector<16xf32>
          %swap3A_280 = vector.shape_cast %max3A_275 : vector<16xf32> to vector<1x16xf32>
          tpu.vector_store %arg15[%swap3A_276, %swap3A_277], %swap3A_280 {strides = array<i32>} : memref<80x64xf32, #tpu.memory_space<vmem>>, vector<1x16xf32>,
          %get3A_281 = arith.index_cast %add3A_229 : i32 to index
          %get3A_282 = arith.constant 48 : index
          %get3A_283 = tpu.vector_load %arg11[%get3A_281, %get3A_282] {strides = array<i32>} : memref<80x64xf32, #tpu.memory_space<vmem>>, vector<1x16xf32>,
          %get3A_284 = vector.shape_cast %get3A_283 : vector<1x16xf32> to vector<16xf32>
          %get3A_285 = arith.index_cast %add3A_229 : i32 to index
          %get3A_286 = arith.constant 48 : index
          %get3A_287 = tpu.vector_load %arg13[%get3A_285, %get3A_286] {strides = array<i32>} : memref<80x64xf32, #tpu.memory_space<vmem>>, vector<1x16xf32>,
          %get3A_288 = vector.shape_cast %get3A_287 : vector<1x16xf32> to vector<16xf32>
          %add3A_289 = arith.addf %get3A_284, %get3A_288 : vector<16xf32>
          %max3A_290 = arith.constant 0.000000e+00 : f32
          %max3A_291 = vector.broadcast %max3A_290 : f32 to vector<16xf32>
          %max3A_292 = arith.maximumf %add3A_289, %max3A_291 : vector<16xf32>
          %swap3A_293 = arith.index_cast %add3A_229 : i32 to index
          %swap3A_294 = arith.constant 48 : index
          %swap3A_295 = tpu.vector_load %arg15[%swap3A_293, %swap3A_294] {strides = array<i32>} : memref<80x64xf32, #tpu.memory_space<vmem>>, vector<1x16xf32>,
          %swap3A_296 = vector.shape_cast %swap3A_295 : vector<1x16xf32> to vector<16xf32>
          %swap3A_297 = vector.shape_cast %max3A_292 : vector<16xf32> to vector<1x16xf32>
          tpu.vector_store %arg15[%swap3A_293, %swap3A_294], %swap3A_297 {strides = array<i32>} : memref<80x64xf32, #tpu.memory_space<vmem>>, vector<1x16xf32>,
          %scan3A_298 = arith.constant 2 : i32
          %scan3A_299 = arith.addi %scan3A_154, %scan3A_298 : i32
          %mul3A_300 = arith.constant 1 : i32
          %mul3A_301 = arith.muli %scan3A_299, %mul3A_300 : i32
          %add3A_302 = arith.constant 0 : i32
          %add3A_303 = arith.addi %add3A_302, %mul3A_301 : i32
          %get3A_304 = arith.index_cast %add3A_303 : i32 to index
          %get3A_305 = arith.constant 0 : index
          %get3A_306 = tpu.vector_load %arg11[%get3A_304, %get3A_305] {strides = array<i32>} : memref<80x64xf32, #tpu.memory_space<vmem>>, vector<1x16xf32>,
          %get3A_307 = vector.shape_cast %get3A_306 : vector<1x16xf32> to vector<16xf32>
          %get3A_308 = arith.index_cast %add3A_303 : i32 to index
          %get3A_309 = arith.constant 0 : index
          %get3A_310 = tpu.vector_load %arg13[%get3A_308, %get3A_309] {strides = array<i32>} : memref<80x64xf32, #tpu.memory_space<vmem>>, vector<1x16xf32>,
          %get3A_311 = vector.shape_cast %get3A_310 : vector<1x16xf32> to vector<16xf32>
          %add3A_312 = arith.addf %get3A_307, %get3A_311 : vector<16xf32>
          %max3A_313 = arith.constant 0.000000e+00 : f32
          %max3A_314 = vector.broadcast %max3A_313 : f32 to vector<16xf32>
          %max3A_315 = arith.maximumf %add3A_312, %max3A_314 : vector<16xf32>
          %swap3A_316 = arith.index_cast %add3A_303 : i32 to index
          %swap3A_317 = arith.constant 0 : index
          %swap3A_318 = tpu.vector_load %arg15[%swap3A_316, %swap3A_317] {strides = array<i32>} : memref<80x64xf32, #tpu.memory_space<vmem>>, vector<1x16xf32>,
          %swap3A_319 = vector.shape_cast %swap3A_318 : vector<1x16xf32> to vector<16xf32>
          %swap3A_320 = vector.shape_cast %max3A_315 : vector<16xf32> to vector<1x16xf32>
          tpu.vector_store %arg15[%swap3A_316, %swap3A_317], %swap3A_320 {strides = array<i32>} : memref<80x64xf32, #tpu.memory_space<vmem>>, vector<1x16xf32>,
          %get3A_321 = arith.index_cast %add3A_303 : i32 to index
          %get3A_322 = arith.constant 16 : index
          %get3A_323 = tpu.vector_load %arg11[%get3A_321, %get3A_322] {strides = array<i32>} : memref<80x64xf32, #tpu.memory_space<vmem>>, vector<1x16xf32>,
          %get3A_324 = vector.shape_cast %get3A_323 : vector<1x16xf32> to vector<16xf32>
          %get3A_325 = arith.index_cast %add3A_303 : i32 to index
          %get3A_326 = arith.constant 16 : index
          %get3A_327 = tpu.vector_load %arg13[%get3A_325, %get3A_326] {strides = array<i32>} : memref<80x64xf32, #tpu.memory_space<vmem>>, vector<1x16xf32>,
          %get3A_328 = vector.shape_cast %get3A_327 : vector<1x16xf32> to vector<16xf32>
          %add3A_329 = arith.addf %get3A_324, %get3A_328 : vector<16xf32>
          %max3A_330 = arith.constant 0.000000e+00 : f32
          %max3A_331 = vector.broadcast %max3A_330 : f32 to vector<16xf32>
          %max3A_332 = arith.maximumf %add3A_329, %max3A_331 : vector<16xf32>
          %swap3A_333 = arith.index_cast %add3A_303 : i32 to index
          %swap3A_334 = arith.constant 16 : index
          %swap3A_335 = tpu.vector_load %arg15[%swap3A_333, %swap3A_334] {strides = array<i32>} : memref<80x64xf32, #tpu.memory_space<vmem>>, vector<1x16xf32>,
          %swap3A_336 = vector.shape_cast %swap3A_335 : vector<1x16xf32> to vector<16xf32>
          %swap3A_337 = vector.shape_cast %max3A_332 : vector<16xf32> to vector<1x16xf32>
          tpu.vector_store %arg15[%swap3A_333, %swap3A_334], %swap3A_337 {strides = array<i32>} : memref<80x64xf32, #tpu.memory_space<vmem>>, vector<1x16xf32>,
          %get3A_338 = arith.index_cast %add3A_303 : i32 to index
          %get3A_339 = arith.constant 32 : index
          %get3A_340 = tpu.vector_load %arg11[%get3A_338, %get3A_339] {strides = array<i32>} : memref<80x64xf32, #tpu.memory_space<vmem>>, vector<1x16xf32>,
          %get3A_341 = vector.shape_cast %get3A_340 : vector<1x16xf32> to vector<16xf32>
          %get3A_342 = arith.index_cast %add3A_303 : i32 to index
          %get3A_343 = arith.constant 32 : index
          %get3A_344 = tpu.vector_load %arg13[%get3A_342, %get3A_343] {strides = array<i32>} : memref<80x64xf32, #tpu.memory_space<vmem>>, vector<1x16xf32>,
          %get3A_345 = vector.shape_cast %get3A_344 : vector<1x16xf32> to vector<16xf32>
          %add3A_346 = arith.addf %get3A_341, %get3A_345 : vector<16xf32>
          %max3A_347 = arith.constant 0.000000e+00 : f32
          %max3A_348 = vector.broadcast %max3A_347 : f32 to vector<16xf32>
          %max3A_349 = arith.maximumf %add3A_346, %max3A_348 : vector<16xf32>
          %swap3A_350 = arith.index_cast %add3A_303 : i32 to index
          %swap3A_351 = arith.constant 32 : index
          %swap3A_352 = tpu.vector_load %arg15[%swap3A_350, %swap3A_351] {strides = array<i32>} : memref<80x64xf32, #tpu.memory_space<vmem>>, vector<1x16xf32>,
          %swap3A_353 = vector.shape_cast %swap3A_352 : vector<1x16xf32> to vector<16xf32>
          %swap3A_354 = vector.shape_cast %max3A_349 : vector<16xf32> to vector<1x16xf32>
          tpu.vector_store %arg15[%swap3A_350, %swap3A_351], %swap3A_354 {strides = array<i32>} : memref<80x64xf32, #tpu.memory_space<vmem>>, vector<1x16xf32>,
          %get3A_355 = arith.index_cast %add3A_303 : i32 to index
          %get3A_356 = arith.constant 48 : index
          %get3A_357 = tpu.vector_load %arg11[%get3A_355, %get3A_356] {strides = array<i32>} : memref<80x64xf32, #tpu.memory_space<vmem>>, vector<1x16xf32>,
          %get3A_358 = vector.shape_cast %get3A_357 : vector<1x16xf32> to vector<16xf32>
          %get3A_359 = arith.index_cast %add3A_303 : i32 to index
          %get3A_360 = arith.constant 48 : index
          %get3A_361 = tpu.vector_load %arg13[%get3A_359, %get3A_360] {strides = array<i32>} : memref<80x64xf32, #tpu.memory_space<vmem>>, vector<1x16xf32>,
          %get3A_362 = vector.shape_cast %get3A_361 : vector<1x16xf32> to vector<16xf32>
          %add3A_363 = arith.addf %get3A_358, %get3A_362 : vector<16xf32>
          %max3A_364 = arith.constant 0.000000e+00 : f32
          %max3A_365 = vector.broadcast %max3A_364 : f32 to vector<16xf32>
          %max3A_366 = arith.maximumf %add3A_363, %max3A_365 : vector<16xf32>
          %swap3A_367 = arith.index_cast %add3A_303 : i32 to index
          %swap3A_368 = arith.constant 48 : index
          %swap3A_369 = tpu.vector_load %arg15[%swap3A_367, %swap3A_368] {strides = array<i32>} : memref<80x64xf32, #tpu.memory_space<vmem>>, vector<1x16xf32>,
          %swap3A_370 = vector.shape_cast %swap3A_369 : vector<1x16xf32> to vector<16xf32>
          %swap3A_371 = vector.shape_cast %max3A_366 : vector<16xf32> to vector<1x16xf32>
          tpu.vector_store %arg15[%swap3A_367, %swap3A_368], %swap3A_371 {strides = array<i32>} : memref<80x64xf32, #tpu.memory_space<vmem>>, vector<1x16xf32>,
          %scan3A_372 = arith.constant 3 : i32
          %scan3A_373 = arith.addi %scan3A_154, %scan3A_372 : i32
          %mul3A_374 = arith.constant 1 : i32
          %mul3A_375 = arith.muli %scan3A_373, %mul3A_374 : i32
          %add3A_376 = arith.constant 0 : i32
          %add3A_377 = arith.addi %add3A_376, %mul3A_375 : i32
          %get3A_378 = arith.index_cast %add3A_377 : i32 to index
          %get3A_379 = arith.constant 0 : index
          %get3A_380 = tpu.vector_load %arg11[%get3A_378, %get3A_379] {strides = array<i32>} : memref<80x64xf32, #tpu.memory_space<vmem>>, vector<1x16xf32>,
          %get3A_381 = vector.shape_cast %get3A_380 : vector<1x16xf32> to vector<16xf32>
          %get3A_382 = arith.index_cast %add3A_377 : i32 to index
          %get3A_383 = arith.constant 0 : index
          %get3A_384 = tpu.vector_load %arg13[%get3A_382, %get3A_383] {strides = array<i32>} : memref<80x64xf32, #tpu.memory_space<vmem>>, vector<1x16xf32>,
          %get3A_385 = vector.shape_cast %get3A_384 : vector<1x16xf32> to vector<16xf32>
          %add3A_386 = arith.addf %get3A_381, %get3A_385 : vector<16xf32>
          %max3A_387 = arith.constant 0.000000e+00 : f32
          %max3A_388 = vector.broadcast %max3A_387 : f32 to vector<16xf32>
          %max3A_389 = arith.maximumf %add3A_386, %max3A_388 : vector<16xf32>
          %swap3A_390 = arith.index_cast %add3A_377 : i32 to index
          %swap3A_391 = arith.constant 0 : index
          %swap3A_392 = tpu.vector_load %arg15[%swap3A_390, %swap3A_391] {strides = array<i32>} : memref<80x64xf32, #tpu.memory_space<vmem>>, vector<1x16xf32>,
          %swap3A_393 = vector.shape_cast %swap3A_392 : vector<1x16xf32> to vector<16xf32>
          %swap3A_394 = vector.shape_cast %max3A_389 : vector<16xf32> to vector<1x16xf32>
          tpu.vector_store %arg15[%swap3A_390, %swap3A_391], %swap3A_394 {strides = array<i32>} : memref<80x64xf32, #tpu.memory_space<vmem>>, vector<1x16xf32>,
          %get3A_395 = arith.index_cast %add3A_377 : i32 to index
          %get3A_396 = arith.constant 16 : index
          %get3A_397 = tpu.vector_load %arg11[%get3A_395, %get3A_396] {strides = array<i32>} : memref<80x64xf32, #tpu.memory_space<vmem>>, vector<1x16xf32>,
          %get3A_398 = vector.shape_cast %get3A_397 : vector<1x16xf32> to vector<16xf32>
          %get3A_399 = arith.index_cast %add3A_377 : i32 to index
          %get3A_400 = arith.constant 16 : index
          %get3A_401 = tpu.vector_load %arg13[%get3A_399, %get3A_400] {strides = array<i32>} : memref<80x64xf32, #tpu.memory_space<vmem>>, vector<1x16xf32>,
          %get3A_402 = vector.shape_cast %get3A_401 : vector<1x16xf32> to vector<16xf32>
          %add3A_403 = arith.addf %get3A_398, %get3A_402 : vector<16xf32>
          %max3A_404 = arith.constant 0.000000e+00 : f32
          %max3A_405 = vector.broadcast %max3A_404 : f32 to vector<16xf32>
          %max3A_406 = arith.maximumf %add3A_403, %max3A_405 : vector<16xf32>
          %swap3A_407 = arith.index_cast %add3A_377 : i32 to index
          %swap3A_408 = arith.constant 16 : index
          %swap3A_409 = tpu.vector_load %arg15[%swap3A_407, %swap3A_408] {strides = array<i32>} : memref<80x64xf32, #tpu.memory_space<vmem>>, vector<1x16xf32>,
          %swap3A_410 = vector.shape_cast %swap3A_409 : vector<1x16xf32> to vector<16xf32>
          %swap3A_411 = vector.shape_cast %max3A_406 : vector<16xf32> to vector<1x16xf32>
          tpu.vector_store %arg15[%swap3A_407, %swap3A_408], %swap3A_411 {strides = array<i32>} : memref<80x64xf32, #tpu.memory_space<vmem>>, vector<1x16xf32>,
          %get3A_412 = arith.index_cast %add3A_377 : i32 to index
          %get3A_413 = arith.constant 32 : index
          %get3A_414 = tpu.vector_load %arg11[%get3A_412, %get3A_413] {strides = array<i32>} : memref<80x64xf32, #tpu.memory_space<vmem>>, vector<1x16xf32>,
          %get3A_415 = vector.shape_cast %get3A_414 : vector<1x16xf32> to vector<16xf32>
          %get3A_416 = arith.index_cast %add3A_377 : i32 to index
          %get3A_417 = arith.constant 32 : index
          %get3A_418 = tpu.vector_load %arg13[%get3A_416, %get3A_417] {strides = array<i32>} : memref<80x64xf32, #tpu.memory_space<vmem>>, vector<1x16xf32>,
          %get3A_419 = vector.shape_cast %get3A_418 : vector<1x16xf32> to vector<16xf32>
          %add3A_420 = arith.addf %get3A_415, %get3A_419 : vector<16xf32>
          %max3A_421 = arith.constant 0.000000e+00 : f32
          %max3A_422 = vector.broadcast %max3A_421 : f32 to vector<16xf32>
          %max3A_423 = arith.maximumf %add3A_420, %max3A_422 : vector<16xf32>
          %swap3A_424 = arith.index_cast %add3A_377 : i32 to index
          %swap3A_425 = arith.constant 32 : index
          %swap3A_426 = tpu.vector_load %arg15[%swap3A_424, %swap3A_425] {strides = array<i32>} : memref<80x64xf32, #tpu.memory_space<vmem>>, vector<1x16xf32>,
          %swap3A_427 = vector.shape_cast %swap3A_426 : vector<1x16xf32> to vector<16xf32>
          %swap3A_428 = vector.shape_cast %max3A_423 : vector<16xf32> to vector<1x16xf32>
          tpu.vector_store %arg15[%swap3A_424, %swap3A_425], %swap3A_428 {strides = array<i32>} : memref<80x64xf32, #tpu.memory_space<vmem>>, vector<1x16xf32>,
          %get3A_429 = arith.index_cast %add3A_377 : i32 to index
          %get3A_430 = arith.constant 48 : index
          %get3A_431 = tpu.vector_load %arg11[%get3A_429, %get3A_430] {strides = array<i32>} : memref<80x64xf32, #tpu.memory_space<vmem>>, vector<1x16xf32>,
          %get3A_432 = vector.shape_cast %get3A_431 : vector<1x16xf32> to vector<16xf32>
          %get3A_433 = arith.index_cast %add3A_377 : i32 to index
          %get3A_434 = arith.constant 48 : index
          %get3A_435 = tpu.vector_load %arg13[%get3A_433, %get3A_434] {strides = array<i32>} : memref<80x64xf32, #tpu.memory_space<vmem>>, vector<1x16xf32>,
          %get3A_436 = vector.shape_cast %get3A_435 : vector<1x16xf32> to vector<16xf32>
          %add3A_437 = arith.addf %get3A_432, %get3A_436 : vector<16xf32>
          %max3A_438 = arith.constant 0.000000e+00 : f32
          %max3A_439 = vector.broadcast %max3A_438 : f32 to vector<16xf32>
          %max3A_440 = arith.maximumf %add3A_437, %max3A_439 : vector<16xf32>
          %swap3A_441 = arith.index_cast %add3A_377 : i32 to index
          %swap3A_442 = arith.constant 48 : index
          %swap3A_443 = tpu.vector_load %arg15[%swap3A_441, %swap3A_442] {strides = array<i32>} : memref<80x64xf32, #tpu.memory_space<vmem>>, vector<1x16xf32>,
          %swap3A_444 = vector.shape_cast %swap3A_443 : vector<1x16xf32> to vector<16xf32>
          %swap3A_445 = vector.shape_cast %max3A_440 : vector<16xf32> to vector<1x16xf32>
          tpu.vector_store %arg15[%swap3A_441, %swap3A_442], %swap3A_445 {strides = array<i32>} : memref<80x64xf32, #tpu.memory_space<vmem>>, vector<1x16xf32>,
        }
        %scan3A_147 = arith.constant 80 : i32
        %dma_start3A_148 = arith.constant 0 : i32
        %dma_start3A_149 = tpu.memref_slice %arg9[%add3A_85, %dma_start3A_148] : memref<125x80xi32, #tpu.memory_space<vmem>> -> memref<1x80xi32, #tpu.memory_space<vmem>>
        %dma_start3A_150 = tpu.memref_squeeze %dma_start3A_149 : memref<1x80xi32, #tpu.memory_space<vmem>> -> memref<80xi32, #tpu.memory_space<vmem>>
        %dma_start3A_151 = arith.constant 0 : i32
        %dma_start3A_152 = arith.constant 0 : i32
        %dma_start3A_153 = tpu.memref_slice %arg7[%dma_start3A_151, %dma_start3A_152] : memref<10240x64xf32, #tpu.memory_space<vmem_shared>> -> memref<10240x64xf32, #tpu.memory_space<vmem_shared>>
        tpu.enqueue_indirect_dma source(%arg15 : memref<80x64xf32, #tpu.memory_space<vmem>>) target(%dma_start3A_153 : memref<10240x64xf32, #tpu.memory_space<vmem_shared>>) offsets(%dma_start3A_150 : memref<80xi32, #tpu.memory_space<vmem>>) semaphore(%arg22 : memref<!tpu.dma_semaphore, #tpu.memory_space<semaphore_mem>>) {add = true}
      } else {
      }
    }
    %scan3A_60 = arith.constant 125 : i32
    %dma_wait3A_61 = arith.constant 123 : i32
    %dma_wait3A_62 = arith.constant 0 : i32
    %dma_wait3A_63 = tpu.memref_slice %arg9[%dma_wait3A_61, %dma_wait3A_62] : memref<125x80xi32, #tpu.memory_space<vmem>> -> memref<1x80xi32, #tpu.memory_space<vmem>>
    %dma_wait3A_64 = tpu.memref_squeeze %dma_wait3A_63 : memref<1x80xi32, #tpu.memory_space<vmem>> -> memref<80xi32, #tpu.memory_space<vmem>>
    %dma_wait3A_65 = arith.constant 0 : i32
    %dma_wait3A_66 = arith.constant 0 : i32
    %dma_wait3A_67 = tpu.memref_slice %arg7[%dma_wait3A_65, %dma_wait3A_66] : memref<10240x64xf32, #tpu.memory_space<vmem_shared>> -> memref<10240x64xf32, #tpu.memory_space<vmem_shared>>
    tpu.wait_indirect_dma semaphore(%arg22 : memref<!tpu.dma_semaphore, #tpu.memory_space<semaphore_mem>>) src(%arg15 : memref<80x64xf32, #tpu.memory_space<vmem>>) dst(%dma_wait3A_67 : memref<10240x64xf32, #tpu.memory_space<vmem_shared>>)
    %dma_wait3A_68 = arith.constant 124 : i32
    %dma_wait3A_69 = arith.constant 0 : i32
    %dma_wait3A_70 = tpu.memref_slice %arg9[%dma_wait3A_68, %dma_wait3A_69] : memref<125x80xi32, #tpu.memory_space<vmem>> -> memref<1x80xi32, #tpu.memory_space<vmem>>
    %dma_wait3A_71 = tpu.memref_squeeze %dma_wait3A_70 : memref<1x80xi32, #tpu.memory_space<vmem>> -> memref<80xi32, #tpu.memory_space<vmem>>
    %dma_wait3A_72 = arith.constant 0 : i32
    %dma_wait3A_73 = arith.constant 0 : i32
    %dma_wait3A_74 = tpu.memref_slice %arg7[%dma_wait3A_72, %dma_wait3A_73] : memref<10240x64xf32, #tpu.memory_space<vmem_shared>> -> memref<10240x64xf32, #tpu.memory_space<vmem_shared>>
    tpu.wait_indirect_dma semaphore(%arg21 : memref<!tpu.dma_semaphore, #tpu.memory_space<semaphore_mem>>) src(%arg14 : memref<80x64xf32, #tpu.memory_space<vmem>>) dst(%dma_wait3A_74 : memref<10240x64xf32, #tpu.memory_space<vmem_shared>>)
    %barrier3A_75 = arith.constant 0 : index
    tpu.barrier barrier_id(%barrier3A_75)
    %scan3A_76 = arith.constant 0 : i32
    %scan3A_77 = arith.constant 5 : i32
    %scan3A_78 = arith.addi %scan3A_76, %scan3A_77 : i32
    %scan3A_79 = arith.constant 1 : i32
    scf.for %scan3A_81 = %scan3A_76 to %scan3A_78 step %scan3A_79  : i32 {
      %mul3A_82 = arith.constant 1 : i32
      %mul3A_83 = arith.muli %scan3A_81, %mul3A_82 : i32
      %add3A_84 = arith.constant 0 : i32
      %add3A_85 = arith.addi %add3A_84, %mul3A_83 : i32
      %mul3A_86 = arith.constant 640 : i32
      %mul3A_87 = arith.muli %arg1, %mul3A_86 : i32
      %mul3A_88 = arith.constant 128 : i32
      %mul3A_89 = arith.muli %add3A_85, %mul3A_88 : i32
      %add3A_90 = arith.addi %mul3A_87, %mul3A_89 : i32
      "tpu.region"() ({
        %run_scoped3A = tpu.sem_alloc : memref<!tpu.dma_semaphore, #tpu.memory_space<semaphore_mem>>
        %dma_start3A_91 = arith.constant 0 : i32
        %dma_start3A_92 = tpu.memref_slice %arg7[%add3A_90, %dma_start3A_91] : memref<10240x64xf32, #tpu.memory_space<vmem_shared>> -> memref<128x64xf32, #tpu.memory_space<vmem_shared>>
        %dma_start3A_93 = arith.constant 0 : i32
        %dma_start3A_94 = tpu.memref_slice %arg7[%add3A_90, %dma_start3A_93] : memref<10240x64xf32, #tpu.memory_space<vmem_shared>> -> memref<128x64xf32, #tpu.memory_space<vmem_shared>>
        tpu.enqueue_dma source(%dma_start3A_94 : memref<128x64xf32, #tpu.memory_space<vmem_shared>>) target(%arg16 : memref<128x64xf32, #tpu.memory_space<vmem>>) target_semaphore(%run_scoped3A : memref<!tpu.dma_semaphore, #tpu.memory_space<semaphore_mem>>)
        %dma_wait3A_95 = arith.constant 0 : i32
        %dma_wait3A_96 = tpu.memref_slice %arg7[%add3A_90, %dma_wait3A_95] : memref<10240x64xf32, #tpu.memory_space<vmem_shared>> -> memref<128x64xf32, #tpu.memory_space<vmem_shared>>
        %dma_wait3A_97 = arith.constant 0 : i32
        %dma_wait3A_98 = tpu.memref_slice %arg7[%add3A_90, %dma_wait3A_97] : memref<10240x64xf32, #tpu.memory_space<vmem_shared>> -> memref<128x64xf32, #tpu.memory_space<vmem_shared>>
        tpu.wait_dma2 semaphore(%run_scoped3A : memref<!tpu.dma_semaphore, #tpu.memory_space<semaphore_mem>>) src(%dma_wait3A_98 : memref<128x64xf32, #tpu.memory_space<vmem_shared>>) dst(%arg16 : memref<128x64xf32, #tpu.memory_space<vmem>>)
        tpu.yield
      }) : () -> ()
      "tpu.region"() ({
        %run_scoped3A = tpu.sem_alloc : memref<!tpu.dma_semaphore, #tpu.memory_space<semaphore_mem>>
        %dma_start3A_91 = arith.constant 0 : i32
        %dma_start3A_92 = tpu.memref_slice %arg6[%arg0, %add3A_90, %dma_start3A_91] : memref<2x10240x64xf32, #tpu.memory_space<hbm>> -> memref<1x128x64xf32, #tpu.memory_space<hbm>>
        %dma_start3A_93 = tpu.memref_squeeze %dma_start3A_92 : memref<1x128x64xf32, #tpu.memory_space<hbm>> -> memref<128x64xf32, #tpu.memory_space<hbm>>
        %dma_start3A_94 = arith.constant 0 : i32
        %dma_start3A_95 = tpu.memref_slice %arg6[%arg0, %add3A_90, %dma_start3A_94] : memref<2x10240x64xf32, #tpu.memory_space<hbm>> -> memref<1x128x64xf32, #tpu.memory_space<hbm>>
        %dma_start3A_96 = tpu.memref_squeeze %dma_start3A_95 : memref<1x128x64xf32, #tpu.memory_space<hbm>> -> memref<128x64xf32, #tpu.memory_space<hbm>>
        tpu.enqueue_dma source(%arg16 : memref<128x64xf32, #tpu.memory_space<vmem>>) target(%dma_start3A_96 : memref<128x64xf32, #tpu.memory_space<hbm>>) target_semaphore(%run_scoped3A : memref<!tpu.dma_semaphore, #tpu.memory_space<semaphore_mem>>)
        %dma_wait3A_97 = arith.constant 0 : i32
        %dma_wait3A_98 = tpu.memref_slice %arg6[%arg0, %add3A_90, %dma_wait3A_97] : memref<2x10240x64xf32, #tpu.memory_space<hbm>> -> memref<1x128x64xf32, #tpu.memory_space<hbm>>
        %dma_wait3A_99 = tpu.memref_squeeze %dma_wait3A_98 : memref<1x128x64xf32, #tpu.memory_space<hbm>> -> memref<128x64xf32, #tpu.memory_space<hbm>>
        %dma_wait3A_100 = arith.constant 0 : i32
        %dma_wait3A_101 = tpu.memref_slice %arg6[%arg0, %add3A_90, %dma_wait3A_100] : memref<2x10240x64xf32, #tpu.memory_space<hbm>> -> memref<1x128x64xf32, #tpu.memory_space<hbm>>
        %dma_wait3A_102 = tpu.memref_squeeze %dma_wait3A_101 : memref<1x128x64xf32, #tpu.memory_space<hbm>> -> memref<128x64xf32, #tpu.memory_space<hbm>>
        tpu.wait_dma2 semaphore(%run_scoped3A : memref<!tpu.dma_semaphore, #tpu.memory_space<semaphore_mem>>) src(%arg16 : memref<128x64xf32, #tpu.memory_space<vmem>>) dst(%dma_wait3A_102 : memref<128x64xf32, #tpu.memory_space<hbm>>)
        tpu.yield
      }) : () -> ()
    }
    %scan3A_80 = arith.constant 5 : i32
    return
  }
}

module attributes {stable_mosaic.version = 14 : i64} {
  func.func @_mlp_body(%arg0: i32, %arg1: memref<2000x16xf32, #tpu.memory_space<vmem>>, %arg2: memref<16x64xf32, #tpu.memory_space<vmem>>, %arg3: memref<1x64xf32, #tpu.memory_space<vmem>>, %arg4: memref<64x64xf32, #tpu.memory_space<vmem>>, %arg5: memref<1x64xf32, #tpu.memory_space<vmem>>, %arg6: memref<2000x64xf32, #tpu.memory_space<vmem>>) attributes {dimension_semantics = [#tpu.dimension_semantics<arbitrary>], iteration_bounds = array<i64: 160>, scalar_prefetch = 0 : i64, scratch_operands = 0 : i64, tpu.core_type = #tpu.core_type<tc>, window_params = [{transform_indices = @transform_0, window_bounds = array<i64: 2000, 16>}, {pipeline_mode = #tpu.pipeline_mode<synchronous>, transform_indices = @transform_1, window_bounds = array<i64: 16, 64>}, {pipeline_mode = #tpu.pipeline_mode<synchronous>, transform_indices = @transform_2, window_bounds = array<i64: 1, 64>}, {pipeline_mode = #tpu.pipeline_mode<synchronous>, transform_indices = @transform_3, window_bounds = array<i64: 64, 64>}, {pipeline_mode = #tpu.pipeline_mode<synchronous>, transform_indices = @transform_4, window_bounds = array<i64: 1, 64>}, {transform_indices = @transform_5, window_bounds = array<i64: 2000, 64>}]} {
    %get3A = arith.constant 0 : index
    %get3A_0 = arith.constant 0 : index
    %get3A_1 = vector.load %arg1[%get3A, %get3A_0] : memref<2000x16xf32, #tpu.memory_space<vmem>>, vector<2000x16xf32>
    %get3A_2 = arith.constant 0 : index
    %get3A_3 = arith.constant 0 : index
    %get3A_4 = vector.load %arg2[%get3A_2, %get3A_3] : memref<16x64xf32, #tpu.memory_space<vmem>>, vector<16x64xf32>
    %dot_general3A = arith.constant dense<0.000000e+00> : vector<2000x64xf32>
    %dot_general3A_5 = tpu.matmul %get3A_1, %get3A_4, %dot_general3A {dimension_numbers = #tpu.dot_dimension_numbers<[1], [0], [0], [1], [0, 0, 1, 1], [], []>, transpose_lhs_hint = false} : vector<2000x16xf32>, vector<16x64xf32>, vector<2000x64xf32> -> vector<2000x64xf32>
    %get3A_6 = arith.constant 0 : index
    %get3A_7 = arith.constant 0 : index
    %get3A_8 = vector.load %arg3[%get3A_6, %get3A_7] : memref<1x64xf32, #tpu.memory_space<vmem>>, vector<1x64xf32>
    %add3A = vector.broadcast %get3A_8 : vector<1x64xf32> to vector<2000x64xf32>
    %add3A_9 = arith.addf %dot_general3A_5, %add3A : vector<2000x64xf32>
    %max3A = arith.constant 0.000000e+00 : f32
    %max3A_10 = vector.broadcast %max3A : f32 to vector<2000x64xf32>
    %max3A_11 = arith.maximumf %add3A_9, %max3A_10 : vector<2000x64xf32>
    %get3A_12 = arith.constant 0 : index
    %get3A_13 = arith.constant 0 : index
    %get3A_14 = vector.load %arg4[%get3A_12, %get3A_13] : memref<64x64xf32, #tpu.memory_space<vmem>>, vector<64x64xf32>
    %dot_general3A_15 = arith.constant dense<0.000000e+00> : vector<2000x64xf32>
    %dot_general3A_16 = tpu.matmul %max3A_11, %get3A_14, %dot_general3A_15 {dimension_numbers = #tpu.dot_dimension_numbers<[1], [0], [0], [1], [0, 0, 1, 1], [], []>, transpose_lhs_hint = false} : vector<2000x64xf32>, vector<64x64xf32>, vector<2000x64xf32> -> vector<2000x64xf32>
    %get3A_17 = arith.constant 0 : index
    %get3A_18 = arith.constant 0 : index
    %get3A_19 = vector.load %arg5[%get3A_17, %get3A_18] : memref<1x64xf32, #tpu.memory_space<vmem>>, vector<1x64xf32>
    %add3A_20 = vector.broadcast %get3A_19 : vector<1x64xf32> to vector<2000x64xf32>
    %add3A_21 = arith.addf %dot_general3A_16, %add3A_20 : vector<2000x64xf32>
    %swap3A = arith.constant 0 : index
    %swap3A_22 = arith.constant 0 : index
    %swap3A_23 = vector.load %arg6[%swap3A, %swap3A_22] : memref<2000x64xf32, #tpu.memory_space<vmem>>, vector<2000x64xf32>
    tpu.vector_store %arg6[%swap3A, %swap3A_22], %add3A_21 {strides = array<i32>} : memref<2000x64xf32, #tpu.memory_space<vmem>>, vector<2000x64xf32>,
    return
  }
  func.func @transform_0(%arg0: i32) -> (i32, i32) {
    %c0_i32 = arith.constant 0 : i32
    %c0_i32_0 = arith.constant 0 : i32
    return %arg0, %c0_i32 : i32, i32
  }
  func.func @transform_1(%arg0: i32) -> (i32, i32) {
    %c0_i32 = arith.constant 0 : i32
    %c0_i32_0 = arith.constant 0 : i32
    %c0_i32_1 = arith.constant 0 : i32
    return %c0_i32, %c0_i32_0 : i32, i32
  }
  func.func @transform_2(%arg0: i32) -> (i32, i32) {
    %c0_i32 = arith.constant 0 : i32
    %c0_i32_0 = arith.constant 0 : i32
    %c0_i32_1 = arith.constant 0 : i32
    return %c0_i32, %c0_i32_0 : i32, i32
  }
  func.func @transform_3(%arg0: i32) -> (i32, i32) {
    %c0_i32 = arith.constant 0 : i32
    %c0_i32_0 = arith.constant 0 : i32
    %c0_i32_1 = arith.constant 0 : i32
    return %c0_i32, %c0_i32_0 : i32, i32
  }
  func.func @transform_4(%arg0: i32) -> (i32, i32) {
    %c0_i32 = arith.constant 0 : i32
    %c0_i32_0 = arith.constant 0 : i32
    %c0_i32_1 = arith.constant 0 : i32
    return %c0_i32, %c0_i32_0 : i32, i32
  }
  func.func @transform_5(%arg0: i32) -> (i32, i32) {
    %c0_i32 = arith.constant 0 : i32
    %c0_i32_0 = arith.constant 0 : i32
    return %arg0, %c0_i32 : i32, i32
  }
}

module attributes {stable_mosaic.version = 14 : i64} {
  func.func @_mlp_body(%arg0: i32, %arg1: memref<1000x128xf32, #tpu.memory_space<vmem>>, %arg2: memref<128x64xf32, #tpu.memory_space<vmem>>, %arg3: memref<1x64xf32, #tpu.memory_space<vmem>>, %arg4: memref<64x64xf32, #tpu.memory_space<vmem>>, %arg5: memref<1x64xf32, #tpu.memory_space<vmem>>, %arg6: memref<1000x64xf32, #tpu.memory_space<vmem>>) attributes {dimension_semantics = [#tpu.dimension_semantics<arbitrary>], iteration_bounds = array<i64: 10>, scalar_prefetch = 0 : i64, scratch_operands = 0 : i64, tpu.core_type = #tpu.core_type<tc>, window_params = [{transform_indices = @transform_0, window_bounds = array<i64: 1000, 128>}, {pipeline_mode = #tpu.pipeline_mode<synchronous>, transform_indices = @transform_1, window_bounds = array<i64: 128, 64>}, {pipeline_mode = #tpu.pipeline_mode<synchronous>, transform_indices = @transform_2, window_bounds = array<i64: 1, 64>}, {pipeline_mode = #tpu.pipeline_mode<synchronous>, transform_indices = @transform_3, window_bounds = array<i64: 64, 64>}, {pipeline_mode = #tpu.pipeline_mode<synchronous>, transform_indices = @transform_4, window_bounds = array<i64: 1, 64>}, {transform_indices = @transform_5, window_bounds = array<i64: 1000, 64>}]} {
    %get3A = arith.constant 0 : index
    %get3A_0 = arith.constant 0 : index
    %get3A_1 = vector.load %arg1[%get3A, %get3A_0] : memref<1000x128xf32, #tpu.memory_space<vmem>>, vector<1000x128xf32>
    %get3A_2 = arith.constant 0 : index
    %get3A_3 = arith.constant 0 : index
    %get3A_4 = vector.load %arg2[%get3A_2, %get3A_3] : memref<128x64xf32, #tpu.memory_space<vmem>>, vector<128x64xf32>
    %dot_general3A = arith.constant dense<0.000000e+00> : vector<1000x64xf32>
    %dot_general3A_5 = tpu.matmul %get3A_1, %get3A_4, %dot_general3A {dimension_numbers = #tpu.dot_dimension_numbers<[1], [0], [0], [1], [0, 0, 1, 1], [], []>, transpose_lhs_hint = false} : vector<1000x128xf32>, vector<128x64xf32>, vector<1000x64xf32> -> vector<1000x64xf32>
    %get3A_6 = arith.constant 0 : index
    %get3A_7 = arith.constant 0 : index
    %get3A_8 = vector.load %arg3[%get3A_6, %get3A_7] : memref<1x64xf32, #tpu.memory_space<vmem>>, vector<1x64xf32>
    %add3A = vector.broadcast %get3A_8 : vector<1x64xf32> to vector<1000x64xf32>
    %add3A_9 = arith.addf %dot_general3A_5, %add3A : vector<1000x64xf32>
    %max3A = arith.constant 0.000000e+00 : f32
    %max3A_10 = vector.broadcast %max3A : f32 to vector<1000x64xf32>
    %max3A_11 = arith.maximumf %add3A_9, %max3A_10 : vector<1000x64xf32>
    %get3A_12 = arith.constant 0 : index
    %get3A_13 = arith.constant 0 : index
    %get3A_14 = vector.load %arg4[%get3A_12, %get3A_13] : memref<64x64xf32, #tpu.memory_space<vmem>>, vector<64x64xf32>
    %dot_general3A_15 = arith.constant dense<0.000000e+00> : vector<1000x64xf32>
    %dot_general3A_16 = tpu.matmul %max3A_11, %get3A_14, %dot_general3A_15 {dimension_numbers = #tpu.dot_dimension_numbers<[1], [0], [0], [1], [0, 0, 1, 1], [], []>, transpose_lhs_hint = false} : vector<1000x64xf32>, vector<64x64xf32>, vector<1000x64xf32> -> vector<1000x64xf32>
    %get3A_17 = arith.constant 0 : index
    %get3A_18 = arith.constant 0 : index
    %get3A_19 = vector.load %arg5[%get3A_17, %get3A_18] : memref<1x64xf32, #tpu.memory_space<vmem>>, vector<1x64xf32>
    %add3A_20 = vector.broadcast %get3A_19 : vector<1x64xf32> to vector<1000x64xf32>
    %add3A_21 = arith.addf %dot_general3A_16, %add3A_20 : vector<1000x64xf32>
    %swap3A = arith.constant 0 : index
    %swap3A_22 = arith.constant 0 : index
    %swap3A_23 = vector.load %arg6[%swap3A, %swap3A_22] : memref<1000x64xf32, #tpu.memory_space<vmem>>, vector<1000x64xf32>
    tpu.vector_store %arg6[%swap3A, %swap3A_22], %add3A_21 {strides = array<i32>} : memref<1000x64xf32, #tpu.memory_space<vmem>>, vector<1000x64xf32>,
    return
  }
  func.func @transform_0(%arg0: i32) -> (i32, i32) {
    %c0_i32 = arith.constant 0 : i32
    %c0_i32_0 = arith.constant 0 : i32
    return %arg0, %c0_i32 : i32, i32
  }
  func.func @transform_1(%arg0: i32) -> (i32, i32) {
    %c0_i32 = arith.constant 0 : i32
    %c0_i32_0 = arith.constant 0 : i32
    %c0_i32_1 = arith.constant 0 : i32
    return %c0_i32, %c0_i32_0 : i32, i32
  }
  func.func @transform_2(%arg0: i32) -> (i32, i32) {
    %c0_i32 = arith.constant 0 : i32
    %c0_i32_0 = arith.constant 0 : i32
    %c0_i32_1 = arith.constant 0 : i32
    return %c0_i32, %c0_i32_0 : i32, i32
  }
  func.func @transform_3(%arg0: i32) -> (i32, i32) {
    %c0_i32 = arith.constant 0 : i32
    %c0_i32_0 = arith.constant 0 : i32
    %c0_i32_1 = arith.constant 0 : i32
    return %c0_i32, %c0_i32_0 : i32, i32
  }
  func.func @transform_4(%arg0: i32) -> (i32, i32) {
    %c0_i32 = arith.constant 0 : i32
    %c0_i32_0 = arith.constant 0 : i32
    %c0_i32_1 = arith.constant 0 : i32
    return %c0_i32, %c0_i32_0 : i32, i32
  }
  func.func @transform_5(%arg0: i32) -> (i32, i32) {
    %c0_i32 = arith.constant 0 : i32
    %c0_i32_0 = arith.constant 0 : i32
    return %arg0, %c0_i32 : i32, i32
  }
}

module attributes {stable_mosaic.version = 14 : i64} {
  func.func @_combine_body(%arg0: i32, %arg1: memref<2x1000x64xf32, #tpu.memory_space<vmem>>, %arg2: memref<1000x64xf32, #tpu.memory_space<vmem>>, %arg3: memref<64x64xf32, #tpu.memory_space<vmem>>, %arg4: memref<1x64xf32, #tpu.memory_space<vmem>>, %arg5: memref<64x64xf32, #tpu.memory_space<vmem>>, %arg6: memref<1x64xf32, #tpu.memory_space<vmem>>, %arg7: memref<1000x64xf32, #tpu.memory_space<vmem>>) attributes {dimension_semantics = [#tpu.dimension_semantics<arbitrary>], iteration_bounds = array<i64: 10>, scalar_prefetch = 0 : i64, scratch_operands = 0 : i64, tpu.core_type = #tpu.core_type<tc>, window_params = [{transform_indices = @transform_0, window_bounds = array<i64: 2, 1000, 64>}, {transform_indices = @transform_1, window_bounds = array<i64: 1000, 64>}, {pipeline_mode = #tpu.pipeline_mode<synchronous>, transform_indices = @transform_2, window_bounds = array<i64: 64, 64>}, {pipeline_mode = #tpu.pipeline_mode<synchronous>, transform_indices = @transform_3, window_bounds = array<i64: 1, 64>}, {pipeline_mode = #tpu.pipeline_mode<synchronous>, transform_indices = @transform_4, window_bounds = array<i64: 64, 64>}, {pipeline_mode = #tpu.pipeline_mode<synchronous>, transform_indices = @transform_5, window_bounds = array<i64: 1, 64>}, {transform_indices = @transform_6, window_bounds = array<i64: 1000, 64>}]} {
    %get3A = arith.constant 0 : index
    %get3A_0 = arith.constant 0 : index
    %get3A_1 = vector.load %arg2[%get3A, %get3A_0] : memref<1000x64xf32, #tpu.memory_space<vmem>>, vector<1000x64xf32>
    %get3A_2 = arith.constant 0 : index
    %get3A_3 = arith.constant 0 : index
    %get3A_4 = arith.constant 0 : index
    %get3A_5 = vector.load %arg1[%get3A_2, %get3A_3, %get3A_4] : memref<2x1000x64xf32, #tpu.memory_space<vmem>>, vector<1x1000x64xf32>
    %get3A_6 = vector.shape_cast %get3A_5 : vector<1x1000x64xf32> to vector<1000x64xf32>
    %get3A_7 = arith.constant 1 : index
    %get3A_8 = arith.constant 0 : index
    %get3A_9 = arith.constant 0 : index
    %get3A_10 = vector.load %arg1[%get3A_7, %get3A_8, %get3A_9] : memref<2x1000x64xf32, #tpu.memory_space<vmem>>, vector<1x1000x64xf32>
    %get3A_11 = vector.shape_cast %get3A_10 : vector<1x1000x64xf32> to vector<1000x64xf32>
    %add3A = arith.addf %get3A_6, %get3A_11 : vector<1000x64xf32>
    %mul3A = arith.constant 1.100000e+00 : f32
    %mul3A_12 = vector.broadcast %mul3A : f32 to vector<1000x64xf32>
    %mul3A_13 = arith.mulf %mul3A_12, %get3A_1 : vector<1000x64xf32>
    %add3A_14 = arith.addf %add3A, %mul3A_13 : vector<1000x64xf32>
    %get3A_15 = arith.constant 0 : index
    %get3A_16 = arith.constant 0 : index
    %get3A_17 = vector.load %arg3[%get3A_15, %get3A_16] : memref<64x64xf32, #tpu.memory_space<vmem>>, vector<64x64xf32>
    %dot_general3A = arith.constant dense<0.000000e+00> : vector<1000x64xf32>
    %dot_general3A_18 = tpu.matmul %add3A_14, %get3A_17, %dot_general3A {dimension_numbers = #tpu.dot_dimension_numbers<[1], [0], [0], [1], [0, 0, 1, 1], [], []>, transpose_lhs_hint = false} : vector<1000x64xf32>, vector<64x64xf32>, vector<1000x64xf32> -> vector<1000x64xf32>
    %get3A_19 = arith.constant 0 : index
    %get3A_20 = arith.constant 0 : index
    %get3A_21 = vector.load %arg4[%get3A_19, %get3A_20] : memref<1x64xf32, #tpu.memory_space<vmem>>, vector<1x64xf32>
    %add3A_22 = vector.broadcast %get3A_21 : vector<1x64xf32> to vector<1000x64xf32>
    %add3A_23 = arith.addf %dot_general3A_18, %add3A_22 : vector<1000x64xf32>
    %max3A = arith.constant 0.000000e+00 : f32
    %max3A_24 = vector.broadcast %max3A : f32 to vector<1000x64xf32>
    %max3A_25 = arith.maximumf %add3A_23, %max3A_24 : vector<1000x64xf32>
    %get3A_26 = arith.constant 0 : index
    %get3A_27 = arith.constant 0 : index
    %get3A_28 = vector.load %arg5[%get3A_26, %get3A_27] : memref<64x64xf32, #tpu.memory_space<vmem>>, vector<64x64xf32>
    %dot_general3A_29 = arith.constant dense<0.000000e+00> : vector<1000x64xf32>
    %dot_general3A_30 = tpu.matmul %max3A_25, %get3A_28, %dot_general3A_29 {dimension_numbers = #tpu.dot_dimension_numbers<[1], [0], [0], [1], [0, 0, 1, 1], [], []>, transpose_lhs_hint = false} : vector<1000x64xf32>, vector<64x64xf32>, vector<1000x64xf32> -> vector<1000x64xf32>
    %get3A_31 = arith.constant 0 : index
    %get3A_32 = arith.constant 0 : index
    %get3A_33 = vector.load %arg6[%get3A_31, %get3A_32] : memref<1x64xf32, #tpu.memory_space<vmem>>, vector<1x64xf32>
    %add3A_34 = vector.broadcast %get3A_33 : vector<1x64xf32> to vector<1000x64xf32>
    %add3A_35 = arith.addf %dot_general3A_30, %add3A_34 : vector<1000x64xf32>
    %add3A_36 = arith.addf %get3A_1, %add3A_35 : vector<1000x64xf32>
    %max3A_37 = arith.constant 0.000000e+00 : f32
    %max3A_38 = vector.broadcast %max3A_37 : f32 to vector<1000x64xf32>
    %max3A_39 = arith.maximumf %add3A_36, %max3A_38 : vector<1000x64xf32>
    %swap3A = arith.constant 0 : index
    %swap3A_40 = arith.constant 0 : index
    %swap3A_41 = vector.load %arg7[%swap3A, %swap3A_40] : memref<1000x64xf32, #tpu.memory_space<vmem>>, vector<1000x64xf32>
    tpu.vector_store %arg7[%swap3A, %swap3A_40], %max3A_39 {strides = array<i32>} : memref<1000x64xf32, #tpu.memory_space<vmem>>, vector<1000x64xf32>,
    return
  }
  func.func @transform_0(%arg0: i32) -> (i32, i32, i32) {
    %c0_i32 = arith.constant 0 : i32
    %c0_i32_0 = arith.constant 0 : i32
    %c0_i32_1 = arith.constant 0 : i32
    return %c0_i32, %arg0, %c0_i32_0 : i32, i32, i32
  }
  func.func @transform_1(%arg0: i32) -> (i32, i32) {
    %c0_i32 = arith.constant 0 : i32
    %c0_i32_0 = arith.constant 0 : i32
    return %arg0, %c0_i32 : i32, i32
  }
  func.func @transform_2(%arg0: i32) -> (i32, i32) {
    %c0_i32 = arith.constant 0 : i32
    %c0_i32_0 = arith.constant 0 : i32
    %c0_i32_1 = arith.constant 0 : i32
    return %c0_i32, %c0_i32_0 : i32, i32
  }
  func.func @transform_3(%arg0: i32) -> (i32, i32) {
    %c0_i32 = arith.constant 0 : i32
    %c0_i32_0 = arith.constant 0 : i32
    %c0_i32_1 = arith.constant 0 : i32
    return %c0_i32, %c0_i32_0 : i32, i32
  }
  func.func @transform_4(%arg0: i32) -> (i32, i32) {
    %c0_i32 = arith.constant 0 : i32
    %c0_i32_0 = arith.constant 0 : i32
    %c0_i32_1 = arith.constant 0 : i32
    return %c0_i32, %c0_i32_0 : i32, i32
  }
  func.func @transform_5(%arg0: i32) -> (i32, i32) {
    %c0_i32 = arith.constant 0 : i32
    %c0_i32_0 = arith.constant 0 : i32
    %c0_i32_1 = arith.constant 0 : i32
    return %c0_i32, %c0_i32_0 : i32, i32
  }
  func.func @transform_6(%arg0: i32) -> (i32, i32) {
    %c0_i32 = arith.constant 0 : i32
    %c0_i32_0 = arith.constant 0 : i32
    return %arg0, %c0_i32 : i32, i32
  }
}

module attributes {stable_mosaic.version = 14 : i64} {
  func.func @_pool_body(%arg0: i32, %arg1: memref<2x1000x64xf32, #tpu.memory_space<vmem>>, %arg2: memref<1000x64xf32, #tpu.memory_space<vmem>>, %arg3: memref<1x1x1000xi32, #tpu.memory_space<vmem>>, %arg4: memref<64x64xf32, #tpu.memory_space<vmem>>, %arg5: memref<1x64xf32, #tpu.memory_space<vmem>>, %arg6: memref<64x64xf32, #tpu.memory_space<vmem>>, %arg7: memref<1x64xf32, #tpu.memory_space<vmem>>, %arg8: memref<64x64xf32, #tpu.memory_space<vmem>>) attributes {dimension_semantics = [#tpu.dimension_semantics<arbitrary>], iteration_bounds = array<i64: 10>, scalar_prefetch = 0 : i64, scratch_operands = 0 : i64, tpu.core_type = #tpu.core_type<tc>, window_params = [{transform_indices = @transform_0, window_bounds = array<i64: 2, 1000, 64>}, {transform_indices = @transform_1, window_bounds = array<i64: 1000, 64>}, {transform_indices = @transform_2, window_bounds = array<i64: 1, 1, 1000>}, {pipeline_mode = #tpu.pipeline_mode<synchronous>, transform_indices = @transform_3, window_bounds = array<i64: 64, 64>}, {pipeline_mode = #tpu.pipeline_mode<synchronous>, transform_indices = @transform_4, window_bounds = array<i64: 1, 64>}, {pipeline_mode = #tpu.pipeline_mode<synchronous>, transform_indices = @transform_5, window_bounds = array<i64: 64, 64>}, {pipeline_mode = #tpu.pipeline_mode<synchronous>, transform_indices = @transform_6, window_bounds = array<i64: 1, 64>}, {pipeline_mode = #tpu.pipeline_mode<synchronous>, transform_indices = @transform_7, window_bounds = array<i64: 64, 64>}]} {
    %get3A = arith.constant 0 : index
    %get3A_0 = arith.constant 0 : index
    %get3A_1 = arith.constant 0 : index
    %get3A_2 = vector.load %arg1[%get3A, %get3A_0, %get3A_1] : memref<2x1000x64xf32, #tpu.memory_space<vmem>>, vector<1x1000x64xf32>
    %get3A_3 = vector.shape_cast %get3A_2 : vector<1x1000x64xf32> to vector<1000x64xf32>
    %get3A_4 = arith.constant 1 : index
    %get3A_5 = arith.constant 0 : index
    %get3A_6 = arith.constant 0 : index
    %get3A_7 = vector.load %arg1[%get3A_4, %get3A_5, %get3A_6] : memref<2x1000x64xf32, #tpu.memory_space<vmem>>, vector<1x1000x64xf32>
    %get3A_8 = vector.shape_cast %get3A_7 : vector<1x1000x64xf32> to vector<1000x64xf32>
    %add3A = arith.addf %get3A_3, %get3A_8 : vector<1000x64xf32>
    %get3A_9 = arith.constant 0 : index
    %get3A_10 = arith.constant 0 : index
    %get3A_11 = vector.load %arg2[%get3A_9, %get3A_10] : memref<1000x64xf32, #tpu.memory_space<vmem>>, vector<1000x64xf32>
    %mul3A = arith.constant 1.100000e+00 : f32
    %mul3A_12 = vector.broadcast %mul3A : f32 to vector<1000x64xf32>
    %mul3A_13 = arith.mulf %mul3A_12, %get3A_11 : vector<1000x64xf32>
    %add3A_14 = arith.addf %add3A, %mul3A_13 : vector<1000x64xf32>
    %get3A_15 = arith.constant 0 : index
    %get3A_16 = arith.constant 0 : index
    %get3A_17 = vector.load %arg4[%get3A_15, %get3A_16] : memref<64x64xf32, #tpu.memory_space<vmem>>, vector<64x64xf32>
    %dot_general3A = arith.constant dense<0.000000e+00> : vector<1000x64xf32>
    %dot_general3A_18 = tpu.matmul %add3A_14, %get3A_17, %dot_general3A {dimension_numbers = #tpu.dot_dimension_numbers<[1], [0], [0], [1], [0, 0, 1, 1], [], []>, transpose_lhs_hint = false} : vector<1000x64xf32>, vector<64x64xf32>, vector<1000x64xf32> -> vector<1000x64xf32>
    %get3A_19 = arith.constant 0 : index
    %get3A_20 = arith.constant 0 : index
    %get3A_21 = vector.load %arg5[%get3A_19, %get3A_20] : memref<1x64xf32, #tpu.memory_space<vmem>>, vector<1x64xf32>
    %add3A_22 = vector.broadcast %get3A_21 : vector<1x64xf32> to vector<1000x64xf32>
    %add3A_23 = arith.addf %dot_general3A_18, %add3A_22 : vector<1000x64xf32>
    %max3A = arith.constant 0.000000e+00 : f32
    %max3A_24 = vector.broadcast %max3A : f32 to vector<1000x64xf32>
    %max3A_25 = arith.maximumf %add3A_23, %max3A_24 : vector<1000x64xf32>
    %get3A_26 = arith.constant 0 : index
    %get3A_27 = arith.constant 0 : index
    %get3A_28 = vector.load %arg6[%get3A_26, %get3A_27] : memref<64x64xf32, #tpu.memory_space<vmem>>, vector<64x64xf32>
    %dot_general3A_29 = arith.constant dense<0.000000e+00> : vector<1000x64xf32>
    %dot_general3A_30 = tpu.matmul %max3A_25, %get3A_28, %dot_general3A_29 {dimension_numbers = #tpu.dot_dimension_numbers<[1], [0], [0], [1], [0, 0, 1, 1], [], []>, transpose_lhs_hint = false} : vector<1000x64xf32>, vector<64x64xf32>, vector<1000x64xf32> -> vector<1000x64xf32>
    %get3A_31 = arith.constant 0 : index
    %get3A_32 = arith.constant 0 : index
    %get3A_33 = vector.load %arg7[%get3A_31, %get3A_32] : memref<1x64xf32, #tpu.memory_space<vmem>>, vector<1x64xf32>
    %add3A_34 = vector.broadcast %get3A_33 : vector<1x64xf32> to vector<1000x64xf32>
    %add3A_35 = arith.addf %dot_general3A_30, %add3A_34 : vector<1000x64xf32>
    %get3A_36 = arith.constant 0 : index
    %get3A_37 = arith.constant 0 : index
    %get3A_38 = arith.constant 0 : index
    %get3A_39 = vector.load %arg3[%get3A_36, %get3A_37, %get3A_38] : memref<1x1x1000xi32, #tpu.memory_space<vmem>>, vector<1x1x1000xi32>
    %get3A_40 = vector.shape_cast %get3A_39 : vector<1x1x1000xi32> to vector<1000xi32>
    %iota3A = tpu.iota {dimensions = array<i32: 0>} : vector<64x1000xi32>
    %broadcast_in_dim3A = vector.shape_cast %get3A_40 : vector<1000xi32> to vector<1x1000xi32>
    %eq3A = vector.broadcast %broadcast_in_dim3A : vector<1x1000xi32> to vector<64x1000xi32>
    %eq3A_41 = arith.cmpi eq, %iota3A, %eq3A : vector<64x1000xi32>
    %convert_element_type3A = arith.extui %eq3A_41 : vector<64x1000xi1> to vector<64x1000xi32>
    %convert_element_type3A_42 = arith.sitofp %convert_element_type3A : vector<64x1000xi32> to vector<64x1000xf32>
    %dot_general3A_43 = arith.constant dense<0.000000e+00> : vector<64x64xf32>
    %dot_general3A_44 = tpu.matmul %convert_element_type3A_42, %add3A_35, %dot_general3A_43 {dimension_numbers = #tpu.dot_dimension_numbers<[1], [0], [0], [1], [0, 0, 1, 1], [], []>, transpose_lhs_hint = false} : vector<64x1000xf32>, vector<1000x64xf32>, vector<64x64xf32> -> vector<64x64xf32>
    %eq3A_45 = arith.constant 0 : i32
    %eq3A_46 = arith.cmpi eq, %arg0, %eq3A_45 : i32
    %convert_element_type3A_47 = arith.extui %eq3A_46 : i1 to i32
    %cond3A = arith.constant 0 : i32
    %cond3A_48 = arith.cmpi ne, %convert_element_type3A_47, %cond3A : i32
    scf.if %cond3A_48 {
      %swap3A = arith.constant 0 : index
      %swap3A_53 = arith.constant 0 : index
      %swap3A_54 = vector.load %arg8[%swap3A, %swap3A_53] : memref<64x64xf32, #tpu.memory_space<vmem>>, vector<64x64xf32>
      tpu.vector_store %arg8[%swap3A, %swap3A_53], %dot_general3A_44 {strides = array<i32>} : memref<64x64xf32, #tpu.memory_space<vmem>>, vector<64x64xf32>,
    } else {
    }
    %ne3A = arith.constant 0 : i32
    %ne3A_49 = arith.cmpi ne, %arg0, %ne3A : i32
    %convert_element_type3A_50 = arith.extui %ne3A_49 : i1 to i32
    %cond3A_51 = arith.constant 0 : i32
    %cond3A_52 = arith.cmpi ne, %convert_element_type3A_50, %cond3A_51 : i32
    scf.if %cond3A_52 {
      %get3A_53 = arith.constant 0 : index
      %get3A_54 = arith.constant 0 : index
      %get3A_55 = vector.load %arg8[%get3A_53, %get3A_54] : memref<64x64xf32, #tpu.memory_space<vmem>>, vector<64x64xf32>
      %add3A_56 = arith.addf %get3A_55, %dot_general3A_44 : vector<64x64xf32>
      %swap3A = arith.constant 0 : index
      %swap3A_57 = arith.constant 0 : index
      %swap3A_58 = vector.load %arg8[%swap3A, %swap3A_57] : memref<64x64xf32, #tpu.memory_space<vmem>>, vector<64x64xf32>
      tpu.vector_store %arg8[%swap3A, %swap3A_57], %add3A_56 {strides = array<i32>} : memref<64x64xf32, #tpu.memory_space<vmem>>, vector<64x64xf32>,
    } else {
    }
    return
  }
  func.func @transform_0(%arg0: i32) -> (i32, i32, i32) {
    %c0_i32 = arith.constant 0 : i32
    %c0_i32_0 = arith.constant 0 : i32
    %c0_i32_1 = arith.constant 0 : i32
    return %c0_i32, %arg0, %c0_i32_0 : i32, i32, i32
  }
  func.func @transform_1(%arg0: i32) -> (i32, i32) {
    %c0_i32 = arith.constant 0 : i32
    %c0_i32_0 = arith.constant 0 : i32
    return %arg0, %c0_i32 : i32, i32
  }
  func.func @transform_2(%arg0: i32) -> (i32, i32, i32) {
    %c0_i32 = arith.constant 0 : i32
    %c0_i32_0 = arith.constant 0 : i32
    %c0_i32_1 = arith.constant 0 : i32
    return %arg0, %c0_i32, %c0_i32_0 : i32, i32, i32
  }
  func.func @transform_3(%arg0: i32) -> (i32, i32) {
    %c0_i32 = arith.constant 0 : i32
    %c0_i32_0 = arith.constant 0 : i32
    %c0_i32_1 = arith.constant 0 : i32
    return %c0_i32, %c0_i32_0 : i32, i32
  }
  func.func @transform_4(%arg0: i32) -> (i32, i32) {
    %c0_i32 = arith.constant 0 : i32
    %c0_i32_0 = arith.constant 0 : i32
    %c0_i32_1 = arith.constant 0 : i32
    return %c0_i32, %c0_i32_0 : i32, i32
  }
  func.func @transform_5(%arg0: i32) -> (i32, i32) {
    %c0_i32 = arith.constant 0 : i32
    %c0_i32_0 = arith.constant 0 : i32
    %c0_i32_1 = arith.constant 0 : i32
    return %c0_i32, %c0_i32_0 : i32, i32
  }
  func.func @transform_6(%arg0: i32) -> (i32, i32) {
    %c0_i32 = arith.constant 0 : i32
    %c0_i32_0 = arith.constant 0 : i32
    %c0_i32_1 = arith.constant 0 : i32
    return %c0_i32, %c0_i32_0 : i32, i32
  }
  func.func @transform_7(%arg0: i32) -> (i32, i32) {
    %c0_i32 = arith.constant 0 : i32
    %c0_i32_0 = arith.constant 0 : i32
    %c0_i32_1 = arith.constant 0 : i32
    return %c0_i32, %c0_i32_0 : i32, i32
  }
}

</mosaic_0001>

<sc_bundles>
// kernel: kernel.10.cloned.1.call-start
scs
__scs_entry_jumppad:
0x0: {  	(pc) =	sbr.rel $0x88, $3  }
0x1: {  	(tag) =	ssettag $0x0;
	lr =	simm.s32 $0x1  }
0x2: {  	[smem:$0x3F89] =	sst lr;
	_ =	strace $0xD0000000  }
0x3: {  	_ = 	snop  }
0x4: {  	_ = 	snop  }
0x5: {  	_ = 	snop  }
0x6: {  	_ = 	snop  }
0x7: {  	_ = 	snop  }
__scs_overlays_trampoline_lowered:
0x8: {  	[smem:$0x3F98] =	sst s0  }
0x9: {  	[smem:$0x3F99] =	sst s1  }
0xa: {  	[smem:$0x3F9A] =	sst s2  }
0xb: {  	[smem:$0x3F9B] =	sst s3  }
0xc: {  	[smem:$0x3F9C] =	sst s4  }
0xd: {  	[smem:$0x3F9D] =	sst s5  }
0xe: {  	[smem:$0x3F9E] =	sst s6  }
0xf: {  	[smem:$0x3F9F] =	sst s7  }
0x10: {  	[smem:$0x3FA0] =	sst s8  }
0x11: {  	[smem:$0x3FA1] =	sst s9;
	s0 =	simm.s32 @!p0 $0x0  }
0x12: {  	s1 =	sld [smem:$0x3F87];
	s0 =	simm.s32 @p0 $0x1  }
0x13: {  	[smem:$0x3FA2] =	sst s0;
	s0 =	simm.s32 @!p1 $0x0  }
0x14: {  	s2 =	sld [smem:$0x3F86];
	s0 =	simm.s32 @p1 $0x1  }
0x15: {  	[smem:$0x3FA3] =	sst s0;
	s0 =	simm.s32 @!p2 $0x0  }
0x16: {  	s3 =	sld [smem:$0x3FDB];
	s0 =	simm.s32 @p2 $0x1  }
0x17: {  	s4 =	simm.s32 $0x1BF5;
	[smem:$0x3FA5] =	sst s0  }
0x18: {  	s0 =	sld [smem:$0x3F88];
	_ =	swait.ge [sflag:s4], $0x0  }
0x19: {  	s7 =	sld [smem:$0x3F89]  }
0x1a: {  	s8 =	sadd.s32 $0xFFFFE003, lr  }
0x1b: {  	s9 =	sadd.s32 $0xFFFFFEF7, lr;
	s5 =	simm.s32 $0xFFFFFFFF;
	p2 =	slt.u32 s8, $0xFFFFF086  }
0x1c: {  	p1 =	slt.u32 s9, $0xF7A;
	s5 =	simm.s32 @!p2 $0x0  }
0x1d: {  	s5 =	simm.s32 @p1 $0x1;
	p0 =	seq.s32 s7, s2  }
0x1e: {  	s7 =	smul.u32 @!p0 $0xF7A, s2;
	p2 =	seq.s32 @!p0 s5, $0x0  }
0x1f: {  	s9 =	smul.u32 $0xF7A, s1;
	s8 =	simm.s32 @!p0 $0x1BF5;
	p2 =	por !p2, p0  }
0x20: {  	[sflag:s8] =	ssyncset.s32 @!p0 $0xFFFFF086;
	s6 =	sadd.s32 @!p0 s3, s7;
	s7 =	simm.s32 @!p0 $0x108  }
0x21: {  	s3 =	sadd.s32 s3, s9;
	s6 =	sadd.s32 @!p0 $0x88, s6;
	s7 =	simm.s32 @p2 $0x1082  }
0x22: {  	[simem:s7], [sflag:s8] =	dma.local @!p0 [hbm:s6], $0xF7A  }
0x23: {  	s9 =	sor.u32 $0xD0000000, s2;
	s6 =	simm.s32 $0x108;
	_ =	swait.ge @!p0 [sflag:s8], $0x0  }
0x24: {  	s3 =	sadd.s32 $0x88, s3;
	s6 =	simm.s32 @!p1 $0x1082;
	[sflag:s4] =	ssyncset.s32 $0xFFFFF086  }
0x25: {  	[simem:s6], [sflag:s4] =	dma.local [hbm:s3], $0xF7A  }
0x26: {  	[smem:$0x3F89] =	sst s1;
	(tag) =	ssettag s2;
	_ =	strace s9  }
0x27: {  	s1 =	sld [smem:$0x3F99]  }
0x28: {  	s2 =	sld [smem:$0x3F9A]  }
0x29: {  	s4 =	sld [smem:$0x3F9C]  }
0x2a: {  	p0 =	seq.s32 s5, $0x0;
	s5 =	sld [smem:$0x3F9D]  }
0x2b: {  	s6 =	sld [smem:$0x3F9E]  }
0x2c: {  	s7 =	sld [smem:$0x3F9F]  }
0x2d: {  	s3 =	simm.s32 $0x108;
	s8 =	sld [smem:$0x3FA0]  }
0x2e: {  	s3 =	simm.s32 @!p0 $0x1082;
	s9 =	sld [smem:$0x3FA1]  }
0x2f: {  	lr =	sadd.s32 s0, s3;
	s0 =	sld [smem:$0x3F98]  }
0x30: {  	s3 =	sld [smem:$0x3F9B]  }
0x31: {  	[smem:$0x3FA4] =	sst s10  }
0x32: {  	s10 =	sld [smem:$0x3FA2];
	_ =	sdelay $0x3  }
0x33: {  	p0 =	seq.s32 s10, $0x1;
	s10 =	sld [smem:$0x3FA4];
	_ =	sdelay $0x3  }
0x34: {  	[smem:$0x3FA4] =	sst s10  }
0x35: {  	s10 =	sld [smem:$0x3FA3];
	_ =	sdelay $0x3  }
0x36: {  	p1 =	seq.s32 s10, $0x1;
	s10 =	sld [smem:$0x3FA4];
	_ =	sdelay $0x3  }
0x37: {  	[smem:$0x3FA4] =	sst s10  }
0x38: {  	s10 =	sld [smem:$0x3FA5]  }
0x39: {  	_ = 	snop;
	(pc) =	sbr.ind lr, $3  }
0x3a: {  	_ = 	snop  }
0x3b: {  	_ = 	snop  }
0x3c: {  	p2 =	seq.s32 s10, $0x1;
	s10 =	sld [smem:$0x3FA4]  }
0x3d: {  	_ =	shalt  }
0x3e: {  	_ =	shalt  }
0x3f: {  	_ =	shalt  }
0x40: {  	_ =	shalt  }
0x41: {  	_ =	shalt  }
0x42: {  	_ =	shalt  }
0x43: {  	_ =	shalt  }
0x44: {  	_ =	shalt  }
0x45: {  	_ =	shalt  }
0x46: {  	_ =	shalt  }
0x47: {  	_ =	shalt  }
0x48: {  	_ =	shalt  }
0x49: {  	_ =	shalt  }
0x4a: {  	_ =	shalt  }
0x4b: {  	_ =	shalt  }
0x4c: {  	_ =	shalt  }
0x4d: {  	_ =	shalt  }
0x4e: {  	_ =	shalt  }
0x4f: {  	_ =	shalt  }
0x50: {  	_ =	shalt  }
0x51: {  	_ =	shalt  }
0x52: {  	_ =	shalt  }
0x53: {  	_ =	shalt  }
0x54: {  	_ =	shalt  }
0x55: {  	_ =	shalt  }
0x56: {  	_ =	shalt  }
0x57: {  	_ =	shalt  }
0x58: {  	_ =	shalt  }
0x59: {  	_ =	shalt  }
0x5a: {  	_ =	shalt  }
0x5b: {  	_ =	shalt  }
0x5c: {  	_ =	shalt  }
0x5d: {  	_ =	shalt  }
0x5e: {  	_ =	shalt  }
0x5f: {  	_ =	shalt  }
0x60: {  	_ =	shalt  }
0x61: {  	_ =	shalt  }
0x62: {  	_ =	shalt  }
0x63: {  	_ =	shalt  }
0x64: {  	_ =	shalt  }
0x65: {  	_ =	shalt  }
0x66: {  	_ =	shalt  }
0x67: {  	_ =	shalt  }
0x68: {  	_ =	shalt  }
0x69: {  	_ =	shalt  }
0x6a: {  	_ =	shalt  }
0x6b: {  	_ =	shalt  }
0x6c: {  	_ =	shalt  }
0x6d: {  	_ =	shalt  }
0x6e: {  	_ =	shalt  }
0x6f: {  	_ =	shalt  }
0x70: {  	_ =	shalt  }
0x71: {  	_ =	shalt  }
0x72: {  	_ =	shalt  }
0x73: {  	_ =	shalt  }
0x74: {  	_ =	shalt  }
0x75: {  	_ =	shalt  }
0x76: {  	_ =	shalt  }
0x77: {  	_ =	shalt  }
0x78: {  	_ =	shalt  }
0x79: {  	_ =	shalt  }
0x7a: {  	_ =	shalt  }
0x7b: {  	_ =	shalt  }
0x7c: {  	_ =	shalt  }
0x7d: {  	_ =	shalt  }
0x7e: {  	_ =	shalt  }
0x7f: {  	_ =	shalt  }
0x80: {  	_ =	shalt  }
0x81: {  	_ =	shalt  }
0x82: {  	_ =	shalt  }
0x83: {  	_ =	shalt  }
0x84: {  	_ =	shalt  }
0x85: {  	_ =	shalt  }
0x86: {  	_ =	shalt  }
0x87: {  	_ =	shalt  }
.Lfunc_end0:
.L_simem_size_0:
called_computation_lowered:
.L_overlay_start_0:
0x88: {  	s2 =	sld [smem:$0x3FD9]  }
0x89: {  	s3 =	sld [smem:$0x3FFE];
	_ =	sdelay $0x1  }
0x8a: {  	s1 =	srdreg.scid  }
0x8b: {  	s0 =	sand.u32 $0x1, s1  }
0x8c: {  	s16 =	sshll.u32 s0, $0xA;
	s2 =	sadd.s32 s3, s2  }
0x8d: {  	s2 =	sadd.s32 s2, s16  }
0x8e: {  	[smem:$0x3FB0] =	sst s2  }
0x8f: {  	_ = 	snop  }
0x90: {  	(tm) =	ssettm $0x1  }
0x91: {  	s17 =	sld [smem:$0x3FFB];
	_ =	sdelay $0x3  }
0x92: {  	_ =	strace s17  }
0x93: {  	s2 =	sld [smem:$0x3FFC];
	_ =	sdelay $0x3  }
0x94: {  	_ =	strace s2  }
0x95: {  	s2 =	sld [smem:$0x3FFD];
	_ =	sdelay $0x3  }
0x96: {  	_ =	strace s2  }
0x97: {  	_ =	strace $0x8FFFFFFF  }
0x98: {  	s18 =	sld [smem:$0x3FDB];
	_ =	sdelay $0x1  }
0x99: {  	s19 =	simm.s32 $_scs_section_size  }
0x9a: {  	s4 =	simm.s32 $_size__tile_overlayer_lowered;
	s5 =	simm.s32 $_tile_overlayer_lowered  }
0x9b: {  	s22 =	simm.s32 $0x1BFF;
	s21 =	sshll.u32 s5, $0x1;
	s2 =	sadd.s32 s19, s18  }
0x9c: {  	s6 =	simm.s32 $0x0;
	s20 =	sshll.u32 s4, $0x1;
	s4 =	sadd.s32 s21, s2  }
0x9d: {  	[timem:s6], [sflag:s22] =	dma.local [hbm:s4], s20  }
0x9e: {  	_ =	swait.ge [sflag:s22], s20  }
0x9f: {  	s3 =	ssub.s32 $0x0, s20;
	[sflag:s22] =	ssyncset.done $0x0  }
0xa0: {  	[sflag:s22] =	ssyncadd.s32 s3;
	_ =	sdelay $0x1  }
0xa1: {  	s23 =	simm.s32 $0x1B8B  }
0xa2: {  	_ =	swait.ge [sflag:s23], $0x1  }
0xa3: {  	[sflag:s23] =	ssyncset.done $0x0  }
0xa4: {  	s25 =	simm.s32 $0x1B8E;
	s24 =	sld [smem:$0x3FFE];
	[sflag:s23] =	ssyncadd.s32 $0xFFFFFFFF  }
0xa5: {  	s26 =	simm.s32 $execute0_lowered;
	[smem:$0x3FD2] =	sst s25  }
0xa6: {  	s4 =	sshll.u32 s26, $0x1;
	_ =	strace $0x80000046;
	[dreg:$0x1] =	wrdreg $0xFFFFFFFF  }
0xa7: {  	s28 =	simm.s32 $_size_execute0_lowered;
	s2 =	sadd.s32 s2, s4;
	[dreg:$0x0] =	wrdreg $0x0  }
0xa8: {  	s4 =	sshll.u32 s28, $0x1;
	[dreg:$0x2] =	wrdreg s2  }
0xa9: {  	[dreg:$0x3] =	wrdreg s4  }
0xaa: {  	[dreg:$0x4] =	wrdreg $0xC0  }
0xab: {  	_ =	task [dreg:s6], $0x5FFFF  }
0xac: {  	[dreg:$0x1] =	wrdreg $0xFFFFFFFF  }
0xad: {  	[dreg:$0x0] =	wrdreg $0x60  }
0xae: {  	[dreg:$0x2] =	wrdreg s24  }
0xaf: {  	[dreg:$0x3] =	wrdreg $0x0  }
0xb0: {  	[dreg:$0x4] =	wrdreg $0x9  }
0xb1: {  	_ =	task.clear_ibuf [dreg:s6], $0x5FFFF;
	_ =	strace $0x90000046  }
0xb2: {  	s29 =	simm.s32 $0x9;
	_ =	strace $0x80000048  }
0xb3: {  	_ =	swait.ge [sflag:s29], $0x1  }
0xb4: {  	[sflag:s29] =	ssyncadd.s32 $0xFFFFFFFF  }
0xb5: {  	_ =	strace $0x90000048  }
0xb6: {  	_ =	sfence  }
0xb7: {  	s30 =	sld [smem:$0x0];
	_ =	sdelay $0x2  }
0xb8: {  	s31 =	sshll.u32 s1, $0xD;
	s1 =	sshrl.u32 s1, $0x2  }
0xb9: {  	s3 =	sand.u32 $0x4000, s31;
	s1 =	sadd.s32 s1, s30  }
0xba: {  	s0 =	sor.u32 s3, s0;
	s1 =	sshll.u32 s1, $0x11  }
0xbb: {  	s0 =	sor.u32 s1, s0  }
0xbc: {  	s0 =	sadd.s32 $0x8F2B, s0  }
0xbd: {  	[sflag:s0] =	ssyncadd.remote.s32 $0x1  }
0xbe: {  	_ =	sfence.sel $0xFFFF  }
0xbf: {  	[dreg:$0x0] =	wrdreg $0xFFFFFFFF;
	(pc) =	sbr.abs _section_cstart, $3  }
0xc0: {  	[dreg:$0x1] =	wrdreg $0xFFFFFFFF  }
0xc1: {  	_ =	task.clear_ibuf [dreg:s6], $0x2FFFF;
	_ =	strace $0x9FFFFFFF  }
0xc2: {  	(tm) =	ssettm $0x7FFFFFFF  }
0xc3: {  	_ =	shalt  }
tec
execute0_lowered:
.L_overlay_start_1:
0x0: {  	(tag) =	ssettag $0x1  }
0x1: {  	s0 =	rddreg [dreg:$0x0]  }
0x2: {  	s1 =	rddreg [dreg:$0x1];
	s2 =	srdreg.scid  }
0x3: {  	s3 =	simm.s32 $0x0;
	s12 =	stileid.u32;
	s28 =	simm.s32 $0x7  }
0x4: {  	s31 =	simm.s32 $0x1;
	s30 =	simm.s32 $0x2;
	s2 =	sand.u32 $0x1, s2  }
0x5: {  	[smem:$0x7FF] =	sst s3;
	s5 =	sadd.s32 $0x287C00, s0;
	s10 =	smul.u32 $0x28000, s12  }
0x6: {  	s6 =	sadd.s32 $0x16C00, s0;
	s29 =	smul.u32 $0xA000, s12;
	s4 =	sshll.u32 s2, $0x4  }
0x7: {  	_ =	strace $0x80000047;
	s9 =	ssub.s32 $0x2, s2;
	s2 =	smul.u32 $0xA0000, s2  }
0x8: {  	s7 =	sor.u32 s12, s4;
	s11 =	sshrl.u32 s9, $0x1;
	s10 =	sshrl.u32 s10, $0x2  }
0x9: {  	s14 =	sadd.s32 s29, s1;
	s16 =	sadd.s32 $0x2000, s29;
	s23 =	sadd.s32 $0x4000, s29  }
0xa: {  	s24 =	sadd.s32 $0x6000, s29;
	s4 =	smul.u32 $0x2710, s7;
	s9 =	ssub.s32 s9, s11  }
0xb: {  	s25 =	smul.u32 $0x13880, s7;
	s7 =	sadd.s32 s10, s1;
	[dreg:$0x6] =	wrdreg s14  }
0xc: {  	s18 =	sadd.s32 s2, s29;
	s19 =	sadd.s32 s2, s16;
	s15 =	smax.u32 s9, $0x1  }
0xd: {  	s10 =	sadd.s32 $0x8000, s29;
	s17 =	sadd.s32 $0x2000, s7;
	[dreg:$0x7] =	wrdreg s15  }
0xe: {  	s20 =	sadd.s32 $0x4000, s7;
	s9 =	sshrl.u32 s18, $0x3;
	[dreg:$0x8] =	wrdreg s17  }
0xf: {  	s11 =	sshrl.u32 s19, $0x3;
	s21 =	sadd.s32 $0x6000, s7;
	[dreg:$0x9] =	wrdreg s20  }
0x10: {  	s29 =	sadd.s32 $0x8000, s7;
	s8 =	sshrl.u32 s4, $0x3;
	[dreg:$0xa] =	wrdreg s21  }
0x11: {  	s13 =	sadd.s32 s6, s25;
	s25 =	sadd.s32 s2, s23;
	[dreg:$0x10] =	wrdreg s29  }
0x12: {  	s23 =	sadd.s32 s23, s1;
	s8 =	sadd.s32 s8, s0;
	s0 =	sadd.s32 $0x29B600, s0  }
0x13: {  	[dreg:$0x5] =	wrdreg s13;
	s13 =	sadd.s32 s2, s24;
	s2 =	sadd.s32 s2, s10  }
0x14: {  	s12 =	sshrl.u32 s25, $0x3;
	s24 =	sadd.s32 s24, s1;
	s26 =	sadd.s32 $0xCE00, s8  }
0x15: {  	s25 =	sadd.s32 s10, s1;
	s8 =	sadd.s32 $0x3000, s8;
	[dreg:$0x3] =	wrdreg s26  }
0x16: {  	s10 =	simm.s32 $0x6;
	s9 =	sadd.s32 s0, s9;
	[dreg:$0x4] =	wrdreg s8  }
0x17: {  	s22 =	sadd.s32 s0, s11;
	s13 =	sshrl.u32 s13, $0x3;
	[dreg:$0xb] =	wrdreg s9  }
0x18: {  	s2 =	sshrl.u32 s2, $0x3;
	s12 =	sadd.s32 s0, s12;
	[dreg:$0xc] =	wrdreg s22  }
.Ltmp0:
0x19: {  	s11 =	simm.s32 $0x5;
	[dreg:$0xd] =	wrdreg s12;
	(pc) =	sbr.rel .LBB2_1-.Ltmp0, $4  }
0x1a: {  	s26 =	sadd.s32 s0, s13;
	s0 =	sadd.s32 s0, s2;
	s22 =	sadd.s32 s16, s1  }
0x1b: {  	s2 =	simm.s32 $0x50;
	s8 =	simm.s32 $0x4;
	s9 =	simm.s32 $0x15220  }
0x1c: {  	s12 =	simm.s32 $0x13E20;
	s13 =	simm.s32 $0x0;
	[dreg:$0xe] =	wrdreg s26  }
0x1d: {  	v0 =	vimm.f32 $0.0e+00;
	[dreg:$0xf] =	wrdreg s0;
	s26 =	simm.s32 $0x16620;
	s0 =	simm.s32 $0x3  }
.LBB2_12:
0x1e: {  	_ =	swait.ge [sflag:s10], $0x1400  }
0x1f: {  	[sflag:s10] =	ssyncset.done $0x0  }
0x20: {  	[sflag:s10] =	ssyncadd.s32 $0xFFFFEC00  }
0x21: {  	_ =	swait.ge [sflag:s11], $0x1400  }
0x22: {  	[sflag:s11] =	ssyncset.done $0x0  }
0x23: {  	[sflag:s11] =	ssyncadd.s32 $0xFFFFEC00  }
0x24: {  	[bflag:$0x0] =	sbarrier.arrive $0xFFFF  }
0x25: {  	s14 =	rddreg [dreg:$0x6]  }
0x26: {  	[tilespmem:s26], [sflag:$0x7] =	stream.linear.gather [spmem:s14], $0x2000, $0x38;
	[tilespmem:$0x18620] =	vst v63  }
0x27: {  	_ =	swait.ge [sflag:s28], $0x2000  }
0x28: {  	[sflag:s28] =	ssyncset.done $0x0  }
0x29: {  	s17 =	rddreg [dreg:$0xb];
	[sflag:s28] =	ssyncadd.s32 $0xFFFFE000  }
0x2a: {  	[hbm4b:s17+s3] =	stream.linear.scatter [tilespmem:s26], [sflag:$0x7], $0x2000, $0x38;
	[tilespmem:$0x18620] =	vst v63  }
0x2b: {  	_ =	swait.ge [sflag:s28], $0x2000  }
0x2c: {  	[sflag:s28] =	ssyncset.done $0x0  }
0x2d: {  	[sflag:s28] =	ssyncadd.s32 $0xFFFFE000  }
0x2e: {  	[tilespmem:s26], [sflag:$0x7] =	stream.linear.gather [spmem:s22], $0x2000, $0x38;
	[tilespmem:$0x18620] =	vst v63  }
0x2f: {  	_ =	swait.ge [sflag:s28], $0x2000  }
0x30: {  	[sflag:s28] =	ssyncset.done $0x0  }
0x31: {  	s18 =	rddreg [dreg:$0xc];
	[sflag:s28] =	ssyncadd.s32 $0xFFFFE000  }
0x32: {  	[hbm4b:s18+s3] =	stream.linear.scatter [tilespmem:s26], [sflag:$0x7], $0x2000, $0x38;
	[tilespmem:$0x18620] =	vst v63  }
0x33: {  	_ =	swait.ge [sflag:s28], $0x2000  }
0x34: {  	[sflag:s28] =	ssyncset.done $0x0  }
0x35: {  	[sflag:s28] =	ssyncadd.s32 $0xFFFFE000  }
0x36: {  	[tilespmem:s26], [sflag:$0x7] =	stream.linear.gather [spmem:s23], $0x2000, $0x38;
	[tilespmem:$0x18620] =	vst v63  }
0x37: {  	_ =	swait.ge [sflag:s28], $0x2000  }
0x38: {  	[sflag:s28] =	ssyncset.done $0x0  }
0x39: {  	s19 =	rddreg [dreg:$0xd];
	[sflag:s28] =	ssyncadd.s32 $0xFFFFE000  }
0x3a: {  	[hbm4b:s19+s3] =	stream.linear.scatter [tilespmem:s26], [sflag:$0x7], $0x2000, $0x38;
	[tilespmem:$0x18620] =	vst v63  }
0x3b: {  	_ =	swait.ge [sflag:s28], $0x2000  }
0x3c: {  	[sflag:s28] =	ssyncset.done $0x0  }
0x3d: {  	[sflag:s28] =	ssyncadd.s32 $0xFFFFE000  }
0x3e: {  	[tilespmem:s26], [sflag:$0x7] =	stream.linear.gather [spmem:s24], $0x2000, $0x38;
	[tilespmem:$0x18620] =	vst v63  }
0x3f: {  	_ =	swait.ge [sflag:s28], $0x2000  }
0x40: {  	[sflag:s28] =	ssyncset.done $0x0  }
0x41: {  	s20 =	rddreg [dreg:$0xe];
	[sflag:s28] =	ssyncadd.s32 $0xFFFFE000  }
0x42: {  	[hbm4b:s20+s3] =	stream.linear.scatter [tilespmem:s26], [sflag:$0x7], $0x2000, $0x38;
	[tilespmem:$0x18620] =	vst v63  }
0x43: {  	_ =	swait.ge [sflag:s28], $0x2000  }
0x44: {  	[sflag:s28] =	ssyncset.done $0x0  }
0x45: {  	[sflag:s28] =	ssyncadd.s32 $0xFFFFE000  }
0x46: {  	[tilespmem:s26], [sflag:$0x7] =	stream.linear.gather [spmem:s25], $0x2000, $0x38;
	[tilespmem:$0x18620] =	vst v63  }
0x47: {  	_ =	swait.ge [sflag:s28], $0x2000  }
0x48: {  	[sflag:s28] =	ssyncset.done $0x0  }
0x49: {  	s21 =	rddreg [dreg:$0xf];
	[sflag:s28] =	ssyncadd.s32 $0xFFFFE000  }
0x4a: {  	[hbm4b:s21+s3] =	stream.linear.scatter [tilespmem:s26], [sflag:$0x7], $0x2000, $0x38;
	[tilespmem:$0x18620] =	vst v63  }
0x4b: {  	_ =	swait.ge [sflag:s28], $0x2000  }
0x4c: {  	s13 =	sadd.s32 $0x1, s13;
	s29 =	rddreg [dreg:$0x7]  }
0x4d: {  	p0 =	sne.s32 s13, s29  }
.Ltmp1:
0x4e: {  	_ = 	snop;
	(pc) =	sbr.rel @!p0 .LBB2_13-.Ltmp1, $3  }
0x4f: {  	_ =	sdelay $0x1  }
0x50: {  	[sflag:s28] =	ssyncset.done $0x0  }
0x51: {  	[sflag:s28] =	ssyncadd.s32 $0xFFFFE000  }
.LBB2_1:
0x52: {  	s14 =	simm.s32 $0x166A0  }
0x53: {  	[tilespmem:s14+$0xFFFFFF80] =	vst v0  }
0x54: {  	[tilespmem:s14+$0x70] =	vst v0  }
0x55: {  	[tilespmem:s14+$0x60] =	vst v0  }
0x56: {  	[tilespmem:s14+$0x50] =	vst v0  }
0x57: {  	[tilespmem:s14+$0x40] =	vst v0  }
0x58: {  	[tilespmem:s14+$0x30] =	vst v0  }
0x59: {  	[tilespmem:s14+$0x20] =	vst v0  }
0x5a: {  	[tilespmem:s14+$0x10] =	vst v0  }
0x5b: {  	[tilespmem:s14+$0x0] =	vst v0  }
0x5c: {  	[tilespmem:s14+$0xFFFFFFF0] =	vst v0  }
0x5d: {  	[tilespmem:s14+$0xFFFFFFE0] =	vst v0  }
0x5e: {  	[tilespmem:s14+$0xFFFFFFD0] =	vst v0  }
0x5f: {  	[tilespmem:s14+$0xFFFFFFC0] =	vst v0  }
0x60: {  	[tilespmem:s14+$0xFFFFFFB0] =	vst v0  }
0x61: {  	s15 =	simm.s32 $0x0;
	[tilespmem:s14+$0xFFFFFFA0] =	vst v0  }
.LBB2_2:
0x62: {  	s15 =	sadd.s32 $0x4, s15;
	[tilespmem:s14+$0xFFFFFF90] =	vst v0;
	s14 =	sadd.s32 $0x100, s14  }
0x63: {  	[tilespmem:s14+$0xFFFFFF80] =	vst v0;
	p0 =	slt.u32 s15, $0x7C  }
0x64: {  	[tilespmem:s14+$0x70] =	vst v0  }
0x65: {  	[tilespmem:s14+$0x60] =	vst v0  }
0x66: {  	[tilespmem:s14+$0x50] =	vst v0  }
0x67: {  	[tilespmem:s14+$0x40] =	vst v0  }
0x68: {  	[tilespmem:s14+$0x30] =	vst v0  }
0x69: {  	[tilespmem:s14+$0x20] =	vst v0  }
0x6a: {  	[tilespmem:s14+$0x10] =	vst v0  }
0x6b: {  	[tilespmem:s14+$0x0] =	vst v0  }
0x6c: {  	[tilespmem:s14+$0xFFFFFFF0] =	vst v0  }
.Ltmp2:
0x6d: {  	[tilespmem:s14+$0xFFFFFFE0] =	vst v0;
	(pc) =	sbr.rel @p0 .LBB2_2-.Ltmp2, $4  }
0x6e: {  	[tilespmem:s14+$0xFFFFFFD0] =	vst v0  }
0x6f: {  	[tilespmem:s14+$0xFFFFFFC0] =	vst v0  }
0x70: {  	[tilespmem:s14+$0xFFFFFFB0] =	vst v0  }
0x71: {  	[tilespmem:s14+$0xFFFFFFA0] =	vst v0  }
0x72: {  	[tilespmem:s14+$0xFFFFFF90] =	vst v0  }
0x73: {  	[spmem:s7] =	stream.linear.scatter [tilespmem:s26], [sflag:$0x7], $0x2000, $0x38;
	[tilespmem:$0x18620] =	vst v63  }
0x74: {  	_ =	swait.ge [sflag:s28], $0x2000  }
0x75: {  	[sflag:s28] =	ssyncset.done $0x0  }
0x76: {  	s15 =	rddreg [dreg:$0x8];
	[sflag:s28] =	ssyncadd.s32 $0xFFFFE000  }
0x77: {  	[spmem:s15] =	stream.linear.scatter [tilespmem:s26], [sflag:$0x7], $0x2000, $0x38;
	[tilespmem:$0x18620] =	vst v63  }
0x78: {  	_ =	swait.ge [sflag:s28], $0x2000  }
0x79: {  	[sflag:s28] =	ssyncset.done $0x0  }
0x7a: {  	s16 =	rddreg [dreg:$0x9];
	[sflag:s28] =	ssyncadd.s32 $0xFFFFE000  }
0x7b: {  	[spmem:s16] =	stream.linear.scatter [tilespmem:s26], [sflag:$0x7], $0x2000, $0x38;
	[tilespmem:$0x18620] =	vst v63  }
0x7c: {  	_ =	swait.ge [sflag:s28], $0x2000  }
0x7d: {  	[sflag:s28] =	ssyncset.done $0x0  }
0x7e: {  	s17 =	rddreg [dreg:$0xa];
	[sflag:s28] =	ssyncadd.s32 $0xFFFFE000  }
0x7f: {  	[spmem:s17] =	stream.linear.scatter [tilespmem:s26], [sflag:$0x7], $0x2000, $0x38;
	[tilespmem:$0x18620] =	vst v63  }
0x80: {  	_ =	swait.ge [sflag:s28], $0x2000  }
0x81: {  	[sflag:s28] =	ssyncset.done $0x0  }
0x82: {  	s18 =	rddreg [dreg:$0x10];
	[sflag:s28] =	ssyncadd.s32 $0xFFFFE000  }
0x83: {  	[spmem:s18] =	stream.linear.scatter [tilespmem:s26], [sflag:$0x7], $0x2000, $0x38;
	[tilespmem:$0x18620] =	vst v63  }
0x84: {  	_ =	swait.ge [sflag:s28], $0x2000  }
0x85: {  	s14 =	simm.s32 $0x0;
	[sflag:s28] =	ssyncset.done $0x0  }
0x86: {  	s16 =	simm.s32 $0xA000;
	s15 =	rddreg [dreg:$0x3];
	[sflag:s28] =	ssyncadd.s32 $0xFFFFE000  }
0x87: {  	[tilespmem:s16], [sflag:$0x1] =	stream.linear.gather [hbm4b:s15+s14], $0x2710, $0x38;
	[tilespmem:$0x18620] =	vst v63  }
0x88: {  	s17 =	simm.s32 $0xC710;
	s19 =	rddreg [dreg:$0x4]  }
0x89: {  	[tilespmem:s17], [sflag:$0x3] =	stream.linear.gather [hbm4b:s19+s14], $0x2710, $0x38;
	[tilespmem:$0x18620] =	vst v63  }
0x8a: {  	_ =	swait.ge [sflag:s31], $0x2710  }
0x8b: {  	[sflag:s31] =	ssyncset.done $0x0  }
0x8c: {  	[sflag:s31] =	ssyncadd.s32 $0xFFFFD8F0  }
0x8d: {  	_ =	swait.ge [sflag:s0], $0x2710  }
0x8e: {  	[sflag:s0] =	ssyncset.done $0x0  }
.Ltmp3:
0x8f: {  	[sflag:s0] =	ssyncadd.s32 $0xFFFFD8F0;
	(pc) =	sbr.rel .LBB2_4-.Ltmp3, $4  }
0x90: {  	s20 =	simm.s32 $0xEE20;
	[bflag:$0x0] =	sbarrier.arrive $0xFFFF  }
0x91: {  	[tilespmem:s20], [sflag:$0x1] =	stream.indirect.gather [hbm4b:s5+s2], $0x40, s16, s2, $0xb8;
	[tilespmem:$0x18620] =	vst v63  }
0x92: {  	s29 =	simm.s32 $0x11620;
	s21 =	rddreg [dreg:$0x5]  }
0x93: {  	[tilespmem:s29], [sflag:$0x3] =	stream.linear.gather [hbm4b:s21+s14], $0x1400, $0x38;
	[tilespmem:$0x18620] =	vst v63  }
.LBB2_11:
0x94: {  	s14 =	sadd.s32 $0x1, s14  }
0x95: {  	p0 =	sne.s32 s14, $0x7D  }
.Ltmp4:
0x96: {  	_ = 	snop;
	(pc) =	sbr.rel @!p0 .LBB2_12-.Ltmp4, $1  }
0x97: {  	_ =	sdelay $0x3  }
.LBB2_4:
0x98: {  	s15 =	sand.u32 $0x1, s14  }
0x99: {  	p0 =	seq.s32 s15, $0x1  }
.Ltmp5:
0x9a: {  	_ = 	snop;
	(pc) =	sbr.rel @p0 .LBB2_8-.Ltmp5, $1  }
0x9b: {  	_ =	sdelay $0x3  }
0x9c: {  	p0 =	seq.s32 s14, $0x7C  }
0x9d: {  	s16 =	smul.u32 @!p0 $0x50, s14  }
0x9e: {  	s18 =	simm.s32 @!p0 $0x50  }
0x9f: {  	s19 =	simm.s32 @!p0 $0x10220;
	s17 =	sadd.s32 @!p0 s4, s16;
	s16 =	sadd.s32 @!p0 $0xA050, s16  }
0xa0: {  	[tilespmem:s19], [sflag:$0x2] =	stream.indirect.gather @!p0 [hbm4b:s5+s18], $0x40, s16, s18, $0xb8;
	[tilespmem:$0x18620] =	vst v63  }
0xa1: {  	s16 =	sshll.u32 @!p0 s17, $0x3  }
0xa2: {  	s16 =	sadd.s32 @!p0 $0x280, s16  }
0xa3: {  	s16 =	sand.u32 @!p0 $0x1FFFFF80, s16  }
0xa4: {  	s17 =	simm.s32 @!p0 $0x0;
	s18 =	simm.s32 @!p0 $0x12A20;
	s16 =	sadd.s32 @!p0 s6, s16  }
0xa5: {  	[tilespmem:s18], [sflag:$0x4] =	stream.linear.gather @!p0 [hbm4b:s16+s17], $0x1400, $0x38;
	[tilespmem:$0x18620] =	vst v63  }
0xa6: {  	_ =	swait.ge [sflag:s31], $0x1400  }
0xa7: {  	[sflag:s31] =	ssyncset.done $0x0  }
0xa8: {  	[sflag:s31] =	ssyncadd.s32 $0xFFFFEC00  }
0xa9: {  	_ =	swait.ge [sflag:s0], $0x1400  }
0xaa: {  	p0 =	slt.u32 s14, $0x2;
	[sflag:s0] =	ssyncset.done $0x0  }
0xab: {  	s16 =	simm.s32 @!p0 $0x5;
	[sflag:s0] =	ssyncadd.s32 $0xFFFFEC00  }
0xac: {  	_ =	swait.ge @!p0 [sflag:s16], $0x1400  }
0xad: {  	[sflag:s16] =	ssyncset.done @!p0 $0x0  }
0xae: {  	s17 =	simm.s32 $0xEEA0;
	[sflag:s16] =	ssyncadd.s32 @!p0 $0xFFFFEC00  }
0xaf: {  	s29 =	simm.s32 $0x116A0;
	v1 =	vld [tilespmem:s17+$0xFFFFFF80]  }
0xb0: {  	v2 =	vld [tilespmem:s29+$0xFFFFFF80];
	_ =	sdelay $0x4  }
0xb1: {  	v1 =	vadd.f32 v2, v1;
	_ =	sdelay $0x1  }
0xb2: {  	s16 =	simm.s32 $0x13EA0;
	v1 =	vmax.f32 v1, $0.0e+00  }
0xb3: {  	[tilespmem:s16+$0xFFFFFF80] =	vst v1  }
0xb4: {  	v1 =	vld [tilespmem:s17+$0xFFFFFF90]  }
0xb5: {  	v2 =	vld [tilespmem:s29+$0xFFFFFF90];
	_ =	sdelay $0x4  }
0xb6: {  	v1 =	vadd.f32 v2, v1;
	_ =	sdelay $0x1  }
0xb7: {  	v1 =	vmax.f32 v1, $0.0e+00  }
0xb8: {  	[tilespmem:s16+$0xFFFFFF90] =	vst v1  }
0xb9: {  	v1 =	vld [tilespmem:s17+$0xFFFFFFA0]  }
0xba: {  	v2 =	vld [tilespmem:s29+$0xFFFFFFA0];
	_ =	sdelay $0x4  }
0xbb: {  	v1 =	vadd.f32 v2, v1;
	_ =	sdelay $0x1  }
0xbc: {  	v1 =	vmax.f32 v1, $0.0e+00  }
0xbd: {  	[tilespmem:s16+$0xFFFFFFA0] =	vst v1  }
0xbe: {  	v1 =	vld [tilespmem:s17+$0xFFFFFFB0]  }
0xbf: {  	v2 =	vld [tilespmem:s29+$0xFFFFFFB0];
	_ =	sdelay $0x4  }
0xc0: {  	v1 =	vadd.f32 v2, v1;
	_ =	sdelay $0x1  }
0xc1: {  	v1 =	vmax.f32 v1, $0.0e+00  }
0xc2: {  	[tilespmem:s16+$0xFFFFFFB0] =	vst v1  }
0xc3: {  	v1 =	vld [tilespmem:s17+$0xFFFFFFC0]  }
0xc4: {  	v2 =	vld [tilespmem:s29+$0xFFFFFFC0];
	_ =	sdelay $0x4  }
0xc5: {  	v1 =	vadd.f32 v2, v1;
	_ =	sdelay $0x1  }
0xc6: {  	v1 =	vmax.f32 v1, $0.0e+00  }
0xc7: {  	[tilespmem:s16+$0xFFFFFFC0] =	vst v1  }
0xc8: {  	v1 =	vld [tilespmem:s17+$0xFFFFFFD0]  }
0xc9: {  	v2 =	vld [tilespmem:s29+$0xFFFFFFD0];
	_ =	sdelay $0x4  }
0xca: {  	v1 =	vadd.f32 v2, v1;
	_ =	sdelay $0x1  }
0xcb: {  	v1 =	vmax.f32 v1, $0.0e+00  }
0xcc: {  	[tilespmem:s16+$0xFFFFFFD0] =	vst v1  }
0xcd: {  	v1 =	vld [tilespmem:s17+$0xFFFFFFE0]  }
0xce: {  	v2 =	vld [tilespmem:s29+$0xFFFFFFE0];
	_ =	sdelay $0x4  }
0xcf: {  	v1 =	vadd.f32 v2, v1;
	_ =	sdelay $0x1  }
0xd0: {  	v1 =	vmax.f32 v1, $0.0e+00  }
0xd1: {  	[tilespmem:s16+$0xFFFFFFE0] =	vst v1  }
0xd2: {  	v1 =	vld [tilespmem:s17+$0xFFFFFFF0]  }
0xd3: {  	v2 =	vld [tilespmem:s29+$0xFFFFFFF0];
	_ =	sdelay $0x4  }
0xd4: {  	v1 =	vadd.f32 v2, v1;
	_ =	sdelay $0x1  }
0xd5: {  	v1 =	vmax.f32 v1, $0.0e+00  }
0xd6: {  	[tilespmem:s16+$0xFFFFFFF0] =	vst v1  }
0xd7: {  	v1 =	vld [tilespmem:s17+$0x0]  }
0xd8: {  	v2 =	vld [tilespmem:s29+$0x0];
	_ =	sdelay $0x4  }
0xd9: {  	v1 =	vadd.f32 v2, v1;
	_ =	sdelay $0x1  }
0xda: {  	v1 =	vmax.f32 v1, $0.0e+00  }
0xdb: {  	[tilespmem:s16+$0x0] =	vst v1  }
0xdc: {  	v1 =	vld [tilespmem:s17+$0x10]  }
0xdd: {  	v2 =	vld [tilespmem:s29+$0x10];
	_ =	sdelay $0x4  }
0xde: {  	v1 =	vadd.f32 v2, v1;
	_ =	sdelay $0x1  }
0xdf: {  	v1 =	vmax.f32 v1, $0.0e+00  }
0xe0: {  	[tilespmem:s16+$0x10] =	vst v1  }
0xe1: {  	v1 =	vld [tilespmem:s17+$0x20]  }
0xe2: {  	v2 =	vld [tilespmem:s29+$0x20];
	_ =	sdelay $0x4  }
0xe3: {  	v1 =	vadd.f32 v2, v1;
	_ =	sdelay $0x1  }
0xe4: {  	v1 =	vmax.f32 v1, $0.0e+00  }
0xe5: {  	[tilespmem:s16+$0x20] =	vst v1  }
0xe6: {  	v1 =	vld [tilespmem:s17+$0x30]  }
0xe7: {  	v2 =	vld [tilespmem:s29+$0x30];
	_ =	sdelay $0x4  }
0xe8: {  	v1 =	vadd.f32 v2, v1;
	_ =	sdelay $0x1  }
0xe9: {  	v1 =	vmax.f32 v1, $0.0e+00  }
0xea: {  	[tilespmem:s16+$0x30] =	vst v1  }
0xeb: {  	v1 =	vld [tilespmem:s17+$0x40]  }
0xec: {  	v2 =	vld [tilespmem:s29+$0x40];
	_ =	sdelay $0x4  }
0xed: {  	v1 =	vadd.f32 v2, v1;
	_ =	sdelay $0x1  }
0xee: {  	v1 =	vmax.f32 v1, $0.0e+00  }
0xef: {  	[tilespmem:s16+$0x40] =	vst v1  }
0xf0: {  	v1 =	vld [tilespmem:s17+$0x50]  }
0xf1: {  	v2 =	vld [tilespmem:s29+$0x50];
	_ =	sdelay $0x4  }
0xf2: {  	v1 =	vadd.f32 v2, v1;
	_ =	sdelay $0x1  }
0xf3: {  	v1 =	vmax.f32 v1, $0.0e+00  }
0xf4: {  	[tilespmem:s16+$0x50] =	vst v1  }
0xf5: {  	v1 =	vld [tilespmem:s17+$0x60]  }
0xf6: {  	v2 =	vld [tilespmem:s29+$0x60]  }
0xf7: {  	s21 =	simm.s32 $0x13FA0  }
0xf8: {  	s20 =	simm.s32 $0x116A0;
	s19 =	simm.s32 $0xEEA0;
	s18 =	simm.s32 $0x0  }
.LBB2_6:
0xf9: {  	s18 =	sadd.s32 $0x4, s18;
	s17 =	sadd.s32 $0x100, s17;
	s29 =	sadd.s32 $0x100, s29  }
0xfa: {  	p0 =	slt.u32 s18, $0x4C  }
0xfb: {  	v1 =	vadd.f32 v2, v1;
	_ =	sdelay $0x1  }
0xfc: {  	v1 =	vmax.f32 v1, $0.0e+00  }
0xfd: {  	[tilespmem:s16+$0x60] =	vst v1  }
0xfe: {  	v1 =	vld [tilespmem:s19+$0x70];
	s19 =	smov.u32 s17  }
0xff: {  	v2 =	vld [tilespmem:s20+$0x70];
	s20 =	smov.u32 s29;
	_ =	sdelay $0x4  }
0x100: {  	v1 =	vadd.f32 v2, v1;
	_ =	sdelay $0x1  }
0x101: {  	v1 =	vmax.f32 v1, $0.0e+00  }
0x102: {  	[tilespmem:s16+$0x70] =	vst v1;
	s16 =	smov.u32 s21  }
0x103: {  	v1 =	vld [tilespmem:s17+$0xFFFFFF80]  }
0x104: {  	v2 =	vld [tilespmem:s29+$0xFFFFFF80];
	_ =	sdelay $0x4  }
0x105: {  	v1 =	vadd.f32 v2, v1;
	_ =	sdelay $0x1  }
0x106: {  	v1 =	vmax.f32 v1, $0.0e+00  }
0x107: {  	[tilespmem:s21+$0xFFFFFF80] =	vst v1  }
0x108: {  	v1 =	vld [tilespmem:s17+$0xFFFFFF90]  }
0x109: {  	v2 =	vld [tilespmem:s29+$0xFFFFFF90];
	_ =	sdelay $0x4  }
0x10a: {  	v1 =	vadd.f32 v2, v1;
	_ =	sdelay $0x1  }
0x10b: {  	v1 =	vmax.f32 v1, $0.0e+00  }
0x10c: {  	[tilespmem:s21+$0xFFFFFF90] =	vst v1  }
0x10d: {  	v1 =	vld [tilespmem:s17+$0xFFFFFFA0]  }
0x10e: {  	v2 =	vld [tilespmem:s29+$0xFFFFFFA0];
	_ =	sdelay $0x4  }
0x10f: {  	v1 =	vadd.f32 v2, v1;
	_ =	sdelay $0x1  }
0x110: {  	v1 =	vmax.f32 v1, $0.0e+00  }
0x111: {  	[tilespmem:s21+$0xFFFFFFA0] =	vst v1  }
0x112: {  	v1 =	vld [tilespmem:s17+$0xFFFFFFB0]  }
0x113: {  	v2 =	vld [tilespmem:s29+$0xFFFFFFB0];
	_ =	sdelay $0x4  }
0x114: {  	v1 =	vadd.f32 v2, v1;
	_ =	sdelay $0x1  }
0x115: {  	v1 =	vmax.f32 v1, $0.0e+00  }
0x116: {  	[tilespmem:s21+$0xFFFFFFB0] =	vst v1  }
0x117: {  	v1 =	vld [tilespmem:s17+$0xFFFFFFC0]  }
0x118: {  	v2 =	vld [tilespmem:s29+$0xFFFFFFC0];
	_ =	sdelay $0x4  }
0x119: {  	v1 =	vadd.f32 v2, v1;
	_ =	sdelay $0x1  }
0x11a: {  	v1 =	vmax.f32 v1, $0.0e+00  }
0x11b: {  	[tilespmem:s21+$0xFFFFFFC0] =	vst v1  }
0x11c: {  	v1 =	vld [tilespmem:s17+$0xFFFFFFD0]  }
0x11d: {  	v2 =	vld [tilespmem:s29+$0xFFFFFFD0];
	_ =	sdelay $0x4  }
0x11e: {  	v1 =	vadd.f32 v2, v1;
	_ =	sdelay $0x1  }
0x11f: {  	v1 =	vmax.f32 v1, $0.0e+00  }
0x120: {  	[tilespmem:s21+$0xFFFFFFD0] =	vst v1  }
0x121: {  	v1 =	vld [tilespmem:s17+$0xFFFFFFE0]  }
0x122: {  	v2 =	vld [tilespmem:s29+$0xFFFFFFE0];
	_ =	sdelay $0x4  }
0x123: {  	v1 =	vadd.f32 v2, v1;
	_ =	sdelay $0x1  }
0x124: {  	v1 =	vmax.f32 v1, $0.0e+00  }
0x125: {  	[tilespmem:s21+$0xFFFFFFE0] =	vst v1  }
0x126: {  	v1 =	vld [tilespmem:s17+$0xFFFFFFF0]  }
0x127: {  	v2 =	vld [tilespmem:s29+$0xFFFFFFF0];
	_ =	sdelay $0x4  }
0x128: {  	v1 =	vadd.f32 v2, v1;
	_ =	sdelay $0x1  }
0x129: {  	v1 =	vmax.f32 v1, $0.0e+00  }
0x12a: {  	[tilespmem:s21+$0xFFFFFFF0] =	vst v1  }
0x12b: {  	v1 =	vld [tilespmem:s17+$0x0]  }
0x12c: {  	v2 =	vld [tilespmem:s29+$0x0];
	_ =	sdelay $0x4  }
0x12d: {  	v1 =	vadd.f32 v2, v1;
	_ =	sdelay $0x1  }
0x12e: {  	v1 =	vmax.f32 v1, $0.0e+00  }
0x12f: {  	[tilespmem:s21+$0x0] =	vst v1  }
0x130: {  	v1 =	vld [tilespmem:s17+$0x10]  }
0x131: {  	v2 =	vld [tilespmem:s29+$0x10];
	_ =	sdelay $0x4  }
0x132: {  	v1 =	vadd.f32 v2, v1;
	_ =	sdelay $0x1  }
0x133: {  	v1 =	vmax.f32 v1, $0.0e+00  }
0x134: {  	[tilespmem:s21+$0x10] =	vst v1  }
0x135: {  	v1 =	vld [tilespmem:s17+$0x20]  }
0x136: {  	v2 =	vld [tilespmem:s29+$0x20];
	_ =	sdelay $0x4  }
0x137: {  	v1 =	vadd.f32 v2, v1;
	_ =	sdelay $0x1  }
0x138: {  	v1 =	vmax.f32 v1, $0.0e+00  }
0x139: {  	[tilespmem:s21+$0x20] =	vst v1  }
0x13a: {  	v1 =	vld [tilespmem:s17+$0x30]  }
0x13b: {  	v2 =	vld [tilespmem:s29+$0x30];
	_ =	sdelay $0x4  }
0x13c: {  	v1 =	vadd.f32 v2, v1;
	_ =	sdelay $0x1  }
0x13d: {  	v1 =	vmax.f32 v1, $0.0e+00  }
0x13e: {  	[tilespmem:s21+$0x30] =	vst v1  }
0x13f: {  	v1 =	vld [tilespmem:s17+$0x40]  }
0x140: {  	v2 =	vld [tilespmem:s29+$0x40];
	_ =	sdelay $0x4  }
0x141: {  	v1 =	vadd.f32 v2, v1;
	_ =	sdelay $0x1  }
0x142: {  	v1 =	vmax.f32 v1, $0.0e+00  }
0x143: {  	[tilespmem:s21+$0x40] =	vst v1  }
0x144: {  	v1 =	vld [tilespmem:s17+$0x50]  }
0x145: {  	v2 =	vld [tilespmem:s29+$0x50];
	_ =	sdelay $0x4  }
0x146: {  	v1 =	vadd.f32 v2, v1;
	_ =	sdelay $0x1  }
0x147: {  	v1 =	vmax.f32 v1, $0.0e+00  }
.Ltmp6:
0x148: {  	[tilespmem:s21+$0x50] =	vst v1;
	(pc) =	sbr.rel @p0 .LBB2_6-.Ltmp6, $3  }
0x149: {  	v1 =	vld [tilespmem:s17+$0x60]  }
0x14a: {  	v2 =	vld [tilespmem:s29+$0x60];
	_ =	sdelay $0x1  }
0x14b: {  	s21 =	sadd.s32 $0x100, s21  }
0x14c: {  	_ =	sdelay $0x1  }
0x14d: {  	v1 =	vadd.f32 v2, v1;
	_ =	sdelay $0x1  }
0x14e: {  	v1 =	vmax.f32 v1, $0.0e+00  }
0x14f: {  	[tilespmem:s16+$0x60] =	vst v1  }
0x150: {  	v1 =	vld [tilespmem:s19+$0x70]  }
0x151: {  	v2 =	vld [tilespmem:s20+$0x70];
	_ =	sdelay $0x3  }
0x152: {  	s17 =	smul.u32 $0x140, s14;
	p0 =	seq.s32 s15, $0x0  }
.Ltmp7:
0x153: {  	v1 =	vadd.f32 v2, v1;
	(pc) =	sbr.rel @p0 .LBB2_11-.Ltmp7, $4  }
0x154: {  	_ = 	snop  }
0x155: {  	s17 =	sshra.s32 s17, $0x2;
	v1 =	vmax.f32 v1, $0.0e+00  }
0x156: {  	s29 =	sadd.s32 $0xC710, s17;
	[tilespmem:s16+$0x70] =	vst v1  }
0x157: {  	[spmem:s1] =	stream.indirect.scatter.add.f32 [tilespmem:s12], [sflag:$0x5], $0x40, s29, s2, $0xb8;
	[tilespmem:$0x18620] =	vst v63  }
.LBB2_8:
0x158: {  	p0 =	seq.s32 s14, $0x7C  }
0x159: {  	s15 =	smul.u32 @!p0 $0x50, s14  }
0x15a: {  	s17 =	simm.s32 @!p0 $0x50  }
0x15b: {  	s18 =	simm.s32 @!p0 $0xEE20;
	s16 =	sadd.s32 @!p0 s4, s15;
	s15 =	sadd.s32 @!p0 $0xA050, s15  }
0x15c: {  	[tilespmem:s18], [sflag:$0x1] =	stream.indirect.gather @!p0 [hbm4b:s5+s17], $0x40, s15, s17, $0xb8;
	[tilespmem:$0x18620] =	vst v63  }
0x15d: {  	s15 =	sshll.u32 @!p0 s16, $0x3  }
0x15e: {  	s15 =	sadd.s32 @!p0 $0x280, s15  }
0x15f: {  	s15 =	sand.u32 @!p0 $0x1FFFFF80, s15  }
0x160: {  	s16 =	simm.s32 @!p0 $0x0;
	s17 =	simm.s32 @!p0 $0x11620;
	s15 =	sadd.s32 @!p0 s6, s15  }
0x161: {  	[tilespmem:s17], [sflag:$0x3] =	stream.linear.gather @!p0 [hbm4b:s15+s16], $0x1400, $0x38;
	[tilespmem:$0x18620] =	vst v63  }
0x162: {  	_ =	swait.ge [sflag:s30], $0x1400  }
0x163: {  	[sflag:s30] =	ssyncset.done $0x0  }
0x164: {  	[sflag:s30] =	ssyncadd.s32 $0xFFFFEC00  }
0x165: {  	_ =	swait.ge [sflag:s8], $0x1400  }
0x166: {  	p0 =	slt.u32 s14, $0x2;
	[sflag:s8] =	ssyncset.done $0x0  }
0x167: {  	s15 =	simm.s32 @!p0 $0x6;
	[sflag:s8] =	ssyncadd.s32 $0xFFFFEC00  }
0x168: {  	_ =	swait.ge @!p0 [sflag:s15], $0x1400  }
0x169: {  	[sflag:s15] =	ssyncset.done @!p0 $0x0  }
0x16a: {  	s16 =	simm.s32 $0x102A0;
	[sflag:s15] =	ssyncadd.s32 @!p0 $0xFFFFEC00  }
0x16b: {  	s17 =	simm.s32 $0x12AA0;
	v1 =	vld [tilespmem:s16+$0xFFFFFF80]  }
0x16c: {  	v2 =	vld [tilespmem:s17+$0xFFFFFF80];
	_ =	sdelay $0x4  }
0x16d: {  	v1 =	vadd.f32 v2, v1;
	_ =	sdelay $0x1  }
0x16e: {  	s15 =	simm.s32 $0x152A0;
	v1 =	vmax.f32 v1, $0.0e+00  }
0x16f: {  	[tilespmem:s15+$0xFFFFFF80] =	vst v1  }
0x170: {  	v1 =	vld [tilespmem:s16+$0xFFFFFF90]  }
0x171: {  	v2 =	vld [tilespmem:s17+$0xFFFFFF90];
	_ =	sdelay $0x4  }
0x172: {  	v1 =	vadd.f32 v2, v1;
	_ =	sdelay $0x1  }
0x173: {  	v1 =	vmax.f32 v1, $0.0e+00  }
0x174: {  	[tilespmem:s15+$0xFFFFFF90] =	vst v1  }
0x175: {  	v1 =	vld [tilespmem:s16+$0xFFFFFFA0]  }
0x176: {  	v2 =	vld [tilespmem:s17+$0xFFFFFFA0];
	_ =	sdelay $0x4  }
0x177: {  	v1 =	vadd.f32 v2, v1;
	_ =	sdelay $0x1  }
0x178: {  	v1 =	vmax.f32 v1, $0.0e+00  }
0x179: {  	[tilespmem:s15+$0xFFFFFFA0] =	vst v1  }
0x17a: {  	v1 =	vld [tilespmem:s16+$0xFFFFFFB0]  }
0x17b: {  	v2 =	vld [tilespmem:s17+$0xFFFFFFB0];
	_ =	sdelay $0x4  }
0x17c: {  	v1 =	vadd.f32 v2, v1;
	_ =	sdelay $0x1  }
0x17d: {  	v1 =	vmax.f32 v1, $0.0e+00  }
0x17e: {  	[tilespmem:s15+$0xFFFFFFB0] =	vst v1  }
0x17f: {  	v1 =	vld [tilespmem:s16+$0xFFFFFFC0]  }
0x180: {  	v2 =	vld [tilespmem:s17+$0xFFFFFFC0];
	_ =	sdelay $0x4  }
0x181: {  	v1 =	vadd.f32 v2, v1;
	_ =	sdelay $0x1  }
0x182: {  	v1 =	vmax.f32 v1, $0.0e+00  }
0x183: {  	[tilespmem:s15+$0xFFFFFFC0] =	vst v1  }
0x184: {  	v1 =	vld [tilespmem:s16+$0xFFFFFFD0]  }
0x185: {  	v2 =	vld [tilespmem:s17+$0xFFFFFFD0];
	_ =	sdelay $0x4  }
0x186: {  	v1 =	vadd.f32 v2, v1;
	_ =	sdelay $0x1  }
0x187: {  	v1 =	vmax.f32 v1, $0.0e+00  }
0x188: {  	[tilespmem:s15+$0xFFFFFFD0] =	vst v1  }
0x189: {  	v1 =	vld [tilespmem:s16+$0xFFFFFFE0]  }
0x18a: {  	v2 =	vld [tilespmem:s17+$0xFFFFFFE0];
	_ =	sdelay $0x4  }
0x18b: {  	v1 =	vadd.f32 v2, v1;
	_ =	sdelay $0x1  }
0x18c: {  	v1 =	vmax.f32 v1, $0.0e+00  }
0x18d: {  	[tilespmem:s15+$0xFFFFFFE0] =	vst v1  }
0x18e: {  	v1 =	vld [tilespmem:s16+$0xFFFFFFF0]  }
0x18f: {  	v2 =	vld [tilespmem:s17+$0xFFFFFFF0];
	_ =	sdelay $0x4  }
0x190: {  	v1 =	vadd.f32 v2, v1;
	_ =	sdelay $0x1  }
0x191: {  	v1 =	vmax.f32 v1, $0.0e+00  }
0x192: {  	[tilespmem:s15+$0xFFFFFFF0] =	vst v1  }
0x193: {  	v1 =	vld [tilespmem:s16+$0x0]  }
0x194: {  	v2 =	vld [tilespmem:s17+$0x0];
	_ =	sdelay $0x4  }
0x195: {  	v1 =	vadd.f32 v2, v1;
	_ =	sdelay $0x1  }
0x196: {  	v1 =	vmax.f32 v1, $0.0e+00  }
0x197: {  	[tilespmem:s15+$0x0] =	vst v1  }
0x198: {  	v1 =	vld [tilespmem:s16+$0x10]  }
0x199: {  	v2 =	vld [tilespmem:s17+$0x10];
	_ =	sdelay $0x4  }
0x19a: {  	v1 =	vadd.f32 v2, v1;
	_ =	sdelay $0x1  }
0x19b: {  	v1 =	vmax.f32 v1, $0.0e+00  }
0x19c: {  	[tilespmem:s15+$0x10] =	vst v1  }
0x19d: {  	v1 =	vld [tilespmem:s16+$0x20]  }
0x19e: {  	v2 =	vld [tilespmem:s17+$0x20];
	_ =	sdelay $0x4  }
0x19f: {  	v1 =	vadd.f32 v2, v1;
	_ =	sdelay $0x1  }
0x1a0: {  	v1 =	vmax.f32 v1, $0.0e+00  }
0x1a1: {  	[tilespmem:s15+$0x20] =	vst v1  }
0x1a2: {  	v1 =	vld [tilespmem:s16+$0x30]  }
0x1a3: {  	v2 =	vld [tilespmem:s17+$0x30];
	_ =	sdelay $0x4  }
0x1a4: {  	v1 =	vadd.f32 v2, v1;
	_ =	sdelay $0x1  }
0x1a5: {  	v1 =	vmax.f32 v1, $0.0e+00  }
0x1a6: {  	[tilespmem:s15+$0x30] =	vst v1  }
0x1a7: {  	v1 =	vld [tilespmem:s16+$0x40]  }
0x1a8: {  	v2 =	vld [tilespmem:s17+$0x40];
	_ =	sdelay $0x4  }
0x1a9: {  	v1 =	vadd.f32 v2, v1;
	_ =	sdelay $0x1  }
0x1aa: {  	v1 =	vmax.f32 v1, $0.0e+00  }
0x1ab: {  	[tilespmem:s15+$0x40] =	vst v1  }
0x1ac: {  	v1 =	vld [tilespmem:s16+$0x50]  }
0x1ad: {  	v2 =	vld [tilespmem:s17+$0x50];
	_ =	sdelay $0x4  }
0x1ae: {  	v1 =	vadd.f32 v2, v1;
	_ =	sdelay $0x1  }
0x1af: {  	v1 =	vmax.f32 v1, $0.0e+00  }
0x1b0: {  	[tilespmem:s15+$0x50] =	vst v1  }
0x1b1: {  	v1 =	vld [tilespmem:s16+$0x60]  }
0x1b2: {  	v2 =	vld [tilespmem:s17+$0x60]  }
0x1b3: {  	s21 =	simm.s32 $0x153A0  }
0x1b4: {  	s19 =	simm.s32 $0x102A0;
	s20 =	simm.s32 $0x12AA0;
	s18 =	simm.s32 $0x0  }
.LBB2_9:
0x1b5: {  	s18 =	sadd.s32 $0x4, s18;
	s16 =	sadd.s32 $0x100, s16;
	s17 =	sadd.s32 $0x100, s17  }
0x1b6: {  	p0 =	slt.u32 s18, $0x4C  }
0x1b7: {  	v1 =	vadd.f32 v2, v1;
	_ =	sdelay $0x1  }
0x1b8: {  	v1 =	vmax.f32 v1, $0.0e+00  }
0x1b9: {  	[tilespmem:s15+$0x60] =	vst v1  }
0x1ba: {  	v1 =	vld [tilespmem:s19+$0x70];
	s19 =	smov.u32 s16  }
0x1bb: {  	v2 =	vld [tilespmem:s20+$0x70];
	s20 =	smov.u32 s17;
	_ =	sdelay $0x4  }
0x1bc: {  	v1 =	vadd.f32 v2, v1;
	_ =	sdelay $0x1  }
0x1bd: {  	v1 =	vmax.f32 v1, $0.0e+00  }
0x1be: {  	[tilespmem:s15+$0x70] =	vst v1;
	s15 =	smov.u32 s21  }
0x1bf: {  	v1 =	vld [tilespmem:s16+$0xFFFFFF80]  }
0x1c0: {  	v2 =	vld [tilespmem:s17+$0xFFFFFF80];
	_ =	sdelay $0x4  }
0x1c1: {  	v1 =	vadd.f32 v2, v1;
	_ =	sdelay $0x1  }
0x1c2: {  	v1 =	vmax.f32 v1, $0.0e+00  }
0x1c3: {  	[tilespmem:s21+$0xFFFFFF80] =	vst v1  }
0x1c4: {  	v1 =	vld [tilespmem:s16+$0xFFFFFF90]  }
0x1c5: {  	v2 =	vld [tilespmem:s17+$0xFFFFFF90];
	_ =	sdelay $0x4  }
0x1c6: {  	v1 =	vadd.f32 v2, v1;
	_ =	sdelay $0x1  }
0x1c7: {  	v1 =	vmax.f32 v1, $0.0e+00  }
0x1c8: {  	[tilespmem:s21+$0xFFFFFF90] =	vst v1  }
0x1c9: {  	v1 =	vld [tilespmem:s16+$0xFFFFFFA0]  }
0x1ca: {  	v2 =	vld [tilespmem:s17+$0xFFFFFFA0];
	_ =	sdelay $0x4  }
0x1cb: {  	v1 =	vadd.f32 v2, v1;
	_ =	sdelay $0x1  }
0x1cc: {  	v1 =	vmax.f32 v1, $0.0e+00  }
0x1cd: {  	[tilespmem:s21+$0xFFFFFFA0] =	vst v1  }
0x1ce: {  	v1 =	vld [tilespmem:s16+$0xFFFFFFB0]  }
0x1cf: {  	v2 =	vld [tilespmem:s17+$0xFFFFFFB0];
	_ =	sdelay $0x4  }
0x1d0: {  	v1 =	vadd.f32 v2, v1;
	_ =	sdelay $0x1  }
0x1d1: {  	v1 =	vmax.f32 v1, $0.0e+00  }
0x1d2: {  	[tilespmem:s21+$0xFFFFFFB0] =	vst v1  }
0x1d3: {  	v1 =	vld [tilespmem:s16+$0xFFFFFFC0]  }
0x1d4: {  	v2 =	vld [tilespmem:s17+$0xFFFFFFC0];
	_ =	sdelay $0x4  }
0x1d5: {  	v1 =	vadd.f32 v2, v1;
	_ =	sdelay $0x1  }
0x1d6: {  	v1 =	vmax.f32 v1, $0.0e+00  }
0x1d7: {  	[tilespmem:s21+$0xFFFFFFC0] =	vst v1  }
0x1d8: {  	v1 =	vld [tilespmem:s16+$0xFFFFFFD0]  }
0x1d9: {  	v2 =	vld [tilespmem:s17+$0xFFFFFFD0];
	_ =	sdelay $0x4  }
0x1da: {  	v1 =	vadd.f32 v2, v1;
	_ =	sdelay $0x1  }
0x1db: {  	v1 =	vmax.f32 v1, $0.0e+00  }
0x1dc: {  	[tilespmem:s21+$0xFFFFFFD0] =	vst v1  }
0x1dd: {  	v1 =	vld [tilespmem:s16+$0xFFFFFFE0]  }
0x1de: {  	v2 =	vld [tilespmem:s17+$0xFFFFFFE0];
	_ =	sdelay $0x4  }
0x1df: {  	v1 =	vadd.f32 v2, v1;
	_ =	sdelay $0x1  }
0x1e0: {  	v1 =	vmax.f32 v1, $0.0e+00  }
0x1e1: {  	[tilespmem:s21+$0xFFFFFFE0] =	vst v1  }
0x1e2: {  	v1 =	vld [tilespmem:s16+$0xFFFFFFF0]  }
0x1e3: {  	v2 =	vld [tilespmem:s17+$0xFFFFFFF0];
	_ =	sdelay $0x4  }
0x1e4: {  	v1 =	vadd.f32 v2, v1;
	_ =	sdelay $0x1  }
0x1e5: {  	v1 =	vmax.f32 v1, $0.0e+00  }
0x1e6: {  	[tilespmem:s21+$0xFFFFFFF0] =	vst v1  }
0x1e7: {  	v1 =	vld [tilespmem:s16+$0x0]  }
0x1e8: {  	v2 =	vld [tilespmem:s17+$0x0];
	_ =	sdelay $0x4  }
0x1e9: {  	v1 =	vadd.f32 v2, v1;
	_ =	sdelay $0x1  }
0x1ea: {  	v1 =	vmax.f32 v1, $0.0e+00  }
0x1eb: {  	[tilespmem:s21+$0x0] =	vst v1  }
0x1ec: {  	v1 =	vld [tilespmem:s16+$0x10]  }
0x1ed: {  	v2 =	vld [tilespmem:s17+$0x10];
	_ =	sdelay $0x4  }
0x1ee: {  	v1 =	vadd.f32 v2, v1;
	_ =	sdelay $0x1  }
0x1ef: {  	v1 =	vmax.f32 v1, $0.0e+00  }
0x1f0: {  	[tilespmem:s21+$0x10] =	vst v1  }
0x1f1: {  	v1 =	vld [tilespmem:s16+$0x20]  }
0x1f2: {  	v2 =	vld [tilespmem:s17+$0x20];
	_ =	sdelay $0x4  }
0x1f3: {  	v1 =	vadd.f32 v2, v1;
	_ =	sdelay $0x1  }
0x1f4: {  	v1 =	vmax.f32 v1, $0.0e+00  }
0x1f5: {  	[tilespmem:s21+$0x20] =	vst v1  }
0x1f6: {  	v1 =	vld [tilespmem:s16+$0x30]  }
0x1f7: {  	v2 =	vld [tilespmem:s17+$0x30];
	_ =	sdelay $0x4  }
0x1f8: {  	v1 =	vadd.f32 v2, v1;
	_ =	sdelay $0x1  }
0x1f9: {  	v1 =	vmax.f32 v1, $0.0e+00  }
0x1fa: {  	[tilespmem:s21+$0x30] =	vst v1  }
0x1fb: {  	v1 =	vld [tilespmem:s16+$0x40]  }
0x1fc: {  	v2 =	vld [tilespmem:s17+$0x40];
	_ =	sdelay $0x4  }
0x1fd: {  	v1 =	vadd.f32 v2, v1;
	_ =	sdelay $0x1  }
0x1fe: {  	v1 =	vmax.f32 v1, $0.0e+00  }
0x1ff: {  	[tilespmem:s21+$0x40] =	vst v1  }
0x200: {  	v1 =	vld [tilespmem:s16+$0x50]  }
0x201: {  	v2 =	vld [tilespmem:s17+$0x50];
	_ =	sdelay $0x4  }
0x202: {  	v1 =	vadd.f32 v2, v1;
	_ =	sdelay $0x1  }
0x203: {  	v1 =	vmax.f32 v1, $0.0e+00  }
.Ltmp8:
0x204: {  	[tilespmem:s21+$0x50] =	vst v1;
	(pc) =	sbr.rel @p0 .LBB2_9-.Ltmp8, $3  }
0x205: {  	v1 =	vld [tilespmem:s16+$0x60]  }
0x206: {  	v2 =	vld [tilespmem:s17+$0x60];
	_ =	sdelay $0x1  }
0x207: {  	s21 =	sadd.s32 $0x100, s21  }
0x208: {  	_ =	sdelay $0x1  }
0x209: {  	v1 =	vadd.f32 v2, v1;
	_ =	sdelay $0x1  }
0x20a: {  	v1 =	vmax.f32 v1, $0.0e+00  }
0x20b: {  	[tilespmem:s15+$0x60] =	vst v1  }
0x20c: {  	v1 =	vld [tilespmem:s19+$0x70]  }
0x20d: {  	v2 =	vld [tilespmem:s20+$0x70];
	_ =	sdelay $0x3  }
0x20e: {  	s16 =	smul.u32 $0x140, s14  }
.Ltmp9:
0x20f: {  	v1 =	vadd.f32 v2, v1;
	(pc) =	sbr.rel .LBB2_11-.Ltmp9, $4  }
0x210: {  	_ = 	snop  }
0x211: {  	s16 =	sshra.s32 s16, $0x2;
	v1 =	vmax.f32 v1, $0.0e+00  }
0x212: {  	s29 =	sadd.s32 $0xC710, s16;
	[tilespmem:s15+$0x70] =	vst v1  }
0x213: {  	[spmem:s1] =	stream.indirect.scatter.add.f32 [tilespmem:s9], [sflag:$0x6], $0x40, s29, s2, $0xb8;
	[tilespmem:$0x18620] =	vst v63  }
.LBB2_13:
0x214: {  	_ =	sfence.sel $0x180000  }
0x215: {  	[bflag:$0x0] =	sbarrier.arrive $0xFFFF  }
0x216: {  	_ =	strace $0x90000047  }
0x217: {  	s0 =	stileid.u32;
	[bflag:$0x2] =	sbarrier.arrive $0xFFFF  }
0x218: {  	p0 =	sne.s32 s0, $0x0;
	s0 =	rddreg [dreg:$0x2]  }
0x219: {  	s0 =	sadd.s32 @!p0 $0x100000, s0  }
0x21a: {  	[sflag:s0] =	ssyncadd.tile.s32 @!p0 $0x1;
	_ =	shalt  }
.Lfunc_end2:
_tile_overlayer_lowered:
.L_overlay_start_2:
0x21b: {  	(tag) =	ssettag $0x2  }
0x21c: {  	s0 =	rddreg [dreg:$0x0];
	s2 =	stileid.u32  }
0x21d: {  	s1 =	rddreg [dreg:$0x1];
	p0 =	sne.s32 s2, $0x0  }
0x21e: {  	s3 =	rddreg [dreg:$0x2];
	[bflag:$0x3] =	sbarrier.arrive $0xFFFF;
	s2 =	simm.s32 @!p0 $0x1C07  }
0x21f: {  	[timem:s3], [sflag:s2] =	dma.local @!p0 [hbm:s0], s1  }
0x220: {  	s0 =	simm.s32 @!p0 $0x7  }
0x221: {  	_ =	swait.ge @!p0 [sflag:s0], s1  }
0x222: {  	s1 =	ssub.s32 @!p0 $0x0, s1;
	[sflag:s0] =	ssyncset.done @!p0 $0x0  }
0x223: {  	[sflag:s0] =	ssyncadd.s32 @!p0 s1  }
0x224: {  	[bflag:$0x3] =	sbarrier.arrive $0xFFFF  }
0x225: {  	_ =	shalt  }

// kernel: kernel.13.cloned.1.call-start
scs
__scs_entry_jumppad:
0x0: {  	(pc) =	sbr.rel $0x88, $3  }
0x1: {  	(tag) =	ssettag $0x0;
	lr =	simm.s32 $0x1  }
0x2: {  	[smem:$0x3F89] =	sst lr;
	_ =	strace $0xD0000000  }
0x3: {  	_ = 	snop  }
0x4: {  	_ = 	snop  }
0x5: {  	_ = 	snop  }
0x6: {  	_ = 	snop  }
0x7: {  	_ = 	snop  }
__scs_overlays_trampoline_lowered:
0x8: {  	[smem:$0x3F98] =	sst s0  }
0x9: {  	[smem:$0x3F99] =	sst s1  }
0xa: {  	[smem:$0x3F9A] =	sst s2  }
0xb: {  	[smem:$0x3F9B] =	sst s3  }
0xc: {  	[smem:$0x3F9C] =	sst s4  }
0xd: {  	[smem:$0x3F9D] =	sst s5  }
0xe: {  	[smem:$0x3F9E] =	sst s6  }
0xf: {  	[smem:$0x3F9F] =	sst s7  }
0x10: {  	[smem:$0x3FA0] =	sst s8  }
0x11: {  	[smem:$0x3FA1] =	sst s9;
	s0 =	simm.s32 @!p0 $0x0  }
0x12: {  	s1 =	sld [smem:$0x3F87];
	s0 =	simm.s32 @p0 $0x1  }
0x13: {  	[smem:$0x3FA2] =	sst s0;
	s0 =	simm.s32 @!p1 $0x0  }
0x14: {  	s2 =	sld [smem:$0x3F86];
	s0 =	simm.s32 @p1 $0x1  }
0x15: {  	[smem:$0x3FA3] =	sst s0;
	s0 =	simm.s32 @!p2 $0x0  }
0x16: {  	s3 =	sld [smem:$0x3FDB];
	s0 =	simm.s32 @p2 $0x1  }
0x17: {  	s4 =	simm.s32 $0x1BF5;
	[smem:$0x3FA5] =	sst s0  }
0x18: {  	s0 =	sld [smem:$0x3F88];
	_ =	swait.ge [sflag:s4], $0x0  }
0x19: {  	s7 =	sld [smem:$0x3F89]  }
0x1a: {  	s8 =	sadd.s32 $0xFFFFE003, lr  }
0x1b: {  	s9 =	sadd.s32 $0xFFFFFEF7, lr;
	s5 =	simm.s32 $0xFFFFFFFF;
	p2 =	slt.u32 s8, $0xFFFFF086  }
0x1c: {  	p1 =	slt.u32 s9, $0xF7A;
	s5 =	simm.s32 @!p2 $0x0  }
0x1d: {  	s5 =	simm.s32 @p1 $0x1;
	p0 =	seq.s32 s7, s2  }
0x1e: {  	s7 =	smul.u32 @!p0 $0xF7A, s2;
	p2 =	seq.s32 @!p0 s5, $0x0  }
0x1f: {  	s9 =	smul.u32 $0xF7A, s1;
	s8 =	simm.s32 @!p0 $0x1BF5;
	p2 =	por !p2, p0  }
0x20: {  	[sflag:s8] =	ssyncset.s32 @!p0 $0xFFFFF086;
	s6 =	sadd.s32 @!p0 s3, s7;
	s7 =	simm.s32 @!p0 $0x108  }
0x21: {  	s3 =	sadd.s32 s3, s9;
	s6 =	sadd.s32 @!p0 $0x88, s6;
	s7 =	simm.s32 @p2 $0x1082  }
0x22: {  	[simem:s7], [sflag:s8] =	dma.local @!p0 [hbm:s6], $0xF7A  }
0x23: {  	s9 =	sor.u32 $0xD0000000, s2;
	s6 =	simm.s32 $0x108;
	_ =	swait.ge @!p0 [sflag:s8], $0x0  }
0x24: {  	s3 =	sadd.s32 $0x88, s3;
	s6 =	simm.s32 @!p1 $0x1082;
	[sflag:s4] =	ssyncset.s32 $0xFFFFF086  }
0x25: {  	[simem:s6], [sflag:s4] =	dma.local [hbm:s3], $0xF7A  }
0x26: {  	[smem:$0x3F89] =	sst s1;
	(tag) =	ssettag s2;
	_ =	strace s9  }
0x27: {  	s1 =	sld [smem:$0x3F99]  }
0x28: {  	s2 =	sld [smem:$0x3F9A]  }
0x29: {  	s4 =	sld [smem:$0x3F9C]  }
0x2a: {  	p0 =	seq.s32 s5, $0x0;
	s5 =	sld [smem:$0x3F9D]  }
0x2b: {  	s6 =	sld [smem:$0x3F9E]  }
0x2c: {  	s7 =	sld [smem:$0x3F9F]  }
0x2d: {  	s3 =	simm.s32 $0x108;
	s8 =	sld [smem:$0x3FA0]  }
0x2e: {  	s3 =	simm.s32 @!p0 $0x1082;
	s9 =	sld [smem:$0x3FA1]  }
0x2f: {  	lr =	sadd.s32 s0, s3;
	s0 =	sld [smem:$0x3F98]  }
0x30: {  	s3 =	sld [smem:$0x3F9B]  }
0x31: {  	[smem:$0x3FA4] =	sst s10  }
0x32: {  	s10 =	sld [smem:$0x3FA2];
	_ =	sdelay $0x3  }
0x33: {  	p0 =	seq.s32 s10, $0x1;
	s10 =	sld [smem:$0x3FA4];
	_ =	sdelay $0x3  }
0x34: {  	[smem:$0x3FA4] =	sst s10  }
0x35: {  	s10 =	sld [smem:$0x3FA3];
	_ =	sdelay $0x3  }
0x36: {  	p1 =	seq.s32 s10, $0x1;
	s10 =	sld [smem:$0x3FA4];
	_ =	sdelay $0x3  }
0x37: {  	[smem:$0x3FA4] =	sst s10  }
0x38: {  	s10 =	sld [smem:$0x3FA5]  }
0x39: {  	_ = 	snop;
	(pc) =	sbr.ind lr, $3  }
0x3a: {  	_ = 	snop  }
0x3b: {  	_ = 	snop  }
0x3c: {  	p2 =	seq.s32 s10, $0x1;
	s10 =	sld [smem:$0x3FA4]  }
0x3d: {  	_ =	shalt  }
0x3e: {  	_ =	shalt  }
0x3f: {  	_ =	shalt  }
0x40: {  	_ =	shalt  }
0x41: {  	_ =	shalt  }
0x42: {  	_ =	shalt  }
0x43: {  	_ =	shalt  }
0x44: {  	_ =	shalt  }
0x45: {  	_ =	shalt  }
0x46: {  	_ =	shalt  }
0x47: {  	_ =	shalt  }
0x48: {  	_ =	shalt  }
0x49: {  	_ =	shalt  }
0x4a: {  	_ =	shalt  }
0x4b: {  	_ =	shalt  }
0x4c: {  	_ =	shalt  }
0x4d: {  	_ =	shalt  }
0x4e: {  	_ =	shalt  }
0x4f: {  	_ =	shalt  }
0x50: {  	_ =	shalt  }
0x51: {  	_ =	shalt  }
0x52: {  	_ =	shalt  }
0x53: {  	_ =	shalt  }
0x54: {  	_ =	shalt  }
0x55: {  	_ =	shalt  }
0x56: {  	_ =	shalt  }
0x57: {  	_ =	shalt  }
0x58: {  	_ =	shalt  }
0x59: {  	_ =	shalt  }
0x5a: {  	_ =	shalt  }
0x5b: {  	_ =	shalt  }
0x5c: {  	_ =	shalt  }
0x5d: {  	_ =	shalt  }
0x5e: {  	_ =	shalt  }
0x5f: {  	_ =	shalt  }
0x60: {  	_ =	shalt  }
0x61: {  	_ =	shalt  }
0x62: {  	_ =	shalt  }
0x63: {  	_ =	shalt  }
0x64: {  	_ =	shalt  }
0x65: {  	_ =	shalt  }
0x66: {  	_ =	shalt  }
0x67: {  	_ =	shalt  }
0x68: {  	_ =	shalt  }
0x69: {  	_ =	shalt  }
0x6a: {  	_ =	shalt  }
0x6b: {  	_ =	shalt  }
0x6c: {  	_ =	shalt  }
0x6d: {  	_ =	shalt  }
0x6e: {  	_ =	shalt  }
0x6f: {  	_ =	shalt  }
0x70: {  	_ =	shalt  }
0x71: {  	_ =	shalt  }
0x72: {  	_ =	shalt  }
0x73: {  	_ =	shalt  }
0x74: {  	_ =	shalt  }
0x75: {  	_ =	shalt  }
0x76: {  	_ =	shalt  }
0x77: {  	_ =	shalt  }
0x78: {  	_ =	shalt  }
0x79: {  	_ =	shalt  }
0x7a: {  	_ =	shalt  }
0x7b: {  	_ =	shalt  }
0x7c: {  	_ =	shalt  }
0x7d: {  	_ =	shalt  }
0x7e: {  	_ =	shalt  }
0x7f: {  	_ =	shalt  }
0x80: {  	_ =	shalt  }
0x81: {  	_ =	shalt  }
0x82: {  	_ =	shalt  }
0x83: {  	_ =	shalt  }
0x84: {  	_ =	shalt  }
0x85: {  	_ =	shalt  }
0x86: {  	_ =	shalt  }
0x87: {  	_ =	shalt  }
.Lfunc_end0:
.L_simem_size_0:
called_computation.1_lowered:
.L_overlay_start_0:
0x88: {  	s2 =	sld [smem:$0x3FD9]  }
0x89: {  	s3 =	sld [smem:$0x3FFE];
	_ =	sdelay $0x1  }
0x8a: {  	s1 =	srdreg.scid  }
0x8b: {  	s0 =	sand.u32 $0x1, s1  }
0x8c: {  	s16 =	sshll.u32 s0, $0xA;
	s2 =	sadd.s32 s3, s2  }
0x8d: {  	s2 =	sadd.s32 s2, s16  }
0x8e: {  	[smem:$0x3FB0] =	sst s2  }
0x8f: {  	_ = 	snop  }
0x90: {  	(tm) =	ssettm $0x1  }
0x91: {  	s17 =	sld [smem:$0x3FFB];
	_ =	sdelay $0x3  }
0x92: {  	_ =	strace s17  }
0x93: {  	s2 =	sld [smem:$0x3FFC];
	_ =	sdelay $0x3  }
0x94: {  	_ =	strace s2  }
0x95: {  	s2 =	sld [smem:$0x3FFD];
	_ =	sdelay $0x3  }
0x96: {  	_ =	strace s2  }
0x97: {  	_ =	strace $0x8FFFFFFF  }
0x98: {  	s18 =	sld [smem:$0x3FDB];
	_ =	sdelay $0x1  }
0x99: {  	s19 =	simm.s32 $_scs_section_size  }
0x9a: {  	s4 =	simm.s32 $_size__tile_overlayer_lowered;
	s5 =	simm.s32 $_tile_overlayer_lowered  }
0x9b: {  	s22 =	simm.s32 $0x1BFF;
	s21 =	sshll.u32 s5, $0x1;
	s2 =	sadd.s32 s19, s18  }
0x9c: {  	s6 =	simm.s32 $0x0;
	s20 =	sshll.u32 s4, $0x1;
	s4 =	sadd.s32 s21, s2  }
0x9d: {  	[timem:s6], [sflag:s22] =	dma.local [hbm:s4], s20  }
0x9e: {  	_ =	swait.ge [sflag:s22], s20  }
0x9f: {  	s3 =	ssub.s32 $0x0, s20;
	[sflag:s22] =	ssyncset.done $0x0  }
0xa0: {  	[sflag:s22] =	ssyncadd.s32 s3;
	_ =	sdelay $0x1  }
0xa1: {  	s23 =	simm.s32 $0x1B8B  }
0xa2: {  	_ =	swait.ge [sflag:s23], $0x1  }
0xa3: {  	[sflag:s23] =	ssyncset.done $0x0  }
0xa4: {  	s25 =	simm.s32 $0x1B8E;
	s24 =	sld [smem:$0x3FFE];
	[sflag:s23] =	ssyncadd.s32 $0xFFFFFFFF  }
0xa5: {  	s26 =	simm.s32 $execute0_lowered;
	[smem:$0x3FD2] =	sst s25  }
0xa6: {  	s4 =	sshll.u32 s26, $0x1;
	_ =	strace $0x80000049;
	[dreg:$0x1] =	wrdreg $0xFFFFFFFF  }
0xa7: {  	s28 =	simm.s32 $_size_execute0_lowered;
	s2 =	sadd.s32 s2, s4;
	[dreg:$0x0] =	wrdreg $0x0  }
0xa8: {  	s4 =	sshll.u32 s28, $0x1;
	[dreg:$0x2] =	wrdreg s2  }
0xa9: {  	[dreg:$0x3] =	wrdreg s4  }
0xaa: {  	[dreg:$0x4] =	wrdreg $0xC0  }
0xab: {  	_ =	task [dreg:s6], $0x5FFFF  }
0xac: {  	[dreg:$0x1] =	wrdreg $0xFFFFFFFF  }
0xad: {  	[dreg:$0x0] =	wrdreg $0x60  }
0xae: {  	[dreg:$0x2] =	wrdreg s24  }
0xaf: {  	[dreg:$0x3] =	wrdreg $0x0  }
0xb0: {  	[dreg:$0x4] =	wrdreg $0x9  }
0xb1: {  	_ =	task.clear_ibuf [dreg:s6], $0x5FFFF;
	_ =	strace $0x90000049  }
0xb2: {  	s29 =	simm.s32 $0x9;
	_ =	strace $0x8000004B  }
0xb3: {  	_ =	swait.ge [sflag:s29], $0x1  }
0xb4: {  	[sflag:s29] =	ssyncadd.s32 $0xFFFFFFFF  }
0xb5: {  	_ =	strace $0x9000004B  }
0xb6: {  	_ =	sfence  }
0xb7: {  	s30 =	sld [smem:$0x0];
	_ =	sdelay $0x2  }
0xb8: {  	s31 =	sshll.u32 s1, $0xD;
	s1 =	sshrl.u32 s1, $0x2  }
0xb9: {  	s3 =	sand.u32 $0x4000, s31;
	s1 =	sadd.s32 s1, s30  }
0xba: {  	s0 =	sor.u32 s3, s0;
	s1 =	sshll.u32 s1, $0x11  }
0xbb: {  	s0 =	sor.u32 s1, s0  }
0xbc: {  	s0 =	sadd.s32 $0x8F2B, s0  }
0xbd: {  	[sflag:s0] =	ssyncadd.remote.s32 $0x1  }
0xbe: {  	_ =	sfence.sel $0xFFFF  }
0xbf: {  	[dreg:$0x0] =	wrdreg $0xFFFFFFFF;
	(pc) =	sbr.abs _section_cstart, $3  }
0xc0: {  	[dreg:$0x1] =	wrdreg $0xFFFFFFFF  }
0xc1: {  	_ =	task.clear_ibuf [dreg:s6], $0x2FFFF;
	_ =	strace $0x9FFFFFFF  }
0xc2: {  	(tm) =	ssettm $0x7FFFFFFF  }
0xc3: {  	_ =	shalt  }
tec
execute0_lowered:
.L_overlay_start_1:
0x0: {  	(tag) =	ssettag $0x1  }
0x1: {  	s0 =	rddreg [dreg:$0x0]  }
0x2: {  	s1 =	rddreg [dreg:$0x1];
	s2 =	srdreg.scid  }
0x3: {  	s3 =	simm.s32 $0x0;
	s12 =	stileid.u32;
	s28 =	simm.s32 $0x7  }
0x4: {  	s31 =	simm.s32 $0x1;
	s30 =	simm.s32 $0x2;
	s2 =	sand.u32 $0x1, s2  }
0x5: {  	[smem:$0x7FF] =	sst s3;
	s5 =	sadd.s32 $0x287C00, s0;
	s10 =	smul.u32 $0x28000, s12  }
0x6: {  	s6 =	sadd.s32 $0x16C00, s0;
	s29 =	smul.u32 $0xA000, s12;
	s4 =	sshll.u32 s2, $0x4  }
0x7: {  	_ =	strace $0x8000004A;
	s9 =	ssub.s32 $0x2, s2;
	s2 =	smul.u32 $0xA0000, s2  }
0x8: {  	s7 =	sor.u32 s12, s4;
	s11 =	sshrl.u32 s9, $0x1;
	s10 =	sshrl.u32 s10, $0x2  }
0x9: {  	s14 =	sadd.s32 s29, s1;
	s16 =	sadd.s32 $0x2000, s29;
	s23 =	sadd.s32 $0x4000, s29  }
0xa: {  	s24 =	sadd.s32 $0x6000, s29;
	s4 =	smul.u32 $0x2710, s7;
	s9 =	ssub.s32 s9, s11  }
0xb: {  	s25 =	smul.u32 $0x13880, s7;
	s7 =	sadd.s32 s10, s1;
	[dreg:$0x6] =	wrdreg s14  }
0xc: {  	s18 =	sadd.s32 s2, s29;
	s19 =	sadd.s32 s2, s16;
	s15 =	smax.u32 s9, $0x1  }
0xd: {  	s10 =	sadd.s32 $0x8000, s29;
	s17 =	sadd.s32 $0x2000, s7;
	[dreg:$0x7] =	wrdreg s15  }
0xe: {  	s20 =	sadd.s32 $0x4000, s7;
	s9 =	sshrl.u32 s18, $0x3;
	[dreg:$0x8] =	wrdreg s17  }
0xf: {  	s11 =	sshrl.u32 s19, $0x3;
	s21 =	sadd.s32 $0x6000, s7;
	[dreg:$0x9] =	wrdreg s20  }
0x10: {  	s29 =	sadd.s32 $0x8000, s7;
	s8 =	sshrl.u32 s4, $0x3;
	[dreg:$0xa] =	wrdreg s21  }
0x11: {  	s13 =	sadd.s32 s6, s25;
	s25 =	sadd.s32 s2, s23;
	[dreg:$0x10] =	wrdreg s29  }
0x12: {  	s23 =	sadd.s32 s23, s1;
	s8 =	sadd.s32 s8, s0;
	s0 =	sadd.s32 $0x29B600, s0  }
0x13: {  	[dreg:$0x5] =	wrdreg s13;
	s13 =	sadd.s32 s2, s24;
	s2 =	sadd.s32 s2, s10  }
0x14: {  	s12 =	sshrl.u32 s25, $0x3;
	s24 =	sadd.s32 s24, s1;
	s26 =	sadd.s32 $0xCE00, s8  }
0x15: {  	s25 =	sadd.s32 s10, s1;
	s8 =	sadd.s32 $0x3000, s8;
	[dreg:$0x3] =	wrdreg s26  }
0x16: {  	s10 =	simm.s32 $0x6;
	s9 =	sadd.s32 s0, s9;
	[dreg:$0x4] =	wrdreg s8  }
0x17: {  	s22 =	sadd.s32 s0, s11;
	s13 =	sshrl.u32 s13, $0x3;
	[dreg:$0xb] =	wrdreg s9  }
0x18: {  	s2 =	sshrl.u32 s2, $0x3;
	s12 =	sadd.s32 s0, s12;
	[dreg:$0xc] =	wrdreg s22  }
.Ltmp0:
0x19: {  	s11 =	simm.s32 $0x5;
	[dreg:$0xd] =	wrdreg s12;
	(pc) =	sbr.rel .LBB2_1-.Ltmp0, $4  }
0x1a: {  	s26 =	sadd.s32 s0, s13;
	s0 =	sadd.s32 s0, s2;
	s22 =	sadd.s32 s16, s1  }
0x1b: {  	s2 =	simm.s32 $0x50;
	s8 =	simm.s32 $0x4;
	s9 =	simm.s32 $0x15220  }
0x1c: {  	s12 =	simm.s32 $0x13E20;
	s13 =	simm.s32 $0x0;
	[dreg:$0xe] =	wrdreg s26  }
0x1d: {  	v0 =	vimm.f32 $0.0e+00;
	[dreg:$0xf] =	wrdreg s0;
	s26 =	simm.s32 $0x16620;
	s0 =	simm.s32 $0x3  }
.LBB2_12:
0x1e: {  	_ =	swait.ge [sflag:s10], $0x1400  }
0x1f: {  	[sflag:s10] =	ssyncset.done $0x0  }
0x20: {  	[sflag:s10] =	ssyncadd.s32 $0xFFFFEC00  }
0x21: {  	_ =	swait.ge [sflag:s11], $0x1400  }
0x22: {  	[sflag:s11] =	ssyncset.done $0x0  }
0x23: {  	[sflag:s11] =	ssyncadd.s32 $0xFFFFEC00  }
0x24: {  	[bflag:$0x0] =	sbarrier.arrive $0xFFFF  }
0x25: {  	s14 =	rddreg [dreg:$0x6]  }
0x26: {  	[tilespmem:s26], [sflag:$0x7] =	stream.linear.gather [spmem:s14], $0x2000, $0x38;
	[tilespmem:$0x18620] =	vst v63  }
0x27: {  	_ =	swait.ge [sflag:s28], $0x2000  }
0x28: {  	[sflag:s28] =	ssyncset.done $0x0  }
0x29: {  	s17 =	rddreg [dreg:$0xb];
	[sflag:s28] =	ssyncadd.s32 $0xFFFFE000  }
0x2a: {  	[hbm4b:s17+s3] =	stream.linear.scatter [tilespmem:s26], [sflag:$0x7], $0x2000, $0x38;
	[tilespmem:$0x18620] =	vst v63  }
0x2b: {  	_ =	swait.ge [sflag:s28], $0x2000  }
0x2c: {  	[sflag:s28] =	ssyncset.done $0x0  }
0x2d: {  	[sflag:s28] =	ssyncadd.s32 $0xFFFFE000  }
0x2e: {  	[tilespmem:s26], [sflag:$0x7] =	stream.linear.gather [spmem:s22], $0x2000, $0x38;
	[tilespmem:$0x18620] =	vst v63  }
0x2f: {  	_ =	swait.ge [sflag:s28], $0x2000  }
0x30: {  	[sflag:s28] =	ssyncset.done $0x0  }
0x31: {  	s18 =	rddreg [dreg:$0xc];
	[sflag:s28] =	ssyncadd.s32 $0xFFFFE000  }
0x32: {  	[hbm4b:s18+s3] =	stream.linear.scatter [tilespmem:s26], [sflag:$0x7], $0x2000, $0x38;
	[tilespmem:$0x18620] =	vst v63  }
0x33: {  	_ =	swait.ge [sflag:s28], $0x2000  }
0x34: {  	[sflag:s28] =	ssyncset.done $0x0  }
0x35: {  	[sflag:s28] =	ssyncadd.s32 $0xFFFFE000  }
0x36: {  	[tilespmem:s26], [sflag:$0x7] =	stream.linear.gather [spmem:s23], $0x2000, $0x38;
	[tilespmem:$0x18620] =	vst v63  }
0x37: {  	_ =	swait.ge [sflag:s28], $0x2000  }
0x38: {  	[sflag:s28] =	ssyncset.done $0x0  }
0x39: {  	s19 =	rddreg [dreg:$0xd];
	[sflag:s28] =	ssyncadd.s32 $0xFFFFE000  }
0x3a: {  	[hbm4b:s19+s3] =	stream.linear.scatter [tilespmem:s26], [sflag:$0x7], $0x2000, $0x38;
	[tilespmem:$0x18620] =	vst v63  }
0x3b: {  	_ =	swait.ge [sflag:s28], $0x2000  }
0x3c: {  	[sflag:s28] =	ssyncset.done $0x0  }
0x3d: {  	[sflag:s28] =	ssyncadd.s32 $0xFFFFE000  }
0x3e: {  	[tilespmem:s26], [sflag:$0x7] =	stream.linear.gather [spmem:s24], $0x2000, $0x38;
	[tilespmem:$0x18620] =	vst v63  }
0x3f: {  	_ =	swait.ge [sflag:s28], $0x2000  }
0x40: {  	[sflag:s28] =	ssyncset.done $0x0  }
0x41: {  	s20 =	rddreg [dreg:$0xe];
	[sflag:s28] =	ssyncadd.s32 $0xFFFFE000  }
0x42: {  	[hbm4b:s20+s3] =	stream.linear.scatter [tilespmem:s26], [sflag:$0x7], $0x2000, $0x38;
	[tilespmem:$0x18620] =	vst v63  }
0x43: {  	_ =	swait.ge [sflag:s28], $0x2000  }
0x44: {  	[sflag:s28] =	ssyncset.done $0x0  }
0x45: {  	[sflag:s28] =	ssyncadd.s32 $0xFFFFE000  }
0x46: {  	[tilespmem:s26], [sflag:$0x7] =	stream.linear.gather [spmem:s25], $0x2000, $0x38;
	[tilespmem:$0x18620] =	vst v63  }
0x47: {  	_ =	swait.ge [sflag:s28], $0x2000  }
0x48: {  	[sflag:s28] =	ssyncset.done $0x0  }
0x49: {  	s21 =	rddreg [dreg:$0xf];
	[sflag:s28] =	ssyncadd.s32 $0xFFFFE000  }
0x4a: {  	[hbm4b:s21+s3] =	stream.linear.scatter [tilespmem:s26], [sflag:$0x7], $0x2000, $0x38;
	[tilespmem:$0x18620] =	vst v63  }
0x4b: {  	_ =	swait.ge [sflag:s28], $0x2000  }
0x4c: {  	s13 =	sadd.s32 $0x1, s13;
	s29 =	rddreg [dreg:$0x7]  }
0x4d: {  	p0 =	sne.s32 s13, s29  }
.Ltmp1:
0x4e: {  	_ = 	snop;
	(pc) =	sbr.rel @!p0 .LBB2_13-.Ltmp1, $3  }
0x4f: {  	_ =	sdelay $0x1  }
0x50: {  	[sflag:s28] =	ssyncset.done $0x0  }
0x51: {  	[sflag:s28] =	ssyncadd.s32 $0xFFFFE000  }
.LBB2_1:
0x52: {  	s14 =	simm.s32 $0x166A0  }
0x53: {  	[tilespmem:s14+$0xFFFFFF80] =	vst v0  }
0x54: {  	[tilespmem:s14+$0x70] =	vst v0  }
0x55: {  	[tilespmem:s14+$0x60] =	vst v0  }
0x56: {  	[tilespmem:s14+$0x50] =	vst v0  }
0x57: {  	[tilespmem:s14+$0x40] =	vst v0  }
0x58: {  	[tilespmem:s14+$0x30] =	vst v0  }
0x59: {  	[tilespmem:s14+$0x20] =	vst v0  }
0x5a: {  	[tilespmem:s14+$0x10] =	vst v0  }
0x5b: {  	[tilespmem:s14+$0x0] =	vst v0  }
0x5c: {  	[tilespmem:s14+$0xFFFFFFF0] =	vst v0  }
0x5d: {  	[tilespmem:s14+$0xFFFFFFE0] =	vst v0  }
0x5e: {  	[tilespmem:s14+$0xFFFFFFD0] =	vst v0  }
0x5f: {  	[tilespmem:s14+$0xFFFFFFC0] =	vst v0  }
0x60: {  	[tilespmem:s14+$0xFFFFFFB0] =	vst v0  }
0x61: {  	s15 =	simm.s32 $0x0;
	[tilespmem:s14+$0xFFFFFFA0] =	vst v0  }
.LBB2_2:
0x62: {  	s15 =	sadd.s32 $0x4, s15;
	[tilespmem:s14+$0xFFFFFF90] =	vst v0;
	s14 =	sadd.s32 $0x100, s14  }
0x63: {  	[tilespmem:s14+$0xFFFFFF80] =	vst v0;
	p0 =	slt.u32 s15, $0x7C  }
0x64: {  	[tilespmem:s14+$0x70] =	vst v0  }
0x65: {  	[tilespmem:s14+$0x60] =	vst v0  }
0x66: {  	[tilespmem:s14+$0x50] =	vst v0  }
0x67: {  	[tilespmem:s14+$0x40] =	vst v0  }
0x68: {  	[tilespmem:s14+$0x30] =	vst v0  }
0x69: {  	[tilespmem:s14+$0x20] =	vst v0  }
0x6a: {  	[tilespmem:s14+$0x10] =	vst v0  }
0x6b: {  	[tilespmem:s14+$0x0] =	vst v0  }
0x6c: {  	[tilespmem:s14+$0xFFFFFFF0] =	vst v0  }
.Ltmp2:
0x6d: {  	[tilespmem:s14+$0xFFFFFFE0] =	vst v0;
	(pc) =	sbr.rel @p0 .LBB2_2-.Ltmp2, $4  }
0x6e: {  	[tilespmem:s14+$0xFFFFFFD0] =	vst v0  }
0x6f: {  	[tilespmem:s14+$0xFFFFFFC0] =	vst v0  }
0x70: {  	[tilespmem:s14+$0xFFFFFFB0] =	vst v0  }
0x71: {  	[tilespmem:s14+$0xFFFFFFA0] =	vst v0  }
0x72: {  	[tilespmem:s14+$0xFFFFFF90] =	vst v0  }
0x73: {  	[spmem:s7] =	stream.linear.scatter [tilespmem:s26], [sflag:$0x7], $0x2000, $0x38;
	[tilespmem:$0x18620] =	vst v63  }
0x74: {  	_ =	swait.ge [sflag:s28], $0x2000  }
0x75: {  	[sflag:s28] =	ssyncset.done $0x0  }
0x76: {  	s15 =	rddreg [dreg:$0x8];
	[sflag:s28] =	ssyncadd.s32 $0xFFFFE000  }
0x77: {  	[spmem:s15] =	stream.linear.scatter [tilespmem:s26], [sflag:$0x7], $0x2000, $0x38;
	[tilespmem:$0x18620] =	vst v63  }
0x78: {  	_ =	swait.ge [sflag:s28], $0x2000  }
0x79: {  	[sflag:s28] =	ssyncset.done $0x0  }
0x7a: {  	s16 =	rddreg [dreg:$0x9];
	[sflag:s28] =	ssyncadd.s32 $0xFFFFE000  }
0x7b: {  	[spmem:s16] =	stream.linear.scatter [tilespmem:s26], [sflag:$0x7], $0x2000, $0x38;
	[tilespmem:$0x18620] =	vst v63  }
0x7c: {  	_ =	swait.ge [sflag:s28], $0x2000  }
0x7d: {  	[sflag:s28] =	ssyncset.done $0x0  }
0x7e: {  	s17 =	rddreg [dreg:$0xa];
	[sflag:s28] =	ssyncadd.s32 $0xFFFFE000  }
0x7f: {  	[spmem:s17] =	stream.linear.scatter [tilespmem:s26], [sflag:$0x7], $0x2000, $0x38;
	[tilespmem:$0x18620] =	vst v63  }
0x80: {  	_ =	swait.ge [sflag:s28], $0x2000  }
0x81: {  	[sflag:s28] =	ssyncset.done $0x0  }
0x82: {  	s18 =	rddreg [dreg:$0x10];
	[sflag:s28] =	ssyncadd.s32 $0xFFFFE000  }
0x83: {  	[spmem:s18] =	stream.linear.scatter [tilespmem:s26], [sflag:$0x7], $0x2000, $0x38;
	[tilespmem:$0x18620] =	vst v63  }
0x84: {  	_ =	swait.ge [sflag:s28], $0x2000  }
0x85: {  	s14 =	simm.s32 $0x0;
	[sflag:s28] =	ssyncset.done $0x0  }
0x86: {  	s16 =	simm.s32 $0xA000;
	s15 =	rddreg [dreg:$0x3];
	[sflag:s28] =	ssyncadd.s32 $0xFFFFE000  }
0x87: {  	[tilespmem:s16], [sflag:$0x1] =	stream.linear.gather [hbm4b:s15+s14], $0x2710, $0x38;
	[tilespmem:$0x18620] =	vst v63  }
0x88: {  	s17 =	simm.s32 $0xC710;
	s19 =	rddreg [dreg:$0x4]  }
0x89: {  	[tilespmem:s17], [sflag:$0x3] =	stream.linear.gather [hbm4b:s19+s14], $0x2710, $0x38;
	[tilespmem:$0x18620] =	vst v63  }
0x8a: {  	_ =	swait.ge [sflag:s31], $0x2710  }
0x8b: {  	[sflag:s31] =	ssyncset.done $0x0  }
0x8c: {  	[sflag:s31] =	ssyncadd.s32 $0xFFFFD8F0  }
0x8d: {  	_ =	swait.ge [sflag:s0], $0x2710  }
0x8e: {  	[sflag:s0] =	ssyncset.done $0x0  }
.Ltmp3:
0x8f: {  	[sflag:s0] =	ssyncadd.s32 $0xFFFFD8F0;
	(pc) =	sbr.rel .LBB2_4-.Ltmp3, $4  }
0x90: {  	s20 =	simm.s32 $0xEE20;
	[bflag:$0x0] =	sbarrier.arrive $0xFFFF  }
0x91: {  	[tilespmem:s20], [sflag:$0x1] =	stream.indirect.gather [hbm4b:s5+s2], $0x40, s16, s2, $0xb8;
	[tilespmem:$0x18620] =	vst v63  }
0x92: {  	s29 =	simm.s32 $0x11620;
	s21 =	rddreg [dreg:$0x5]  }
0x93: {  	[tilespmem:s29], [sflag:$0x3] =	stream.linear.gather [hbm4b:s21+s14], $0x1400, $0x38;
	[tilespmem:$0x18620] =	vst v63  }
.LBB2_11:
0x94: {  	s14 =	sadd.s32 $0x1, s14  }
0x95: {  	p0 =	sne.s32 s14, $0x7D  }
.Ltmp4:
0x96: {  	_ = 	snop;
	(pc) =	sbr.rel @!p0 .LBB2_12-.Ltmp4, $1  }
0x97: {  	_ =	sdelay $0x3  }
.LBB2_4:
0x98: {  	s15 =	sand.u32 $0x1, s14  }
0x99: {  	p0 =	seq.s32 s15, $0x1  }
.Ltmp5:
0x9a: {  	_ = 	snop;
	(pc) =	sbr.rel @p0 .LBB2_8-.Ltmp5, $1  }
0x9b: {  	_ =	sdelay $0x3  }
0x9c: {  	p0 =	seq.s32 s14, $0x7C  }
0x9d: {  	s16 =	smul.u32 @!p0 $0x50, s14  }
0x9e: {  	s18 =	simm.s32 @!p0 $0x50  }
0x9f: {  	s19 =	simm.s32 @!p0 $0x10220;
	s17 =	sadd.s32 @!p0 s4, s16;
	s16 =	sadd.s32 @!p0 $0xA050, s16  }
0xa0: {  	[tilespmem:s19], [sflag:$0x2] =	stream.indirect.gather @!p0 [hbm4b:s5+s18], $0x40, s16, s18, $0xb8;
	[tilespmem:$0x18620] =	vst v63  }
0xa1: {  	s16 =	sshll.u32 @!p0 s17, $0x3  }
0xa2: {  	s16 =	sadd.s32 @!p0 $0x280, s16  }
0xa3: {  	s16 =	sand.u32 @!p0 $0x1FFFFF80, s16  }
0xa4: {  	s17 =	simm.s32 @!p0 $0x0;
	s18 =	simm.s32 @!p0 $0x12A20;
	s16 =	sadd.s32 @!p0 s6, s16  }
0xa5: {  	[tilespmem:s18], [sflag:$0x4] =	stream.linear.gather @!p0 [hbm4b:s16+s17], $0x1400, $0x38;
	[tilespmem:$0x18620] =	vst v63  }
0xa6: {  	_ =	swait.ge [sflag:s31], $0x1400  }
0xa7: {  	[sflag:s31] =	ssyncset.done $0x0  }
0xa8: {  	[sflag:s31] =	ssyncadd.s32 $0xFFFFEC00  }
0xa9: {  	_ =	swait.ge [sflag:s0], $0x1400  }
0xaa: {  	p0 =	slt.u32 s14, $0x2;
	[sflag:s0] =	ssyncset.done $0x0  }
0xab: {  	s16 =	simm.s32 @!p0 $0x5;
	[sflag:s0] =	ssyncadd.s32 $0xFFFFEC00  }
0xac: {  	_ =	swait.ge @!p0 [sflag:s16], $0x1400  }
0xad: {  	[sflag:s16] =	ssyncset.done @!p0 $0x0  }
0xae: {  	s17 =	simm.s32 $0xEEA0;
	[sflag:s16] =	ssyncadd.s32 @!p0 $0xFFFFEC00  }
0xaf: {  	s29 =	simm.s32 $0x116A0;
	v1 =	vld [tilespmem:s17+$0xFFFFFF80]  }
0xb0: {  	v2 =	vld [tilespmem:s29+$0xFFFFFF80];
	_ =	sdelay $0x4  }
0xb1: {  	v1 =	vadd.f32 v2, v1;
	_ =	sdelay $0x1  }
0xb2: {  	s16 =	simm.s32 $0x13EA0;
	v1 =	vmax.f32 v1, $0.0e+00  }
0xb3: {  	[tilespmem:s16+$0xFFFFFF80] =	vst v1  }
0xb4: {  	v1 =	vld [tilespmem:s17+$0xFFFFFF90]  }
0xb5: {  	v2 =	vld [tilespmem:s29+$0xFFFFFF90];
	_ =	sdelay $0x4  }
0xb6: {  	v1 =	vadd.f32 v2, v1;
	_ =	sdelay $0x1  }
0xb7: {  	v1 =	vmax.f32 v1, $0.0e+00  }
0xb8: {  	[tilespmem:s16+$0xFFFFFF90] =	vst v1  }
0xb9: {  	v1 =	vld [tilespmem:s17+$0xFFFFFFA0]  }
0xba: {  	v2 =	vld [tilespmem:s29+$0xFFFFFFA0];
	_ =	sdelay $0x4  }
0xbb: {  	v1 =	vadd.f32 v2, v1;
	_ =	sdelay $0x1  }
0xbc: {  	v1 =	vmax.f32 v1, $0.0e+00  }
0xbd: {  	[tilespmem:s16+$0xFFFFFFA0] =	vst v1  }
0xbe: {  	v1 =	vld [tilespmem:s17+$0xFFFFFFB0]  }
0xbf: {  	v2 =	vld [tilespmem:s29+$0xFFFFFFB0];
	_ =	sdelay $0x4  }
0xc0: {  	v1 =	vadd.f32 v2, v1;
	_ =	sdelay $0x1  }
0xc1: {  	v1 =	vmax.f32 v1, $0.0e+00  }
0xc2: {  	[tilespmem:s16+$0xFFFFFFB0] =	vst v1  }
0xc3: {  	v1 =	vld [tilespmem:s17+$0xFFFFFFC0]  }
0xc4: {  	v2 =	vld [tilespmem:s29+$0xFFFFFFC0];
	_ =	sdelay $0x4  }
0xc5: {  	v1 =	vadd.f32 v2, v1;
	_ =	sdelay $0x1  }
0xc6: {  	v1 =	vmax.f32 v1, $0.0e+00  }
0xc7: {  	[tilespmem:s16+$0xFFFFFFC0] =	vst v1  }
0xc8: {  	v1 =	vld [tilespmem:s17+$0xFFFFFFD0]  }
0xc9: {  	v2 =	vld [tilespmem:s29+$0xFFFFFFD0];
	_ =	sdelay $0x4  }
0xca: {  	v1 =	vadd.f32 v2, v1;
	_ =	sdelay $0x1  }
0xcb: {  	v1 =	vmax.f32 v1, $0.0e+00  }
0xcc: {  	[tilespmem:s16+$0xFFFFFFD0] =	vst v1  }
0xcd: {  	v1 =	vld [tilespmem:s17+$0xFFFFFFE0]  }
0xce: {  	v2 =	vld [tilespmem:s29+$0xFFFFFFE0];
	_ =	sdelay $0x4  }
0xcf: {  	v1 =	vadd.f32 v2, v1;
	_ =	sdelay $0x1  }
0xd0: {  	v1 =	vmax.f32 v1, $0.0e+00  }
0xd1: {  	[tilespmem:s16+$0xFFFFFFE0] =	vst v1  }
0xd2: {  	v1 =	vld [tilespmem:s17+$0xFFFFFFF0]  }
0xd3: {  	v2 =	vld [tilespmem:s29+$0xFFFFFFF0];
	_ =	sdelay $0x4  }
0xd4: {  	v1 =	vadd.f32 v2, v1;
	_ =	sdelay $0x1  }
0xd5: {  	v1 =	vmax.f32 v1, $0.0e+00  }
0xd6: {  	[tilespmem:s16+$0xFFFFFFF0] =	vst v1  }
0xd7: {  	v1 =	vld [tilespmem:s17+$0x0]  }
0xd8: {  	v2 =	vld [tilespmem:s29+$0x0];
	_ =	sdelay $0x4  }
0xd9: {  	v1 =	vadd.f32 v2, v1;
	_ =	sdelay $0x1  }
0xda: {  	v1 =	vmax.f32 v1, $0.0e+00  }
0xdb: {  	[tilespmem:s16+$0x0] =	vst v1  }
0xdc: {  	v1 =	vld [tilespmem:s17+$0x10]  }
0xdd: {  	v2 =	vld [tilespmem:s29+$0x10];
	_ =	sdelay $0x4  }
0xde: {  	v1 =	vadd.f32 v2, v1;
	_ =	sdelay $0x1  }
0xdf: {  	v1 =	vmax.f32 v1, $0.0e+00  }
0xe0: {  	[tilespmem:s16+$0x10] =	vst v1  }
0xe1: {  	v1 =	vld [tilespmem:s17+$0x20]  }
0xe2: {  	v2 =	vld [tilespmem:s29+$0x20];
	_ =	sdelay $0x4  }
0xe3: {  	v1 =	vadd.f32 v2, v1;
	_ =	sdelay $0x1  }
0xe4: {  	v1 =	vmax.f32 v1, $0.0e+00  }
0xe5: {  	[tilespmem:s16+$0x20] =	vst v1  }
0xe6: {  	v1 =	vld [tilespmem:s17+$0x30]  }
0xe7: {  	v2 =	vld [tilespmem:s29+$0x30];
	_ =	sdelay $0x4  }
0xe8: {  	v1 =	vadd.f32 v2, v1;
	_ =	sdelay $0x1  }
0xe9: {  	v1 =	vmax.f32 v1, $0.0e+00  }
0xea: {  	[tilespmem:s16+$0x30] =	vst v1  }
0xeb: {  	v1 =	vld [tilespmem:s17+$0x40]  }
0xec: {  	v2 =	vld [tilespmem:s29+$0x40];
	_ =	sdelay $0x4  }
0xed: {  	v1 =	vadd.f32 v2, v1;
	_ =	sdelay $0x1  }
0xee: {  	v1 =	vmax.f32 v1, $0.0e+00  }
0xef: {  	[tilespmem:s16+$0x40] =	vst v1  }
0xf0: {  	v1 =	vld [tilespmem:s17+$0x50]  }
0xf1: {  	v2 =	vld [tilespmem:s29+$0x50];
	_ =	sdelay $0x4  }
0xf2: {  	v1 =	vadd.f32 v2, v1;
	_ =	sdelay $0x1  }
0xf3: {  	v1 =	vmax.f32 v1, $0.0e+00  }
0xf4: {  	[tilespmem:s16+$0x50] =	vst v1  }
0xf5: {  	v1 =	vld [tilespmem:s17+$0x60]  }
0xf6: {  	v2 =	vld [tilespmem:s29+$0x60]  }
0xf7: {  	s21 =	simm.s32 $0x13FA0  }
0xf8: {  	s20 =	simm.s32 $0x116A0;
	s19 =	simm.s32 $0xEEA0;
	s18 =	simm.s32 $0x0  }
.LBB2_6:
0xf9: {  	s18 =	sadd.s32 $0x4, s18;
	s17 =	sadd.s32 $0x100, s17;
	s29 =	sadd.s32 $0x100, s29  }
0xfa: {  	p0 =	slt.u32 s18, $0x4C  }
0xfb: {  	v1 =	vadd.f32 v2, v1;
	_ =	sdelay $0x1  }
0xfc: {  	v1 =	vmax.f32 v1, $0.0e+00  }
0xfd: {  	[tilespmem:s16+$0x60] =	vst v1  }
0xfe: {  	v1 =	vld [tilespmem:s19+$0x70];
	s19 =	smov.u32 s17  }
0xff: {  	v2 =	vld [tilespmem:s20+$0x70];
	s20 =	smov.u32 s29;
	_ =	sdelay $0x4  }
0x100: {  	v1 =	vadd.f32 v2, v1;
	_ =	sdelay $0x1  }
0x101: {  	v1 =	vmax.f32 v1, $0.0e+00  }
0x102: {  	[tilespmem:s16+$0x70] =	vst v1;
	s16 =	smov.u32 s21  }
0x103: {  	v1 =	vld [tilespmem:s17+$0xFFFFFF80]  }
0x104: {  	v2 =	vld [tilespmem:s29+$0xFFFFFF80];
	_ =	sdelay $0x4  }
0x105: {  	v1 =	vadd.f32 v2, v1;
	_ =	sdelay $0x1  }
0x106: {  	v1 =	vmax.f32 v1, $0.0e+00  }
0x107: {  	[tilespmem:s21+$0xFFFFFF80] =	vst v1  }
0x108: {  	v1 =	vld [tilespmem:s17+$0xFFFFFF90]  }
0x109: {  	v2 =	vld [tilespmem:s29+$0xFFFFFF90];
	_ =	sdelay $0x4  }
0x10a: {  	v1 =	vadd.f32 v2, v1;
	_ =	sdelay $0x1  }
0x10b: {  	v1 =	vmax.f32 v1, $0.0e+00  }
0x10c: {  	[tilespmem:s21+$0xFFFFFF90] =	vst v1  }
0x10d: {  	v1 =	vld [tilespmem:s17+$0xFFFFFFA0]  }
0x10e: {  	v2 =	vld [tilespmem:s29+$0xFFFFFFA0];
	_ =	sdelay $0x4  }
0x10f: {  	v1 =	vadd.f32 v2, v1;
	_ =	sdelay $0x1  }
0x110: {  	v1 =	vmax.f32 v1, $0.0e+00  }
0x111: {  	[tilespmem:s21+$0xFFFFFFA0] =	vst v1  }
0x112: {  	v1 =	vld [tilespmem:s17+$0xFFFFFFB0]  }
0x113: {  	v2 =	vld [tilespmem:s29+$0xFFFFFFB0];
	_ =	sdelay $0x4  }
0x114: {  	v1 =	vadd.f32 v2, v1;
	_ =	sdelay $0x1  }
0x115: {  	v1 =	vmax.f32 v1, $0.0e+00  }
0x116: {  	[tilespmem:s21+$0xFFFFFFB0] =	vst v1  }
0x117: {  	v1 =	vld [tilespmem:s17+$0xFFFFFFC0]  }
0x118: {  	v2 =	vld [tilespmem:s29+$0xFFFFFFC0];
	_ =	sdelay $0x4  }
0x119: {  	v1 =	vadd.f32 v2, v1;
	_ =	sdelay $0x1  }
0x11a: {  	v1 =	vmax.f32 v1, $0.0e+00  }
0x11b: {  	[tilespmem:s21+$0xFFFFFFC0] =	vst v1  }
0x11c: {  	v1 =	vld [tilespmem:s17+$0xFFFFFFD0]  }
0x11d: {  	v2 =	vld [tilespmem:s29+$0xFFFFFFD0];
	_ =	sdelay $0x4  }
0x11e: {  	v1 =	vadd.f32 v2, v1;
	_ =	sdelay $0x1  }
0x11f: {  	v1 =	vmax.f32 v1, $0.0e+00  }
0x120: {  	[tilespmem:s21+$0xFFFFFFD0] =	vst v1  }
0x121: {  	v1 =	vld [tilespmem:s17+$0xFFFFFFE0]  }
0x122: {  	v2 =	vld [tilespmem:s29+$0xFFFFFFE0];
	_ =	sdelay $0x4  }
0x123: {  	v1 =	vadd.f32 v2, v1;
	_ =	sdelay $0x1  }
0x124: {  	v1 =	vmax.f32 v1, $0.0e+00  }
0x125: {  	[tilespmem:s21+$0xFFFFFFE0] =	vst v1  }
0x126: {  	v1 =	vld [tilespmem:s17+$0xFFFFFFF0]  }
0x127: {  	v2 =	vld [tilespmem:s29+$0xFFFFFFF0];
	_ =	sdelay $0x4  }
0x128: {  	v1 =	vadd.f32 v2, v1;
	_ =	sdelay $0x1  }
0x129: {  	v1 =	vmax.f32 v1, $0.0e+00  }
0x12a: {  	[tilespmem:s21+$0xFFFFFFF0] =	vst v1  }
0x12b: {  	v1 =	vld [tilespmem:s17+$0x0]  }
0x12c: {  	v2 =	vld [tilespmem:s29+$0x0];
	_ =	sdelay $0x4  }
0x12d: {  	v1 =	vadd.f32 v2, v1;
	_ =	sdelay $0x1  }
0x12e: {  	v1 =	vmax.f32 v1, $0.0e+00  }
0x12f: {  	[tilespmem:s21+$0x0] =	vst v1  }
0x130: {  	v1 =	vld [tilespmem:s17+$0x10]  }
0x131: {  	v2 =	vld [tilespmem:s29+$0x10];
	_ =	sdelay $0x4  }
0x132: {  	v1 =	vadd.f32 v2, v1;
	_ =	sdelay $0x1  }
0x133: {  	v1 =	vmax.f32 v1, $0.0e+00  }
0x134: {  	[tilespmem:s21+$0x10] =	vst v1  }
0x135: {  	v1 =	vld [tilespmem:s17+$0x20]  }
0x136: {  	v2 =	vld [tilespmem:s29+$0x20];
	_ =	sdelay $0x4  }
0x137: {  	v1 =	vadd.f32 v2, v1;
	_ =	sdelay $0x1  }
0x138: {  	v1 =	vmax.f32 v1, $0.0e+00  }
0x139: {  	[tilespmem:s21+$0x20] =	vst v1  }
0x13a: {  	v1 =	vld [tilespmem:s17+$0x30]  }
0x13b: {  	v2 =	vld [tilespmem:s29+$0x30];
	_ =	sdelay $0x4  }
0x13c: {  	v1 =	vadd.f32 v2, v1;
	_ =	sdelay $0x1  }
0x13d: {  	v1 =	vmax.f32 v1, $0.0e+00  }
0x13e: {  	[tilespmem:s21+$0x30] =	vst v1  }
0x13f: {  	v1 =	vld [tilespmem:s17+$0x40]  }
0x140: {  	v2 =	vld [tilespmem:s29+$0x40];
	_ =	sdelay $0x4  }
0x141: {  	v1 =	vadd.f32 v2, v1;
	_ =	sdelay $0x1  }
0x142: {  	v1 =	vmax.f32 v1, $0.0e+00  }
0x143: {  	[tilespmem:s21+$0x40] =	vst v1  }
0x144: {  	v1 =	vld [tilespmem:s17+$0x50]  }
0x145: {  	v2 =	vld [tilespmem:s29+$0x50];
	_ =	sdelay $0x4  }
0x146: {  	v1 =	vadd.f32 v2, v1;
	_ =	sdelay $0x1  }
0x147: {  	v1 =	vmax.f32 v1, $0.0e+00  }
.Ltmp6:
0x148: {  	[tilespmem:s21+$0x50] =	vst v1;
	(pc) =	sbr.rel @p0 .LBB2_6-.Ltmp6, $3  }
0x149: {  	v1 =	vld [tilespmem:s17+$0x60]  }
0x14a: {  	v2 =	vld [tilespmem:s29+$0x60];
	_ =	sdelay $0x1  }
0x14b: {  	s21 =	sadd.s32 $0x100, s21  }
0x14c: {  	_ =	sdelay $0x1  }
0x14d: {  	v1 =	vadd.f32 v2, v1;
	_ =	sdelay $0x1  }
0x14e: {  	v1 =	vmax.f32 v1, $0.0e+00  }
0x14f: {  	[tilespmem:s16+$0x60] =	vst v1  }
0x150: {  	v1 =	vld [tilespmem:s19+$0x70]  }
0x151: {  	v2 =	vld [tilespmem:s20+$0x70];
	_ =	sdelay $0x3  }
0x152: {  	s17 =	smul.u32 $0x140, s14;
	p0 =	seq.s32 s15, $0x0  }
.Ltmp7:
0x153: {  	v1 =	vadd.f32 v2, v1;
	(pc) =	sbr.rel @p0 .LBB2_11-.Ltmp7, $4  }
0x154: {  	_ = 	snop  }
0x155: {  	s17 =	sshra.s32 s17, $0x2;
	v1 =	vmax.f32 v1, $0.0e+00  }
0x156: {  	s29 =	sadd.s32 $0xC710, s17;
	[tilespmem:s16+$0x70] =	vst v1  }
0x157: {  	[spmem:s1] =	stream.indirect.scatter.add.f32 [tilespmem:s12], [sflag:$0x5], $0x40, s29, s2, $0xb8;
	[tilespmem:$0x18620] =	vst v63  }
.LBB2_8:
0x158: {  	p0 =	seq.s32 s14, $0x7C  }
0x159: {  	s15 =	smul.u32 @!p0 $0x50, s14  }
0x15a: {  	s17 =	simm.s32 @!p0 $0x50  }
0x15b: {  	s18 =	simm.s32 @!p0 $0xEE20;
	s16 =	sadd.s32 @!p0 s4, s15;
	s15 =	sadd.s32 @!p0 $0xA050, s15  }
0x15c: {  	[tilespmem:s18], [sflag:$0x1] =	stream.indirect.gather @!p0 [hbm4b:s5+s17], $0x40, s15, s17, $0xb8;
	[tilespmem:$0x18620] =	vst v63  }
0x15d: {  	s15 =	sshll.u32 @!p0 s16, $0x3  }
0x15e: {  	s15 =	sadd.s32 @!p0 $0x280, s15  }
0x15f: {  	s15 =	sand.u32 @!p0 $0x1FFFFF80, s15  }
0x160: {  	s16 =	simm.s32 @!p0 $0x0;
	s17 =	simm.s32 @!p0 $0x11620;
	s15 =	sadd.s32 @!p0 s6, s15  }
0x161: {  	[tilespmem:s17], [sflag:$0x3] =	stream.linear.gather @!p0 [hbm4b:s15+s16], $0x1400, $0x38;
	[tilespmem:$0x18620] =	vst v63  }
0x162: {  	_ =	swait.ge [sflag:s30], $0x1400  }
0x163: {  	[sflag:s30] =	ssyncset.done $0x0  }
0x164: {  	[sflag:s30] =	ssyncadd.s32 $0xFFFFEC00  }
0x165: {  	_ =	swait.ge [sflag:s8], $0x1400  }
0x166: {  	p0 =	slt.u32 s14, $0x2;
	[sflag:s8] =	ssyncset.done $0x0  }
0x167: {  	s15 =	simm.s32 @!p0 $0x6;
	[sflag:s8] =	ssyncadd.s32 $0xFFFFEC00  }
0x168: {  	_ =	swait.ge @!p0 [sflag:s15], $0x1400  }
0x169: {  	[sflag:s15] =	ssyncset.done @!p0 $0x0  }
0x16a: {  	s16 =	simm.s32 $0x102A0;
	[sflag:s15] =	ssyncadd.s32 @!p0 $0xFFFFEC00  }
0x16b: {  	s17 =	simm.s32 $0x12AA0;
	v1 =	vld [tilespmem:s16+$0xFFFFFF80]  }
0x16c: {  	v2 =	vld [tilespmem:s17+$0xFFFFFF80];
	_ =	sdelay $0x4  }
0x16d: {  	v1 =	vadd.f32 v2, v1;
	_ =	sdelay $0x1  }
0x16e: {  	s15 =	simm.s32 $0x152A0;
	v1 =	vmax.f32 v1, $0.0e+00  }
0x16f: {  	[tilespmem:s15+$0xFFFFFF80] =	vst v1  }
0x170: {  	v1 =	vld [tilespmem:s16+$0xFFFFFF90]  }
0x171: {  	v2 =	vld [tilespmem:s17+$0xFFFFFF90];
	_ =	sdelay $0x4  }
0x172: {  	v1 =	vadd.f32 v2, v1;
	_ =	sdelay $0x1  }
0x173: {  	v1 =	vmax.f32 v1, $0.0e+00  }
0x174: {  	[tilespmem:s15+$0xFFFFFF90] =	vst v1  }
0x175: {  	v1 =	vld [tilespmem:s16+$0xFFFFFFA0]  }
0x176: {  	v2 =	vld [tilespmem:s17+$0xFFFFFFA0];
	_ =	sdelay $0x4  }
0x177: {  	v1 =	vadd.f32 v2, v1;
	_ =	sdelay $0x1  }
0x178: {  	v1 =	vmax.f32 v1, $0.0e+00  }
0x179: {  	[tilespmem:s15+$0xFFFFFFA0] =	vst v1  }
0x17a: {  	v1 =	vld [tilespmem:s16+$0xFFFFFFB0]  }
0x17b: {  	v2 =	vld [tilespmem:s17+$0xFFFFFFB0];
	_ =	sdelay $0x4  }
0x17c: {  	v1 =	vadd.f32 v2, v1;
	_ =	sdelay $0x1  }
0x17d: {  	v1 =	vmax.f32 v1, $0.0e+00  }
0x17e: {  	[tilespmem:s15+$0xFFFFFFB0] =	vst v1  }
0x17f: {  	v1 =	vld [tilespmem:s16+$0xFFFFFFC0]  }
0x180: {  	v2 =	vld [tilespmem:s17+$0xFFFFFFC0];
	_ =	sdelay $0x4  }
0x181: {  	v1 =	vadd.f32 v2, v1;
	_ =	sdelay $0x1  }
0x182: {  	v1 =	vmax.f32 v1, $0.0e+00  }
0x183: {  	[tilespmem:s15+$0xFFFFFFC0] =	vst v1  }
0x184: {  	v1 =	vld [tilespmem:s16+$0xFFFFFFD0]  }
0x185: {  	v2 =	vld [tilespmem:s17+$0xFFFFFFD0];
	_ =	sdelay $0x4  }
0x186: {  	v1 =	vadd.f32 v2, v1;
	_ =	sdelay $0x1  }
0x187: {  	v1 =	vmax.f32 v1, $0.0e+00  }
0x188: {  	[tilespmem:s15+$0xFFFFFFD0] =	vst v1  }
0x189: {  	v1 =	vld [tilespmem:s16+$0xFFFFFFE0]  }
0x18a: {  	v2 =	vld [tilespmem:s17+$0xFFFFFFE0];
	_ =	sdelay $0x4  }
0x18b: {  	v1 =	vadd.f32 v2, v1;
	_ =	sdelay $0x1  }
0x18c: {  	v1 =	vmax.f32 v1, $0.0e+00  }
0x18d: {  	[tilespmem:s15+$0xFFFFFFE0] =	vst v1  }
0x18e: {  	v1 =	vld [tilespmem:s16+$0xFFFFFFF0]  }
0x18f: {  	v2 =	vld [tilespmem:s17+$0xFFFFFFF0];
	_ =	sdelay $0x4  }
0x190: {  	v1 =	vadd.f32 v2, v1;
	_ =	sdelay $0x1  }
0x191: {  	v1 =	vmax.f32 v1, $0.0e+00  }
0x192: {  	[tilespmem:s15+$0xFFFFFFF0] =	vst v1  }
0x193: {  	v1 =	vld [tilespmem:s16+$0x0]  }
0x194: {  	v2 =	vld [tilespmem:s17+$0x0];
	_ =	sdelay $0x4  }
0x195: {  	v1 =	vadd.f32 v2, v1;
	_ =	sdelay $0x1  }
0x196: {  	v1 =	vmax.f32 v1, $0.0e+00  }
0x197: {  	[tilespmem:s15+$0x0] =	vst v1  }
0x198: {  	v1 =	vld [tilespmem:s16+$0x10]  }
0x199: {  	v2 =	vld [tilespmem:s17+$0x10];
	_ =	sdelay $0x4  }
0x19a: {  	v1 =	vadd.f32 v2, v1;
	_ =	sdelay $0x1  }
0x19b: {  	v1 =	vmax.f32 v1, $0.0e+00  }
0x19c: {  	[tilespmem:s15+$0x10] =	vst v1  }
0x19d: {  	v1 =	vld [tilespmem:s16+$0x20]  }
0x19e: {  	v2 =	vld [tilespmem:s17+$0x20];
	_ =	sdelay $0x4  }
0x19f: {  	v1 =	vadd.f32 v2, v1;
	_ =	sdelay $0x1  }
0x1a0: {  	v1 =	vmax.f32 v1, $0.0e+00  }
0x1a1: {  	[tilespmem:s15+$0x20] =	vst v1  }
0x1a2: {  	v1 =	vld [tilespmem:s16+$0x30]  }
0x1a3: {  	v2 =	vld [tilespmem:s17+$0x30];
	_ =	sdelay $0x4  }
0x1a4: {  	v1 =	vadd.f32 v2, v1;
	_ =	sdelay $0x1  }
0x1a5: {  	v1 =	vmax.f32 v1, $0.0e+00  }
0x1a6: {  	[tilespmem:s15+$0x30] =	vst v1  }
0x1a7: {  	v1 =	vld [tilespmem:s16+$0x40]  }
0x1a8: {  	v2 =	vld [tilespmem:s17+$0x40];
	_ =	sdelay $0x4  }
0x1a9: {  	v1 =	vadd.f32 v2, v1;
	_ =	sdelay $0x1  }
0x1aa: {  	v1 =	vmax.f32 v1, $0.0e+00  }
0x1ab: {  	[tilespmem:s15+$0x40] =	vst v1  }
0x1ac: {  	v1 =	vld [tilespmem:s16+$0x50]  }
0x1ad: {  	v2 =	vld [tilespmem:s17+$0x50];
	_ =	sdelay $0x4  }
0x1ae: {  	v1 =	vadd.f32 v2, v1;
	_ =	sdelay $0x1  }
0x1af: {  	v1 =	vmax.f32 v1, $0.0e+00  }
0x1b0: {  	[tilespmem:s15+$0x50] =	vst v1  }
0x1b1: {  	v1 =	vld [tilespmem:s16+$0x60]  }
0x1b2: {  	v2 =	vld [tilespmem:s17+$0x60]  }
0x1b3: {  	s21 =	simm.s32 $0x153A0  }
0x1b4: {  	s19 =	simm.s32 $0x102A0;
	s20 =	simm.s32 $0x12AA0;
	s18 =	simm.s32 $0x0  }
.LBB2_9:
0x1b5: {  	s18 =	sadd.s32 $0x4, s18;
	s16 =	sadd.s32 $0x100, s16;
	s17 =	sadd.s32 $0x100, s17  }
0x1b6: {  	p0 =	slt.u32 s18, $0x4C  }
0x1b7: {  	v1 =	vadd.f32 v2, v1;
	_ =	sdelay $0x1  }
0x1b8: {  	v1 =	vmax.f32 v1, $0.0e+00  }
0x1b9: {  	[tilespmem:s15+$0x60] =	vst v1  }
0x1ba: {  	v1 =	vld [tilespmem:s19+$0x70];
	s19 =	smov.u32 s16  }
0x1bb: {  	v2 =	vld [tilespmem:s20+$0x70];
	s20 =	smov.u32 s17;
	_ =	sdelay $0x4  }
0x1bc: {  	v1 =	vadd.f32 v2, v1;
	_ =	sdelay $0x1  }
0x1bd: {  	v1 =	vmax.f32 v1, $0.0e+00  }
0x1be: {  	[tilespmem:s15+$0x70] =	vst v1;
	s15 =	smov.u32 s21  }
0x1bf: {  	v1 =	vld [tilespmem:s16+$0xFFFFFF80]  }
0x1c0: {  	v2 =	vld [tilespmem:s17+$0xFFFFFF80];
	_ =	sdelay $0x4  }
0x1c1: {  	v1 =	vadd.f32 v2, v1;
	_ =	sdelay $0x1  }
0x1c2: {  	v1 =	vmax.f32 v1, $0.0e+00  }
0x1c3: {  	[tilespmem:s21+$0xFFFFFF80] =	vst v1  }
0x1c4: {  	v1 =	vld [tilespmem:s16+$0xFFFFFF90]  }
0x1c5: {  	v2 =	vld [tilespmem:s17+$0xFFFFFF90];
	_ =	sdelay $0x4  }
0x1c6: {  	v1 =	vadd.f32 v2, v1;
	_ =	sdelay $0x1  }
0x1c7: {  	v1 =	vmax.f32 v1, $0.0e+00  }
0x1c8: {  	[tilespmem:s21+$0xFFFFFF90] =	vst v1  }
0x1c9: {  	v1 =	vld [tilespmem:s16+$0xFFFFFFA0]  }
0x1ca: {  	v2 =	vld [tilespmem:s17+$0xFFFFFFA0];
	_ =	sdelay $0x4  }
0x1cb: {  	v1 =	vadd.f32 v2, v1;
	_ =	sdelay $0x1  }
0x1cc: {  	v1 =	vmax.f32 v1, $0.0e+00  }
0x1cd: {  	[tilespmem:s21+$0xFFFFFFA0] =	vst v1  }
0x1ce: {  	v1 =	vld [tilespmem:s16+$0xFFFFFFB0]  }
0x1cf: {  	v2 =	vld [tilespmem:s17+$0xFFFFFFB0];
	_ =	sdelay $0x4  }
0x1d0: {  	v1 =	vadd.f32 v2, v1;
	_ =	sdelay $0x1  }
0x1d1: {  	v1 =	vmax.f32 v1, $0.0e+00  }
0x1d2: {  	[tilespmem:s21+$0xFFFFFFB0] =	vst v1  }
0x1d3: {  	v1 =	vld [tilespmem:s16+$0xFFFFFFC0]  }
0x1d4: {  	v2 =	vld [tilespmem:s17+$0xFFFFFFC0];
	_ =	sdelay $0x4  }
0x1d5: {  	v1 =	vadd.f32 v2, v1;
	_ =	sdelay $0x1  }
0x1d6: {  	v1 =	vmax.f32 v1, $0.0e+00  }
0x1d7: {  	[tilespmem:s21+$0xFFFFFFC0] =	vst v1  }
0x1d8: {  	v1 =	vld [tilespmem:s16+$0xFFFFFFD0]  }
0x1d9: {  	v2 =	vld [tilespmem:s17+$0xFFFFFFD0];
	_ =	sdelay $0x4  }
0x1da: {  	v1 =	vadd.f32 v2, v1;
	_ =	sdelay $0x1  }
0x1db: {  	v1 =	vmax.f32 v1, $0.0e+00  }
0x1dc: {  	[tilespmem:s21+$0xFFFFFFD0] =	vst v1  }
0x1dd: {  	v1 =	vld [tilespmem:s16+$0xFFFFFFE0]  }
0x1de: {  	v2 =	vld [tilespmem:s17+$0xFFFFFFE0];
	_ =	sdelay $0x4  }
0x1df: {  	v1 =	vadd.f32 v2, v1;
	_ =	sdelay $0x1  }
0x1e0: {  	v1 =	vmax.f32 v1, $0.0e+00  }
0x1e1: {  	[tilespmem:s21+$0xFFFFFFE0] =	vst v1  }
0x1e2: {  	v1 =	vld [tilespmem:s16+$0xFFFFFFF0]  }
0x1e3: {  	v2 =	vld [tilespmem:s17+$0xFFFFFFF0];
	_ =	sdelay $0x4  }
0x1e4: {  	v1 =	vadd.f32 v2, v1;
	_ =	sdelay $0x1  }
0x1e5: {  	v1 =	vmax.f32 v1, $0.0e+00  }
0x1e6: {  	[tilespmem:s21+$0xFFFFFFF0] =	vst v1  }
0x1e7: {  	v1 =	vld [tilespmem:s16+$0x0]  }
0x1e8: {  	v2 =	vld [tilespmem:s17+$0x0];
	_ =	sdelay $0x4  }
0x1e9: {  	v1 =	vadd.f32 v2, v1;
	_ =	sdelay $0x1  }
0x1ea: {  	v1 =	vmax.f32 v1, $0.0e+00  }
0x1eb: {  	[tilespmem:s21+$0x0] =	vst v1  }
0x1ec: {  	v1 =	vld [tilespmem:s16+$0x10]  }
0x1ed: {  	v2 =	vld [tilespmem:s17+$0x10];
	_ =	sdelay $0x4  }
0x1ee: {  	v1 =	vadd.f32 v2, v1;
	_ =	sdelay $0x1  }
0x1ef: {  	v1 =	vmax.f32 v1, $0.0e+00  }
0x1f0: {  	[tilespmem:s21+$0x10] =	vst v1  }
0x1f1: {  	v1 =	vld [tilespmem:s16+$0x20]  }
0x1f2: {  	v2 =	vld [tilespmem:s17+$0x20];
	_ =	sdelay $0x4  }
0x1f3: {  	v1 =	vadd.f32 v2, v1;
	_ =	sdelay $0x1  }
0x1f4: {  	v1 =	vmax.f32 v1, $0.0e+00  }
0x1f5: {  	[tilespmem:s21+$0x20] =	vst v1  }
0x1f6: {  	v1 =	vld [tilespmem:s16+$0x30]  }
0x1f7: {  	v2 =	vld [tilespmem:s17+$0x30];
	_ =	sdelay $0x4  }
0x1f8: {  	v1 =	vadd.f32 v2, v1;
	_ =	sdelay $0x1  }
0x1f9: {  	v1 =	vmax.f32 v1, $0.0e+00  }
0x1fa: {  	[tilespmem:s21+$0x30] =	vst v1  }
0x1fb: {  	v1 =	vld [tilespmem:s16+$0x40]  }
0x1fc: {  	v2 =	vld [tilespmem:s17+$0x40];
	_ =	sdelay $0x4  }
0x1fd: {  	v1 =	vadd.f32 v2, v1;
	_ =	sdelay $0x1  }
0x1fe: {  	v1 =	vmax.f32 v1, $0.0e+00  }
0x1ff: {  	[tilespmem:s21+$0x40] =	vst v1  }
0x200: {  	v1 =	vld [tilespmem:s16+$0x50]  }
0x201: {  	v2 =	vld [tilespmem:s17+$0x50];
	_ =	sdelay $0x4  }
0x202: {  	v1 =	vadd.f32 v2, v1;
	_ =	sdelay $0x1  }
0x203: {  	v1 =	vmax.f32 v1, $0.0e+00  }
.Ltmp8:
0x204: {  	[tilespmem:s21+$0x50] =	vst v1;
	(pc) =	sbr.rel @p0 .LBB2_9-.Ltmp8, $3  }
0x205: {  	v1 =	vld [tilespmem:s16+$0x60]  }
0x206: {  	v2 =	vld [tilespmem:s17+$0x60];
	_ =	sdelay $0x1  }
0x207: {  	s21 =	sadd.s32 $0x100, s21  }
0x208: {  	_ =	sdelay $0x1  }
0x209: {  	v1 =	vadd.f32 v2, v1;
	_ =	sdelay $0x1  }
0x20a: {  	v1 =	vmax.f32 v1, $0.0e+00  }
0x20b: {  	[tilespmem:s15+$0x60] =	vst v1  }
0x20c: {  	v1 =	vld [tilespmem:s19+$0x70]  }
0x20d: {  	v2 =	vld [tilespmem:s20+$0x70];
	_ =	sdelay $0x3  }
0x20e: {  	s16 =	smul.u32 $0x140, s14  }
.Ltmp9:
0x20f: {  	v1 =	vadd.f32 v2, v1;
	(pc) =	sbr.rel .LBB2_11-.Ltmp9, $4  }
0x210: {  	_ = 	snop  }
0x211: {  	s16 =	sshra.s32 s16, $0x2;
	v1 =	vmax.f32 v1, $0.0e+00  }
0x212: {  	s29 =	sadd.s32 $0xC710, s16;
	[tilespmem:s15+$0x70] =	vst v1  }
0x213: {  	[spmem:s1] =	stream.indirect.scatter.add.f32 [tilespmem:s9], [sflag:$0x6], $0x40, s29, s2, $0xb8;
	[tilespmem:$0x18620] =	vst v63  }
.LBB2_13:
0x214: {  	_ =	sfence.sel $0x180000  }
0x215: {  	[bflag:$0x0] =	sbarrier.arrive $0xFFFF  }
0x216: {  	_ =	strace $0x9000004A  }
0x217: {  	s0 =	stileid.u32;
	[bflag:$0x2] =	sbarrier.arrive $0xFFFF  }
0x218: {  	p0 =	sne.s32 s0, $0x0;
	s0 =	rddreg [dreg:$0x2]  }
0x219: {  	s0 =	sadd.s32 @!p0 $0x100000, s0  }
0x21a: {  	[sflag:s0] =	ssyncadd.tile.s32 @!p0 $0x1;
	_ =	shalt  }
.Lfunc_end2:
_tile_overlayer_lowered:
.L_overlay_start_2:
0x21b: {  	(tag) =	ssettag $0x2  }
0x21c: {  	s0 =	rddreg [dreg:$0x0];
	s2 =	stileid.u32  }
0x21d: {  	s1 =	rddreg [dreg:$0x1];
	p0 =	sne.s32 s2, $0x0  }
0x21e: {  	s3 =	rddreg [dreg:$0x2];
	[bflag:$0x3] =	sbarrier.arrive $0xFFFF;
	s2 =	simm.s32 @!p0 $0x1C07  }
0x21f: {  	[timem:s3], [sflag:s2] =	dma.local @!p0 [hbm:s0], s1  }
0x220: {  	s0 =	simm.s32 @!p0 $0x7  }
0x221: {  	_ =	swait.ge @!p0 [sflag:s0], s1  }
0x222: {  	s1 =	ssub.s32 @!p0 $0x0, s1;
	[sflag:s0] =	ssyncset.done @!p0 $0x0  }
0x223: {  	[sflag:s0] =	ssyncadd.s32 @!p0 s1  }
0x224: {  	[bflag:$0x3] =	sbarrier.arrive $0xFFFF  }
0x225: {  	_ =	shalt  }

// kernel: kernel.16.cloned.1.call-start
scs
__scs_entry_jumppad:
0x0: {  	(pc) =	sbr.rel $0x88, $3  }
0x1: {  	(tag) =	ssettag $0x0;
	lr =	simm.s32 $0x1  }
0x2: {  	[smem:$0x3F89] =	sst lr;
	_ =	strace $0xD0000000  }
0x3: {  	_ = 	snop  }
0x4: {  	_ = 	snop  }
0x5: {  	_ = 	snop  }
0x6: {  	_ = 	snop  }
0x7: {  	_ = 	snop  }
__scs_overlays_trampoline_lowered:
0x8: {  	[smem:$0x3F98] =	sst s0  }
0x9: {  	[smem:$0x3F99] =	sst s1  }
0xa: {  	[smem:$0x3F9A] =	sst s2  }
0xb: {  	[smem:$0x3F9B] =	sst s3  }
0xc: {  	[smem:$0x3F9C] =	sst s4  }
0xd: {  	[smem:$0x3F9D] =	sst s5  }
0xe: {  	[smem:$0x3F9E] =	sst s6  }
0xf: {  	[smem:$0x3F9F] =	sst s7  }
0x10: {  	[smem:$0x3FA0] =	sst s8  }
0x11: {  	[smem:$0x3FA1] =	sst s9;
	s0 =	simm.s32 @!p0 $0x0  }
0x12: {  	s1 =	sld [smem:$0x3F87];
	s0 =	simm.s32 @p0 $0x1  }
0x13: {  	[smem:$0x3FA2] =	sst s0;
	s0 =	simm.s32 @!p1 $0x0  }
0x14: {  	s2 =	sld [smem:$0x3F86];
	s0 =	simm.s32 @p1 $0x1  }
0x15: {  	[smem:$0x3FA3] =	sst s0;
	s0 =	simm.s32 @!p2 $0x0  }
0x16: {  	s3 =	sld [smem:$0x3FDB];
	s0 =	simm.s32 @p2 $0x1  }
0x17: {  	s4 =	simm.s32 $0x1BF5;
	[smem:$0x3FA5] =	sst s0  }
0x18: {  	s0 =	sld [smem:$0x3F88];
	_ =	swait.ge [sflag:s4], $0x0  }
0x19: {  	s7 =	sld [smem:$0x3F89]  }
0x1a: {  	s8 =	sadd.s32 $0xFFFFE003, lr  }
0x1b: {  	s9 =	sadd.s32 $0xFFFFFEF7, lr;
	s5 =	simm.s32 $0xFFFFFFFF;
	p2 =	slt.u32 s8, $0xFFFFF086  }
0x1c: {  	p1 =	slt.u32 s9, $0xF7A;
	s5 =	simm.s32 @!p2 $0x0  }
0x1d: {  	s5 =	simm.s32 @p1 $0x1;
	p0 =	seq.s32 s7, s2  }
0x1e: {  	s7 =	smul.u32 @!p0 $0xF7A, s2;
	p2 =	seq.s32 @!p0 s5, $0x0  }
0x1f: {  	s9 =	smul.u32 $0xF7A, s1;
	s8 =	simm.s32 @!p0 $0x1BF5;
	p2 =	por !p2, p0  }
0x20: {  	[sflag:s8] =	ssyncset.s32 @!p0 $0xFFFFF086;
	s6 =	sadd.s32 @!p0 s3, s7;
	s7 =	simm.s32 @!p0 $0x108  }
0x21: {  	s3 =	sadd.s32 s3, s9;
	s6 =	sadd.s32 @!p0 $0x88, s6;
	s7 =	simm.s32 @p2 $0x1082  }
0x22: {  	[simem:s7], [sflag:s8] =	dma.local @!p0 [hbm:s6], $0xF7A  }
0x23: {  	s9 =	sor.u32 $0xD0000000, s2;
	s6 =	simm.s32 $0x108;
	_ =	swait.ge @!p0 [sflag:s8], $0x0  }
0x24: {  	s3 =	sadd.s32 $0x88, s3;
	s6 =	simm.s32 @!p1 $0x1082;
	[sflag:s4] =	ssyncset.s32 $0xFFFFF086  }
0x25: {  	[simem:s6], [sflag:s4] =	dma.local [hbm:s3], $0xF7A  }
0x26: {  	[smem:$0x3F89] =	sst s1;
	(tag) =	ssettag s2;
	_ =	strace s9  }
0x27: {  	s1 =	sld [smem:$0x3F99]  }
0x28: {  	s2 =	sld [smem:$0x3F9A]  }
0x29: {  	s4 =	sld [smem:$0x3F9C]  }
0x2a: {  	p0 =	seq.s32 s5, $0x0;
	s5 =	sld [smem:$0x3F9D]  }
0x2b: {  	s6 =	sld [smem:$0x3F9E]  }
0x2c: {  	s7 =	sld [smem:$0x3F9F]  }
0x2d: {  	s3 =	simm.s32 $0x108;
	s8 =	sld [smem:$0x3FA0]  }
0x2e: {  	s3 =	simm.s32 @!p0 $0x1082;
	s9 =	sld [smem:$0x3FA1]  }
0x2f: {  	lr =	sadd.s32 s0, s3;
	s0 =	sld [smem:$0x3F98]  }
0x30: {  	s3 =	sld [smem:$0x3F9B]  }
0x31: {  	[smem:$0x3FA4] =	sst s10  }
0x32: {  	s10 =	sld [smem:$0x3FA2];
	_ =	sdelay $0x3  }
0x33: {  	p0 =	seq.s32 s10, $0x1;
	s10 =	sld [smem:$0x3FA4];
	_ =	sdelay $0x3  }
0x34: {  	[smem:$0x3FA4] =	sst s10  }
0x35: {  	s10 =	sld [smem:$0x3FA3];
	_ =	sdelay $0x3  }
0x36: {  	p1 =	seq.s32 s10, $0x1;
	s10 =	sld [smem:$0x3FA4];
	_ =	sdelay $0x3  }
0x37: {  	[smem:$0x3FA4] =	sst s10  }
0x38: {  	s10 =	sld [smem:$0x3FA5]  }
0x39: {  	_ = 	snop;
	(pc) =	sbr.ind lr, $3  }
0x3a: {  	_ = 	snop  }
0x3b: {  	_ = 	snop  }
0x3c: {  	p2 =	seq.s32 s10, $0x1;
	s10 =	sld [smem:$0x3FA4]  }
0x3d: {  	_ =	shalt  }
0x3e: {  	_ =	shalt  }
0x3f: {  	_ =	shalt  }
0x40: {  	_ =	shalt  }
0x41: {  	_ =	shalt  }
0x42: {  	_ =	shalt  }
0x43: {  	_ =	shalt  }
0x44: {  	_ =	shalt  }
0x45: {  	_ =	shalt  }
0x46: {  	_ =	shalt  }
0x47: {  	_ =	shalt  }
0x48: {  	_ =	shalt  }
0x49: {  	_ =	shalt  }
0x4a: {  	_ =	shalt  }
0x4b: {  	_ =	shalt  }
0x4c: {  	_ =	shalt  }
0x4d: {  	_ =	shalt  }
0x4e: {  	_ =	shalt  }
0x4f: {  	_ =	shalt  }
0x50: {  	_ =	shalt  }
0x51: {  	_ =	shalt  }
0x52: {  	_ =	shalt  }
0x53: {  	_ =	shalt  }
0x54: {  	_ =	shalt  }
0x55: {  	_ =	shalt  }
0x56: {  	_ =	shalt  }
0x57: {  	_ =	shalt  }
0x58: {  	_ =	shalt  }
0x59: {  	_ =	shalt  }
0x5a: {  	_ =	shalt  }
0x5b: {  	_ =	shalt  }
0x5c: {  	_ =	shalt  }
0x5d: {  	_ =	shalt  }
0x5e: {  	_ =	shalt  }
0x5f: {  	_ =	shalt  }
0x60: {  	_ =	shalt  }
0x61: {  	_ =	shalt  }
0x62: {  	_ =	shalt  }
0x63: {  	_ =	shalt  }
0x64: {  	_ =	shalt  }
0x65: {  	_ =	shalt  }
0x66: {  	_ =	shalt  }
0x67: {  	_ =	shalt  }
0x68: {  	_ =	shalt  }
0x69: {  	_ =	shalt  }
0x6a: {  	_ =	shalt  }
0x6b: {  	_ =	shalt  }
0x6c: {  	_ =	shalt  }
0x6d: {  	_ =	shalt  }
0x6e: {  	_ =	shalt  }
0x6f: {  	_ =	shalt  }
0x70: {  	_ =	shalt  }
0x71: {  	_ =	shalt  }
0x72: {  	_ =	shalt  }
0x73: {  	_ =	shalt  }
0x74: {  	_ =	shalt  }
0x75: {  	_ =	shalt  }
0x76: {  	_ =	shalt  }
0x77: {  	_ =	shalt  }
0x78: {  	_ =	shalt  }
0x79: {  	_ =	shalt  }
0x7a: {  	_ =	shalt  }
0x7b: {  	_ =	shalt  }
0x7c: {  	_ =	shalt  }
0x7d: {  	_ =	shalt  }
0x7e: {  	_ =	shalt  }
0x7f: {  	_ =	shalt  }
0x80: {  	_ =	shalt  }
0x81: {  	_ =	shalt  }
0x82: {  	_ =	shalt  }
0x83: {  	_ =	shalt  }
0x84: {  	_ =	shalt  }
0x85: {  	_ =	shalt  }
0x86: {  	_ =	shalt  }
0x87: {  	_ =	shalt  }
.Lfunc_end0:
.L_simem_size_0:
called_computation.2_lowered:
.L_overlay_start_0:
0x88: {  	s2 =	sld [smem:$0x3FD9]  }
0x89: {  	s3 =	sld [smem:$0x3FFE];
	_ =	sdelay $0x1  }
0x8a: {  	s1 =	srdreg.scid  }
0x8b: {  	s0 =	sand.u32 $0x1, s1  }
0x8c: {  	s16 =	sshll.u32 s0, $0xA;
	s2 =	sadd.s32 s3, s2  }
0x8d: {  	s2 =	sadd.s32 s2, s16  }
0x8e: {  	[smem:$0x3FB0] =	sst s2  }
0x8f: {  	_ = 	snop  }
0x90: {  	(tm) =	ssettm $0x1  }
0x91: {  	s17 =	sld [smem:$0x3FFB];
	_ =	sdelay $0x3  }
0x92: {  	_ =	strace s17  }
0x93: {  	s2 =	sld [smem:$0x3FFC];
	_ =	sdelay $0x3  }
0x94: {  	_ =	strace s2  }
0x95: {  	s2 =	sld [smem:$0x3FFD];
	_ =	sdelay $0x3  }
0x96: {  	_ =	strace s2  }
0x97: {  	_ =	strace $0x8FFFFFFF  }
0x98: {  	s18 =	sld [smem:$0x3FDB];
	_ =	sdelay $0x1  }
0x99: {  	s19 =	simm.s32 $_scs_section_size  }
0x9a: {  	s4 =	simm.s32 $_size__tile_overlayer_lowered;
	s5 =	simm.s32 $_tile_overlayer_lowered  }
0x9b: {  	s22 =	simm.s32 $0x1BFF;
	s21 =	sshll.u32 s5, $0x1;
	s2 =	sadd.s32 s19, s18  }
0x9c: {  	s6 =	simm.s32 $0x0;
	s20 =	sshll.u32 s4, $0x1;
	s4 =	sadd.s32 s21, s2  }
0x9d: {  	[timem:s6], [sflag:s22] =	dma.local [hbm:s4], s20  }
0x9e: {  	_ =	swait.ge [sflag:s22], s20  }
0x9f: {  	s3 =	ssub.s32 $0x0, s20;
	[sflag:s22] =	ssyncset.done $0x0  }
0xa0: {  	[sflag:s22] =	ssyncadd.s32 s3;
	_ =	sdelay $0x1  }
0xa1: {  	s23 =	simm.s32 $0x1B8B  }
0xa2: {  	_ =	swait.ge [sflag:s23], $0x1  }
0xa3: {  	[sflag:s23] =	ssyncset.done $0x0  }
0xa4: {  	s25 =	simm.s32 $0x1B8E;
	s24 =	sld [smem:$0x3FFE];
	[sflag:s23] =	ssyncadd.s32 $0xFFFFFFFF  }
0xa5: {  	s26 =	simm.s32 $execute0_lowered;
	[smem:$0x3FD2] =	sst s25  }
0xa6: {  	s4 =	sshll.u32 s26, $0x1;
	_ =	strace $0x8000004C;
	[dreg:$0x1] =	wrdreg $0xFFFFFFFF  }
0xa7: {  	s28 =	simm.s32 $_size_execute0_lowered;
	s2 =	sadd.s32 s2, s4;
	[dreg:$0x0] =	wrdreg $0x0  }
0xa8: {  	s4 =	sshll.u32 s28, $0x1;
	[dreg:$0x2] =	wrdreg s2  }
0xa9: {  	[dreg:$0x3] =	wrdreg s4  }
0xaa: {  	[dreg:$0x4] =	wrdreg $0xC0  }
0xab: {  	_ =	task [dreg:s6], $0x5FFFF  }
0xac: {  	[dreg:$0x1] =	wrdreg $0xFFFFFFFF  }
0xad: {  	[dreg:$0x0] =	wrdreg $0x60  }
0xae: {  	[dreg:$0x2] =	wrdreg s24  }
0xaf: {  	[dreg:$0x3] =	wrdreg $0x0  }
0xb0: {  	[dreg:$0x4] =	wrdreg $0x9  }
0xb1: {  	_ =	task.clear_ibuf [dreg:s6], $0x5FFFF;
	_ =	strace $0x9000004C  }
0xb2: {  	s29 =	simm.s32 $0x9;
	_ =	strace $0x8000004E  }
0xb3: {  	_ =	swait.ge [sflag:s29], $0x1  }
0xb4: {  	[sflag:s29] =	ssyncadd.s32 $0xFFFFFFFF  }
0xb5: {  	_ =	strace $0x9000004E  }
0xb6: {  	_ =	sfence  }
0xb7: {  	s30 =	sld [smem:$0x0];
	_ =	sdelay $0x2  }
0xb8: {  	s31 =	sshll.u32 s1, $0xD;
	s1 =	sshrl.u32 s1, $0x2  }
0xb9: {  	s3 =	sand.u32 $0x4000, s31;
	s1 =	sadd.s32 s1, s30  }
0xba: {  	s0 =	sor.u32 s3, s0;
	s1 =	sshll.u32 s1, $0x11  }
0xbb: {  	s0 =	sor.u32 s1, s0  }
0xbc: {  	s0 =	sadd.s32 $0x8F2B, s0  }
0xbd: {  	[sflag:s0] =	ssyncadd.remote.s32 $0x1  }
0xbe: {  	_ =	sfence.sel $0xFFFF  }
0xbf: {  	[dreg:$0x0] =	wrdreg $0xFFFFFFFF;
	(pc) =	sbr.abs _section_cstart, $3  }
0xc0: {  	[dreg:$0x1] =	wrdreg $0xFFFFFFFF  }
0xc1: {  	_ =	task.clear_ibuf [dreg:s6], $0x2FFFF;
	_ =	strace $0x9FFFFFFF  }
0xc2: {  	(tm) =	ssettm $0x7FFFFFFF  }
0xc3: {  	_ =	shalt  }
tec
execute0_lowered:
.L_overlay_start_1:
0x0: {  	(tag) =	ssettag $0x1  }
0x1: {  	s0 =	rddreg [dreg:$0x0]  }
0x2: {  	s1 =	rddreg [dreg:$0x1];
	s2 =	srdreg.scid  }
0x3: {  	s3 =	simm.s32 $0x0;
	s12 =	stileid.u32;
	s28 =	simm.s32 $0x7  }
0x4: {  	s31 =	simm.s32 $0x1;
	s30 =	simm.s32 $0x2;
	s2 =	sand.u32 $0x1, s2  }
0x5: {  	[smem:$0x7FF] =	sst s3;
	s5 =	sadd.s32 $0x287C00, s0;
	s10 =	smul.u32 $0x28000, s12  }
0x6: {  	s6 =	sadd.s32 $0x16C00, s0;
	s29 =	smul.u32 $0xA000, s12;
	s4 =	sshll.u32 s2, $0x4  }
0x7: {  	_ =	strace $0x8000004D;
	s9 =	ssub.s32 $0x2, s2;
	s2 =	smul.u32 $0xA0000, s2  }
0x8: {  	s7 =	sor.u32 s12, s4;
	s11 =	sshrl.u32 s9, $0x1;
	s10 =	sshrl.u32 s10, $0x2  }
0x9: {  	s14 =	sadd.s32 s29, s1;
	s16 =	sadd.s32 $0x2000, s29;
	s23 =	sadd.s32 $0x4000, s29  }
0xa: {  	s24 =	sadd.s32 $0x6000, s29;
	s4 =	smul.u32 $0x2710, s7;
	s9 =	ssub.s32 s9, s11  }
0xb: {  	s25 =	smul.u32 $0x13880, s7;
	s7 =	sadd.s32 s10, s1;
	[dreg:$0x6] =	wrdreg s14  }
0xc: {  	s18 =	sadd.s32 s2, s29;
	s19 =	sadd.s32 s2, s16;
	s15 =	smax.u32 s9, $0x1  }
0xd: {  	s10 =	sadd.s32 $0x8000, s29;
	s17 =	sadd.s32 $0x2000, s7;
	[dreg:$0x7] =	wrdreg s15  }
0xe: {  	s20 =	sadd.s32 $0x4000, s7;
	s9 =	sshrl.u32 s18, $0x3;
	[dreg:$0x8] =	wrdreg s17  }
0xf: {  	s11 =	sshrl.u32 s19, $0x3;
	s21 =	sadd.s32 $0x6000, s7;
	[dreg:$0x9] =	wrdreg s20  }
0x10: {  	s29 =	sadd.s32 $0x8000, s7;
	s8 =	sshrl.u32 s4, $0x3;
	[dreg:$0xa] =	wrdreg s21  }
0x11: {  	s13 =	sadd.s32 s6, s25;
	s25 =	sadd.s32 s2, s23;
	[dreg:$0x10] =	wrdreg s29  }
0x12: {  	s23 =	sadd.s32 s23, s1;
	s8 =	sadd.s32 s8, s0;
	s0 =	sadd.s32 $0x29B600, s0  }
0x13: {  	[dreg:$0x5] =	wrdreg s13;
	s13 =	sadd.s32 s2, s24;
	s2 =	sadd.s32 s2, s10  }
0x14: {  	s12 =	sshrl.u32 s25, $0x3;
	s24 =	sadd.s32 s24, s1;
	s26 =	sadd.s32 $0xCE00, s8  }
0x15: {  	s25 =	sadd.s32 s10, s1;
	s8 =	sadd.s32 $0x3000, s8;
	[dreg:$0x3] =	wrdreg s26  }
0x16: {  	s10 =	simm.s32 $0x6;
	s9 =	sadd.s32 s0, s9;
	[dreg:$0x4] =	wrdreg s8  }
0x17: {  	s22 =	sadd.s32 s0, s11;
	s13 =	sshrl.u32 s13, $0x3;
	[dreg:$0xb] =	wrdreg s9  }
0x18: {  	s2 =	sshrl.u32 s2, $0x3;
	s12 =	sadd.s32 s0, s12;
	[dreg:$0xc] =	wrdreg s22  }
.Ltmp0:
0x19: {  	s11 =	simm.s32 $0x5;
	[dreg:$0xd] =	wrdreg s12;
	(pc) =	sbr.rel .LBB2_1-.Ltmp0, $4  }
0x1a: {  	s26 =	sadd.s32 s0, s13;
	s0 =	sadd.s32 s0, s2;
	s22 =	sadd.s32 s16, s1  }
0x1b: {  	s2 =	simm.s32 $0x50;
	s8 =	simm.s32 $0x4;
	s9 =	simm.s32 $0x15220  }
0x1c: {  	s12 =	simm.s32 $0x13E20;
	s13 =	simm.s32 $0x0;
	[dreg:$0xe] =	wrdreg s26  }
0x1d: {  	v0 =	vimm.f32 $0.0e+00;
	[dreg:$0xf] =	wrdreg s0;
	s26 =	simm.s32 $0x16620;
	s0 =	simm.s32 $0x3  }
.LBB2_12:
0x1e: {  	_ =	swait.ge [sflag:s10], $0x1400  }
0x1f: {  	[sflag:s10] =	ssyncset.done $0x0  }
0x20: {  	[sflag:s10] =	ssyncadd.s32 $0xFFFFEC00  }
0x21: {  	_ =	swait.ge [sflag:s11], $0x1400  }
0x22: {  	[sflag:s11] =	ssyncset.done $0x0  }
0x23: {  	[sflag:s11] =	ssyncadd.s32 $0xFFFFEC00  }
0x24: {  	[bflag:$0x0] =	sbarrier.arrive $0xFFFF  }
0x25: {  	s14 =	rddreg [dreg:$0x6]  }
0x26: {  	[tilespmem:s26], [sflag:$0x7] =	stream.linear.gather [spmem:s14], $0x2000, $0x38;
	[tilespmem:$0x18620] =	vst v63  }
0x27: {  	_ =	swait.ge [sflag:s28], $0x2000  }
0x28: {  	[sflag:s28] =	ssyncset.done $0x0  }
0x29: {  	s17 =	rddreg [dreg:$0xb];
	[sflag:s28] =	ssyncadd.s32 $0xFFFFE000  }
0x2a: {  	[hbm4b:s17+s3] =	stream.linear.scatter [tilespmem:s26], [sflag:$0x7], $0x2000, $0x38;
	[tilespmem:$0x18620] =	vst v63  }
0x2b: {  	_ =	swait.ge [sflag:s28], $0x2000  }
0x2c: {  	[sflag:s28] =	ssyncset.done $0x0  }
0x2d: {  	[sflag:s28] =	ssyncadd.s32 $0xFFFFE000  }
0x2e: {  	[tilespmem:s26], [sflag:$0x7] =	stream.linear.gather [spmem:s22], $0x2000, $0x38;
	[tilespmem:$0x18620] =	vst v63  }
0x2f: {  	_ =	swait.ge [sflag:s28], $0x2000  }
0x30: {  	[sflag:s28] =	ssyncset.done $0x0  }
0x31: {  	s18 =	rddreg [dreg:$0xc];
	[sflag:s28] =	ssyncadd.s32 $0xFFFFE000  }
0x32: {  	[hbm4b:s18+s3] =	stream.linear.scatter [tilespmem:s26], [sflag:$0x7], $0x2000, $0x38;
	[tilespmem:$0x18620] =	vst v63  }
0x33: {  	_ =	swait.ge [sflag:s28], $0x2000  }
0x34: {  	[sflag:s28] =	ssyncset.done $0x0  }
0x35: {  	[sflag:s28] =	ssyncadd.s32 $0xFFFFE000  }
0x36: {  	[tilespmem:s26], [sflag:$0x7] =	stream.linear.gather [spmem:s23], $0x2000, $0x38;
	[tilespmem:$0x18620] =	vst v63  }
0x37: {  	_ =	swait.ge [sflag:s28], $0x2000  }
0x38: {  	[sflag:s28] =	ssyncset.done $0x0  }
0x39: {  	s19 =	rddreg [dreg:$0xd];
	[sflag:s28] =	ssyncadd.s32 $0xFFFFE000  }
0x3a: {  	[hbm4b:s19+s3] =	stream.linear.scatter [tilespmem:s26], [sflag:$0x7], $0x2000, $0x38;
	[tilespmem:$0x18620] =	vst v63  }
0x3b: {  	_ =	swait.ge [sflag:s28], $0x2000  }
0x3c: {  	[sflag:s28] =	ssyncset.done $0x0  }
0x3d: {  	[sflag:s28] =	ssyncadd.s32 $0xFFFFE000  }
0x3e: {  	[tilespmem:s26], [sflag:$0x7] =	stream.linear.gather [spmem:s24], $0x2000, $0x38;
	[tilespmem:$0x18620] =	vst v63  }
0x3f: {  	_ =	swait.ge [sflag:s28], $0x2000  }
0x40: {  	[sflag:s28] =	ssyncset.done $0x0  }
0x41: {  	s20 =	rddreg [dreg:$0xe];
	[sflag:s28] =	ssyncadd.s32 $0xFFFFE000  }
0x42: {  	[hbm4b:s20+s3] =	stream.linear.scatter [tilespmem:s26], [sflag:$0x7], $0x2000, $0x38;
	[tilespmem:$0x18620] =	vst v63  }
0x43: {  	_ =	swait.ge [sflag:s28], $0x2000  }
0x44: {  	[sflag:s28] =	ssyncset.done $0x0  }
0x45: {  	[sflag:s28] =	ssyncadd.s32 $0xFFFFE000  }
0x46: {  	[tilespmem:s26], [sflag:$0x7] =	stream.linear.gather [spmem:s25], $0x2000, $0x38;
	[tilespmem:$0x18620] =	vst v63  }
0x47: {  	_ =	swait.ge [sflag:s28], $0x2000  }
0x48: {  	[sflag:s28] =	ssyncset.done $0x0  }
0x49: {  	s21 =	rddreg [dreg:$0xf];
	[sflag:s28] =	ssyncadd.s32 $0xFFFFE000  }
0x4a: {  	[hbm4b:s21+s3] =	stream.linear.scatter [tilespmem:s26], [sflag:$0x7], $0x2000, $0x38;
	[tilespmem:$0x18620] =	vst v63  }
0x4b: {  	_ =	swait.ge [sflag:s28], $0x2000  }
0x4c: {  	s13 =	sadd.s32 $0x1, s13;
	s29 =	rddreg [dreg:$0x7]  }
0x4d: {  	p0 =	sne.s32 s13, s29  }
.Ltmp1:
0x4e: {  	_ = 	snop;
	(pc) =	sbr.rel @!p0 .LBB2_13-.Ltmp1, $3  }
0x4f: {  	_ =	sdelay $0x1  }
0x50: {  	[sflag:s28] =	ssyncset.done $0x0  }
0x51: {  	[sflag:s28] =	ssyncadd.s32 $0xFFFFE000  }
.LBB2_1:
0x52: {  	s14 =	simm.s32 $0x166A0  }
0x53: {  	[tilespmem:s14+$0xFFFFFF80] =	vst v0  }
0x54: {  	[tilespmem:s14+$0x70] =	vst v0  }
0x55: {  	[tilespmem:s14+$0x60] =	vst v0  }
0x56: {  	[tilespmem:s14+$0x50] =	vst v0  }
0x57: {  	[tilespmem:s14+$0x40] =	vst v0  }
0x58: {  	[tilespmem:s14+$0x30] =	vst v0  }
0x59: {  	[tilespmem:s14+$0x20] =	vst v0  }
0x5a: {  	[tilespmem:s14+$0x10] =	vst v0  }
0x5b: {  	[tilespmem:s14+$0x0] =	vst v0  }
0x5c: {  	[tilespmem:s14+$0xFFFFFFF0] =	vst v0  }
0x5d: {  	[tilespmem:s14+$0xFFFFFFE0] =	vst v0  }
0x5e: {  	[tilespmem:s14+$0xFFFFFFD0] =	vst v0  }
0x5f: {  	[tilespmem:s14+$0xFFFFFFC0] =	vst v0  }
0x60: {  	[tilespmem:s14+$0xFFFFFFB0] =	vst v0  }
0x61: {  	s15 =	simm.s32 $0x0;
	[tilespmem:s14+$0xFFFFFFA0] =	vst v0  }
.LBB2_2:
0x62: {  	s15 =	sadd.s32 $0x4, s15;
	[tilespmem:s14+$0xFFFFFF90] =	vst v0;
	s14 =	sadd.s32 $0x100, s14  }
0x63: {  	[tilespmem:s14+$0xFFFFFF80] =	vst v0;
	p0 =	slt.u32 s15, $0x7C  }
0x64: {  	[tilespmem:s14+$0x70] =	vst v0  }
0x65: {  	[tilespmem:s14+$0x60] =	vst v0  }
0x66: {  	[tilespmem:s14+$0x50] =	vst v0  }
0x67: {  	[tilespmem:s14+$0x40] =	vst v0  }
0x68: {  	[tilespmem:s14+$0x30] =	vst v0  }
0x69: {  	[tilespmem:s14+$0x20] =	vst v0  }
0x6a: {  	[tilespmem:s14+$0x10] =	vst v0  }
0x6b: {  	[tilespmem:s14+$0x0] =	vst v0  }
0x6c: {  	[tilespmem:s14+$0xFFFFFFF0] =	vst v0  }
.Ltmp2:
0x6d: {  	[tilespmem:s14+$0xFFFFFFE0] =	vst v0;
	(pc) =	sbr.rel @p0 .LBB2_2-.Ltmp2, $4  }
0x6e: {  	[tilespmem:s14+$0xFFFFFFD0] =	vst v0  }
0x6f: {  	[tilespmem:s14+$0xFFFFFFC0] =	vst v0  }
0x70: {  	[tilespmem:s14+$0xFFFFFFB0] =	vst v0  }
0x71: {  	[tilespmem:s14+$0xFFFFFFA0] =	vst v0  }
0x72: {  	[tilespmem:s14+$0xFFFFFF90] =	vst v0  }
0x73: {  	[spmem:s7] =	stream.linear.scatter [tilespmem:s26], [sflag:$0x7], $0x2000, $0x38;
	[tilespmem:$0x18620] =	vst v63  }
0x74: {  	_ =	swait.ge [sflag:s28], $0x2000  }
0x75: {  	[sflag:s28] =	ssyncset.done $0x0  }
0x76: {  	s15 =	rddreg [dreg:$0x8];
	[sflag:s28] =	ssyncadd.s32 $0xFFFFE000  }
0x77: {  	[spmem:s15] =	stream.linear.scatter [tilespmem:s26], [sflag:$0x7], $0x2000, $0x38;
	[tilespmem:$0x18620] =	vst v63  }
0x78: {  	_ =	swait.ge [sflag:s28], $0x2000  }
0x79: {  	[sflag:s28] =	ssyncset.done $0x0  }
0x7a: {  	s16 =	rddreg [dreg:$0x9];
	[sflag:s28] =	ssyncadd.s32 $0xFFFFE000  }
0x7b: {  	[spmem:s16] =	stream.linear.scatter [tilespmem:s26], [sflag:$0x7], $0x2000, $0x38;
	[tilespmem:$0x18620] =	vst v63  }
0x7c: {  	_ =	swait.ge [sflag:s28], $0x2000  }
0x7d: {  	[sflag:s28] =	ssyncset.done $0x0  }
0x7e: {  	s17 =	rddreg [dreg:$0xa];
	[sflag:s28] =	ssyncadd.s32 $0xFFFFE000  }
0x7f: {  	[spmem:s17] =	stream.linear.scatter [tilespmem:s26], [sflag:$0x7], $0x2000, $0x38;
	[tilespmem:$0x18620] =	vst v63  }
0x80: {  	_ =	swait.ge [sflag:s28], $0x2000  }
0x81: {  	[sflag:s28] =	ssyncset.done $0x0  }
0x82: {  	s18 =	rddreg [dreg:$0x10];
	[sflag:s28] =	ssyncadd.s32 $0xFFFFE000  }
0x83: {  	[spmem:s18] =	stream.linear.scatter [tilespmem:s26], [sflag:$0x7], $0x2000, $0x38;
	[tilespmem:$0x18620] =	vst v63  }
0x84: {  	_ =	swait.ge [sflag:s28], $0x2000  }
0x85: {  	s14 =	simm.s32 $0x0;
	[sflag:s28] =	ssyncset.done $0x0  }
0x86: {  	s16 =	simm.s32 $0xA000;
	s15 =	rddreg [dreg:$0x3];
	[sflag:s28] =	ssyncadd.s32 $0xFFFFE000  }
0x87: {  	[tilespmem:s16], [sflag:$0x1] =	stream.linear.gather [hbm4b:s15+s14], $0x2710, $0x38;
	[tilespmem:$0x18620] =	vst v63  }
0x88: {  	s17 =	simm.s32 $0xC710;
	s19 =	rddreg [dreg:$0x4]  }
0x89: {  	[tilespmem:s17], [sflag:$0x3] =	stream.linear.gather [hbm4b:s19+s14], $0x2710, $0x38;
	[tilespmem:$0x18620] =	vst v63  }
0x8a: {  	_ =	swait.ge [sflag:s31], $0x2710  }
0x8b: {  	[sflag:s31] =	ssyncset.done $0x0  }
0x8c: {  	[sflag:s31] =	ssyncadd.s32 $0xFFFFD8F0  }
0x8d: {  	_ =	swait.ge [sflag:s0], $0x2710  }
0x8e: {  	[sflag:s0] =	ssyncset.done $0x0  }
.Ltmp3:
0x8f: {  	[sflag:s0] =	ssyncadd.s32 $0xFFFFD8F0;
	(pc) =	sbr.rel .LBB2_4-.Ltmp3, $4  }
0x90: {  	s20 =	simm.s32 $0xEE20;
	[bflag:$0x0] =	sbarrier.arrive $0xFFFF  }
0x91: {  	[tilespmem:s20], [sflag:$0x1] =	stream.indirect.gather [hbm4b:s5+s2], $0x40, s16, s2, $0xb8;
	[tilespmem:$0x18620] =	vst v63  }
0x92: {  	s29 =	simm.s32 $0x11620;
	s21 =	rddreg [dreg:$0x5]  }
0x93: {  	[tilespmem:s29], [sflag:$0x3] =	stream.linear.gather [hbm4b:s21+s14], $0x1400, $0x38;
	[tilespmem:$0x18620] =	vst v63  }
.LBB2_11:
0x94: {  	s14 =	sadd.s32 $0x1, s14  }
0x95: {  	p0 =	sne.s32 s14, $0x7D  }
.Ltmp4:
0x96: {  	_ = 	snop;
	(pc) =	sbr.rel @!p0 .LBB2_12-.Ltmp4, $1  }
0x97: {  	_ =	sdelay $0x3  }
.LBB2_4:
0x98: {  	s15 =	sand.u32 $0x1, s14  }
0x99: {  	p0 =	seq.s32 s15, $0x1  }
.Ltmp5:
0x9a: {  	_ = 	snop;
	(pc) =	sbr.rel @p0 .LBB2_8-.Ltmp5, $1  }
0x9b: {  	_ =	sdelay $0x3  }
0x9c: {  	p0 =	seq.s32 s14, $0x7C  }
0x9d: {  	s16 =	smul.u32 @!p0 $0x50, s14  }
0x9e: {  	s18 =	simm.s32 @!p0 $0x50  }
0x9f: {  	s19 =	simm.s32 @!p0 $0x10220;
	s17 =	sadd.s32 @!p0 s4, s16;
	s16 =	sadd.s32 @!p0 $0xA050, s16  }
0xa0: {  	[tilespmem:s19], [sflag:$0x2] =	stream.indirect.gather @!p0 [hbm4b:s5+s18], $0x40, s16, s18, $0xb8;
	[tilespmem:$0x18620] =	vst v63  }
0xa1: {  	s16 =	sshll.u32 @!p0 s17, $0x3  }
0xa2: {  	s16 =	sadd.s32 @!p0 $0x280, s16  }
0xa3: {  	s16 =	sand.u32 @!p0 $0x1FFFFF80, s16  }
0xa4: {  	s17 =	simm.s32 @!p0 $0x0;
	s18 =	simm.s32 @!p0 $0x12A20;
	s16 =	sadd.s32 @!p0 s6, s16  }
0xa5: {  	[tilespmem:s18], [sflag:$0x4] =	stream.linear.gather @!p0 [hbm4b:s16+s17], $0x1400, $0x38;
	[tilespmem:$0x18620] =	vst v63  }
0xa6: {  	_ =	swait.ge [sflag:s31], $0x1400  }
0xa7: {  	[sflag:s31] =	ssyncset.done $0x0  }
0xa8: {  	[sflag:s31] =	ssyncadd.s32 $0xFFFFEC00  }
0xa9: {  	_ =	swait.ge [sflag:s0], $0x1400  }
0xaa: {  	p0 =	slt.u32 s14, $0x2;
	[sflag:s0] =	ssyncset.done $0x0  }
0xab: {  	s16 =	simm.s32 @!p0 $0x5;
	[sflag:s0] =	ssyncadd.s32 $0xFFFFEC00  }
0xac: {  	_ =	swait.ge @!p0 [sflag:s16], $0x1400  }
0xad: {  	[sflag:s16] =	ssyncset.done @!p0 $0x0  }
0xae: {  	s17 =	simm.s32 $0xEEA0;
	[sflag:s16] =	ssyncadd.s32 @!p0 $0xFFFFEC00  }
0xaf: {  	s29 =	simm.s32 $0x116A0;
	v1 =	vld [tilespmem:s17+$0xFFFFFF80]  }
0xb0: {  	v2 =	vld [tilespmem:s29+$0xFFFFFF80];
	_ =	sdelay $0x4  }
0xb1: {  	v1 =	vadd.f32 v2, v1;
	_ =	sdelay $0x1  }
0xb2: {  	s16 =	simm.s32 $0x13EA0;
	v1 =	vmax.f32 v1, $0.0e+00  }
0xb3: {  	[tilespmem:s16+$0xFFFFFF80] =	vst v1  }
0xb4: {  	v1 =	vld [tilespmem:s17+$0xFFFFFF90]  }
0xb5: {  	v2 =	vld [tilespmem:s29+$0xFFFFFF90];
	_ =	sdelay $0x4  }
0xb6: {  	v1 =	vadd.f32 v2, v1;
	_ =	sdelay $0x1  }
0xb7: {  	v1 =	vmax.f32 v1, $0.0e+00  }
0xb8: {  	[tilespmem:s16+$0xFFFFFF90] =	vst v1  }
0xb9: {  	v1 =	vld [tilespmem:s17+$0xFFFFFFA0]  }
0xba: {  	v2 =	vld [tilespmem:s29+$0xFFFFFFA0];
	_ =	sdelay $0x4  }
0xbb: {  	v1 =	vadd.f32 v2, v1;
	_ =	sdelay $0x1  }
0xbc: {  	v1 =	vmax.f32 v1, $0.0e+00  }
0xbd: {  	[tilespmem:s16+$0xFFFFFFA0] =	vst v1  }
0xbe: {  	v1 =	vld [tilespmem:s17+$0xFFFFFFB0]  }
0xbf: {  	v2 =	vld [tilespmem:s29+$0xFFFFFFB0];
	_ =	sdelay $0x4  }
0xc0: {  	v1 =	vadd.f32 v2, v1;
	_ =	sdelay $0x1  }
0xc1: {  	v1 =	vmax.f32 v1, $0.0e+00  }
0xc2: {  	[tilespmem:s16+$0xFFFFFFB0] =	vst v1  }
0xc3: {  	v1 =	vld [tilespmem:s17+$0xFFFFFFC0]  }
0xc4: {  	v2 =	vld [tilespmem:s29+$0xFFFFFFC0];
	_ =	sdelay $0x4  }
0xc5: {  	v1 =	vadd.f32 v2, v1;
	_ =	sdelay $0x1  }
0xc6: {  	v1 =	vmax.f32 v1, $0.0e+00  }
0xc7: {  	[tilespmem:s16+$0xFFFFFFC0] =	vst v1  }
0xc8: {  	v1 =	vld [tilespmem:s17+$0xFFFFFFD0]  }
0xc9: {  	v2 =	vld [tilespmem:s29+$0xFFFFFFD0];
	_ =	sdelay $0x4  }
0xca: {  	v1 =	vadd.f32 v2, v1;
	_ =	sdelay $0x1  }
0xcb: {  	v1 =	vmax.f32 v1, $0.0e+00  }
0xcc: {  	[tilespmem:s16+$0xFFFFFFD0] =	vst v1  }
0xcd: {  	v1 =	vld [tilespmem:s17+$0xFFFFFFE0]  }
0xce: {  	v2 =	vld [tilespmem:s29+$0xFFFFFFE0];
	_ =	sdelay $0x4  }
0xcf: {  	v1 =	vadd.f32 v2, v1;
	_ =	sdelay $0x1  }
0xd0: {  	v1 =	vmax.f32 v1, $0.0e+00  }
0xd1: {  	[tilespmem:s16+$0xFFFFFFE0] =	vst v1  }
0xd2: {  	v1 =	vld [tilespmem:s17+$0xFFFFFFF0]  }
0xd3: {  	v2 =	vld [tilespmem:s29+$0xFFFFFFF0];
	_ =	sdelay $0x4  }
0xd4: {  	v1 =	vadd.f32 v2, v1;
	_ =	sdelay $0x1  }
0xd5: {  	v1 =	vmax.f32 v1, $0.0e+00  }
0xd6: {  	[tilespmem:s16+$0xFFFFFFF0] =	vst v1  }
0xd7: {  	v1 =	vld [tilespmem:s17+$0x0]  }
0xd8: {  	v2 =	vld [tilespmem:s29+$0x0];
	_ =	sdelay $0x4  }
0xd9: {  	v1 =	vadd.f32 v2, v1;
	_ =	sdelay $0x1  }
0xda: {  	v1 =	vmax.f32 v1, $0.0e+00  }
0xdb: {  	[tilespmem:s16+$0x0] =	vst v1  }
0xdc: {  	v1 =	vld [tilespmem:s17+$0x10]  }
0xdd: {  	v2 =	vld [tilespmem:s29+$0x10];
	_ =	sdelay $0x4  }
0xde: {  	v1 =	vadd.f32 v2, v1;
	_ =	sdelay $0x1  }
0xdf: {  	v1 =	vmax.f32 v1, $0.0e+00  }
0xe0: {  	[tilespmem:s16+$0x10] =	vst v1  }
0xe1: {  	v1 =	vld [tilespmem:s17+$0x20]  }
0xe2: {  	v2 =	vld [tilespmem:s29+$0x20];
	_ =	sdelay $0x4  }
0xe3: {  	v1 =	vadd.f32 v2, v1;
	_ =	sdelay $0x1  }
0xe4: {  	v1 =	vmax.f32 v1, $0.0e+00  }
0xe5: {  	[tilespmem:s16+$0x20] =	vst v1  }
0xe6: {  	v1 =	vld [tilespmem:s17+$0x30]  }
0xe7: {  	v2 =	vld [tilespmem:s29+$0x30];
	_ =	sdelay $0x4  }
0xe8: {  	v1 =	vadd.f32 v2, v1;
	_ =	sdelay $0x1  }
0xe9: {  	v1 =	vmax.f32 v1, $0.0e+00  }
0xea: {  	[tilespmem:s16+$0x30] =	vst v1  }
0xeb: {  	v1 =	vld [tilespmem:s17+$0x40]  }
0xec: {  	v2 =	vld [tilespmem:s29+$0x40];
	_ =	sdelay $0x4  }
0xed: {  	v1 =	vadd.f32 v2, v1;
	_ =	sdelay $0x1  }
0xee: {  	v1 =	vmax.f32 v1, $0.0e+00  }
0xef: {  	[tilespmem:s16+$0x40] =	vst v1  }
0xf0: {  	v1 =	vld [tilespmem:s17+$0x50]  }
0xf1: {  	v2 =	vld [tilespmem:s29+$0x50];
	_ =	sdelay $0x4  }
0xf2: {  	v1 =	vadd.f32 v2, v1;
	_ =	sdelay $0x1  }
0xf3: {  	v1 =	vmax.f32 v1, $0.0e+00  }
0xf4: {  	[tilespmem:s16+$0x50] =	vst v1  }
0xf5: {  	v1 =	vld [tilespmem:s17+$0x60]  }
0xf6: {  	v2 =	vld [tilespmem:s29+$0x60]  }
0xf7: {  	s21 =	simm.s32 $0x13FA0  }
0xf8: {  	s20 =	simm.s32 $0x116A0;
	s19 =	simm.s32 $0xEEA0;
	s18 =	simm.s32 $0x0  }
.LBB2_6:
0xf9: {  	s18 =	sadd.s32 $0x4, s18;
	s17 =	sadd.s32 $0x100, s17;
	s29 =	sadd.s32 $0x100, s29  }
0xfa: {  	p0 =	slt.u32 s18, $0x4C  }
0xfb: {  	v1 =	vadd.f32 v2, v1;
	_ =	sdelay $0x1  }
0xfc: {  	v1 =	vmax.f32 v1, $0.0e+00  }
0xfd: {  	[tilespmem:s16+$0x60] =	vst v1  }
0xfe: {  	v1 =	vld [tilespmem:s19+$0x70];
	s19 =	smov.u32 s17  }
0xff: {  	v2 =	vld [tilespmem:s20+$0x70];
	s20 =	smov.u32 s29;
	_ =	sdelay $0x4  }
0x100: {  	v1 =	vadd.f32 v2, v1;
	_ =	sdelay $0x1  }
0x101: {  	v1 =	vmax.f32 v1, $0.0e+00  }
0x102: {  	[tilespmem:s16+$0x70] =	vst v1;
	s16 =	smov.u32 s21  }
0x103: {  	v1 =	vld [tilespmem:s17+$0xFFFFFF80]  }
0x104: {  	v2 =	vld [tilespmem:s29+$0xFFFFFF80];
	_ =	sdelay $0x4  }
0x105: {  	v1 =	vadd.f32 v2, v1;
	_ =	sdelay $0x1  }
0x106: {  	v1 =	vmax.f32 v1, $0.0e+00  }
0x107: {  	[tilespmem:s21+$0xFFFFFF80] =	vst v1  }
0x108: {  	v1 =	vld [tilespmem:s17+$0xFFFFFF90]  }
0x109: {  	v2 =	vld [tilespmem:s29+$0xFFFFFF90];
	_ =	sdelay $0x4  }
0x10a: {  	v1 =	vadd.f32 v2, v1;
	_ =	sdelay $0x1  }
0x10b: {  	v1 =	vmax.f32 v1, $0.0e+00  }
0x10c: {  	[tilespmem:s21+$0xFFFFFF90] =	vst v1  }
0x10d: {  	v1 =	vld [tilespmem:s17+$0xFFFFFFA0]  }
0x10e: {  	v2 =	vld [tilespmem:s29+$0xFFFFFFA0];
	_ =	sdelay $0x4  }
0x10f: {  	v1 =	vadd.f32 v2, v1;
	_ =	sdelay $0x1  }
0x110: {  	v1 =	vmax.f32 v1, $0.0e+00  }
0x111: {  	[tilespmem:s21+$0xFFFFFFA0] =	vst v1  }
0x112: {  	v1 =	vld [tilespmem:s17+$0xFFFFFFB0]  }
0x113: {  	v2 =	vld [tilespmem:s29+$0xFFFFFFB0];
	_ =	sdelay $0x4  }
0x114: {  	v1 =	vadd.f32 v2, v1;
	_ =	sdelay $0x1  }
0x115: {  	v1 =	vmax.f32 v1, $0.0e+00  }
0x116: {  	[tilespmem:s21+$0xFFFFFFB0] =	vst v1  }
0x117: {  	v1 =	vld [tilespmem:s17+$0xFFFFFFC0]  }
0x118: {  	v2 =	vld [tilespmem:s29+$0xFFFFFFC0];
	_ =	sdelay $0x4  }
0x119: {  	v1 =	vadd.f32 v2, v1;
	_ =	sdelay $0x1  }
0x11a: {  	v1 =	vmax.f32 v1, $0.0e+00  }
0x11b: {  	[tilespmem:s21+$0xFFFFFFC0] =	vst v1  }
0x11c: {  	v1 =	vld [tilespmem:s17+$0xFFFFFFD0]  }
0x11d: {  	v2 =	vld [tilespmem:s29+$0xFFFFFFD0];
	_ =	sdelay $0x4  }
0x11e: {  	v1 =	vadd.f32 v2, v1;
	_ =	sdelay $0x1  }
0x11f: {  	v1 =	vmax.f32 v1, $0.0e+00  }
0x120: {  	[tilespmem:s21+$0xFFFFFFD0] =	vst v1  }
0x121: {  	v1 =	vld [tilespmem:s17+$0xFFFFFFE0]  }
0x122: {  	v2 =	vld [tilespmem:s29+$0xFFFFFFE0];
	_ =	sdelay $0x4  }
0x123: {  	v1 =	vadd.f32 v2, v1;
	_ =	sdelay $0x1  }
0x124: {  	v1 =	vmax.f32 v1, $0.0e+00  }
0x125: {  	[tilespmem:s21+$0xFFFFFFE0] =	vst v1  }
0x126: {  	v1 =	vld [tilespmem:s17+$0xFFFFFFF0]  }
0x127: {  	v2 =	vld [tilespmem:s29+$0xFFFFFFF0];
	_ =	sdelay $0x4  }
0x128: {  	v1 =	vadd.f32 v2, v1;
	_ =	sdelay $0x1  }
0x129: {  	v1 =	vmax.f32 v1, $0.0e+00  }
0x12a: {  	[tilespmem:s21+$0xFFFFFFF0] =	vst v1  }
0x12b: {  	v1 =	vld [tilespmem:s17+$0x0]  }
0x12c: {  	v2 =	vld [tilespmem:s29+$0x0];
	_ =	sdelay $0x4  }
0x12d: {  	v1 =	vadd.f32 v2, v1;
	_ =	sdelay $0x1  }
0x12e: {  	v1 =	vmax.f32 v1, $0.0e+00  }
0x12f: {  	[tilespmem:s21+$0x0] =	vst v1  }
0x130: {  	v1 =	vld [tilespmem:s17+$0x10]  }
0x131: {  	v2 =	vld [tilespmem:s29+$0x10];
	_ =	sdelay $0x4  }
0x132: {  	v1 =	vadd.f32 v2, v1;
	_ =	sdelay $0x1  }
0x133: {  	v1 =	vmax.f32 v1, $0.0e+00  }
0x134: {  	[tilespmem:s21+$0x10] =	vst v1  }
0x135: {  	v1 =	vld [tilespmem:s17+$0x20]  }
0x136: {  	v2 =	vld [tilespmem:s29+$0x20];
	_ =	sdelay $0x4  }
0x137: {  	v1 =	vadd.f32 v2, v1;
	_ =	sdelay $0x1  }
0x138: {  	v1 =	vmax.f32 v1, $0.0e+00  }
0x139: {  	[tilespmem:s21+$0x20] =	vst v1  }
0x13a: {  	v1 =	vld [tilespmem:s17+$0x30]  }
0x13b: {  	v2 =	vld [tilespmem:s29+$0x30];
	_ =	sdelay $0x4  }
0x13c: {  	v1 =	vadd.f32 v2, v1;
	_ =	sdelay $0x1  }
0x13d: {  	v1 =	vmax.f32 v1, $0.0e+00  }
0x13e: {  	[tilespmem:s21+$0x30] =	vst v1  }
0x13f: {  	v1 =	vld [tilespmem:s17+$0x40]  }
0x140: {  	v2 =	vld [tilespmem:s29+$0x40];
	_ =	sdelay $0x4  }
0x141: {  	v1 =	vadd.f32 v2, v1;
	_ =	sdelay $0x1  }
0x142: {  	v1 =	vmax.f32 v1, $0.0e+00  }
0x143: {  	[tilespmem:s21+$0x40] =	vst v1  }
0x144: {  	v1 =	vld [tilespmem:s17+$0x50]  }
0x145: {  	v2 =	vld [tilespmem:s29+$0x50];
	_ =	sdelay $0x4  }
0x146: {  	v1 =	vadd.f32 v2, v1;
	_ =	sdelay $0x1  }
0x147: {  	v1 =	vmax.f32 v1, $0.0e+00  }
.Ltmp6:
0x148: {  	[tilespmem:s21+$0x50] =	vst v1;
	(pc) =	sbr.rel @p0 .LBB2_6-.Ltmp6, $3  }
0x149: {  	v1 =	vld [tilespmem:s17+$0x60]  }
0x14a: {  	v2 =	vld [tilespmem:s29+$0x60];
	_ =	sdelay $0x1  }
0x14b: {  	s21 =	sadd.s32 $0x100, s21  }
0x14c: {  	_ =	sdelay $0x1  }
0x14d: {  	v1 =	vadd.f32 v2, v1;
	_ =	sdelay $0x1  }
0x14e: {  	v1 =	vmax.f32 v1, $0.0e+00  }
0x14f: {  	[tilespmem:s16+$0x60] =	vst v1  }
0x150: {  	v1 =	vld [tilespmem:s19+$0x70]  }
0x151: {  	v2 =	vld [tilespmem:s20+$0x70];
	_ =	sdelay $0x3  }
0x152: {  	s17 =	smul.u32 $0x140, s14;
	p0 =	seq.s32 s15, $0x0  }
.Ltmp7:
0x153: {  	v1 =	vadd.f32 v2, v1;
	(pc) =	sbr.rel @p0 .LBB2_11-.Ltmp7, $4  }
0x154: {  	_ = 	snop  }
0x155: {  	s17 =	sshra.s32 s17, $0x2;
	v1 =	vmax.f32 v1, $0.0e+00  }
0x156: {  	s29 =	sadd.s32 $0xC710, s17;
	[tilespmem:s16+$0x70] =	vst v1  }
0x157: {  	[spmem:s1] =	stream.indirect.scatter.add.f32 [tilespmem:s12], [sflag:$0x5], $0x40, s29, s2, $0xb8;
	[tilespmem:$0x18620] =	vst v63  }
.LBB2_8:
0x158: {  	p0 =	seq.s32 s14, $0x7C  }
0x159: {  	s15 =	smul.u32 @!p0 $0x50, s14  }
0x15a: {  	s17 =	simm.s32 @!p0 $0x50  }
0x15b: {  	s18 =	simm.s32 @!p0 $0xEE20;
	s16 =	sadd.s32 @!p0 s4, s15;
	s15 =	sadd.s32 @!p0 $0xA050, s15  }
0x15c: {  	[tilespmem:s18], [sflag:$0x1] =	stream.indirect.gather @!p0 [hbm4b:s5+s17], $0x40, s15, s17, $0xb8;
	[tilespmem:$0x18620] =	vst v63  }
0x15d: {  	s15 =	sshll.u32 @!p0 s16, $0x3  }
0x15e: {  	s15 =	sadd.s32 @!p0 $0x280, s15  }
0x15f: {  	s15 =	sand.u32 @!p0 $0x1FFFFF80, s15  }
0x160: {  	s16 =	simm.s32 @!p0 $0x0;
	s17 =	simm.s32 @!p0 $0x11620;
	s15 =	sadd.s32 @!p0 s6, s15  }
0x161: {  	[tilespmem:s17], [sflag:$0x3] =	stream.linear.gather @!p0 [hbm4b:s15+s16], $0x1400, $0x38;
	[tilespmem:$0x18620] =	vst v63  }
0x162: {  	_ =	swait.ge [sflag:s30], $0x1400  }
0x163: {  	[sflag:s30] =	ssyncset.done $0x0  }
0x164: {  	[sflag:s30] =	ssyncadd.s32 $0xFFFFEC00  }
0x165: {  	_ =	swait.ge [sflag:s8], $0x1400  }
0x166: {  	p0 =	slt.u32 s14, $0x2;
	[sflag:s8] =	ssyncset.done $0x0  }
0x167: {  	s15 =	simm.s32 @!p0 $0x6;
	[sflag:s8] =	ssyncadd.s32 $0xFFFFEC00  }
0x168: {  	_ =	swait.ge @!p0 [sflag:s15], $0x1400  }
0x169: {  	[sflag:s15] =	ssyncset.done @!p0 $0x0  }
0x16a: {  	s16 =	simm.s32 $0x102A0;
	[sflag:s15] =	ssyncadd.s32 @!p0 $0xFFFFEC00  }
0x16b: {  	s17 =	simm.s32 $0x12AA0;
	v1 =	vld [tilespmem:s16+$0xFFFFFF80]  }
0x16c: {  	v2 =	vld [tilespmem:s17+$0xFFFFFF80];
	_ =	sdelay $0x4  }
0x16d: {  	v1 =	vadd.f32 v2, v1;
	_ =	sdelay $0x1  }
0x16e: {  	s15 =	simm.s32 $0x152A0;
	v1 =	vmax.f32 v1, $0.0e+00  }
0x16f: {  	[tilespmem:s15+$0xFFFFFF80] =	vst v1  }
0x170: {  	v1 =	vld [tilespmem:s16+$0xFFFFFF90]  }
0x171: {  	v2 =	vld [tilespmem:s17+$0xFFFFFF90];
	_ =	sdelay $0x4  }
0x172: {  	v1 =	vadd.f32 v2, v1;
	_ =	sdelay $0x1  }
0x173: {  	v1 =	vmax.f32 v1, $0.0e+00  }
0x174: {  	[tilespmem:s15+$0xFFFFFF90] =	vst v1  }
0x175: {  	v1 =	vld [tilespmem:s16+$0xFFFFFFA0]  }
0x176: {  	v2 =	vld [tilespmem:s17+$0xFFFFFFA0];
	_ =	sdelay $0x4  }
0x177: {  	v1 =	vadd.f32 v2, v1;
	_ =	sdelay $0x1  }
0x178: {  	v1 =	vmax.f32 v1, $0.0e+00  }
0x179: {  	[tilespmem:s15+$0xFFFFFFA0] =	vst v1  }
0x17a: {  	v1 =	vld [tilespmem:s16+$0xFFFFFFB0]  }
0x17b: {  	v2 =	vld [tilespmem:s17+$0xFFFFFFB0];
	_ =	sdelay $0x4  }
0x17c: {  	v1 =	vadd.f32 v2, v1;
	_ =	sdelay $0x1  }
0x17d: {  	v1 =	vmax.f32 v1, $0.0e+00  }
0x17e: {  	[tilespmem:s15+$0xFFFFFFB0] =	vst v1  }
0x17f: {  	v1 =	vld [tilespmem:s16+$0xFFFFFFC0]  }
0x180: {  	v2 =	vld [tilespmem:s17+$0xFFFFFFC0];
	_ =	sdelay $0x4  }
0x181: {  	v1 =	vadd.f32 v2, v1;
	_ =	sdelay $0x1  }
0x182: {  	v1 =	vmax.f32 v1, $0.0e+00  }
0x183: {  	[tilespmem:s15+$0xFFFFFFC0] =	vst v1  }
0x184: {  	v1 =	vld [tilespmem:s16+$0xFFFFFFD0]  }
0x185: {  	v2 =	vld [tilespmem:s17+$0xFFFFFFD0];
	_ =	sdelay $0x4  }
0x186: {  	v1 =	vadd.f32 v2, v1;
	_ =	sdelay $0x1  }
0x187: {  	v1 =	vmax.f32 v1, $0.0e+00  }
0x188: {  	[tilespmem:s15+$0xFFFFFFD0] =	vst v1  }
0x189: {  	v1 =	vld [tilespmem:s16+$0xFFFFFFE0]  }
0x18a: {  	v2 =	vld [tilespmem:s17+$0xFFFFFFE0];
	_ =	sdelay $0x4  }
0x18b: {  	v1 =	vadd.f32 v2, v1;
	_ =	sdelay $0x1  }
0x18c: {  	v1 =	vmax.f32 v1, $0.0e+00  }
0x18d: {  	[tilespmem:s15+$0xFFFFFFE0] =	vst v1  }
0x18e: {  	v1 =	vld [tilespmem:s16+$0xFFFFFFF0]  }
0x18f: {  	v2 =	vld [tilespmem:s17+$0xFFFFFFF0];
	_ =	sdelay $0x4  }
0x190: {  	v1 =	vadd.f32 v2, v1;
	_ =	sdelay $0x1  }
0x191: {  	v1 =	vmax.f32 v1, $0.0e+00  }
0x192: {  	[tilespmem:s15+$0xFFFFFFF0] =	vst v1  }
0x193: {  	v1 =	vld [tilespmem:s16+$0x0]  }
0x194: {  	v2 =	vld [tilespmem:s17+$0x0];
	_ =	sdelay $0x4  }
0x195: {  	v1 =	vadd.f32 v2, v1;
	_ =	sdelay $0x1  }
0x196: {  	v1 =	vmax.f32 v1, $0.0e+00  }
0x197: {  	[tilespmem:s15+$0x0] =	vst v1  }
0x198: {  	v1 =	vld [tilespmem:s16+$0x10]  }
0x199: {  	v2 =	vld [tilespmem:s17+$0x10];
	_ =	sdelay $0x4  }
0x19a: {  	v1 =	vadd.f32 v2, v1;
	_ =	sdelay $0x1  }
0x19b: {  	v1 =	vmax.f32 v1, $0.0e+00  }
0x19c: {  	[tilespmem:s15+$0x10] =	vst v1  }
0x19d: {  	v1 =	vld [tilespmem:s16+$0x20]  }
0x19e: {  	v2 =	vld [tilespmem:s17+$0x20];
	_ =	sdelay $0x4  }
0x19f: {  	v1 =	vadd.f32 v2, v1;
	_ =	sdelay $0x1  }
0x1a0: {  	v1 =	vmax.f32 v1, $0.0e+00  }
0x1a1: {  	[tilespmem:s15+$0x20] =	vst v1  }
0x1a2: {  	v1 =	vld [tilespmem:s16+$0x30]  }
0x1a3: {  	v2 =	vld [tilespmem:s17+$0x30];
	_ =	sdelay $0x4  }
0x1a4: {  	v1 =	vadd.f32 v2, v1;
	_ =	sdelay $0x1  }
0x1a5: {  	v1 =	vmax.f32 v1, $0.0e+00  }
0x1a6: {  	[tilespmem:s15+$0x30] =	vst v1  }
0x1a7: {  	v1 =	vld [tilespmem:s16+$0x40]  }
0x1a8: {  	v2 =	vld [tilespmem:s17+$0x40];
	_ =	sdelay $0x4  }
0x1a9: {  	v1 =	vadd.f32 v2, v1;
	_ =	sdelay $0x1  }
0x1aa: {  	v1 =	vmax.f32 v1, $0.0e+00  }
0x1ab: {  	[tilespmem:s15+$0x40] =	vst v1  }
0x1ac: {  	v1 =	vld [tilespmem:s16+$0x50]  }
0x1ad: {  	v2 =	vld [tilespmem:s17+$0x50];
	_ =	sdelay $0x4  }
0x1ae: {  	v1 =	vadd.f32 v2, v1;
	_ =	sdelay $0x1  }
0x1af: {  	v1 =	vmax.f32 v1, $0.0e+00  }
0x1b0: {  	[tilespmem:s15+$0x50] =	vst v1  }
0x1b1: {  	v1 =	vld [tilespmem:s16+$0x60]  }
0x1b2: {  	v2 =	vld [tilespmem:s17+$0x60]  }
0x1b3: {  	s21 =	simm.s32 $0x153A0  }
0x1b4: {  	s19 =	simm.s32 $0x102A0;
	s20 =	simm.s32 $0x12AA0;
	s18 =	simm.s32 $0x0  }
.LBB2_9:
0x1b5: {  	s18 =	sadd.s32 $0x4, s18;
	s16 =	sadd.s32 $0x100, s16;
	s17 =	sadd.s32 $0x100, s17  }
0x1b6: {  	p0 =	slt.u32 s18, $0x4C  }
0x1b7: {  	v1 =	vadd.f32 v2, v1;
	_ =	sdelay $0x1  }
0x1b8: {  	v1 =	vmax.f32 v1, $0.0e+00  }
0x1b9: {  	[tilespmem:s15+$0x60] =	vst v1  }
0x1ba: {  	v1 =	vld [tilespmem:s19+$0x70];
	s19 =	smov.u32 s16  }
0x1bb: {  	v2 =	vld [tilespmem:s20+$0x70];
	s20 =	smov.u32 s17;
	_ =	sdelay $0x4  }
0x1bc: {  	v1 =	vadd.f32 v2, v1;
	_ =	sdelay $0x1  }
0x1bd: {  	v1 =	vmax.f32 v1, $0.0e+00  }
0x1be: {  	[tilespmem:s15+$0x70] =	vst v1;
	s15 =	smov.u32 s21  }
0x1bf: {  	v1 =	vld [tilespmem:s16+$0xFFFFFF80]  }
0x1c0: {  	v2 =	vld [tilespmem:s17+$0xFFFFFF80];
	_ =	sdelay $0x4  }
0x1c1: {  	v1 =	vadd.f32 v2, v1;
	_ =	sdelay $0x1  }
0x1c2: {  	v1 =	vmax.f32 v1, $0.0e+00  }
0x1c3: {  	[tilespmem:s21+$0xFFFFFF80] =	vst v1  }
0x1c4: {  	v1 =	vld [tilespmem:s16+$0xFFFFFF90]  }
0x1c5: {  	v2 =	vld [tilespmem:s17+$0xFFFFFF90];
	_ =	sdelay $0x4  }
0x1c6: {  	v1 =	vadd.f32 v2, v1;
	_ =	sdelay $0x1  }
0x1c7: {  	v1 =	vmax.f32 v1, $0.0e+00  }
0x1c8: {  	[tilespmem:s21+$0xFFFFFF90] =	vst v1  }
0x1c9: {  	v1 =	vld [tilespmem:s16+$0xFFFFFFA0]  }
0x1ca: {  	v2 =	vld [tilespmem:s17+$0xFFFFFFA0];
	_ =	sdelay $0x4  }
0x1cb: {  	v1 =	vadd.f32 v2, v1;
	_ =	sdelay $0x1  }
0x1cc: {  	v1 =	vmax.f32 v1, $0.0e+00  }
0x1cd: {  	[tilespmem:s21+$0xFFFFFFA0] =	vst v1  }
0x1ce: {  	v1 =	vld [tilespmem:s16+$0xFFFFFFB0]  }
0x1cf: {  	v2 =	vld [tilespmem:s17+$0xFFFFFFB0];
	_ =	sdelay $0x4  }
0x1d0: {  	v1 =	vadd.f32 v2, v1;
	_ =	sdelay $0x1  }
0x1d1: {  	v1 =	vmax.f32 v1, $0.0e+00  }
0x1d2: {  	[tilespmem:s21+$0xFFFFFFB0] =	vst v1  }
0x1d3: {  	v1 =	vld [tilespmem:s16+$0xFFFFFFC0]  }
0x1d4: {  	v2 =	vld [tilespmem:s17+$0xFFFFFFC0];
	_ =	sdelay $0x4  }
0x1d5: {  	v1 =	vadd.f32 v2, v1;
	_ =	sdelay $0x1  }
0x1d6: {  	v1 =	vmax.f32 v1, $0.0e+00  }
0x1d7: {  	[tilespmem:s21+$0xFFFFFFC0] =	vst v1  }
0x1d8: {  	v1 =	vld [tilespmem:s16+$0xFFFFFFD0]  }
0x1d9: {  	v2 =	vld [tilespmem:s17+$0xFFFFFFD0];
	_ =	sdelay $0x4  }
0x1da: {  	v1 =	vadd.f32 v2, v1;
	_ =	sdelay $0x1  }
0x1db: {  	v1 =	vmax.f32 v1, $0.0e+00  }
0x1dc: {  	[tilespmem:s21+$0xFFFFFFD0] =	vst v1  }
0x1dd: {  	v1 =	vld [tilespmem:s16+$0xFFFFFFE0]  }
0x1de: {  	v2 =	vld [tilespmem:s17+$0xFFFFFFE0];
	_ =	sdelay $0x4  }
0x1df: {  	v1 =	vadd.f32 v2, v1;
	_ =	sdelay $0x1  }
0x1e0: {  	v1 =	vmax.f32 v1, $0.0e+00  }
0x1e1: {  	[tilespmem:s21+$0xFFFFFFE0] =	vst v1  }
0x1e2: {  	v1 =	vld [tilespmem:s16+$0xFFFFFFF0]  }
0x1e3: {  	v2 =	vld [tilespmem:s17+$0xFFFFFFF0];
	_ =	sdelay $0x4  }
0x1e4: {  	v1 =	vadd.f32 v2, v1;
	_ =	sdelay $0x1  }
0x1e5: {  	v1 =	vmax.f32 v1, $0.0e+00  }
0x1e6: {  	[tilespmem:s21+$0xFFFFFFF0] =	vst v1  }
0x1e7: {  	v1 =	vld [tilespmem:s16+$0x0]  }
0x1e8: {  	v2 =	vld [tilespmem:s17+$0x0];
	_ =	sdelay $0x4  }
0x1e9: {  	v1 =	vadd.f32 v2, v1;
	_ =	sdelay $0x1  }
0x1ea: {  	v1 =	vmax.f32 v1, $0.0e+00  }
0x1eb: {  	[tilespmem:s21+$0x0] =	vst v1  }
0x1ec: {  	v1 =	vld [tilespmem:s16+$0x10]  }
0x1ed: {  	v2 =	vld [tilespmem:s17+$0x10];
	_ =	sdelay $0x4  }
0x1ee: {  	v1 =	vadd.f32 v2, v1;
	_ =	sdelay $0x1  }
0x1ef: {  	v1 =	vmax.f32 v1, $0.0e+00  }
0x1f0: {  	[tilespmem:s21+$0x10] =	vst v1  }
0x1f1: {  	v1 =	vld [tilespmem:s16+$0x20]  }
0x1f2: {  	v2 =	vld [tilespmem:s17+$0x20];
	_ =	sdelay $0x4  }
0x1f3: {  	v1 =	vadd.f32 v2, v1;
	_ =	sdelay $0x1  }
0x1f4: {  	v1 =	vmax.f32 v1, $0.0e+00  }
0x1f5: {  	[tilespmem:s21+$0x20] =	vst v1  }
0x1f6: {  	v1 =	vld [tilespmem:s16+$0x30]  }
0x1f7: {  	v2 =	vld [tilespmem:s17+$0x30];
	_ =	sdelay $0x4  }
0x1f8: {  	v1 =	vadd.f32 v2, v1;
	_ =	sdelay $0x1  }
0x1f9: {  	v1 =	vmax.f32 v1, $0.0e+00  }
0x1fa: {  	[tilespmem:s21+$0x30] =	vst v1  }
0x1fb: {  	v1 =	vld [tilespmem:s16+$0x40]  }
0x1fc: {  	v2 =	vld [tilespmem:s17+$0x40];
	_ =	sdelay $0x4  }
0x1fd: {  	v1 =	vadd.f32 v2, v1;
	_ =	sdelay $0x1  }
0x1fe: {  	v1 =	vmax.f32 v1, $0.0e+00  }
0x1ff: {  	[tilespmem:s21+$0x40] =	vst v1  }
0x200: {  	v1 =	vld [tilespmem:s16+$0x50]  }
0x201: {  	v2 =	vld [tilespmem:s17+$0x50];
	_ =	sdelay $0x4  }
0x202: {  	v1 =	vadd.f32 v2, v1;
	_ =	sdelay $0x1  }
0x203: {  	v1 =	vmax.f32 v1, $0.0e+00  }
.Ltmp8:
0x204: {  	[tilespmem:s21+$0x50] =	vst v1;
	(pc) =	sbr.rel @p0 .LBB2_9-.Ltmp8, $3  }
0x205: {  	v1 =	vld [tilespmem:s16+$0x60]  }
0x206: {  	v2 =	vld [tilespmem:s17+$0x60];
	_ =	sdelay $0x1  }
0x207: {  	s21 =	sadd.s32 $0x100, s21  }
0x208: {  	_ =	sdelay $0x1  }
0x209: {  	v1 =	vadd.f32 v2, v1;
	_ =	sdelay $0x1  }
0x20a: {  	v1 =	vmax.f32 v1, $0.0e+00  }
0x20b: {  	[tilespmem:s15+$0x60] =	vst v1  }
0x20c: {  	v1 =	vld [tilespmem:s19+$0x70]  }
0x20d: {  	v2 =	vld [tilespmem:s20+$0x70];
	_ =	sdelay $0x3  }
0x20e: {  	s16 =	smul.u32 $0x140, s14  }
.Ltmp9:
0x20f: {  	v1 =	vadd.f32 v2, v1;
	(pc) =	sbr.rel .LBB2_11-.Ltmp9, $4  }
0x210: {  	_ = 	snop  }
0x211: {  	s16 =	sshra.s32 s16, $0x2;
	v1 =	vmax.f32 v1, $0.0e+00  }
0x212: {  	s29 =	sadd.s32 $0xC710, s16;
	[tilespmem:s15+$0x70] =	vst v1  }
0x213: {  	[spmem:s1] =	stream.indirect.scatter.add.f32 [tilespmem:s9], [sflag:$0x6], $0x40, s29, s2, $0xb8;
	[tilespmem:$0x18620] =	vst v63  }
.LBB2_13:
0x214: {  	_ =	sfence.sel $0x180000  }
0x215: {  	[bflag:$0x0] =	sbarrier.arrive $0xFFFF  }
0x216: {  	_ =	strace $0x9000004D  }
0x217: {  	s0 =	stileid.u32;
	[bflag:$0x2] =	sbarrier.arrive $0xFFFF  }
0x218: {  	p0 =	sne.s32 s0, $0x0;
	s0 =	rddreg [dreg:$0x2]  }
0x219: {  	s0 =	sadd.s32 @!p0 $0x100000, s0  }
0x21a: {  	[sflag:s0] =	ssyncadd.tile.s32 @!p0 $0x1;
	_ =	shalt  }
.Lfunc_end2:
_tile_overlayer_lowered:
.L_overlay_start_2:
0x21b: {  	(tag) =	ssettag $0x2  }
0x21c: {  	s0 =	rddreg [dreg:$0x0];
	s2 =	stileid.u32  }
0x21d: {  	s1 =	rddreg [dreg:$0x1];
	p0 =	sne.s32 s2, $0x0  }
0x21e: {  	s3 =	rddreg [dreg:$0x2];
	[bflag:$0x3] =	sbarrier.arrive $0xFFFF;
	s2 =	simm.s32 @!p0 $0x1C07  }
0x21f: {  	[timem:s3], [sflag:s2] =	dma.local @!p0 [hbm:s0], s1  }
0x220: {  	s0 =	simm.s32 @!p0 $0x7  }
0x221: {  	_ =	swait.ge @!p0 [sflag:s0], s1  }
0x222: {  	s1 =	ssub.s32 @!p0 $0x0, s1;
	[sflag:s0] =	ssyncset.done @!p0 $0x0  }
0x223: {  	[sflag:s0] =	ssyncadd.s32 @!p0 s1  }
0x224: {  	[bflag:$0x3] =	sbarrier.arrive $0xFFFF  }
0x225: {  	_ =	shalt  }

</sc_bundles>
